<compile_context>
chip_gen: v7x
topology: tpu7x:2x2x1
jax: 0.10.2.dev20260603
libtpu: 0.0.44.dev20260713+nightly
codegen_flags: <defaults>
</compile_context>

<pallas_src>
import functools

import jax
import jax.numpy as jnp
from jax import lax
from jax.experimental import pallas as pl
from jax.experimental.pallas import tpu as pltpu
from jax.experimental.pallas import tpu_sc as plsc

NC = 2
NS = 16
NW = NC * NS

BLK = 128
NBUF = 8


def _make_gather(H, N, V, D):
    B = H * N
    n_blocks = B // BLK
    bpw = n_blocks // NW
    DT = D // 8
    assert n_blocks % NW == 0 and bpw > NBUF

    mesh = plsc.VectorSubcoreMesh(
        core_axis_name="c", subcore_axis_name="s",
        num_cores=NC, num_subcores=NS)

    @functools.partial(
        pl.kernel,
        out_type=jax.ShapeDtypeStruct((H, DT, N // BLK, 8, BLK), jnp.float32),
        mesh=mesh,
        scratch_types=[
            pltpu.VMEM((bpw * BLK,), jnp.int32),
            pltpu.VMEM((NBUF * BLK, D), jnp.float32),
            pltpu.VMEM((NBUF * D, BLK + 1), jnp.float32),
            pltpu.SemaphoreType.DMA((NBUF,)),
            pltpu.SemaphoreType.DMA((NBUF,)),
        ],
        compiler_params=pltpu.CompilerParams(
            use_tc_tiling_on_sc=False, needs_layout_passes=False),
    )
    def gather_kernel(idx_hbm, table_hbm, out_hbm, idx_v, buf, bufT, gsem, ssem):
        wid = lax.axis_index("s") * NC + lax.axis_index("c")
        blk_base = wid * bpw

        pltpu.sync_copy(idx_hbm.at[pl.ds(blk_base * BLK, bpw * BLK)], idx_v)

        def fire_gather(j, b):
            pltpu.async_copy(
                table_hbm.at[idx_v.at[pl.ds(j * BLK, BLK)]],
                buf.at[pl.ds(b * BLK, BLK), :],
                gsem.at[b])

        def drain_gather(b):
            pltpu.make_async_copy(
                table_hbm.at[idx_v.at[pl.ds(0, BLK)]],
                buf.at[pl.ds(b * BLK, BLK), :],
                gsem.at[b]).wait()

        def fire_stores(j, b):
            g = blk_base + j
            h = g // (N // BLK)
            tc = g % (N // BLK)
            for tr in range(DT):
                pltpu.async_copy(
                    bufT.at[pl.ds(b * D + tr * 8, 8), pl.ds(0, BLK)],
                    out_hbm.at[h, tr, tc],
                    ssem.at[b])

        def wait_stores(b):
            for tr in range(DT):
                pltpu.make_async_copy(
                    bufT.at[pl.ds(tr * 8, 8), pl.ds(0, BLK)],
                    out_hbm.at[0, tr, 0],
                    ssem.at[b]).wait()

        iota16 = lax.iota(jnp.int32, 16)
        ones16 = jnp.full((16,), 1, jnp.int32)

        def transpose_block(b):
            d_lo = iota16 + b * D
            d_hi = d_lo + 16
            nv = jnp.full((16,), 0, jnp.int32)
            for n in range(BLK):
                row = b * BLK + n
                v0 = buf[row, pl.ds(0, 16)]
                v1 = buf[row, pl.ds(16, 16)]
                plsc.store_scatter(bufT, [d_lo, nv], v0)
                plsc.store_scatter(bufT, [d_hi, nv], v1)
                if n + 1 < BLK:
                    nv = nv + ones16

        for j in range(NBUF):
            fire_gather(j, j)

        def body(j, carry):
            b = j % NBUF
            drain_gather(b)
            jp = j - 1 + NBUF

            @pl.when(jnp.logical_and(j >= 1, jp < bpw))
            def _():
                bp = (j - 1) % NBUF
                wait_stores(bp)
                fire_gather(jp, bp)

            transpose_block(b)
            fire_stores(j, b)
            return carry

        lax.fori_loop(0, bpw, body, 0)

        for j in range(bpw - NBUF, bpw):
            wait_stores(j % NBUF)

    return gather_kernel


def kernel(inputs, table):
    n, h = inputs.shape
    V, D = table.shape
    idx = inputs.T.reshape(n * h).astype(jnp.int32)
    tbl = table.reshape(V * D // 128, 128)
    tbl = lax.optimization_barrier(tbl)
    tbl = tbl.reshape(V, D)
    out5 = _make_gather(h, n, V, D)(idx, tbl)
    return out5.transpose(2, 4, 0, 1, 3).reshape(n, h, D)

# --- scband reference (transcript-rebuilt; emitter-appended) ---
"""Pipeline reference for scband-embed-20375324852503 (READ-ONLY COPY).

The authoritative reference and input builder live on the scoring server;
editing this copy changes nothing except your own understanding.
"""

import jax, jax.numpy as jnp
import numpy as np

VOCAB = 1000000
EMBED = 32
BATCH = 16384
HIST = 50

def setup_inputs(seed: int = 0) -> dict:
    key = jax.random.key(seed)
    k_idx, k_tab = jax.random.split(key)
    inputs = jax.random.randint(k_idx, (BATCH, HIST), 0, VOCAB, dtype=jnp.int64 if jax.config.jax_enable_x64 else jnp.int32)
    table = jax.random.normal(k_tab, (VOCAB, EMBED), dtype=jnp.float32) * 0.05
    return {"inputs": inputs, "table": table}

def reference(inputs, table):
    # Keras Embedding layer: gather rows of the embedding table
    return jnp.take(table, inputs, axis=0)

if __name__ == "__main__":
    import jax
    _d = setup_inputs()
    print(jax.jit(kernel)(*tuple(_d.values())))

</pallas_src>

<mosaic_0001>
#map = affine_map<(d0, d1) -> (0)>
#map1 = affine_map<(d0, d1) -> (0, 0)>
#map2 = affine_map<(d0, d1) -> (0, 0, 0, 0, 0)>
module attributes {stable_mosaic.version = 14 : i64} {
  func.func @gather_kernel(%arg0: i32, %arg1: i32, %arg2: memref<819200xi32, #tpu.memory_space<hbm>>, %arg3: memref<1000000x32xf32, #tpu.memory_space<hbm>>, %arg4: memref<50x4x128x8x128xf32, #tpu.memory_space<hbm>>, %arg5: memref<25600xi32, #tpu.memory_space<vmem>>, %arg6: memref<1024x32xf32, #tpu.memory_space<vmem>>, %arg7: memref<256x129xf32, #tpu.memory_space<vmem>>, %arg8: memref<8x!tpu.dma_semaphore, #tpu.memory_space<semaphore_mem>>, %arg9: memref<8x!tpu.dma_semaphore, #tpu.memory_space<semaphore_mem>>) attributes {dimension_semantics = [#tpu.dimension_semantics<core_parallel>, #tpu.dimension_semantics<subcore_parallel>], iteration_bounds = array<i64: 2, 16>, scalar_prefetch = 0 : i64, scratch_operands = 5 : i64, tpu.core_type = #tpu.core_type<sc_vector_subcore>, window_params = [{transform_indices = #map}, {transform_indices = #map1}, {transform_indices = #map2}]} {
    %mul3A = arith.constant 2 : i32
    %mul3A_0 = arith.muli %arg1, %mul3A : i32
    %add3A = arith.addi %mul3A_0, %arg0 : i32
    %mul3A_1 = arith.constant 200 : i32
    %mul3A_2 = arith.muli %add3A, %mul3A_1 : i32
    %mul3A_3 = arith.constant 128 : i32
    %mul3A_4 = arith.muli %mul3A_2, %mul3A_3 : i32
    "tpu.region"() ({
      %run_scoped3A = tpu.sem_alloc : memref<!tpu.dma_semaphore, #tpu.memory_space<semaphore_mem>>
      %dma_start3A_737 = tpu.memref_slice %arg2[%mul3A_4] : memref<819200xi32, #tpu.memory_space<hbm>> -> memref<25600xi32, #tpu.memory_space<hbm>>
      %dma_start3A_738 = tpu.memref_slice %arg2[%mul3A_4] : memref<819200xi32, #tpu.memory_space<hbm>> -> memref<25600xi32, #tpu.memory_space<hbm>>
      tpu.enqueue_dma source(%dma_start3A_738 : memref<25600xi32, #tpu.memory_space<hbm>>) target(%arg5 : memref<25600xi32, #tpu.memory_space<vmem>>) target_semaphore(%run_scoped3A : memref<!tpu.dma_semaphore, #tpu.memory_space<semaphore_mem>>)
      %dma_wait3A_739 = tpu.memref_slice %arg2[%mul3A_4] : memref<819200xi32, #tpu.memory_space<hbm>> -> memref<25600xi32, #tpu.memory_space<hbm>>
      %dma_wait3A_740 = tpu.memref_slice %arg2[%mul3A_4] : memref<819200xi32, #tpu.memory_space<hbm>> -> memref<25600xi32, #tpu.memory_space<hbm>>
      tpu.wait_dma2 semaphore(%run_scoped3A : memref<!tpu.dma_semaphore, #tpu.memory_space<semaphore_mem>>) src(%dma_wait3A_740 : memref<25600xi32, #tpu.memory_space<hbm>>) dst(%arg5 : memref<25600xi32, #tpu.memory_space<vmem>>)
      tpu.yield
    }) : () -> ()
    %iota3A = tpu.iota {dimensions = array<i32: 0>} : vector<16xi32>
    %broadcast_in_dim3A = arith.constant 1 : i32
    %broadcast_in_dim3A_5 = vector.broadcast %broadcast_in_dim3A : i32 to vector<16xi32>
    %dma_start3A = arith.constant 0 : i32
    %dma_start3A_6 = arith.constant 0 : i32
    %dma_start3A_7 = arith.constant 0 : i32
    %dma_start3A_8 = tpu.memref_slice %arg6[%dma_start3A_6, %dma_start3A_7] : memref<1024x32xf32, #tpu.memory_space<vmem>> -> memref<128x32xf32, #tpu.memory_space<vmem>>
    %dma_start3A_9 = arith.constant 0 : i32
    %dma_start3A_10 = tpu.memref_slice %arg5[%dma_start3A_9] : memref<25600xi32, #tpu.memory_space<vmem>> -> memref<128xi32, #tpu.memory_space<vmem>>
    %dma_start3A_11 = arith.constant 0 : i32
    %dma_start3A_12 = arith.constant 0 : i32
    %dma_start3A_13 = tpu.memref_slice %arg3[%dma_start3A_11, %dma_start3A_12] : memref<1000000x32xf32, #tpu.memory_space<hbm>> -> memref<1000000x32xf32, #tpu.memory_space<hbm>>
    %dma_start3A_14 = tpu.memref_slice %arg8[%dma_start3A] : memref<8x!tpu.dma_semaphore, #tpu.memory_space<semaphore_mem>> -> memref<1x!tpu.dma_semaphore, #tpu.memory_space<semaphore_mem>>
    %dma_start3A_15 = tpu.memref_squeeze %dma_start3A_14 : memref<1x!tpu.dma_semaphore, #tpu.memory_space<semaphore_mem>> -> memref<!tpu.dma_semaphore, #tpu.memory_space<semaphore_mem>>
    tpu.enqueue_indirect_dma source(%dma_start3A_13 : memref<1000000x32xf32, #tpu.memory_space<hbm>>) target(%dma_start3A_8 : memref<128x32xf32, #tpu.memory_space<vmem>>) offsets(%dma_start3A_10 : memref<128xi32, #tpu.memory_space<vmem>>) semaphore(%dma_start3A_15 : memref<!tpu.dma_semaphore, #tpu.memory_space<semaphore_mem>>)
    %dma_start3A_16 = arith.constant 1 : i32
    %dma_start3A_17 = arith.constant 128 : i32
    %dma_start3A_18 = arith.constant 0 : i32
    %dma_start3A_19 = tpu.memref_slice %arg6[%dma_start3A_17, %dma_start3A_18] : memref<1024x32xf32, #tpu.memory_space<vmem>> -> memref<128x32xf32, #tpu.memory_space<vmem>>
    %dma_start3A_20 = arith.constant 128 : i32
    %dma_start3A_21 = tpu.memref_slice %arg5[%dma_start3A_20] : memref<25600xi32, #tpu.memory_space<vmem>> -> memref<128xi32, #tpu.memory_space<vmem>>
    %dma_start3A_22 = arith.constant 0 : i32
    %dma_start3A_23 = arith.constant 0 : i32
    %dma_start3A_24 = tpu.memref_slice %arg3[%dma_start3A_22, %dma_start3A_23] : memref<1000000x32xf32, #tpu.memory_space<hbm>> -> memref<1000000x32xf32, #tpu.memory_space<hbm>>
    %dma_start3A_25 = tpu.memref_slice %arg8[%dma_start3A_16] : memref<8x!tpu.dma_semaphore, #tpu.memory_space<semaphore_mem>> -> memref<1x!tpu.dma_semaphore, #tpu.memory_space<semaphore_mem>>
    %dma_start3A_26 = tpu.memref_squeeze %dma_start3A_25 : memref<1x!tpu.dma_semaphore, #tpu.memory_space<semaphore_mem>> -> memref<!tpu.dma_semaphore, #tpu.memory_space<semaphore_mem>>
    tpu.enqueue_indirect_dma source(%dma_start3A_24 : memref<1000000x32xf32, #tpu.memory_space<hbm>>) target(%dma_start3A_19 : memref<128x32xf32, #tpu.memory_space<vmem>>) offsets(%dma_start3A_21 : memref<128xi32, #tpu.memory_space<vmem>>) semaphore(%dma_start3A_26 : memref<!tpu.dma_semaphore, #tpu.memory_space<semaphore_mem>>)
    %dma_start3A_27 = arith.constant 2 : i32
    %dma_start3A_28 = arith.constant 256 : i32
    %dma_start3A_29 = arith.constant 0 : i32
    %dma_start3A_30 = tpu.memref_slice %arg6[%dma_start3A_28, %dma_start3A_29] : memref<1024x32xf32, #tpu.memory_space<vmem>> -> memref<128x32xf32, #tpu.memory_space<vmem>>
    %dma_start3A_31 = arith.constant 256 : i32
    %dma_start3A_32 = tpu.memref_slice %arg5[%dma_start3A_31] : memref<25600xi32, #tpu.memory_space<vmem>> -> memref<128xi32, #tpu.memory_space<vmem>>
    %dma_start3A_33 = arith.constant 0 : i32
    %dma_start3A_34 = arith.constant 0 : i32
    %dma_start3A_35 = tpu.memref_slice %arg3[%dma_start3A_33, %dma_start3A_34] : memref<1000000x32xf32, #tpu.memory_space<hbm>> -> memref<1000000x32xf32, #tpu.memory_space<hbm>>
    %dma_start3A_36 = tpu.memref_slice %arg8[%dma_start3A_27] : memref<8x!tpu.dma_semaphore, #tpu.memory_space<semaphore_mem>> -> memref<1x!tpu.dma_semaphore, #tpu.memory_space<semaphore_mem>>
    %dma_start3A_37 = tpu.memref_squeeze %dma_start3A_36 : memref<1x!tpu.dma_semaphore, #tpu.memory_space<semaphore_mem>> -> memref<!tpu.dma_semaphore, #tpu.memory_space<semaphore_mem>>
    tpu.enqueue_indirect_dma source(%dma_start3A_35 : memref<1000000x32xf32, #tpu.memory_space<hbm>>) target(%dma_start3A_30 : memref<128x32xf32, #tpu.memory_space<vmem>>) offsets(%dma_start3A_32 : memref<128xi32, #tpu.memory_space<vmem>>) semaphore(%dma_start3A_37 : memref<!tpu.dma_semaphore, #tpu.memory_space<semaphore_mem>>)
    %dma_start3A_38 = arith.constant 3 : i32
    %dma_start3A_39 = arith.constant 384 : i32
    %dma_start3A_40 = arith.constant 0 : i32
    %dma_start3A_41 = tpu.memref_slice %arg6[%dma_start3A_39, %dma_start3A_40] : memref<1024x32xf32, #tpu.memory_space<vmem>> -> memref<128x32xf32, #tpu.memory_space<vmem>>
    %dma_start3A_42 = arith.constant 384 : i32
    %dma_start3A_43 = tpu.memref_slice %arg5[%dma_start3A_42] : memref<25600xi32, #tpu.memory_space<vmem>> -> memref<128xi32, #tpu.memory_space<vmem>>
    %dma_start3A_44 = arith.constant 0 : i32
    %dma_start3A_45 = arith.constant 0 : i32
    %dma_start3A_46 = tpu.memref_slice %arg3[%dma_start3A_44, %dma_start3A_45] : memref<1000000x32xf32, #tpu.memory_space<hbm>> -> memref<1000000x32xf32, #tpu.memory_space<hbm>>
    %dma_start3A_47 = tpu.memref_slice %arg8[%dma_start3A_38] : memref<8x!tpu.dma_semaphore, #tpu.memory_space<semaphore_mem>> -> memref<1x!tpu.dma_semaphore, #tpu.memory_space<semaphore_mem>>
    %dma_start3A_48 = tpu.memref_squeeze %dma_start3A_47 : memref<1x!tpu.dma_semaphore, #tpu.memory_space<semaphore_mem>> -> memref<!tpu.dma_semaphore, #tpu.memory_space<semaphore_mem>>
    tpu.enqueue_indirect_dma source(%dma_start3A_46 : memref<1000000x32xf32, #tpu.memory_space<hbm>>) target(%dma_start3A_41 : memref<128x32xf32, #tpu.memory_space<vmem>>) offsets(%dma_start3A_43 : memref<128xi32, #tpu.memory_space<vmem>>) semaphore(%dma_start3A_48 : memref<!tpu.dma_semaphore, #tpu.memory_space<semaphore_mem>>)
    %dma_start3A_49 = arith.constant 4 : i32
    %dma_start3A_50 = arith.constant 512 : i32
    %dma_start3A_51 = arith.constant 0 : i32
    %dma_start3A_52 = tpu.memref_slice %arg6[%dma_start3A_50, %dma_start3A_51] : memref<1024x32xf32, #tpu.memory_space<vmem>> -> memref<128x32xf32, #tpu.memory_space<vmem>>
    %dma_start3A_53 = arith.constant 512 : i32
    %dma_start3A_54 = tpu.memref_slice %arg5[%dma_start3A_53] : memref<25600xi32, #tpu.memory_space<vmem>> -> memref<128xi32, #tpu.memory_space<vmem>>
    %dma_start3A_55 = arith.constant 0 : i32
    %dma_start3A_56 = arith.constant 0 : i32
    %dma_start3A_57 = tpu.memref_slice %arg3[%dma_start3A_55, %dma_start3A_56] : memref<1000000x32xf32, #tpu.memory_space<hbm>> -> memref<1000000x32xf32, #tpu.memory_space<hbm>>
    %dma_start3A_58 = tpu.memref_slice %arg8[%dma_start3A_49] : memref<8x!tpu.dma_semaphore, #tpu.memory_space<semaphore_mem>> -> memref<1x!tpu.dma_semaphore, #tpu.memory_space<semaphore_mem>>
    %dma_start3A_59 = tpu.memref_squeeze %dma_start3A_58 : memref<1x!tpu.dma_semaphore, #tpu.memory_space<semaphore_mem>> -> memref<!tpu.dma_semaphore, #tpu.memory_space<semaphore_mem>>
    tpu.enqueue_indirect_dma source(%dma_start3A_57 : memref<1000000x32xf32, #tpu.memory_space<hbm>>) target(%dma_start3A_52 : memref<128x32xf32, #tpu.memory_space<vmem>>) offsets(%dma_start3A_54 : memref<128xi32, #tpu.memory_space<vmem>>) semaphore(%dma_start3A_59 : memref<!tpu.dma_semaphore, #tpu.memory_space<semaphore_mem>>)
    %dma_start3A_60 = arith.constant 5 : i32
    %dma_start3A_61 = arith.constant 640 : i32
    %dma_start3A_62 = arith.constant 0 : i32
    %dma_start3A_63 = tpu.memref_slice %arg6[%dma_start3A_61, %dma_start3A_62] : memref<1024x32xf32, #tpu.memory_space<vmem>> -> memref<128x32xf32, #tpu.memory_space<vmem>>
    %dma_start3A_64 = arith.constant 640 : i32
    %dma_start3A_65 = tpu.memref_slice %arg5[%dma_start3A_64] : memref<25600xi32, #tpu.memory_space<vmem>> -> memref<128xi32, #tpu.memory_space<vmem>>
    %dma_start3A_66 = arith.constant 0 : i32
    %dma_start3A_67 = arith.constant 0 : i32
    %dma_start3A_68 = tpu.memref_slice %arg3[%dma_start3A_66, %dma_start3A_67] : memref<1000000x32xf32, #tpu.memory_space<hbm>> -> memref<1000000x32xf32, #tpu.memory_space<hbm>>
    %dma_start3A_69 = tpu.memref_slice %arg8[%dma_start3A_60] : memref<8x!tpu.dma_semaphore, #tpu.memory_space<semaphore_mem>> -> memref<1x!tpu.dma_semaphore, #tpu.memory_space<semaphore_mem>>
    %dma_start3A_70 = tpu.memref_squeeze %dma_start3A_69 : memref<1x!tpu.dma_semaphore, #tpu.memory_space<semaphore_mem>> -> memref<!tpu.dma_semaphore, #tpu.memory_space<semaphore_mem>>
    tpu.enqueue_indirect_dma source(%dma_start3A_68 : memref<1000000x32xf32, #tpu.memory_space<hbm>>) target(%dma_start3A_63 : memref<128x32xf32, #tpu.memory_space<vmem>>) offsets(%dma_start3A_65 : memref<128xi32, #tpu.memory_space<vmem>>) semaphore(%dma_start3A_70 : memref<!tpu.dma_semaphore, #tpu.memory_space<semaphore_mem>>)
    %dma_start3A_71 = arith.constant 6 : i32
    %dma_start3A_72 = arith.constant 768 : i32
    %dma_start3A_73 = arith.constant 0 : i32
    %dma_start3A_74 = tpu.memref_slice %arg6[%dma_start3A_72, %dma_start3A_73] : memref<1024x32xf32, #tpu.memory_space<vmem>> -> memref<128x32xf32, #tpu.memory_space<vmem>>
    %dma_start3A_75 = arith.constant 768 : i32
    %dma_start3A_76 = tpu.memref_slice %arg5[%dma_start3A_75] : memref<25600xi32, #tpu.memory_space<vmem>> -> memref<128xi32, #tpu.memory_space<vmem>>
    %dma_start3A_77 = arith.constant 0 : i32
    %dma_start3A_78 = arith.constant 0 : i32
    %dma_start3A_79 = tpu.memref_slice %arg3[%dma_start3A_77, %dma_start3A_78] : memref<1000000x32xf32, #tpu.memory_space<hbm>> -> memref<1000000x32xf32, #tpu.memory_space<hbm>>
    %dma_start3A_80 = tpu.memref_slice %arg8[%dma_start3A_71] : memref<8x!tpu.dma_semaphore, #tpu.memory_space<semaphore_mem>> -> memref<1x!tpu.dma_semaphore, #tpu.memory_space<semaphore_mem>>
    %dma_start3A_81 = tpu.memref_squeeze %dma_start3A_80 : memref<1x!tpu.dma_semaphore, #tpu.memory_space<semaphore_mem>> -> memref<!tpu.dma_semaphore, #tpu.memory_space<semaphore_mem>>
    tpu.enqueue_indirect_dma source(%dma_start3A_79 : memref<1000000x32xf32, #tpu.memory_space<hbm>>) target(%dma_start3A_74 : memref<128x32xf32, #tpu.memory_space<vmem>>) offsets(%dma_start3A_76 : memref<128xi32, #tpu.memory_space<vmem>>) semaphore(%dma_start3A_81 : memref<!tpu.dma_semaphore, #tpu.memory_space<semaphore_mem>>)
    %dma_start3A_82 = arith.constant 7 : i32
    %dma_start3A_83 = arith.constant 896 : i32
    %dma_start3A_84 = arith.constant 0 : i32
    %dma_start3A_85 = tpu.memref_slice %arg6[%dma_start3A_83, %dma_start3A_84] : memref<1024x32xf32, #tpu.memory_space<vmem>> -> memref<128x32xf32, #tpu.memory_space<vmem>>
    %dma_start3A_86 = arith.constant 896 : i32
    %dma_start3A_87 = tpu.memref_slice %arg5[%dma_start3A_86] : memref<25600xi32, #tpu.memory_space<vmem>> -> memref<128xi32, #tpu.memory_space<vmem>>
    %dma_start3A_88 = arith.constant 0 : i32
    %dma_start3A_89 = arith.constant 0 : i32
    %dma_start3A_90 = tpu.memref_slice %arg3[%dma_start3A_88, %dma_start3A_89] : memref<1000000x32xf32, #tpu.memory_space<hbm>> -> memref<1000000x32xf32, #tpu.memory_space<hbm>>
    %dma_start3A_91 = tpu.memref_slice %arg8[%dma_start3A_82] : memref<8x!tpu.dma_semaphore, #tpu.memory_space<semaphore_mem>> -> memref<1x!tpu.dma_semaphore, #tpu.memory_space<semaphore_mem>>
    %dma_start3A_92 = tpu.memref_squeeze %dma_start3A_91 : memref<1x!tpu.dma_semaphore, #tpu.memory_space<semaphore_mem>> -> memref<!tpu.dma_semaphore, #tpu.memory_space<semaphore_mem>>
    tpu.enqueue_indirect_dma source(%dma_start3A_90 : memref<1000000x32xf32, #tpu.memory_space<hbm>>) target(%dma_start3A_85 : memref<128x32xf32, #tpu.memory_space<vmem>>) offsets(%dma_start3A_87 : memref<128xi32, #tpu.memory_space<vmem>>) semaphore(%dma_start3A_92 : memref<!tpu.dma_semaphore, #tpu.memory_space<semaphore_mem>>)
    %scan3A = arith.constant 0 : i32
    %scan3A_93 = arith.constant 0 : i32
    %scan3A_94 = arith.constant 200 : i32
    %scan3A_95 = arith.addi %scan3A_93, %scan3A_94 : i32
    %scan3A_96 = arith.constant 1 : i32
    scf.for %scan3A_737 = %scan3A_93 to %scan3A_95 step %scan3A_96  : i32 {
      %jit3A = arith.constant 8 : i32
      %eq3A = arith.constant 0 : i32
      %eq3A_738 = arith.cmpi eq, %jit3A, %eq3A : i32
      %jit3A_739 = arith.constant 1 : i32
      %select_n3A = arith.select %eq3A_738, %jit3A_739, %jit3A : i32
      %rem3A = arith.remsi %scan3A_737, %select_n3A : i32
      %ne3A = arith.constant 0 : i32
      %ne3A_740 = arith.cmpi ne, %rem3A, %ne3A : i32
      %lt3A = arith.constant 0 : i32
      %lt3A_741 = arith.cmpi slt, %rem3A, %lt3A : i32
      %lt3A_742 = arith.constant 0 : i32
      %lt3A_743 = arith.cmpi slt, %select_n3A, %lt3A_742 : i32
      %ne3A_744 = arith.xori %lt3A_741, %lt3A_743 : i1
      %and3A = arith.andi %ne3A_744, %ne3A_740 : i1
      %add3A_745 = arith.addi %rem3A, %select_n3A : i32
      %select_n3A_746 = arith.select %and3A, %add3A_745, %rem3A : i32
      %mul3A_747 = arith.constant 128 : i32
      %mul3A_748 = arith.muli %select_n3A_746, %mul3A_747 : i32
      %dma_wait3A_749 = arith.constant 0 : i32
      %dma_wait3A_750 = tpu.memref_slice %arg6[%mul3A_748, %dma_wait3A_749] : memref<1024x32xf32, #tpu.memory_space<vmem>> -> memref<128x32xf32, #tpu.memory_space<vmem>>
      %dma_wait3A_751 = arith.constant 0 : i32
      %dma_wait3A_752 = tpu.memref_slice %arg5[%dma_wait3A_751] : memref<25600xi32, #tpu.memory_space<vmem>> -> memref<128xi32, #tpu.memory_space<vmem>>
      %dma_wait3A_753 = arith.constant 0 : i32
      %dma_wait3A_754 = arith.constant 0 : i32
      %dma_wait3A_755 = tpu.memref_slice %arg3[%dma_wait3A_753, %dma_wait3A_754] : memref<1000000x32xf32, #tpu.memory_space<hbm>> -> memref<1000000x32xf32, #tpu.memory_space<hbm>>
      %dma_wait3A_756 = tpu.memref_slice %arg8[%select_n3A_746] : memref<8x!tpu.dma_semaphore, #tpu.memory_space<semaphore_mem>> -> memref<1x!tpu.dma_semaphore, #tpu.memory_space<semaphore_mem>>
      %dma_wait3A_757 = tpu.memref_squeeze %dma_wait3A_756 : memref<1x!tpu.dma_semaphore, #tpu.memory_space<semaphore_mem>> -> memref<!tpu.dma_semaphore, #tpu.memory_space<semaphore_mem>>
      tpu.wait_indirect_dma semaphore(%dma_wait3A_757 : memref<!tpu.dma_semaphore, #tpu.memory_space<semaphore_mem>>) src(%dma_wait3A_755 : memref<1000000x32xf32, #tpu.memory_space<hbm>>) dst(%dma_wait3A_750 : memref<128x32xf32, #tpu.memory_space<vmem>>)
      %sub3A = arith.constant 1 : i32
      %sub3A_758 = arith.subi %scan3A_737, %sub3A : i32
      %add3A_759 = arith.constant 8 : i32
      %add3A_760 = arith.addi %sub3A_758, %add3A_759 : i32
      %ge3A = arith.constant 1 : i32
      %ge3A_761 = arith.cmpi sge, %scan3A_737, %ge3A : i32
      %lt3A_762 = arith.constant 200 : i32
      %lt3A_763 = arith.cmpi slt, %add3A_760, %lt3A_762 : i32
      %and3A_764 = arith.andi %ge3A_761, %lt3A_763 : i1
      %convert_element_type3A = arith.extui %and3A_764 : i1 to i32
      %cond3A = arith.constant 0 : i32
      %cond3A_765 = arith.cmpi ne, %convert_element_type3A, %cond3A : i32
      scf.if %cond3A_765 {
        %sub3A_2296 = arith.constant 1 : i32
        %sub3A_2297 = arith.subi %scan3A_737, %sub3A_2296 : i32
        %jit3A_2298 = arith.constant 8 : i32
        %eq3A_2299 = arith.constant 0 : i32
        %eq3A_2300 = arith.cmpi eq, %jit3A_2298, %eq3A_2299 : i32
        %jit3A_2301 = arith.constant 1 : i32
        %select_n3A_2302 = arith.select %eq3A_2300, %jit3A_2301, %jit3A_2298 : i32
        %rem3A_2303 = arith.remsi %sub3A_2297, %select_n3A_2302 : i32
        %ne3A_2304 = arith.constant 0 : i32
        %ne3A_2305 = arith.cmpi ne, %rem3A_2303, %ne3A_2304 : i32
        %lt3A_2306 = arith.constant 0 : i32
        %lt3A_2307 = arith.cmpi slt, %rem3A_2303, %lt3A_2306 : i32
        %lt3A_2308 = arith.constant 0 : i32
        %lt3A_2309 = arith.cmpi slt, %select_n3A_2302, %lt3A_2308 : i32
        %ne3A_2310 = arith.xori %lt3A_2307, %lt3A_2309 : i1
        %and3A_2311 = arith.andi %ne3A_2310, %ne3A_2305 : i1
        %add3A_2312 = arith.addi %rem3A_2303, %select_n3A_2302 : i32
        %select_n3A_2313 = arith.select %and3A_2311, %add3A_2312, %rem3A_2303 : i32
        %dma_wait3A_2314 = arith.constant 0 : i32
        %dma_wait3A_2315 = arith.constant 0 : i32
        %dma_wait3A_2316 = arith.constant 0 : i32
        %dma_wait3A_2317 = arith.constant 0 : i32
        %dma_wait3A_2318 = arith.constant 0 : i32
        %dma_wait3A_2319 = tpu.memref_slice %arg7[%dma_wait3A_2317, %dma_wait3A_2318] : memref<256x129xf32, #tpu.memory_space<vmem>> -> memref<8x128xf32, #tpu.memory_space<vmem>>
        %dma_wait3A_2320 = arith.constant 0 : i32
        %dma_wait3A_2321 = arith.constant 0 : i32
        %dma_wait3A_2322 = tpu.memref_slice %arg4[%dma_wait3A_2314, %dma_wait3A_2315, %dma_wait3A_2316, %dma_wait3A_2320, %dma_wait3A_2321] : memref<50x4x128x8x128xf32, #tpu.memory_space<hbm>> -> memref<1x1x1x8x128xf32, #tpu.memory_space<hbm>>
        %dma_wait3A_2323 = tpu.memref_squeeze %dma_wait3A_2322 : memref<1x1x1x8x128xf32, #tpu.memory_space<hbm>> -> memref<8x128xf32, #tpu.memory_space<hbm>>
        %dma_wait3A_2324 = tpu.memref_slice %arg9[%select_n3A_2313] : memref<8x!tpu.dma_semaphore, #tpu.memory_space<semaphore_mem>> -> memref<1x!tpu.dma_semaphore, #tpu.memory_space<semaphore_mem>>
        %dma_wait3A_2325 = tpu.memref_squeeze %dma_wait3A_2324 : memref<1x!tpu.dma_semaphore, #tpu.memory_space<semaphore_mem>> -> memref<!tpu.dma_semaphore, #tpu.memory_space<semaphore_mem>>
        %dma_wait3A_2326 = arith.constant 0 : i32
        %dma_wait3A_2327 = arith.constant 0 : i32
        %dma_wait3A_2328 = tpu.memref_slice %arg4[%dma_wait3A_2314, %dma_wait3A_2315, %dma_wait3A_2316, %dma_wait3A_2326, %dma_wait3A_2327] : memref<50x4x128x8x128xf32, #tpu.memory_space<hbm>> -> memref<1x1x1x8x128xf32, #tpu.memory_space<hbm>>
        %dma_wait3A_2329 = tpu.memref_squeeze %dma_wait3A_2328 : memref<1x1x1x8x128xf32, #tpu.memory_space<hbm>> -> memref<8x128xf32, #tpu.memory_space<hbm>>
        %dma_wait3A_2330 = arith.constant 0 : i32
        %dma_wait3A_2331 = arith.constant 0 : i32
        %dma_wait3A_2332 = tpu.memref_slice %arg7[%dma_wait3A_2330, %dma_wait3A_2331] : memref<256x129xf32, #tpu.memory_space<vmem>> -> memref<8x128xf32, #tpu.memory_space<vmem>>
        tpu.wait_dma2 semaphore(%dma_wait3A_2325 : memref<!tpu.dma_semaphore, #tpu.memory_space<semaphore_mem>>) src(%dma_wait3A_2332 : memref<8x128xf32, #tpu.memory_space<vmem>>) dst(%dma_wait3A_2329 : memref<8x128xf32, #tpu.memory_space<hbm>>)
        %dma_wait3A_2333 = arith.constant 0 : i32
        %dma_wait3A_2334 = arith.constant 1 : i32
        %dma_wait3A_2335 = arith.constant 0 : i32
        %dma_wait3A_2336 = arith.constant 8 : i32
        %dma_wait3A_2337 = arith.constant 0 : i32
        %dma_wait3A_2338 = tpu.memref_slice %arg7[%dma_wait3A_2336, %dma_wait3A_2337] : memref<256x129xf32, #tpu.memory_space<vmem>> -> memref<8x128xf32, #tpu.memory_space<vmem>>
        %dma_wait3A_2339 = arith.constant 0 : i32
        %dma_wait3A_2340 = arith.constant 0 : i32
        %dma_wait3A_2341 = tpu.memref_slice %arg4[%dma_wait3A_2333, %dma_wait3A_2334, %dma_wait3A_2335, %dma_wait3A_2339, %dma_wait3A_2340] : memref<50x4x128x8x128xf32, #tpu.memory_space<hbm>> -> memref<1x1x1x8x128xf32, #tpu.memory_space<hbm>>
        %dma_wait3A_2342 = tpu.memref_squeeze %dma_wait3A_2341 : memref<1x1x1x8x128xf32, #tpu.memory_space<hbm>> -> memref<8x128xf32, #tpu.memory_space<hbm>>
        %dma_wait3A_2343 = tpu.memref_slice %arg9[%select_n3A_2313] : memref<8x!tpu.dma_semaphore, #tpu.memory_space<semaphore_mem>> -> memref<1x!tpu.dma_semaphore, #tpu.memory_space<semaphore_mem>>
        %dma_wait3A_2344 = tpu.memref_squeeze %dma_wait3A_2343 : memref<1x!tpu.dma_semaphore, #tpu.memory_space<semaphore_mem>> -> memref<!tpu.dma_semaphore, #tpu.memory_space<semaphore_mem>>
        %dma_wait3A_2345 = arith.constant 0 : i32
        %dma_wait3A_2346 = arith.constant 0 : i32
        %dma_wait3A_2347 = tpu.memref_slice %arg4[%dma_wait3A_2333, %dma_wait3A_2334, %dma_wait3A_2335, %dma_wait3A_2345, %dma_wait3A_2346] : memref<50x4x128x8x128xf32, #tpu.memory_space<hbm>> -> memref<1x1x1x8x128xf32, #tpu.memory_space<hbm>>
        %dma_wait3A_2348 = tpu.memref_squeeze %dma_wait3A_2347 : memref<1x1x1x8x128xf32, #tpu.memory_space<hbm>> -> memref<8x128xf32, #tpu.memory_space<hbm>>
        %dma_wait3A_2349 = arith.constant 8 : i32
        %dma_wait3A_2350 = arith.constant 0 : i32
        %dma_wait3A_2351 = tpu.memref_slice %arg7[%dma_wait3A_2349, %dma_wait3A_2350] : memref<256x129xf32, #tpu.memory_space<vmem>> -> memref<8x128xf32, #tpu.memory_space<vmem>>
        tpu.wait_dma2 semaphore(%dma_wait3A_2344 : memref<!tpu.dma_semaphore, #tpu.memory_space<semaphore_mem>>) src(%dma_wait3A_2351 : memref<8x128xf32, #tpu.memory_space<vmem>>) dst(%dma_wait3A_2348 : memref<8x128xf32, #tpu.memory_space<hbm>>)
        %dma_wait3A_2352 = arith.constant 0 : i32
        %dma_wait3A_2353 = arith.constant 2 : i32
        %dma_wait3A_2354 = arith.constant 0 : i32
        %dma_wait3A_2355 = arith.constant 16 : i32
        %dma_wait3A_2356 = arith.constant 0 : i32
        %dma_wait3A_2357 = tpu.memref_slice %arg7[%dma_wait3A_2355, %dma_wait3A_2356] : memref<256x129xf32, #tpu.memory_space<vmem>> -> memref<8x128xf32, #tpu.memory_space<vmem>>
        %dma_wait3A_2358 = arith.constant 0 : i32
        %dma_wait3A_2359 = arith.constant 0 : i32
        %dma_wait3A_2360 = tpu.memref_slice %arg4[%dma_wait3A_2352, %dma_wait3A_2353, %dma_wait3A_2354, %dma_wait3A_2358, %dma_wait3A_2359] : memref<50x4x128x8x128xf32, #tpu.memory_space<hbm>> -> memref<1x1x1x8x128xf32, #tpu.memory_space<hbm>>
        %dma_wait3A_2361 = tpu.memref_squeeze %dma_wait3A_2360 : memref<1x1x1x8x128xf32, #tpu.memory_space<hbm>> -> memref<8x128xf32, #tpu.memory_space<hbm>>
        %dma_wait3A_2362 = tpu.memref_slice %arg9[%select_n3A_2313] : memref<8x!tpu.dma_semaphore, #tpu.memory_space<semaphore_mem>> -> memref<1x!tpu.dma_semaphore, #tpu.memory_space<semaphore_mem>>
        %dma_wait3A_2363 = tpu.memref_squeeze %dma_wait3A_2362 : memref<1x!tpu.dma_semaphore, #tpu.memory_space<semaphore_mem>> -> memref<!tpu.dma_semaphore, #tpu.memory_space<semaphore_mem>>
        %dma_wait3A_2364 = arith.constant 0 : i32
        %dma_wait3A_2365 = arith.constant 0 : i32
        %dma_wait3A_2366 = tpu.memref_slice %arg4[%dma_wait3A_2352, %dma_wait3A_2353, %dma_wait3A_2354, %dma_wait3A_2364, %dma_wait3A_2365] : memref<50x4x128x8x128xf32, #tpu.memory_space<hbm>> -> memref<1x1x1x8x128xf32, #tpu.memory_space<hbm>>
        %dma_wait3A_2367 = tpu.memref_squeeze %dma_wait3A_2366 : memref<1x1x1x8x128xf32, #tpu.memory_space<hbm>> -> memref<8x128xf32, #tpu.memory_space<hbm>>
        %dma_wait3A_2368 = arith.constant 16 : i32
        %dma_wait3A_2369 = arith.constant 0 : i32
        %dma_wait3A_2370 = tpu.memref_slice %arg7[%dma_wait3A_2368, %dma_wait3A_2369] : memref<256x129xf32, #tpu.memory_space<vmem>> -> memref<8x128xf32, #tpu.memory_space<vmem>>
        tpu.wait_dma2 semaphore(%dma_wait3A_2363 : memref<!tpu.dma_semaphore, #tpu.memory_space<semaphore_mem>>) src(%dma_wait3A_2370 : memref<8x128xf32, #tpu.memory_space<vmem>>) dst(%dma_wait3A_2367 : memref<8x128xf32, #tpu.memory_space<hbm>>)
        %dma_wait3A_2371 = arith.constant 0 : i32
        %dma_wait3A_2372 = arith.constant 3 : i32
        %dma_wait3A_2373 = arith.constant 0 : i32
        %dma_wait3A_2374 = arith.constant 24 : i32
        %dma_wait3A_2375 = arith.constant 0 : i32
        %dma_wait3A_2376 = tpu.memref_slice %arg7[%dma_wait3A_2374, %dma_wait3A_2375] : memref<256x129xf32, #tpu.memory_space<vmem>> -> memref<8x128xf32, #tpu.memory_space<vmem>>
        %dma_wait3A_2377 = arith.constant 0 : i32
        %dma_wait3A_2378 = arith.constant 0 : i32
        %dma_wait3A_2379 = tpu.memref_slice %arg4[%dma_wait3A_2371, %dma_wait3A_2372, %dma_wait3A_2373, %dma_wait3A_2377, %dma_wait3A_2378] : memref<50x4x128x8x128xf32, #tpu.memory_space<hbm>> -> memref<1x1x1x8x128xf32, #tpu.memory_space<hbm>>
        %dma_wait3A_2380 = tpu.memref_squeeze %dma_wait3A_2379 : memref<1x1x1x8x128xf32, #tpu.memory_space<hbm>> -> memref<8x128xf32, #tpu.memory_space<hbm>>
        %dma_wait3A_2381 = tpu.memref_slice %arg9[%select_n3A_2313] : memref<8x!tpu.dma_semaphore, #tpu.memory_space<semaphore_mem>> -> memref<1x!tpu.dma_semaphore, #tpu.memory_space<semaphore_mem>>
        %dma_wait3A_2382 = tpu.memref_squeeze %dma_wait3A_2381 : memref<1x!tpu.dma_semaphore, #tpu.memory_space<semaphore_mem>> -> memref<!tpu.dma_semaphore, #tpu.memory_space<semaphore_mem>>
        %dma_wait3A_2383 = arith.constant 0 : i32
        %dma_wait3A_2384 = arith.constant 0 : i32
        %dma_wait3A_2385 = tpu.memref_slice %arg4[%dma_wait3A_2371, %dma_wait3A_2372, %dma_wait3A_2373, %dma_wait3A_2383, %dma_wait3A_2384] : memref<50x4x128x8x128xf32, #tpu.memory_space<hbm>> -> memref<1x1x1x8x128xf32, #tpu.memory_space<hbm>>
        %dma_wait3A_2386 = tpu.memref_squeeze %dma_wait3A_2385 : memref<1x1x1x8x128xf32, #tpu.memory_space<hbm>> -> memref<8x128xf32, #tpu.memory_space<hbm>>
        %dma_wait3A_2387 = arith.constant 24 : i32
        %dma_wait3A_2388 = arith.constant 0 : i32
        %dma_wait3A_2389 = tpu.memref_slice %arg7[%dma_wait3A_2387, %dma_wait3A_2388] : memref<256x129xf32, #tpu.memory_space<vmem>> -> memref<8x128xf32, #tpu.memory_space<vmem>>
        tpu.wait_dma2 semaphore(%dma_wait3A_2382 : memref<!tpu.dma_semaphore, #tpu.memory_space<semaphore_mem>>) src(%dma_wait3A_2389 : memref<8x128xf32, #tpu.memory_space<vmem>>) dst(%dma_wait3A_2386 : memref<8x128xf32, #tpu.memory_space<hbm>>)
        %mul3A_2390 = arith.constant 128 : i32
        %mul3A_2391 = arith.muli %add3A_760, %mul3A_2390 : i32
        %mul3A_2392 = arith.constant 128 : i32
        %mul3A_2393 = arith.muli %select_n3A_2313, %mul3A_2392 : i32
        %dma_start3A_2394 = arith.constant 0 : i32
        %dma_start3A_2395 = tpu.memref_slice %arg6[%mul3A_2393, %dma_start3A_2394] : memref<1024x32xf32, #tpu.memory_space<vmem>> -> memref<128x32xf32, #tpu.memory_space<vmem>>
        %dma_start3A_2396 = tpu.memref_slice %arg5[%mul3A_2391] : memref<25600xi32, #tpu.memory_space<vmem>> -> memref<128xi32, #tpu.memory_space<vmem>>
        %dma_start3A_2397 = arith.constant 0 : i32
        %dma_start3A_2398 = arith.constant 0 : i32
        %dma_start3A_2399 = tpu.memref_slice %arg3[%dma_start3A_2397, %dma_start3A_2398] : memref<1000000x32xf32, #tpu.memory_space<hbm>> -> memref<1000000x32xf32, #tpu.memory_space<hbm>>
        %dma_start3A_2400 = tpu.memref_slice %arg8[%select_n3A_2313] : memref<8x!tpu.dma_semaphore, #tpu.memory_space<semaphore_mem>> -> memref<1x!tpu.dma_semaphore, #tpu.memory_space<semaphore_mem>>
        %dma_start3A_2401 = tpu.memref_squeeze %dma_start3A_2400 : memref<1x!tpu.dma_semaphore, #tpu.memory_space<semaphore_mem>> -> memref<!tpu.dma_semaphore, #tpu.memory_space<semaphore_mem>>
        tpu.enqueue_indirect_dma source(%dma_start3A_2399 : memref<1000000x32xf32, #tpu.memory_space<hbm>>) target(%dma_start3A_2395 : memref<128x32xf32, #tpu.memory_space<vmem>>) offsets(%dma_start3A_2396 : memref<128xi32, #tpu.memory_space<vmem>>) semaphore(%dma_start3A_2401 : memref<!tpu.dma_semaphore, #tpu.memory_space<semaphore_mem>>)
      } else {
      }
      %mul3A_766 = arith.constant 32 : i32
      %mul3A_767 = arith.muli %select_n3A_746, %mul3A_766 : i32
      %add3A_768 = vector.broadcast %mul3A_767 : i32 to vector<16xi32>
      %add3A_769 = arith.addi %iota3A, %add3A_768 : vector<16xi32>
      %add3A_770 = arith.constant 16 : i32
      %add3A_771 = vector.broadcast %add3A_770 : i32 to vector<16xi32>
      %add3A_772 = arith.addi %add3A_769, %add3A_771 : vector<16xi32>
      %broadcast_in_dim3A_773 = arith.constant 0 : i32
      %broadcast_in_dim3A_774 = vector.broadcast %broadcast_in_dim3A_773 : i32 to vector<16xi32>
      %mul3A_775 = arith.constant 128 : i32
      %mul3A_776 = arith.muli %select_n3A_746, %mul3A_775 : i32
      %add3A_777 = arith.constant 0 : i32
      %add3A_778 = arith.addi %mul3A_776, %add3A_777 : i32
      %get3A = arith.index_cast %add3A_778 : i32 to index
      %get3A_779 = arith.constant 0 : index
      %get3A_780 = tpu.vector_load %arg6[%get3A, %get3A_779] {strides = array<i32>} : memref<1024x32xf32, #tpu.memory_space<vmem>>, vector<16xf32>,
      %get3A_781 = arith.index_cast %add3A_778 : i32 to index
      %get3A_782 = arith.constant 16 : index
      %get3A_783 = tpu.vector_load %arg6[%get3A_781, %get3A_782] {strides = array<i32>} : memref<1024x32xf32, #tpu.memory_space<vmem>>, vector<16xf32>,
      tpu.vector_store_idx %arg7[%add3A_769, %broadcast_in_dim3A_774], %get3A_780 : memref<256x129xf32, #tpu.memory_space<vmem>>[vector<16xi32>, vector<16xi32>], vector<16xf32>,
      tpu.vector_store_idx %arg7[%add3A_772, %broadcast_in_dim3A_774], %get3A_783 : memref<256x129xf32, #tpu.memory_space<vmem>>[vector<16xi32>, vector<16xi32>], vector<16xf32>,
      %add3A_784 = arith.addi %broadcast_in_dim3A_774, %broadcast_in_dim3A_5 : vector<16xi32>
      %mul3A_785 = arith.constant 128 : i32
      %mul3A_786 = arith.muli %select_n3A_746, %mul3A_785 : i32
      %add3A_787 = arith.constant 1 : i32
      %add3A_788 = arith.addi %mul3A_786, %add3A_787 : i32
      %get3A_789 = arith.index_cast %add3A_788 : i32 to index
      %get3A_790 = arith.constant 0 : index
      %get3A_791 = tpu.vector_load %arg6[%get3A_789, %get3A_790] {strides = array<i32>} : memref<1024x32xf32, #tpu.memory_space<vmem>>, vector<16xf32>,
      %get3A_792 = arith.index_cast %add3A_788 : i32 to index
      %get3A_793 = arith.constant 16 : index
      %get3A_794 = tpu.vector_load %arg6[%get3A_792, %get3A_793] {strides = array<i32>} : memref<1024x32xf32, #tpu.memory_space<vmem>>, vector<16xf32>,
      tpu.vector_store_idx %arg7[%add3A_769, %add3A_784], %get3A_791 : memref<256x129xf32, #tpu.memory_space<vmem>>[vector<16xi32>, vector<16xi32>], vector<16xf32>,
      tpu.vector_store_idx %arg7[%add3A_772, %add3A_784], %get3A_794 : memref<256x129xf32, #tpu.memory_space<vmem>>[vector<16xi32>, vector<16xi32>], vector<16xf32>,
      %add3A_795 = arith.addi %add3A_784, %broadcast_in_dim3A_5 : vector<16xi32>
      %mul3A_796 = arith.constant 128 : i32
      %mul3A_797 = arith.muli %select_n3A_746, %mul3A_796 : i32
      %add3A_798 = arith.constant 2 : i32
      %add3A_799 = arith.addi %mul3A_797, %add3A_798 : i32
      %get3A_800 = arith.index_cast %add3A_799 : i32 to index
      %get3A_801 = arith.constant 0 : index
      %get3A_802 = tpu.vector_load %arg6[%get3A_800, %get3A_801] {strides = array<i32>} : memref<1024x32xf32, #tpu.memory_space<vmem>>, vector<16xf32>,
      %get3A_803 = arith.index_cast %add3A_799 : i32 to index
      %get3A_804 = arith.constant 16 : index
      %get3A_805 = tpu.vector_load %arg6[%get3A_803, %get3A_804] {strides = array<i32>} : memref<1024x32xf32, #tpu.memory_space<vmem>>, vector<16xf32>,
      tpu.vector_store_idx %arg7[%add3A_769, %add3A_795], %get3A_802 : memref<256x129xf32, #tpu.memory_space<vmem>>[vector<16xi32>, vector<16xi32>], vector<16xf32>,
      tpu.vector_store_idx %arg7[%add3A_772, %add3A_795], %get3A_805 : memref<256x129xf32, #tpu.memory_space<vmem>>[vector<16xi32>, vector<16xi32>], vector<16xf32>,
      %add3A_806 = arith.addi %add3A_795, %broadcast_in_dim3A_5 : vector<16xi32>
      %mul3A_807 = arith.constant 128 : i32
      %mul3A_808 = arith.muli %select_n3A_746, %mul3A_807 : i32
      %add3A_809 = arith.constant 3 : i32
      %add3A_810 = arith.addi %mul3A_808, %add3A_809 : i32
      %get3A_811 = arith.index_cast %add3A_810 : i32 to index
      %get3A_812 = arith.constant 0 : index
      %get3A_813 = tpu.vector_load %arg6[%get3A_811, %get3A_812] {strides = array<i32>} : memref<1024x32xf32, #tpu.memory_space<vmem>>, vector<16xf32>,
      %get3A_814 = arith.index_cast %add3A_810 : i32 to index
      %get3A_815 = arith.constant 16 : index
      %get3A_816 = tpu.vector_load %arg6[%get3A_814, %get3A_815] {strides = array<i32>} : memref<1024x32xf32, #tpu.memory_space<vmem>>, vector<16xf32>,
      tpu.vector_store_idx %arg7[%add3A_769, %add3A_806], %get3A_813 : memref<256x129xf32, #tpu.memory_space<vmem>>[vector<16xi32>, vector<16xi32>], vector<16xf32>,
      tpu.vector_store_idx %arg7[%add3A_772, %add3A_806], %get3A_816 : memref<256x129xf32, #tpu.memory_space<vmem>>[vector<16xi32>, vector<16xi32>], vector<16xf32>,
      %add3A_817 = arith.addi %add3A_806, %broadcast_in_dim3A_5 : vector<16xi32>
      %mul3A_818 = arith.constant 128 : i32
      %mul3A_819 = arith.muli %select_n3A_746, %mul3A_818 : i32
      %add3A_820 = arith.constant 4 : i32
      %add3A_821 = arith.addi %mul3A_819, %add3A_820 : i32
      %get3A_822 = arith.index_cast %add3A_821 : i32 to index
      %get3A_823 = arith.constant 0 : index
      %get3A_824 = tpu.vector_load %arg6[%get3A_822, %get3A_823] {strides = array<i32>} : memref<1024x32xf32, #tpu.memory_space<vmem>>, vector<16xf32>,
      %get3A_825 = arith.index_cast %add3A_821 : i32 to index
      %get3A_826 = arith.constant 16 : index
      %get3A_827 = tpu.vector_load %arg6[%get3A_825, %get3A_826] {strides = array<i32>} : memref<1024x32xf32, #tpu.memory_space<vmem>>, vector<16xf32>,
      tpu.vector_store_idx %arg7[%add3A_769, %add3A_817], %get3A_824 : memref<256x129xf32, #tpu.memory_space<vmem>>[vector<16xi32>, vector<16xi32>], vector<16xf32>,
      tpu.vector_store_idx %arg7[%add3A_772, %add3A_817], %get3A_827 : memref<256x129xf32, #tpu.memory_space<vmem>>[vector<16xi32>, vector<16xi32>], vector<16xf32>,
      %add3A_828 = arith.addi %add3A_817, %broadcast_in_dim3A_5 : vector<16xi32>
      %mul3A_829 = arith.constant 128 : i32
      %mul3A_830 = arith.muli %select_n3A_746, %mul3A_829 : i32
      %add3A_831 = arith.constant 5 : i32
      %add3A_832 = arith.addi %mul3A_830, %add3A_831 : i32
      %get3A_833 = arith.index_cast %add3A_832 : i32 to index
      %get3A_834 = arith.constant 0 : index
      %get3A_835 = tpu.vector_load %arg6[%get3A_833, %get3A_834] {strides = array<i32>} : memref<1024x32xf32, #tpu.memory_space<vmem>>, vector<16xf32>,
      %get3A_836 = arith.index_cast %add3A_832 : i32 to index
      %get3A_837 = arith.constant 16 : index
      %get3A_838 = tpu.vector_load %arg6[%get3A_836, %get3A_837] {strides = array<i32>} : memref<1024x32xf32, #tpu.memory_space<vmem>>, vector<16xf32>,
      tpu.vector_store_idx %arg7[%add3A_769, %add3A_828], %get3A_835 : memref<256x129xf32, #tpu.memory_space<vmem>>[vector<16xi32>, vector<16xi32>], vector<16xf32>,
      tpu.vector_store_idx %arg7[%add3A_772, %add3A_828], %get3A_838 : memref<256x129xf32, #tpu.memory_space<vmem>>[vector<16xi32>, vector<16xi32>], vector<16xf32>,
      %add3A_839 = arith.addi %add3A_828, %broadcast_in_dim3A_5 : vector<16xi32>
      %mul3A_840 = arith.constant 128 : i32
      %mul3A_841 = arith.muli %select_n3A_746, %mul3A_840 : i32
      %add3A_842 = arith.constant 6 : i32
      %add3A_843 = arith.addi %mul3A_841, %add3A_842 : i32
      %get3A_844 = arith.index_cast %add3A_843 : i32 to index
      %get3A_845 = arith.constant 0 : index
      %get3A_846 = tpu.vector_load %arg6[%get3A_844, %get3A_845] {strides = array<i32>} : memref<1024x32xf32, #tpu.memory_space<vmem>>, vector<16xf32>,
      %get3A_847 = arith.index_cast %add3A_843 : i32 to index
      %get3A_848 = arith.constant 16 : index
      %get3A_849 = tpu.vector_load %arg6[%get3A_847, %get3A_848] {strides = array<i32>} : memref<1024x32xf32, #tpu.memory_space<vmem>>, vector<16xf32>,
      tpu.vector_store_idx %arg7[%add3A_769, %add3A_839], %get3A_846 : memref<256x129xf32, #tpu.memory_space<vmem>>[vector<16xi32>, vector<16xi32>], vector<16xf32>,
      tpu.vector_store_idx %arg7[%add3A_772, %add3A_839], %get3A_849 : memref<256x129xf32, #tpu.memory_space<vmem>>[vector<16xi32>, vector<16xi32>], vector<16xf32>,
      %add3A_850 = arith.addi %add3A_839, %broadcast_in_dim3A_5 : vector<16xi32>
      %mul3A_851 = arith.constant 128 : i32
      %mul3A_852 = arith.muli %select_n3A_746, %mul3A_851 : i32
      %add3A_853 = arith.constant 7 : i32
      %add3A_854 = arith.addi %mul3A_852, %add3A_853 : i32
      %get3A_855 = arith.index_cast %add3A_854 : i32 to index
      %get3A_856 = arith.constant 0 : index
      %get3A_857 = tpu.vector_load %arg6[%get3A_855, %get3A_856] {strides = array<i32>} : memref<1024x32xf32, #tpu.memory_space<vmem>>, vector<16xf32>,
      %get3A_858 = arith.index_cast %add3A_854 : i32 to index
      %get3A_859 = arith.constant 16 : index
      %get3A_860 = tpu.vector_load %arg6[%get3A_858, %get3A_859] {strides = array<i32>} : memref<1024x32xf32, #tpu.memory_space<vmem>>, vector<16xf32>,
      tpu.vector_store_idx %arg7[%add3A_769, %add3A_850], %get3A_857 : memref<256x129xf32, #tpu.memory_space<vmem>>[vector<16xi32>, vector<16xi32>], vector<16xf32>,
      tpu.vector_store_idx %arg7[%add3A_772, %add3A_850], %get3A_860 : memref<256x129xf32, #tpu.memory_space<vmem>>[vector<16xi32>, vector<16xi32>], vector<16xf32>,
      %add3A_861 = arith.addi %add3A_850, %broadcast_in_dim3A_5 : vector<16xi32>
      %mul3A_862 = arith.constant 128 : i32
      %mul3A_863 = arith.muli %select_n3A_746, %mul3A_862 : i32
      %add3A_864 = arith.constant 8 : i32
      %add3A_865 = arith.addi %mul3A_863, %add3A_864 : i32
      %get3A_866 = arith.index_cast %add3A_865 : i32 to index
      %get3A_867 = arith.constant 0 : index
      %get3A_868 = tpu.vector_load %arg6[%get3A_866, %get3A_867] {strides = array<i32>} : memref<1024x32xf32, #tpu.memory_space<vmem>>, vector<16xf32>,
      %get3A_869 = arith.index_cast %add3A_865 : i32 to index
      %get3A_870 = arith.constant 16 : index
      %get3A_871 = tpu.vector_load %arg6[%get3A_869, %get3A_870] {strides = array<i32>} : memref<1024x32xf32, #tpu.memory_space<vmem>>, vector<16xf32>,
      tpu.vector_store_idx %arg7[%add3A_769, %add3A_861], %get3A_868 : memref<256x129xf32, #tpu.memory_space<vmem>>[vector<16xi32>, vector<16xi32>], vector<16xf32>,
      tpu.vector_store_idx %arg7[%add3A_772, %add3A_861], %get3A_871 : memref<256x129xf32, #tpu.memory_space<vmem>>[vector<16xi32>, vector<16xi32>], vector<16xf32>,
      %add3A_872 = arith.addi %add3A_861, %broadcast_in_dim3A_5 : vector<16xi32>
      %mul3A_873 = arith.constant 128 : i32
      %mul3A_874 = arith.muli %select_n3A_746, %mul3A_873 : i32
      %add3A_875 = arith.constant 9 : i32
      %add3A_876 = arith.addi %mul3A_874, %add3A_875 : i32
      %get3A_877 = arith.index_cast %add3A_876 : i32 to index
      %get3A_878 = arith.constant 0 : index
      %get3A_879 = tpu.vector_load %arg6[%get3A_877, %get3A_878] {strides = array<i32>} : memref<1024x32xf32, #tpu.memory_space<vmem>>, vector<16xf32>,
      %get3A_880 = arith.index_cast %add3A_876 : i32 to index
      %get3A_881 = arith.constant 16 : index
      %get3A_882 = tpu.vector_load %arg6[%get3A_880, %get3A_881] {strides = array<i32>} : memref<1024x32xf32, #tpu.memory_space<vmem>>, vector<16xf32>,
      tpu.vector_store_idx %arg7[%add3A_769, %add3A_872], %get3A_879 : memref<256x129xf32, #tpu.memory_space<vmem>>[vector<16xi32>, vector<16xi32>], vector<16xf32>,
      tpu.vector_store_idx %arg7[%add3A_772, %add3A_872], %get3A_882 : memref<256x129xf32, #tpu.memory_space<vmem>>[vector<16xi32>, vector<16xi32>], vector<16xf32>,
      %add3A_883 = arith.addi %add3A_872, %broadcast_in_dim3A_5 : vector<16xi32>
      %mul3A_884 = arith.constant 128 : i32
      %mul3A_885 = arith.muli %select_n3A_746, %mul3A_884 : i32
      %add3A_886 = arith.constant 10 : i32
      %add3A_887 = arith.addi %mul3A_885, %add3A_886 : i32
      %get3A_888 = arith.index_cast %add3A_887 : i32 to index
      %get3A_889 = arith.constant 0 : index
      %get3A_890 = tpu.vector_load %arg6[%get3A_888, %get3A_889] {strides = array<i32>} : memref<1024x32xf32, #tpu.memory_space<vmem>>, vector<16xf32>,
      %get3A_891 = arith.index_cast %add3A_887 : i32 to index
      %get3A_892 = arith.constant 16 : index
      %get3A_893 = tpu.vector_load %arg6[%get3A_891, %get3A_892] {strides = array<i32>} : memref<1024x32xf32, #tpu.memory_space<vmem>>, vector<16xf32>,
      tpu.vector_store_idx %arg7[%add3A_769, %add3A_883], %get3A_890 : memref<256x129xf32, #tpu.memory_space<vmem>>[vector<16xi32>, vector<16xi32>], vector<16xf32>,
      tpu.vector_store_idx %arg7[%add3A_772, %add3A_883], %get3A_893 : memref<256x129xf32, #tpu.memory_space<vmem>>[vector<16xi32>, vector<16xi32>], vector<16xf32>,
      %add3A_894 = arith.addi %add3A_883, %broadcast_in_dim3A_5 : vector<16xi32>
      %mul3A_895 = arith.constant 128 : i32
      %mul3A_896 = arith.muli %select_n3A_746, %mul3A_895 : i32
      %add3A_897 = arith.constant 11 : i32
      %add3A_898 = arith.addi %mul3A_896, %add3A_897 : i32
      %get3A_899 = arith.index_cast %add3A_898 : i32 to index
      %get3A_900 = arith.constant 0 : index
      %get3A_901 = tpu.vector_load %arg6[%get3A_899, %get3A_900] {strides = array<i32>} : memref<1024x32xf32, #tpu.memory_space<vmem>>, vector<16xf32>,
      %get3A_902 = arith.index_cast %add3A_898 : i32 to index
      %get3A_903 = arith.constant 16 : index
      %get3A_904 = tpu.vector_load %arg6[%get3A_902, %get3A_903] {strides = array<i32>} : memref<1024x32xf32, #tpu.memory_space<vmem>>, vector<16xf32>,
      tpu.vector_store_idx %arg7[%add3A_769, %add3A_894], %get3A_901 : memref<256x129xf32, #tpu.memory_space<vmem>>[vector<16xi32>, vector<16xi32>], vector<16xf32>,
      tpu.vector_store_idx %arg7[%add3A_772, %add3A_894], %get3A_904 : memref<256x129xf32, #tpu.memory_space<vmem>>[vector<16xi32>, vector<16xi32>], vector<16xf32>,
      %add3A_905 = arith.addi %add3A_894, %broadcast_in_dim3A_5 : vector<16xi32>
      %mul3A_906 = arith.constant 128 : i32
      %mul3A_907 = arith.muli %select_n3A_746, %mul3A_906 : i32
      %add3A_908 = arith.constant 12 : i32
      %add3A_909 = arith.addi %mul3A_907, %add3A_908 : i32
      %get3A_910 = arith.index_cast %add3A_909 : i32 to index
      %get3A_911 = arith.constant 0 : index
      %get3A_912 = tpu.vector_load %arg6[%get3A_910, %get3A_911] {strides = array<i32>} : memref<1024x32xf32, #tpu.memory_space<vmem>>, vector<16xf32>,
      %get3A_913 = arith.index_cast %add3A_909 : i32 to index
      %get3A_914 = arith.constant 16 : index
      %get3A_915 = tpu.vector_load %arg6[%get3A_913, %get3A_914] {strides = array<i32>} : memref<1024x32xf32, #tpu.memory_space<vmem>>, vector<16xf32>,
      tpu.vector_store_idx %arg7[%add3A_769, %add3A_905], %get3A_912 : memref<256x129xf32, #tpu.memory_space<vmem>>[vector<16xi32>, vector<16xi32>], vector<16xf32>,
      tpu.vector_store_idx %arg7[%add3A_772, %add3A_905], %get3A_915 : memref<256x129xf32, #tpu.memory_space<vmem>>[vector<16xi32>, vector<16xi32>], vector<16xf32>,
      %add3A_916 = arith.addi %add3A_905, %broadcast_in_dim3A_5 : vector<16xi32>
      %mul3A_917 = arith.constant 128 : i32
      %mul3A_918 = arith.muli %select_n3A_746, %mul3A_917 : i32
      %add3A_919 = arith.constant 13 : i32
      %add3A_920 = arith.addi %mul3A_918, %add3A_919 : i32
      %get3A_921 = arith.index_cast %add3A_920 : i32 to index
      %get3A_922 = arith.constant 0 : index
      %get3A_923 = tpu.vector_load %arg6[%get3A_921, %get3A_922] {strides = array<i32>} : memref<1024x32xf32, #tpu.memory_space<vmem>>, vector<16xf32>,
      %get3A_924 = arith.index_cast %add3A_920 : i32 to index
      %get3A_925 = arith.constant 16 : index
      %get3A_926 = tpu.vector_load %arg6[%get3A_924, %get3A_925] {strides = array<i32>} : memref<1024x32xf32, #tpu.memory_space<vmem>>, vector<16xf32>,
      tpu.vector_store_idx %arg7[%add3A_769, %add3A_916], %get3A_923 : memref<256x129xf32, #tpu.memory_space<vmem>>[vector<16xi32>, vector<16xi32>], vector<16xf32>,
      tpu.vector_store_idx %arg7[%add3A_772, %add3A_916], %get3A_926 : memref<256x129xf32, #tpu.memory_space<vmem>>[vector<16xi32>, vector<16xi32>], vector<16xf32>,
      %add3A_927 = arith.addi %add3A_916, %broadcast_in_dim3A_5 : vector<16xi32>
      %mul3A_928 = arith.constant 128 : i32
      %mul3A_929 = arith.muli %select_n3A_746, %mul3A_928 : i32
      %add3A_930 = arith.constant 14 : i32
      %add3A_931 = arith.addi %mul3A_929, %add3A_930 : i32
      %get3A_932 = arith.index_cast %add3A_931 : i32 to index
      %get3A_933 = arith.constant 0 : index
      %get3A_934 = tpu.vector_load %arg6[%get3A_932, %get3A_933] {strides = array<i32>} : memref<1024x32xf32, #tpu.memory_space<vmem>>, vector<16xf32>,
      %get3A_935 = arith.index_cast %add3A_931 : i32 to index
      %get3A_936 = arith.constant 16 : index
      %get3A_937 = tpu.vector_load %arg6[%get3A_935, %get3A_936] {strides = array<i32>} : memref<1024x32xf32, #tpu.memory_space<vmem>>, vector<16xf32>,
      tpu.vector_store_idx %arg7[%add3A_769, %add3A_927], %get3A_934 : memref<256x129xf32, #tpu.memory_space<vmem>>[vector<16xi32>, vector<16xi32>], vector<16xf32>,
      tpu.vector_store_idx %arg7[%add3A_772, %add3A_927], %get3A_937 : memref<256x129xf32, #tpu.memory_space<vmem>>[vector<16xi32>, vector<16xi32>], vector<16xf32>,
      %add3A_938 = arith.addi %add3A_927, %broadcast_in_dim3A_5 : vector<16xi32>
      %mul3A_939 = arith.constant 128 : i32
      %mul3A_940 = arith.muli %select_n3A_746, %mul3A_939 : i32
      %add3A_941 = arith.constant 15 : i32
      %add3A_942 = arith.addi %mul3A_940, %add3A_941 : i32
      %get3A_943 = arith.index_cast %add3A_942 : i32 to index
      %get3A_944 = arith.constant 0 : index
      %get3A_945 = tpu.vector_load %arg6[%get3A_943, %get3A_944] {strides = array<i32>} : memref<1024x32xf32, #tpu.memory_space<vmem>>, vector<16xf32>,
      %get3A_946 = arith.index_cast %add3A_942 : i32 to index
      %get3A_947 = arith.constant 16 : index
      %get3A_948 = tpu.vector_load %arg6[%get3A_946, %get3A_947] {strides = array<i32>} : memref<1024x32xf32, #tpu.memory_space<vmem>>, vector<16xf32>,
      tpu.vector_store_idx %arg7[%add3A_769, %add3A_938], %get3A_945 : memref<256x129xf32, #tpu.memory_space<vmem>>[vector<16xi32>, vector<16xi32>], vector<16xf32>,
      tpu.vector_store_idx %arg7[%add3A_772, %add3A_938], %get3A_948 : memref<256x129xf32, #tpu.memory_space<vmem>>[vector<16xi32>, vector<16xi32>], vector<16xf32>,
      %add3A_949 = arith.addi %add3A_938, %broadcast_in_dim3A_5 : vector<16xi32>
      %mul3A_950 = arith.constant 128 : i32
      %mul3A_951 = arith.muli %select_n3A_746, %mul3A_950 : i32
      %add3A_952 = arith.constant 16 : i32
      %add3A_953 = arith.addi %mul3A_951, %add3A_952 : i32
      %get3A_954 = arith.index_cast %add3A_953 : i32 to index
      %get3A_955 = arith.constant 0 : index
      %get3A_956 = tpu.vector_load %arg6[%get3A_954, %get3A_955] {strides = array<i32>} : memref<1024x32xf32, #tpu.memory_space<vmem>>, vector<16xf32>,
      %get3A_957 = arith.index_cast %add3A_953 : i32 to index
      %get3A_958 = arith.constant 16 : index
      %get3A_959 = tpu.vector_load %arg6[%get3A_957, %get3A_958] {strides = array<i32>} : memref<1024x32xf32, #tpu.memory_space<vmem>>, vector<16xf32>,
      tpu.vector_store_idx %arg7[%add3A_769, %add3A_949], %get3A_956 : memref<256x129xf32, #tpu.memory_space<vmem>>[vector<16xi32>, vector<16xi32>], vector<16xf32>,
      tpu.vector_store_idx %arg7[%add3A_772, %add3A_949], %get3A_959 : memref<256x129xf32, #tpu.memory_space<vmem>>[vector<16xi32>, vector<16xi32>], vector<16xf32>,
      %add3A_960 = arith.addi %add3A_949, %broadcast_in_dim3A_5 : vector<16xi32>
      %mul3A_961 = arith.constant 128 : i32
      %mul3A_962 = arith.muli %select_n3A_746, %mul3A_961 : i32
      %add3A_963 = arith.constant 17 : i32
      %add3A_964 = arith.addi %mul3A_962, %add3A_963 : i32
      %get3A_965 = arith.index_cast %add3A_964 : i32 to index
      %get3A_966 = arith.constant 0 : index
      %get3A_967 = tpu.vector_load %arg6[%get3A_965, %get3A_966] {strides = array<i32>} : memref<1024x32xf32, #tpu.memory_space<vmem>>, vector<16xf32>,
      %get3A_968 = arith.index_cast %add3A_964 : i32 to index
      %get3A_969 = arith.constant 16 : index
      %get3A_970 = tpu.vector_load %arg6[%get3A_968, %get3A_969] {strides = array<i32>} : memref<1024x32xf32, #tpu.memory_space<vmem>>, vector<16xf32>,
      tpu.vector_store_idx %arg7[%add3A_769, %add3A_960], %get3A_967 : memref<256x129xf32, #tpu.memory_space<vmem>>[vector<16xi32>, vector<16xi32>], vector<16xf32>,
      tpu.vector_store_idx %arg7[%add3A_772, %add3A_960], %get3A_970 : memref<256x129xf32, #tpu.memory_space<vmem>>[vector<16xi32>, vector<16xi32>], vector<16xf32>,
      %add3A_971 = arith.addi %add3A_960, %broadcast_in_dim3A_5 : vector<16xi32>
      %mul3A_972 = arith.constant 128 : i32
      %mul3A_973 = arith.muli %select_n3A_746, %mul3A_972 : i32
      %add3A_974 = arith.constant 18 : i32
      %add3A_975 = arith.addi %mul3A_973, %add3A_974 : i32
      %get3A_976 = arith.index_cast %add3A_975 : i32 to index
      %get3A_977 = arith.constant 0 : index
      %get3A_978 = tpu.vector_load %arg6[%get3A_976, %get3A_977] {strides = array<i32>} : memref<1024x32xf32, #tpu.memory_space<vmem>>, vector<16xf32>,
      %get3A_979 = arith.index_cast %add3A_975 : i32 to index
      %get3A_980 = arith.constant 16 : index
      %get3A_981 = tpu.vector_load %arg6[%get3A_979, %get3A_980] {strides = array<i32>} : memref<1024x32xf32, #tpu.memory_space<vmem>>, vector<16xf32>,
      tpu.vector_store_idx %arg7[%add3A_769, %add3A_971], %get3A_978 : memref<256x129xf32, #tpu.memory_space<vmem>>[vector<16xi32>, vector<16xi32>], vector<16xf32>,
      tpu.vector_store_idx %arg7[%add3A_772, %add3A_971], %get3A_981 : memref<256x129xf32, #tpu.memory_space<vmem>>[vector<16xi32>, vector<16xi32>], vector<16xf32>,
      %add3A_982 = arith.addi %add3A_971, %broadcast_in_dim3A_5 : vector<16xi32>
      %mul3A_983 = arith.constant 128 : i32
      %mul3A_984 = arith.muli %select_n3A_746, %mul3A_983 : i32
      %add3A_985 = arith.constant 19 : i32
      %add3A_986 = arith.addi %mul3A_984, %add3A_985 : i32
      %get3A_987 = arith.index_cast %add3A_986 : i32 to index
      %get3A_988 = arith.constant 0 : index
      %get3A_989 = tpu.vector_load %arg6[%get3A_987, %get3A_988] {strides = array<i32>} : memref<1024x32xf32, #tpu.memory_space<vmem>>, vector<16xf32>,
      %get3A_990 = arith.index_cast %add3A_986 : i32 to index
      %get3A_991 = arith.constant 16 : index
      %get3A_992 = tpu.vector_load %arg6[%get3A_990, %get3A_991] {strides = array<i32>} : memref<1024x32xf32, #tpu.memory_space<vmem>>, vector<16xf32>,
      tpu.vector_store_idx %arg7[%add3A_769, %add3A_982], %get3A_989 : memref<256x129xf32, #tpu.memory_space<vmem>>[vector<16xi32>, vector<16xi32>], vector<16xf32>,
      tpu.vector_store_idx %arg7[%add3A_772, %add3A_982], %get3A_992 : memref<256x129xf32, #tpu.memory_space<vmem>>[vector<16xi32>, vector<16xi32>], vector<16xf32>,
      %add3A_993 = arith.addi %add3A_982, %broadcast_in_dim3A_5 : vector<16xi32>
      %mul3A_994 = arith.constant 128 : i32
      %mul3A_995 = arith.muli %select_n3A_746, %mul3A_994 : i32
      %add3A_996 = arith.constant 20 : i32
      %add3A_997 = arith.addi %mul3A_995, %add3A_996 : i32
      %get3A_998 = arith.index_cast %add3A_997 : i32 to index
      %get3A_999 = arith.constant 0 : index
      %get3A_1000 = tpu.vector_load %arg6[%get3A_998, %get3A_999] {strides = array<i32>} : memref<1024x32xf32, #tpu.memory_space<vmem>>, vector<16xf32>,
      %get3A_1001 = arith.index_cast %add3A_997 : i32 to index
      %get3A_1002 = arith.constant 16 : index
      %get3A_1003 = tpu.vector_load %arg6[%get3A_1001, %get3A_1002] {strides = array<i32>} : memref<1024x32xf32, #tpu.memory_space<vmem>>, vector<16xf32>,
      tpu.vector_store_idx %arg7[%add3A_769, %add3A_993], %get3A_1000 : memref<256x129xf32, #tpu.memory_space<vmem>>[vector<16xi32>, vector<16xi32>], vector<16xf32>,
      tpu.vector_store_idx %arg7[%add3A_772, %add3A_993], %get3A_1003 : memref<256x129xf32, #tpu.memory_space<vmem>>[vector<16xi32>, vector<16xi32>], vector<16xf32>,
      %add3A_1004 = arith.addi %add3A_993, %broadcast_in_dim3A_5 : vector<16xi32>
      %mul3A_1005 = arith.constant 128 : i32
      %mul3A_1006 = arith.muli %select_n3A_746, %mul3A_1005 : i32
      %add3A_1007 = arith.constant 21 : i32
      %add3A_1008 = arith.addi %mul3A_1006, %add3A_1007 : i32
      %get3A_1009 = arith.index_cast %add3A_1008 : i32 to index
      %get3A_1010 = arith.constant 0 : index
      %get3A_1011 = tpu.vector_load %arg6[%get3A_1009, %get3A_1010] {strides = array<i32>} : memref<1024x32xf32, #tpu.memory_space<vmem>>, vector<16xf32>,
      %get3A_1012 = arith.index_cast %add3A_1008 : i32 to index
      %get3A_1013 = arith.constant 16 : index
      %get3A_1014 = tpu.vector_load %arg6[%get3A_1012, %get3A_1013] {strides = array<i32>} : memref<1024x32xf32, #tpu.memory_space<vmem>>, vector<16xf32>,
      tpu.vector_store_idx %arg7[%add3A_769, %add3A_1004], %get3A_1011 : memref<256x129xf32, #tpu.memory_space<vmem>>[vector<16xi32>, vector<16xi32>], vector<16xf32>,
      tpu.vector_store_idx %arg7[%add3A_772, %add3A_1004], %get3A_1014 : memref<256x129xf32, #tpu.memory_space<vmem>>[vector<16xi32>, vector<16xi32>], vector<16xf32>,
      %add3A_1015 = arith.addi %add3A_1004, %broadcast_in_dim3A_5 : vector<16xi32>
      %mul3A_1016 = arith.constant 128 : i32
      %mul3A_1017 = arith.muli %select_n3A_746, %mul3A_1016 : i32
      %add3A_1018 = arith.constant 22 : i32
      %add3A_1019 = arith.addi %mul3A_1017, %add3A_1018 : i32
      %get3A_1020 = arith.index_cast %add3A_1019 : i32 to index
      %get3A_1021 = arith.constant 0 : index
      %get3A_1022 = tpu.vector_load %arg6[%get3A_1020, %get3A_1021] {strides = array<i32>} : memref<1024x32xf32, #tpu.memory_space<vmem>>, vector<16xf32>,
      %get3A_1023 = arith.index_cast %add3A_1019 : i32 to index
      %get3A_1024 = arith.constant 16 : index
      %get3A_1025 = tpu.vector_load %arg6[%get3A_1023, %get3A_1024] {strides = array<i32>} : memref<1024x32xf32, #tpu.memory_space<vmem>>, vector<16xf32>,
      tpu.vector_store_idx %arg7[%add3A_769, %add3A_1015], %get3A_1022 : memref<256x129xf32, #tpu.memory_space<vmem>>[vector<16xi32>, vector<16xi32>], vector<16xf32>,
      tpu.vector_store_idx %arg7[%add3A_772, %add3A_1015], %get3A_1025 : memref<256x129xf32, #tpu.memory_space<vmem>>[vector<16xi32>, vector<16xi32>], vector<16xf32>,
      %add3A_1026 = arith.addi %add3A_1015, %broadcast_in_dim3A_5 : vector<16xi32>
      %mul3A_1027 = arith.constant 128 : i32
      %mul3A_1028 = arith.muli %select_n3A_746, %mul3A_1027 : i32
      %add3A_1029 = arith.constant 23 : i32
      %add3A_1030 = arith.addi %mul3A_1028, %add3A_1029 : i32
      %get3A_1031 = arith.index_cast %add3A_1030 : i32 to index
      %get3A_1032 = arith.constant 0 : index
      %get3A_1033 = tpu.vector_load %arg6[%get3A_1031, %get3A_1032] {strides = array<i32>} : memref<1024x32xf32, #tpu.memory_space<vmem>>, vector<16xf32>,
      %get3A_1034 = arith.index_cast %add3A_1030 : i32 to index
      %get3A_1035 = arith.constant 16 : index
      %get3A_1036 = tpu.vector_load %arg6[%get3A_1034, %get3A_1035] {strides = array<i32>} : memref<1024x32xf32, #tpu.memory_space<vmem>>, vector<16xf32>,
      tpu.vector_store_idx %arg7[%add3A_769, %add3A_1026], %get3A_1033 : memref<256x129xf32, #tpu.memory_space<vmem>>[vector<16xi32>, vector<16xi32>], vector<16xf32>,
      tpu.vector_store_idx %arg7[%add3A_772, %add3A_1026], %get3A_1036 : memref<256x129xf32, #tpu.memory_space<vmem>>[vector<16xi32>, vector<16xi32>], vector<16xf32>,
      %add3A_1037 = arith.addi %add3A_1026, %broadcast_in_dim3A_5 : vector<16xi32>
      %mul3A_1038 = arith.constant 128 : i32
      %mul3A_1039 = arith.muli %select_n3A_746, %mul3A_1038 : i32
      %add3A_1040 = arith.constant 24 : i32
      %add3A_1041 = arith.addi %mul3A_1039, %add3A_1040 : i32
      %get3A_1042 = arith.index_cast %add3A_1041 : i32 to index
      %get3A_1043 = arith.constant 0 : index
      %get3A_1044 = tpu.vector_load %arg6[%get3A_1042, %get3A_1043] {strides = array<i32>} : memref<1024x32xf32, #tpu.memory_space<vmem>>, vector<16xf32>,
      %get3A_1045 = arith.index_cast %add3A_1041 : i32 to index
      %get3A_1046 = arith.constant 16 : index
      %get3A_1047 = tpu.vector_load %arg6[%get3A_1045, %get3A_1046] {strides = array<i32>} : memref<1024x32xf32, #tpu.memory_space<vmem>>, vector<16xf32>,
      tpu.vector_store_idx %arg7[%add3A_769, %add3A_1037], %get3A_1044 : memref<256x129xf32, #tpu.memory_space<vmem>>[vector<16xi32>, vector<16xi32>], vector<16xf32>,
      tpu.vector_store_idx %arg7[%add3A_772, %add3A_1037], %get3A_1047 : memref<256x129xf32, #tpu.memory_space<vmem>>[vector<16xi32>, vector<16xi32>], vector<16xf32>,
      %add3A_1048 = arith.addi %add3A_1037, %broadcast_in_dim3A_5 : vector<16xi32>
      %mul3A_1049 = arith.constant 128 : i32
      %mul3A_1050 = arith.muli %select_n3A_746, %mul3A_1049 : i32
      %add3A_1051 = arith.constant 25 : i32
      %add3A_1052 = arith.addi %mul3A_1050, %add3A_1051 : i32
      %get3A_1053 = arith.index_cast %add3A_1052 : i32 to index
      %get3A_1054 = arith.constant 0 : index
      %get3A_1055 = tpu.vector_load %arg6[%get3A_1053, %get3A_1054] {strides = array<i32>} : memref<1024x32xf32, #tpu.memory_space<vmem>>, vector<16xf32>,
      %get3A_1056 = arith.index_cast %add3A_1052 : i32 to index
      %get3A_1057 = arith.constant 16 : index
      %get3A_1058 = tpu.vector_load %arg6[%get3A_1056, %get3A_1057] {strides = array<i32>} : memref<1024x32xf32, #tpu.memory_space<vmem>>, vector<16xf32>,
      tpu.vector_store_idx %arg7[%add3A_769, %add3A_1048], %get3A_1055 : memref<256x129xf32, #tpu.memory_space<vmem>>[vector<16xi32>, vector<16xi32>], vector<16xf32>,
      tpu.vector_store_idx %arg7[%add3A_772, %add3A_1048], %get3A_1058 : memref<256x129xf32, #tpu.memory_space<vmem>>[vector<16xi32>, vector<16xi32>], vector<16xf32>,
      %add3A_1059 = arith.addi %add3A_1048, %broadcast_in_dim3A_5 : vector<16xi32>
      %mul3A_1060 = arith.constant 128 : i32
      %mul3A_1061 = arith.muli %select_n3A_746, %mul3A_1060 : i32
      %add3A_1062 = arith.constant 26 : i32
      %add3A_1063 = arith.addi %mul3A_1061, %add3A_1062 : i32
      %get3A_1064 = arith.index_cast %add3A_1063 : i32 to index
      %get3A_1065 = arith.constant 0 : index
      %get3A_1066 = tpu.vector_load %arg6[%get3A_1064, %get3A_1065] {strides = array<i32>} : memref<1024x32xf32, #tpu.memory_space<vmem>>, vector<16xf32>,
      %get3A_1067 = arith.index_cast %add3A_1063 : i32 to index
      %get3A_1068 = arith.constant 16 : index
      %get3A_1069 = tpu.vector_load %arg6[%get3A_1067, %get3A_1068] {strides = array<i32>} : memref<1024x32xf32, #tpu.memory_space<vmem>>, vector<16xf32>,
      tpu.vector_store_idx %arg7[%add3A_769, %add3A_1059], %get3A_1066 : memref<256x129xf32, #tpu.memory_space<vmem>>[vector<16xi32>, vector<16xi32>], vector<16xf32>,
      tpu.vector_store_idx %arg7[%add3A_772, %add3A_1059], %get3A_1069 : memref<256x129xf32, #tpu.memory_space<vmem>>[vector<16xi32>, vector<16xi32>], vector<16xf32>,
      %add3A_1070 = arith.addi %add3A_1059, %broadcast_in_dim3A_5 : vector<16xi32>
      %mul3A_1071 = arith.constant 128 : i32
      %mul3A_1072 = arith.muli %select_n3A_746, %mul3A_1071 : i32
      %add3A_1073 = arith.constant 27 : i32
      %add3A_1074 = arith.addi %mul3A_1072, %add3A_1073 : i32
      %get3A_1075 = arith.index_cast %add3A_1074 : i32 to index
      %get3A_1076 = arith.constant 0 : index
      %get3A_1077 = tpu.vector_load %arg6[%get3A_1075, %get3A_1076] {strides = array<i32>} : memref<1024x32xf32, #tpu.memory_space<vmem>>, vector<16xf32>,
      %get3A_1078 = arith.index_cast %add3A_1074 : i32 to index
      %get3A_1079 = arith.constant 16 : index
      %get3A_1080 = tpu.vector_load %arg6[%get3A_1078, %get3A_1079] {strides = array<i32>} : memref<1024x32xf32, #tpu.memory_space<vmem>>, vector<16xf32>,
      tpu.vector_store_idx %arg7[%add3A_769, %add3A_1070], %get3A_1077 : memref<256x129xf32, #tpu.memory_space<vmem>>[vector<16xi32>, vector<16xi32>], vector<16xf32>,
      tpu.vector_store_idx %arg7[%add3A_772, %add3A_1070], %get3A_1080 : memref<256x129xf32, #tpu.memory_space<vmem>>[vector<16xi32>, vector<16xi32>], vector<16xf32>,
      %add3A_1081 = arith.addi %add3A_1070, %broadcast_in_dim3A_5 : vector<16xi32>
      %mul3A_1082 = arith.constant 128 : i32
      %mul3A_1083 = arith.muli %select_n3A_746, %mul3A_1082 : i32
      %add3A_1084 = arith.constant 28 : i32
      %add3A_1085 = arith.addi %mul3A_1083, %add3A_1084 : i32
      %get3A_1086 = arith.index_cast %add3A_1085 : i32 to index
      %get3A_1087 = arith.constant 0 : index
      %get3A_1088 = tpu.vector_load %arg6[%get3A_1086, %get3A_1087] {strides = array<i32>} : memref<1024x32xf32, #tpu.memory_space<vmem>>, vector<16xf32>,
      %get3A_1089 = arith.index_cast %add3A_1085 : i32 to index
      %get3A_1090 = arith.constant 16 : index
      %get3A_1091 = tpu.vector_load %arg6[%get3A_1089, %get3A_1090] {strides = array<i32>} : memref<1024x32xf32, #tpu.memory_space<vmem>>, vector<16xf32>,
      tpu.vector_store_idx %arg7[%add3A_769, %add3A_1081], %get3A_1088 : memref<256x129xf32, #tpu.memory_space<vmem>>[vector<16xi32>, vector<16xi32>], vector<16xf32>,
      tpu.vector_store_idx %arg7[%add3A_772, %add3A_1081], %get3A_1091 : memref<256x129xf32, #tpu.memory_space<vmem>>[vector<16xi32>, vector<16xi32>], vector<16xf32>,
      %add3A_1092 = arith.addi %add3A_1081, %broadcast_in_dim3A_5 : vector<16xi32>
      %mul3A_1093 = arith.constant 128 : i32
      %mul3A_1094 = arith.muli %select_n3A_746, %mul3A_1093 : i32
      %add3A_1095 = arith.constant 29 : i32
      %add3A_1096 = arith.addi %mul3A_1094, %add3A_1095 : i32
      %get3A_1097 = arith.index_cast %add3A_1096 : i32 to index
      %get3A_1098 = arith.constant 0 : index
      %get3A_1099 = tpu.vector_load %arg6[%get3A_1097, %get3A_1098] {strides = array<i32>} : memref<1024x32xf32, #tpu.memory_space<vmem>>, vector<16xf32>,
      %get3A_1100 = arith.index_cast %add3A_1096 : i32 to index
      %get3A_1101 = arith.constant 16 : index
      %get3A_1102 = tpu.vector_load %arg6[%get3A_1100, %get3A_1101] {strides = array<i32>} : memref<1024x32xf32, #tpu.memory_space<vmem>>, vector<16xf32>,
      tpu.vector_store_idx %arg7[%add3A_769, %add3A_1092], %get3A_1099 : memref<256x129xf32, #tpu.memory_space<vmem>>[vector<16xi32>, vector<16xi32>], vector<16xf32>,
      tpu.vector_store_idx %arg7[%add3A_772, %add3A_1092], %get3A_1102 : memref<256x129xf32, #tpu.memory_space<vmem>>[vector<16xi32>, vector<16xi32>], vector<16xf32>,
      %add3A_1103 = arith.addi %add3A_1092, %broadcast_in_dim3A_5 : vector<16xi32>
      %mul3A_1104 = arith.constant 128 : i32
      %mul3A_1105 = arith.muli %select_n3A_746, %mul3A_1104 : i32
      %add3A_1106 = arith.constant 30 : i32
      %add3A_1107 = arith.addi %mul3A_1105, %add3A_1106 : i32
      %get3A_1108 = arith.index_cast %add3A_1107 : i32 to index
      %get3A_1109 = arith.constant 0 : index
      %get3A_1110 = tpu.vector_load %arg6[%get3A_1108, %get3A_1109] {strides = array<i32>} : memref<1024x32xf32, #tpu.memory_space<vmem>>, vector<16xf32>,
      %get3A_1111 = arith.index_cast %add3A_1107 : i32 to index
      %get3A_1112 = arith.constant 16 : index
      %get3A_1113 = tpu.vector_load %arg6[%get3A_1111, %get3A_1112] {strides = array<i32>} : memref<1024x32xf32, #tpu.memory_space<vmem>>, vector<16xf32>,
      tpu.vector_store_idx %arg7[%add3A_769, %add3A_1103], %get3A_1110 : memref<256x129xf32, #tpu.memory_space<vmem>>[vector<16xi32>, vector<16xi32>], vector<16xf32>,
      tpu.vector_store_idx %arg7[%add3A_772, %add3A_1103], %get3A_1113 : memref<256x129xf32, #tpu.memory_space<vmem>>[vector<16xi32>, vector<16xi32>], vector<16xf32>,
      %add3A_1114 = arith.addi %add3A_1103, %broadcast_in_dim3A_5 : vector<16xi32>
      %mul3A_1115 = arith.constant 128 : i32
      %mul3A_1116 = arith.muli %select_n3A_746, %mul3A_1115 : i32
      %add3A_1117 = arith.constant 31 : i32
      %add3A_1118 = arith.addi %mul3A_1116, %add3A_1117 : i32
      %get3A_1119 = arith.index_cast %add3A_1118 : i32 to index
      %get3A_1120 = arith.constant 0 : index
      %get3A_1121 = tpu.vector_load %arg6[%get3A_1119, %get3A_1120] {strides = array<i32>} : memref<1024x32xf32, #tpu.memory_space<vmem>>, vector<16xf32>,
      %get3A_1122 = arith.index_cast %add3A_1118 : i32 to index
      %get3A_1123 = arith.constant 16 : index
      %get3A_1124 = tpu.vector_load %arg6[%get3A_1122, %get3A_1123] {strides = array<i32>} : memref<1024x32xf32, #tpu.memory_space<vmem>>, vector<16xf32>,
      tpu.vector_store_idx %arg7[%add3A_769, %add3A_1114], %get3A_1121 : memref<256x129xf32, #tpu.memory_space<vmem>>[vector<16xi32>, vector<16xi32>], vector<16xf32>,
      tpu.vector_store_idx %arg7[%add3A_772, %add3A_1114], %get3A_1124 : memref<256x129xf32, #tpu.memory_space<vmem>>[vector<16xi32>, vector<16xi32>], vector<16xf32>,
      %add3A_1125 = arith.addi %add3A_1114, %broadcast_in_dim3A_5 : vector<16xi32>
      %mul3A_1126 = arith.constant 128 : i32
      %mul3A_1127 = arith.muli %select_n3A_746, %mul3A_1126 : i32
      %add3A_1128 = arith.constant 32 : i32
      %add3A_1129 = arith.addi %mul3A_1127, %add3A_1128 : i32
      %get3A_1130 = arith.index_cast %add3A_1129 : i32 to index
      %get3A_1131 = arith.constant 0 : index
      %get3A_1132 = tpu.vector_load %arg6[%get3A_1130, %get3A_1131] {strides = array<i32>} : memref<1024x32xf32, #tpu.memory_space<vmem>>, vector<16xf32>,
      %get3A_1133 = arith.index_cast %add3A_1129 : i32 to index
      %get3A_1134 = arith.constant 16 : index
      %get3A_1135 = tpu.vector_load %arg6[%get3A_1133, %get3A_1134] {strides = array<i32>} : memref<1024x32xf32, #tpu.memory_space<vmem>>, vector<16xf32>,
      tpu.vector_store_idx %arg7[%add3A_769, %add3A_1125], %get3A_1132 : memref<256x129xf32, #tpu.memory_space<vmem>>[vector<16xi32>, vector<16xi32>], vector<16xf32>,
      tpu.vector_store_idx %arg7[%add3A_772, %add3A_1125], %get3A_1135 : memref<256x129xf32, #tpu.memory_space<vmem>>[vector<16xi32>, vector<16xi32>], vector<16xf32>,
      %add3A_1136 = arith.addi %add3A_1125, %broadcast_in_dim3A_5 : vector<16xi32>
      %mul3A_1137 = arith.constant 128 : i32
      %mul3A_1138 = arith.muli %select_n3A_746, %mul3A_1137 : i32
      %add3A_1139 = arith.constant 33 : i32
      %add3A_1140 = arith.addi %mul3A_1138, %add3A_1139 : i32
      %get3A_1141 = arith.index_cast %add3A_1140 : i32 to index
      %get3A_1142 = arith.constant 0 : index
      %get3A_1143 = tpu.vector_load %arg6[%get3A_1141, %get3A_1142] {strides = array<i32>} : memref<1024x32xf32, #tpu.memory_space<vmem>>, vector<16xf32>,
      %get3A_1144 = arith.index_cast %add3A_1140 : i32 to index
      %get3A_1145 = arith.constant 16 : index
      %get3A_1146 = tpu.vector_load %arg6[%get3A_1144, %get3A_1145] {strides = array<i32>} : memref<1024x32xf32, #tpu.memory_space<vmem>>, vector<16xf32>,
      tpu.vector_store_idx %arg7[%add3A_769, %add3A_1136], %get3A_1143 : memref<256x129xf32, #tpu.memory_space<vmem>>[vector<16xi32>, vector<16xi32>], vector<16xf32>,
      tpu.vector_store_idx %arg7[%add3A_772, %add3A_1136], %get3A_1146 : memref<256x129xf32, #tpu.memory_space<vmem>>[vector<16xi32>, vector<16xi32>], vector<16xf32>,
      %add3A_1147 = arith.addi %add3A_1136, %broadcast_in_dim3A_5 : vector<16xi32>
      %mul3A_1148 = arith.constant 128 : i32
      %mul3A_1149 = arith.muli %select_n3A_746, %mul3A_1148 : i32
      %add3A_1150 = arith.constant 34 : i32
      %add3A_1151 = arith.addi %mul3A_1149, %add3A_1150 : i32
      %get3A_1152 = arith.index_cast %add3A_1151 : i32 to index
      %get3A_1153 = arith.constant 0 : index
      %get3A_1154 = tpu.vector_load %arg6[%get3A_1152, %get3A_1153] {strides = array<i32>} : memref<1024x32xf32, #tpu.memory_space<vmem>>, vector<16xf32>,
      %get3A_1155 = arith.index_cast %add3A_1151 : i32 to index
      %get3A_1156 = arith.constant 16 : index
      %get3A_1157 = tpu.vector_load %arg6[%get3A_1155, %get3A_1156] {strides = array<i32>} : memref<1024x32xf32, #tpu.memory_space<vmem>>, vector<16xf32>,
      tpu.vector_store_idx %arg7[%add3A_769, %add3A_1147], %get3A_1154 : memref<256x129xf32, #tpu.memory_space<vmem>>[vector<16xi32>, vector<16xi32>], vector<16xf32>,
      tpu.vector_store_idx %arg7[%add3A_772, %add3A_1147], %get3A_1157 : memref<256x129xf32, #tpu.memory_space<vmem>>[vector<16xi32>, vector<16xi32>], vector<16xf32>,
      %add3A_1158 = arith.addi %add3A_1147, %broadcast_in_dim3A_5 : vector<16xi32>
      %mul3A_1159 = arith.constant 128 : i32
      %mul3A_1160 = arith.muli %select_n3A_746, %mul3A_1159 : i32
      %add3A_1161 = arith.constant 35 : i32
      %add3A_1162 = arith.addi %mul3A_1160, %add3A_1161 : i32
      %get3A_1163 = arith.index_cast %add3A_1162 : i32 to index
      %get3A_1164 = arith.constant 0 : index
      %get3A_1165 = tpu.vector_load %arg6[%get3A_1163, %get3A_1164] {strides = array<i32>} : memref<1024x32xf32, #tpu.memory_space<vmem>>, vector<16xf32>,
      %get3A_1166 = arith.index_cast %add3A_1162 : i32 to index
      %get3A_1167 = arith.constant 16 : index
      %get3A_1168 = tpu.vector_load %arg6[%get3A_1166, %get3A_1167] {strides = array<i32>} : memref<1024x32xf32, #tpu.memory_space<vmem>>, vector<16xf32>,
      tpu.vector_store_idx %arg7[%add3A_769, %add3A_1158], %get3A_1165 : memref<256x129xf32, #tpu.memory_space<vmem>>[vector<16xi32>, vector<16xi32>], vector<16xf32>,
      tpu.vector_store_idx %arg7[%add3A_772, %add3A_1158], %get3A_1168 : memref<256x129xf32, #tpu.memory_space<vmem>>[vector<16xi32>, vector<16xi32>], vector<16xf32>,
      %add3A_1169 = arith.addi %add3A_1158, %broadcast_in_dim3A_5 : vector<16xi32>
      %mul3A_1170 = arith.constant 128 : i32
      %mul3A_1171 = arith.muli %select_n3A_746, %mul3A_1170 : i32
      %add3A_1172 = arith.constant 36 : i32
      %add3A_1173 = arith.addi %mul3A_1171, %add3A_1172 : i32
      %get3A_1174 = arith.index_cast %add3A_1173 : i32 to index
      %get3A_1175 = arith.constant 0 : index
      %get3A_1176 = tpu.vector_load %arg6[%get3A_1174, %get3A_1175] {strides = array<i32>} : memref<1024x32xf32, #tpu.memory_space<vmem>>, vector<16xf32>,
      %get3A_1177 = arith.index_cast %add3A_1173 : i32 to index
      %get3A_1178 = arith.constant 16 : index
      %get3A_1179 = tpu.vector_load %arg6[%get3A_1177, %get3A_1178] {strides = array<i32>} : memref<1024x32xf32, #tpu.memory_space<vmem>>, vector<16xf32>,
      tpu.vector_store_idx %arg7[%add3A_769, %add3A_1169], %get3A_1176 : memref<256x129xf32, #tpu.memory_space<vmem>>[vector<16xi32>, vector<16xi32>], vector<16xf32>,
      tpu.vector_store_idx %arg7[%add3A_772, %add3A_1169], %get3A_1179 : memref<256x129xf32, #tpu.memory_space<vmem>>[vector<16xi32>, vector<16xi32>], vector<16xf32>,
      %add3A_1180 = arith.addi %add3A_1169, %broadcast_in_dim3A_5 : vector<16xi32>
      %mul3A_1181 = arith.constant 128 : i32
      %mul3A_1182 = arith.muli %select_n3A_746, %mul3A_1181 : i32
      %add3A_1183 = arith.constant 37 : i32
      %add3A_1184 = arith.addi %mul3A_1182, %add3A_1183 : i32
      %get3A_1185 = arith.index_cast %add3A_1184 : i32 to index
      %get3A_1186 = arith.constant 0 : index
      %get3A_1187 = tpu.vector_load %arg6[%get3A_1185, %get3A_1186] {strides = array<i32>} : memref<1024x32xf32, #tpu.memory_space<vmem>>, vector<16xf32>,
      %get3A_1188 = arith.index_cast %add3A_1184 : i32 to index
      %get3A_1189 = arith.constant 16 : index
      %get3A_1190 = tpu.vector_load %arg6[%get3A_1188, %get3A_1189] {strides = array<i32>} : memref<1024x32xf32, #tpu.memory_space<vmem>>, vector<16xf32>,
      tpu.vector_store_idx %arg7[%add3A_769, %add3A_1180], %get3A_1187 : memref<256x129xf32, #tpu.memory_space<vmem>>[vector<16xi32>, vector<16xi32>], vector<16xf32>,
      tpu.vector_store_idx %arg7[%add3A_772, %add3A_1180], %get3A_1190 : memref<256x129xf32, #tpu.memory_space<vmem>>[vector<16xi32>, vector<16xi32>], vector<16xf32>,
      %add3A_1191 = arith.addi %add3A_1180, %broadcast_in_dim3A_5 : vector<16xi32>
      %mul3A_1192 = arith.constant 128 : i32
      %mul3A_1193 = arith.muli %select_n3A_746, %mul3A_1192 : i32
      %add3A_1194 = arith.constant 38 : i32
      %add3A_1195 = arith.addi %mul3A_1193, %add3A_1194 : i32
      %get3A_1196 = arith.index_cast %add3A_1195 : i32 to index
      %get3A_1197 = arith.constant 0 : index
      %get3A_1198 = tpu.vector_load %arg6[%get3A_1196, %get3A_1197] {strides = array<i32>} : memref<1024x32xf32, #tpu.memory_space<vmem>>, vector<16xf32>,
      %get3A_1199 = arith.index_cast %add3A_1195 : i32 to index
      %get3A_1200 = arith.constant 16 : index
      %get3A_1201 = tpu.vector_load %arg6[%get3A_1199, %get3A_1200] {strides = array<i32>} : memref<1024x32xf32, #tpu.memory_space<vmem>>, vector<16xf32>,
      tpu.vector_store_idx %arg7[%add3A_769, %add3A_1191], %get3A_1198 : memref<256x129xf32, #tpu.memory_space<vmem>>[vector<16xi32>, vector<16xi32>], vector<16xf32>,
      tpu.vector_store_idx %arg7[%add3A_772, %add3A_1191], %get3A_1201 : memref<256x129xf32, #tpu.memory_space<vmem>>[vector<16xi32>, vector<16xi32>], vector<16xf32>,
      %add3A_1202 = arith.addi %add3A_1191, %broadcast_in_dim3A_5 : vector<16xi32>
      %mul3A_1203 = arith.constant 128 : i32
      %mul3A_1204 = arith.muli %select_n3A_746, %mul3A_1203 : i32
      %add3A_1205 = arith.constant 39 : i32
      %add3A_1206 = arith.addi %mul3A_1204, %add3A_1205 : i32
      %get3A_1207 = arith.index_cast %add3A_1206 : i32 to index
      %get3A_1208 = arith.constant 0 : index
      %get3A_1209 = tpu.vector_load %arg6[%get3A_1207, %get3A_1208] {strides = array<i32>} : memref<1024x32xf32, #tpu.memory_space<vmem>>, vector<16xf32>,
      %get3A_1210 = arith.index_cast %add3A_1206 : i32 to index
      %get3A_1211 = arith.constant 16 : index
      %get3A_1212 = tpu.vector_load %arg6[%get3A_1210, %get3A_1211] {strides = array<i32>} : memref<1024x32xf32, #tpu.memory_space<vmem>>, vector<16xf32>,
      tpu.vector_store_idx %arg7[%add3A_769, %add3A_1202], %get3A_1209 : memref<256x129xf32, #tpu.memory_space<vmem>>[vector<16xi32>, vector<16xi32>], vector<16xf32>,
      tpu.vector_store_idx %arg7[%add3A_772, %add3A_1202], %get3A_1212 : memref<256x129xf32, #tpu.memory_space<vmem>>[vector<16xi32>, vector<16xi32>], vector<16xf32>,
      %add3A_1213 = arith.addi %add3A_1202, %broadcast_in_dim3A_5 : vector<16xi32>
      %mul3A_1214 = arith.constant 128 : i32
      %mul3A_1215 = arith.muli %select_n3A_746, %mul3A_1214 : i32
      %add3A_1216 = arith.constant 40 : i32
      %add3A_1217 = arith.addi %mul3A_1215, %add3A_1216 : i32
      %get3A_1218 = arith.index_cast %add3A_1217 : i32 to index
      %get3A_1219 = arith.constant 0 : index
      %get3A_1220 = tpu.vector_load %arg6[%get3A_1218, %get3A_1219] {strides = array<i32>} : memref<1024x32xf32, #tpu.memory_space<vmem>>, vector<16xf32>,
      %get3A_1221 = arith.index_cast %add3A_1217 : i32 to index
      %get3A_1222 = arith.constant 16 : index
      %get3A_1223 = tpu.vector_load %arg6[%get3A_1221, %get3A_1222] {strides = array<i32>} : memref<1024x32xf32, #tpu.memory_space<vmem>>, vector<16xf32>,
      tpu.vector_store_idx %arg7[%add3A_769, %add3A_1213], %get3A_1220 : memref<256x129xf32, #tpu.memory_space<vmem>>[vector<16xi32>, vector<16xi32>], vector<16xf32>,
      tpu.vector_store_idx %arg7[%add3A_772, %add3A_1213], %get3A_1223 : memref<256x129xf32, #tpu.memory_space<vmem>>[vector<16xi32>, vector<16xi32>], vector<16xf32>,
      %add3A_1224 = arith.addi %add3A_1213, %broadcast_in_dim3A_5 : vector<16xi32>
      %mul3A_1225 = arith.constant 128 : i32
      %mul3A_1226 = arith.muli %select_n3A_746, %mul3A_1225 : i32
      %add3A_1227 = arith.constant 41 : i32
      %add3A_1228 = arith.addi %mul3A_1226, %add3A_1227 : i32
      %get3A_1229 = arith.index_cast %add3A_1228 : i32 to index
      %get3A_1230 = arith.constant 0 : index
      %get3A_1231 = tpu.vector_load %arg6[%get3A_1229, %get3A_1230] {strides = array<i32>} : memref<1024x32xf32, #tpu.memory_space<vmem>>, vector<16xf32>,
      %get3A_1232 = arith.index_cast %add3A_1228 : i32 to index
      %get3A_1233 = arith.constant 16 : index
      %get3A_1234 = tpu.vector_load %arg6[%get3A_1232, %get3A_1233] {strides = array<i32>} : memref<1024x32xf32, #tpu.memory_space<vmem>>, vector<16xf32>,
      tpu.vector_store_idx %arg7[%add3A_769, %add3A_1224], %get3A_1231 : memref<256x129xf32, #tpu.memory_space<vmem>>[vector<16xi32>, vector<16xi32>], vector<16xf32>,
      tpu.vector_store_idx %arg7[%add3A_772, %add3A_1224], %get3A_1234 : memref<256x129xf32, #tpu.memory_space<vmem>>[vector<16xi32>, vector<16xi32>], vector<16xf32>,
      %add3A_1235 = arith.addi %add3A_1224, %broadcast_in_dim3A_5 : vector<16xi32>
      %mul3A_1236 = arith.constant 128 : i32
      %mul3A_1237 = arith.muli %select_n3A_746, %mul3A_1236 : i32
      %add3A_1238 = arith.constant 42 : i32
      %add3A_1239 = arith.addi %mul3A_1237, %add3A_1238 : i32
      %get3A_1240 = arith.index_cast %add3A_1239 : i32 to index
      %get3A_1241 = arith.constant 0 : index
      %get3A_1242 = tpu.vector_load %arg6[%get3A_1240, %get3A_1241] {strides = array<i32>} : memref<1024x32xf32, #tpu.memory_space<vmem>>, vector<16xf32>,
      %get3A_1243 = arith.index_cast %add3A_1239 : i32 to index
      %get3A_1244 = arith.constant 16 : index
      %get3A_1245 = tpu.vector_load %arg6[%get3A_1243, %get3A_1244] {strides = array<i32>} : memref<1024x32xf32, #tpu.memory_space<vmem>>, vector<16xf32>,
      tpu.vector_store_idx %arg7[%add3A_769, %add3A_1235], %get3A_1242 : memref<256x129xf32, #tpu.memory_space<vmem>>[vector<16xi32>, vector<16xi32>], vector<16xf32>,
      tpu.vector_store_idx %arg7[%add3A_772, %add3A_1235], %get3A_1245 : memref<256x129xf32, #tpu.memory_space<vmem>>[vector<16xi32>, vector<16xi32>], vector<16xf32>,
      %add3A_1246 = arith.addi %add3A_1235, %broadcast_in_dim3A_5 : vector<16xi32>
      %mul3A_1247 = arith.constant 128 : i32
      %mul3A_1248 = arith.muli %select_n3A_746, %mul3A_1247 : i32
      %add3A_1249 = arith.constant 43 : i32
      %add3A_1250 = arith.addi %mul3A_1248, %add3A_1249 : i32
      %get3A_1251 = arith.index_cast %add3A_1250 : i32 to index
      %get3A_1252 = arith.constant 0 : index
      %get3A_1253 = tpu.vector_load %arg6[%get3A_1251, %get3A_1252] {strides = array<i32>} : memref<1024x32xf32, #tpu.memory_space<vmem>>, vector<16xf32>,
      %get3A_1254 = arith.index_cast %add3A_1250 : i32 to index
      %get3A_1255 = arith.constant 16 : index
      %get3A_1256 = tpu.vector_load %arg6[%get3A_1254, %get3A_1255] {strides = array<i32>} : memref<1024x32xf32, #tpu.memory_space<vmem>>, vector<16xf32>,
      tpu.vector_store_idx %arg7[%add3A_769, %add3A_1246], %get3A_1253 : memref<256x129xf32, #tpu.memory_space<vmem>>[vector<16xi32>, vector<16xi32>], vector<16xf32>,
      tpu.vector_store_idx %arg7[%add3A_772, %add3A_1246], %get3A_1256 : memref<256x129xf32, #tpu.memory_space<vmem>>[vector<16xi32>, vector<16xi32>], vector<16xf32>,
      %add3A_1257 = arith.addi %add3A_1246, %broadcast_in_dim3A_5 : vector<16xi32>
      %mul3A_1258 = arith.constant 128 : i32
      %mul3A_1259 = arith.muli %select_n3A_746, %mul3A_1258 : i32
      %add3A_1260 = arith.constant 44 : i32
      %add3A_1261 = arith.addi %mul3A_1259, %add3A_1260 : i32
      %get3A_1262 = arith.index_cast %add3A_1261 : i32 to index
      %get3A_1263 = arith.constant 0 : index
      %get3A_1264 = tpu.vector_load %arg6[%get3A_1262, %get3A_1263] {strides = array<i32>} : memref<1024x32xf32, #tpu.memory_space<vmem>>, vector<16xf32>,
      %get3A_1265 = arith.index_cast %add3A_1261 : i32 to index
      %get3A_1266 = arith.constant 16 : index
      %get3A_1267 = tpu.vector_load %arg6[%get3A_1265, %get3A_1266] {strides = array<i32>} : memref<1024x32xf32, #tpu.memory_space<vmem>>, vector<16xf32>,
      tpu.vector_store_idx %arg7[%add3A_769, %add3A_1257], %get3A_1264 : memref<256x129xf32, #tpu.memory_space<vmem>>[vector<16xi32>, vector<16xi32>], vector<16xf32>,
      tpu.vector_store_idx %arg7[%add3A_772, %add3A_1257], %get3A_1267 : memref<256x129xf32, #tpu.memory_space<vmem>>[vector<16xi32>, vector<16xi32>], vector<16xf32>,
      %add3A_1268 = arith.addi %add3A_1257, %broadcast_in_dim3A_5 : vector<16xi32>
      %mul3A_1269 = arith.constant 128 : i32
      %mul3A_1270 = arith.muli %select_n3A_746, %mul3A_1269 : i32
      %add3A_1271 = arith.constant 45 : i32
      %add3A_1272 = arith.addi %mul3A_1270, %add3A_1271 : i32
      %get3A_1273 = arith.index_cast %add3A_1272 : i32 to index
      %get3A_1274 = arith.constant 0 : index
      %get3A_1275 = tpu.vector_load %arg6[%get3A_1273, %get3A_1274] {strides = array<i32>} : memref<1024x32xf32, #tpu.memory_space<vmem>>, vector<16xf32>,
      %get3A_1276 = arith.index_cast %add3A_1272 : i32 to index
      %get3A_1277 = arith.constant 16 : index
      %get3A_1278 = tpu.vector_load %arg6[%get3A_1276, %get3A_1277] {strides = array<i32>} : memref<1024x32xf32, #tpu.memory_space<vmem>>, vector<16xf32>,
      tpu.vector_store_idx %arg7[%add3A_769, %add3A_1268], %get3A_1275 : memref<256x129xf32, #tpu.memory_space<vmem>>[vector<16xi32>, vector<16xi32>], vector<16xf32>,
      tpu.vector_store_idx %arg7[%add3A_772, %add3A_1268], %get3A_1278 : memref<256x129xf32, #tpu.memory_space<vmem>>[vector<16xi32>, vector<16xi32>], vector<16xf32>,
      %add3A_1279 = arith.addi %add3A_1268, %broadcast_in_dim3A_5 : vector<16xi32>
      %mul3A_1280 = arith.constant 128 : i32
      %mul3A_1281 = arith.muli %select_n3A_746, %mul3A_1280 : i32
      %add3A_1282 = arith.constant 46 : i32
      %add3A_1283 = arith.addi %mul3A_1281, %add3A_1282 : i32
      %get3A_1284 = arith.index_cast %add3A_1283 : i32 to index
      %get3A_1285 = arith.constant 0 : index
      %get3A_1286 = tpu.vector_load %arg6[%get3A_1284, %get3A_1285] {strides = array<i32>} : memref<1024x32xf32, #tpu.memory_space<vmem>>, vector<16xf32>,
      %get3A_1287 = arith.index_cast %add3A_1283 : i32 to index
      %get3A_1288 = arith.constant 16 : index
      %get3A_1289 = tpu.vector_load %arg6[%get3A_1287, %get3A_1288] {strides = array<i32>} : memref<1024x32xf32, #tpu.memory_space<vmem>>, vector<16xf32>,
      tpu.vector_store_idx %arg7[%add3A_769, %add3A_1279], %get3A_1286 : memref<256x129xf32, #tpu.memory_space<vmem>>[vector<16xi32>, vector<16xi32>], vector<16xf32>,
      tpu.vector_store_idx %arg7[%add3A_772, %add3A_1279], %get3A_1289 : memref<256x129xf32, #tpu.memory_space<vmem>>[vector<16xi32>, vector<16xi32>], vector<16xf32>,
      %add3A_1290 = arith.addi %add3A_1279, %broadcast_in_dim3A_5 : vector<16xi32>
      %mul3A_1291 = arith.constant 128 : i32
      %mul3A_1292 = arith.muli %select_n3A_746, %mul3A_1291 : i32
      %add3A_1293 = arith.constant 47 : i32
      %add3A_1294 = arith.addi %mul3A_1292, %add3A_1293 : i32
      %get3A_1295 = arith.index_cast %add3A_1294 : i32 to index
      %get3A_1296 = arith.constant 0 : index
      %get3A_1297 = tpu.vector_load %arg6[%get3A_1295, %get3A_1296] {strides = array<i32>} : memref<1024x32xf32, #tpu.memory_space<vmem>>, vector<16xf32>,
      %get3A_1298 = arith.index_cast %add3A_1294 : i32 to index
      %get3A_1299 = arith.constant 16 : index
      %get3A_1300 = tpu.vector_load %arg6[%get3A_1298, %get3A_1299] {strides = array<i32>} : memref<1024x32xf32, #tpu.memory_space<vmem>>, vector<16xf32>,
      tpu.vector_store_idx %arg7[%add3A_769, %add3A_1290], %get3A_1297 : memref<256x129xf32, #tpu.memory_space<vmem>>[vector<16xi32>, vector<16xi32>], vector<16xf32>,
      tpu.vector_store_idx %arg7[%add3A_772, %add3A_1290], %get3A_1300 : memref<256x129xf32, #tpu.memory_space<vmem>>[vector<16xi32>, vector<16xi32>], vector<16xf32>,
      %add3A_1301 = arith.addi %add3A_1290, %broadcast_in_dim3A_5 : vector<16xi32>
      %mul3A_1302 = arith.constant 128 : i32
      %mul3A_1303 = arith.muli %select_n3A_746, %mul3A_1302 : i32
      %add3A_1304 = arith.constant 48 : i32
      %add3A_1305 = arith.addi %mul3A_1303, %add3A_1304 : i32
      %get3A_1306 = arith.index_cast %add3A_1305 : i32 to index
      %get3A_1307 = arith.constant 0 : index
      %get3A_1308 = tpu.vector_load %arg6[%get3A_1306, %get3A_1307] {strides = array<i32>} : memref<1024x32xf32, #tpu.memory_space<vmem>>, vector<16xf32>,
      %get3A_1309 = arith.index_cast %add3A_1305 : i32 to index
      %get3A_1310 = arith.constant 16 : index
      %get3A_1311 = tpu.vector_load %arg6[%get3A_1309, %get3A_1310] {strides = array<i32>} : memref<1024x32xf32, #tpu.memory_space<vmem>>, vector<16xf32>,
      tpu.vector_store_idx %arg7[%add3A_769, %add3A_1301], %get3A_1308 : memref<256x129xf32, #tpu.memory_space<vmem>>[vector<16xi32>, vector<16xi32>], vector<16xf32>,
      tpu.vector_store_idx %arg7[%add3A_772, %add3A_1301], %get3A_1311 : memref<256x129xf32, #tpu.memory_space<vmem>>[vector<16xi32>, vector<16xi32>], vector<16xf32>,
      %add3A_1312 = arith.addi %add3A_1301, %broadcast_in_dim3A_5 : vector<16xi32>
      %mul3A_1313 = arith.constant 128 : i32
      %mul3A_1314 = arith.muli %select_n3A_746, %mul3A_1313 : i32
      %add3A_1315 = arith.constant 49 : i32
      %add3A_1316 = arith.addi %mul3A_1314, %add3A_1315 : i32
      %get3A_1317 = arith.index_cast %add3A_1316 : i32 to index
      %get3A_1318 = arith.constant 0 : index
      %get3A_1319 = tpu.vector_load %arg6[%get3A_1317, %get3A_1318] {strides = array<i32>} : memref<1024x32xf32, #tpu.memory_space<vmem>>, vector<16xf32>,
      %get3A_1320 = arith.index_cast %add3A_1316 : i32 to index
      %get3A_1321 = arith.constant 16 : index
      %get3A_1322 = tpu.vector_load %arg6[%get3A_1320, %get3A_1321] {strides = array<i32>} : memref<1024x32xf32, #tpu.memory_space<vmem>>, vector<16xf32>,
      tpu.vector_store_idx %arg7[%add3A_769, %add3A_1312], %get3A_1319 : memref<256x129xf32, #tpu.memory_space<vmem>>[vector<16xi32>, vector<16xi32>], vector<16xf32>,
      tpu.vector_store_idx %arg7[%add3A_772, %add3A_1312], %get3A_1322 : memref<256x129xf32, #tpu.memory_space<vmem>>[vector<16xi32>, vector<16xi32>], vector<16xf32>,
      %add3A_1323 = arith.addi %add3A_1312, %broadcast_in_dim3A_5 : vector<16xi32>
      %mul3A_1324 = arith.constant 128 : i32
      %mul3A_1325 = arith.muli %select_n3A_746, %mul3A_1324 : i32
      %add3A_1326 = arith.constant 50 : i32
      %add3A_1327 = arith.addi %mul3A_1325, %add3A_1326 : i32
      %get3A_1328 = arith.index_cast %add3A_1327 : i32 to index
      %get3A_1329 = arith.constant 0 : index
      %get3A_1330 = tpu.vector_load %arg6[%get3A_1328, %get3A_1329] {strides = array<i32>} : memref<1024x32xf32, #tpu.memory_space<vmem>>, vector<16xf32>,
      %get3A_1331 = arith.index_cast %add3A_1327 : i32 to index
      %get3A_1332 = arith.constant 16 : index
      %get3A_1333 = tpu.vector_load %arg6[%get3A_1331, %get3A_1332] {strides = array<i32>} : memref<1024x32xf32, #tpu.memory_space<vmem>>, vector<16xf32>,
      tpu.vector_store_idx %arg7[%add3A_769, %add3A_1323], %get3A_1330 : memref<256x129xf32, #tpu.memory_space<vmem>>[vector<16xi32>, vector<16xi32>], vector<16xf32>,
      tpu.vector_store_idx %arg7[%add3A_772, %add3A_1323], %get3A_1333 : memref<256x129xf32, #tpu.memory_space<vmem>>[vector<16xi32>, vector<16xi32>], vector<16xf32>,
      %add3A_1334 = arith.addi %add3A_1323, %broadcast_in_dim3A_5 : vector<16xi32>
      %mul3A_1335 = arith.constant 128 : i32
      %mul3A_1336 = arith.muli %select_n3A_746, %mul3A_1335 : i32
      %add3A_1337 = arith.constant 51 : i32
      %add3A_1338 = arith.addi %mul3A_1336, %add3A_1337 : i32
      %get3A_1339 = arith.index_cast %add3A_1338 : i32 to index
      %get3A_1340 = arith.constant 0 : index
      %get3A_1341 = tpu.vector_load %arg6[%get3A_1339, %get3A_1340] {strides = array<i32>} : memref<1024x32xf32, #tpu.memory_space<vmem>>, vector<16xf32>,
      %get3A_1342 = arith.index_cast %add3A_1338 : i32 to index
      %get3A_1343 = arith.constant 16 : index
      %get3A_1344 = tpu.vector_load %arg6[%get3A_1342, %get3A_1343] {strides = array<i32>} : memref<1024x32xf32, #tpu.memory_space<vmem>>, vector<16xf32>,
      tpu.vector_store_idx %arg7[%add3A_769, %add3A_1334], %get3A_1341 : memref<256x129xf32, #tpu.memory_space<vmem>>[vector<16xi32>, vector<16xi32>], vector<16xf32>,
      tpu.vector_store_idx %arg7[%add3A_772, %add3A_1334], %get3A_1344 : memref<256x129xf32, #tpu.memory_space<vmem>>[vector<16xi32>, vector<16xi32>], vector<16xf32>,
      %add3A_1345 = arith.addi %add3A_1334, %broadcast_in_dim3A_5 : vector<16xi32>
      %mul3A_1346 = arith.constant 128 : i32
      %mul3A_1347 = arith.muli %select_n3A_746, %mul3A_1346 : i32
      %add3A_1348 = arith.constant 52 : i32
      %add3A_1349 = arith.addi %mul3A_1347, %add3A_1348 : i32
      %get3A_1350 = arith.index_cast %add3A_1349 : i32 to index
      %get3A_1351 = arith.constant 0 : index
      %get3A_1352 = tpu.vector_load %arg6[%get3A_1350, %get3A_1351] {strides = array<i32>} : memref<1024x32xf32, #tpu.memory_space<vmem>>, vector<16xf32>,
      %get3A_1353 = arith.index_cast %add3A_1349 : i32 to index
      %get3A_1354 = arith.constant 16 : index
      %get3A_1355 = tpu.vector_load %arg6[%get3A_1353, %get3A_1354] {strides = array<i32>} : memref<1024x32xf32, #tpu.memory_space<vmem>>, vector<16xf32>,
      tpu.vector_store_idx %arg7[%add3A_769, %add3A_1345], %get3A_1352 : memref<256x129xf32, #tpu.memory_space<vmem>>[vector<16xi32>, vector<16xi32>], vector<16xf32>,
      tpu.vector_store_idx %arg7[%add3A_772, %add3A_1345], %get3A_1355 : memref<256x129xf32, #tpu.memory_space<vmem>>[vector<16xi32>, vector<16xi32>], vector<16xf32>,
      %add3A_1356 = arith.addi %add3A_1345, %broadcast_in_dim3A_5 : vector<16xi32>
      %mul3A_1357 = arith.constant 128 : i32
      %mul3A_1358 = arith.muli %select_n3A_746, %mul3A_1357 : i32
      %add3A_1359 = arith.constant 53 : i32
      %add3A_1360 = arith.addi %mul3A_1358, %add3A_1359 : i32
      %get3A_1361 = arith.index_cast %add3A_1360 : i32 to index
      %get3A_1362 = arith.constant 0 : index
      %get3A_1363 = tpu.vector_load %arg6[%get3A_1361, %get3A_1362] {strides = array<i32>} : memref<1024x32xf32, #tpu.memory_space<vmem>>, vector<16xf32>,
      %get3A_1364 = arith.index_cast %add3A_1360 : i32 to index
      %get3A_1365 = arith.constant 16 : index
      %get3A_1366 = tpu.vector_load %arg6[%get3A_1364, %get3A_1365] {strides = array<i32>} : memref<1024x32xf32, #tpu.memory_space<vmem>>, vector<16xf32>,
      tpu.vector_store_idx %arg7[%add3A_769, %add3A_1356], %get3A_1363 : memref<256x129xf32, #tpu.memory_space<vmem>>[vector<16xi32>, vector<16xi32>], vector<16xf32>,
      tpu.vector_store_idx %arg7[%add3A_772, %add3A_1356], %get3A_1366 : memref<256x129xf32, #tpu.memory_space<vmem>>[vector<16xi32>, vector<16xi32>], vector<16xf32>,
      %add3A_1367 = arith.addi %add3A_1356, %broadcast_in_dim3A_5 : vector<16xi32>
      %mul3A_1368 = arith.constant 128 : i32
      %mul3A_1369 = arith.muli %select_n3A_746, %mul3A_1368 : i32
      %add3A_1370 = arith.constant 54 : i32
      %add3A_1371 = arith.addi %mul3A_1369, %add3A_1370 : i32
      %get3A_1372 = arith.index_cast %add3A_1371 : i32 to index
      %get3A_1373 = arith.constant 0 : index
      %get3A_1374 = tpu.vector_load %arg6[%get3A_1372, %get3A_1373] {strides = array<i32>} : memref<1024x32xf32, #tpu.memory_space<vmem>>, vector<16xf32>,
      %get3A_1375 = arith.index_cast %add3A_1371 : i32 to index
      %get3A_1376 = arith.constant 16 : index
      %get3A_1377 = tpu.vector_load %arg6[%get3A_1375, %get3A_1376] {strides = array<i32>} : memref<1024x32xf32, #tpu.memory_space<vmem>>, vector<16xf32>,
      tpu.vector_store_idx %arg7[%add3A_769, %add3A_1367], %get3A_1374 : memref<256x129xf32, #tpu.memory_space<vmem>>[vector<16xi32>, vector<16xi32>], vector<16xf32>,
      tpu.vector_store_idx %arg7[%add3A_772, %add3A_1367], %get3A_1377 : memref<256x129xf32, #tpu.memory_space<vmem>>[vector<16xi32>, vector<16xi32>], vector<16xf32>,
      %add3A_1378 = arith.addi %add3A_1367, %broadcast_in_dim3A_5 : vector<16xi32>
      %mul3A_1379 = arith.constant 128 : i32
      %mul3A_1380 = arith.muli %select_n3A_746, %mul3A_1379 : i32
      %add3A_1381 = arith.constant 55 : i32
      %add3A_1382 = arith.addi %mul3A_1380, %add3A_1381 : i32
      %get3A_1383 = arith.index_cast %add3A_1382 : i32 to index
      %get3A_1384 = arith.constant 0 : index
      %get3A_1385 = tpu.vector_load %arg6[%get3A_1383, %get3A_1384] {strides = array<i32>} : memref<1024x32xf32, #tpu.memory_space<vmem>>, vector<16xf32>,
      %get3A_1386 = arith.index_cast %add3A_1382 : i32 to index
      %get3A_1387 = arith.constant 16 : index
      %get3A_1388 = tpu.vector_load %arg6[%get3A_1386, %get3A_1387] {strides = array<i32>} : memref<1024x32xf32, #tpu.memory_space<vmem>>, vector<16xf32>,
      tpu.vector_store_idx %arg7[%add3A_769, %add3A_1378], %get3A_1385 : memref<256x129xf32, #tpu.memory_space<vmem>>[vector<16xi32>, vector<16xi32>], vector<16xf32>,
      tpu.vector_store_idx %arg7[%add3A_772, %add3A_1378], %get3A_1388 : memref<256x129xf32, #tpu.memory_space<vmem>>[vector<16xi32>, vector<16xi32>], vector<16xf32>,
      %add3A_1389 = arith.addi %add3A_1378, %broadcast_in_dim3A_5 : vector<16xi32>
      %mul3A_1390 = arith.constant 128 : i32
      %mul3A_1391 = arith.muli %select_n3A_746, %mul3A_1390 : i32
      %add3A_1392 = arith.constant 56 : i32
      %add3A_1393 = arith.addi %mul3A_1391, %add3A_1392 : i32
      %get3A_1394 = arith.index_cast %add3A_1393 : i32 to index
      %get3A_1395 = arith.constant 0 : index
      %get3A_1396 = tpu.vector_load %arg6[%get3A_1394, %get3A_1395] {strides = array<i32>} : memref<1024x32xf32, #tpu.memory_space<vmem>>, vector<16xf32>,
      %get3A_1397 = arith.index_cast %add3A_1393 : i32 to index
      %get3A_1398 = arith.constant 16 : index
      %get3A_1399 = tpu.vector_load %arg6[%get3A_1397, %get3A_1398] {strides = array<i32>} : memref<1024x32xf32, #tpu.memory_space<vmem>>, vector<16xf32>,
      tpu.vector_store_idx %arg7[%add3A_769, %add3A_1389], %get3A_1396 : memref<256x129xf32, #tpu.memory_space<vmem>>[vector<16xi32>, vector<16xi32>], vector<16xf32>,
      tpu.vector_store_idx %arg7[%add3A_772, %add3A_1389], %get3A_1399 : memref<256x129xf32, #tpu.memory_space<vmem>>[vector<16xi32>, vector<16xi32>], vector<16xf32>,
      %add3A_1400 = arith.addi %add3A_1389, %broadcast_in_dim3A_5 : vector<16xi32>
      %mul3A_1401 = arith.constant 128 : i32
      %mul3A_1402 = arith.muli %select_n3A_746, %mul3A_1401 : i32
      %add3A_1403 = arith.constant 57 : i32
      %add3A_1404 = arith.addi %mul3A_1402, %add3A_1403 : i32
      %get3A_1405 = arith.index_cast %add3A_1404 : i32 to index
      %get3A_1406 = arith.constant 0 : index
      %get3A_1407 = tpu.vector_load %arg6[%get3A_1405, %get3A_1406] {strides = array<i32>} : memref<1024x32xf32, #tpu.memory_space<vmem>>, vector<16xf32>,
      %get3A_1408 = arith.index_cast %add3A_1404 : i32 to index
      %get3A_1409 = arith.constant 16 : index
      %get3A_1410 = tpu.vector_load %arg6[%get3A_1408, %get3A_1409] {strides = array<i32>} : memref<1024x32xf32, #tpu.memory_space<vmem>>, vector<16xf32>,
      tpu.vector_store_idx %arg7[%add3A_769, %add3A_1400], %get3A_1407 : memref<256x129xf32, #tpu.memory_space<vmem>>[vector<16xi32>, vector<16xi32>], vector<16xf32>,
      tpu.vector_store_idx %arg7[%add3A_772, %add3A_1400], %get3A_1410 : memref<256x129xf32, #tpu.memory_space<vmem>>[vector<16xi32>, vector<16xi32>], vector<16xf32>,
      %add3A_1411 = arith.addi %add3A_1400, %broadcast_in_dim3A_5 : vector<16xi32>
      %mul3A_1412 = arith.constant 128 : i32
      %mul3A_1413 = arith.muli %select_n3A_746, %mul3A_1412 : i32
      %add3A_1414 = arith.constant 58 : i32
      %add3A_1415 = arith.addi %mul3A_1413, %add3A_1414 : i32
      %get3A_1416 = arith.index_cast %add3A_1415 : i32 to index
      %get3A_1417 = arith.constant 0 : index
      %get3A_1418 = tpu.vector_load %arg6[%get3A_1416, %get3A_1417] {strides = array<i32>} : memref<1024x32xf32, #tpu.memory_space<vmem>>, vector<16xf32>,
      %get3A_1419 = arith.index_cast %add3A_1415 : i32 to index
      %get3A_1420 = arith.constant 16 : index
      %get3A_1421 = tpu.vector_load %arg6[%get3A_1419, %get3A_1420] {strides = array<i32>} : memref<1024x32xf32, #tpu.memory_space<vmem>>, vector<16xf32>,
      tpu.vector_store_idx %arg7[%add3A_769, %add3A_1411], %get3A_1418 : memref<256x129xf32, #tpu.memory_space<vmem>>[vector<16xi32>, vector<16xi32>], vector<16xf32>,
      tpu.vector_store_idx %arg7[%add3A_772, %add3A_1411], %get3A_1421 : memref<256x129xf32, #tpu.memory_space<vmem>>[vector<16xi32>, vector<16xi32>], vector<16xf32>,
      %add3A_1422 = arith.addi %add3A_1411, %broadcast_in_dim3A_5 : vector<16xi32>
      %mul3A_1423 = arith.constant 128 : i32
      %mul3A_1424 = arith.muli %select_n3A_746, %mul3A_1423 : i32
      %add3A_1425 = arith.constant 59 : i32
      %add3A_1426 = arith.addi %mul3A_1424, %add3A_1425 : i32
      %get3A_1427 = arith.index_cast %add3A_1426 : i32 to index
      %get3A_1428 = arith.constant 0 : index
      %get3A_1429 = tpu.vector_load %arg6[%get3A_1427, %get3A_1428] {strides = array<i32>} : memref<1024x32xf32, #tpu.memory_space<vmem>>, vector<16xf32>,
      %get3A_1430 = arith.index_cast %add3A_1426 : i32 to index
      %get3A_1431 = arith.constant 16 : index
      %get3A_1432 = tpu.vector_load %arg6[%get3A_1430, %get3A_1431] {strides = array<i32>} : memref<1024x32xf32, #tpu.memory_space<vmem>>, vector<16xf32>,
      tpu.vector_store_idx %arg7[%add3A_769, %add3A_1422], %get3A_1429 : memref<256x129xf32, #tpu.memory_space<vmem>>[vector<16xi32>, vector<16xi32>], vector<16xf32>,
      tpu.vector_store_idx %arg7[%add3A_772, %add3A_1422], %get3A_1432 : memref<256x129xf32, #tpu.memory_space<vmem>>[vector<16xi32>, vector<16xi32>], vector<16xf32>,
      %add3A_1433 = arith.addi %add3A_1422, %broadcast_in_dim3A_5 : vector<16xi32>
      %mul3A_1434 = arith.constant 128 : i32
      %mul3A_1435 = arith.muli %select_n3A_746, %mul3A_1434 : i32
      %add3A_1436 = arith.constant 60 : i32
      %add3A_1437 = arith.addi %mul3A_1435, %add3A_1436 : i32
      %get3A_1438 = arith.index_cast %add3A_1437 : i32 to index
      %get3A_1439 = arith.constant 0 : index
      %get3A_1440 = tpu.vector_load %arg6[%get3A_1438, %get3A_1439] {strides = array<i32>} : memref<1024x32xf32, #tpu.memory_space<vmem>>, vector<16xf32>,
      %get3A_1441 = arith.index_cast %add3A_1437 : i32 to index
      %get3A_1442 = arith.constant 16 : index
      %get3A_1443 = tpu.vector_load %arg6[%get3A_1441, %get3A_1442] {strides = array<i32>} : memref<1024x32xf32, #tpu.memory_space<vmem>>, vector<16xf32>,
      tpu.vector_store_idx %arg7[%add3A_769, %add3A_1433], %get3A_1440 : memref<256x129xf32, #tpu.memory_space<vmem>>[vector<16xi32>, vector<16xi32>], vector<16xf32>,
      tpu.vector_store_idx %arg7[%add3A_772, %add3A_1433], %get3A_1443 : memref<256x129xf32, #tpu.memory_space<vmem>>[vector<16xi32>, vector<16xi32>], vector<16xf32>,
      %add3A_1444 = arith.addi %add3A_1433, %broadcast_in_dim3A_5 : vector<16xi32>
      %mul3A_1445 = arith.constant 128 : i32
      %mul3A_1446 = arith.muli %select_n3A_746, %mul3A_1445 : i32
      %add3A_1447 = arith.constant 61 : i32
      %add3A_1448 = arith.addi %mul3A_1446, %add3A_1447 : i32
      %get3A_1449 = arith.index_cast %add3A_1448 : i32 to index
      %get3A_1450 = arith.constant 0 : index
      %get3A_1451 = tpu.vector_load %arg6[%get3A_1449, %get3A_1450] {strides = array<i32>} : memref<1024x32xf32, #tpu.memory_space<vmem>>, vector<16xf32>,
      %get3A_1452 = arith.index_cast %add3A_1448 : i32 to index
      %get3A_1453 = arith.constant 16 : index
      %get3A_1454 = tpu.vector_load %arg6[%get3A_1452, %get3A_1453] {strides = array<i32>} : memref<1024x32xf32, #tpu.memory_space<vmem>>, vector<16xf32>,
      tpu.vector_store_idx %arg7[%add3A_769, %add3A_1444], %get3A_1451 : memref<256x129xf32, #tpu.memory_space<vmem>>[vector<16xi32>, vector<16xi32>], vector<16xf32>,
      tpu.vector_store_idx %arg7[%add3A_772, %add3A_1444], %get3A_1454 : memref<256x129xf32, #tpu.memory_space<vmem>>[vector<16xi32>, vector<16xi32>], vector<16xf32>,
      %add3A_1455 = arith.addi %add3A_1444, %broadcast_in_dim3A_5 : vector<16xi32>
      %mul3A_1456 = arith.constant 128 : i32
      %mul3A_1457 = arith.muli %select_n3A_746, %mul3A_1456 : i32
      %add3A_1458 = arith.constant 62 : i32
      %add3A_1459 = arith.addi %mul3A_1457, %add3A_1458 : i32
      %get3A_1460 = arith.index_cast %add3A_1459 : i32 to index
      %get3A_1461 = arith.constant 0 : index
      %get3A_1462 = tpu.vector_load %arg6[%get3A_1460, %get3A_1461] {strides = array<i32>} : memref<1024x32xf32, #tpu.memory_space<vmem>>, vector<16xf32>,
      %get3A_1463 = arith.index_cast %add3A_1459 : i32 to index
      %get3A_1464 = arith.constant 16 : index
      %get3A_1465 = tpu.vector_load %arg6[%get3A_1463, %get3A_1464] {strides = array<i32>} : memref<1024x32xf32, #tpu.memory_space<vmem>>, vector<16xf32>,
      tpu.vector_store_idx %arg7[%add3A_769, %add3A_1455], %get3A_1462 : memref<256x129xf32, #tpu.memory_space<vmem>>[vector<16xi32>, vector<16xi32>], vector<16xf32>,
      tpu.vector_store_idx %arg7[%add3A_772, %add3A_1455], %get3A_1465 : memref<256x129xf32, #tpu.memory_space<vmem>>[vector<16xi32>, vector<16xi32>], vector<16xf32>,
      %add3A_1466 = arith.addi %add3A_1455, %broadcast_in_dim3A_5 : vector<16xi32>
      %mul3A_1467 = arith.constant 128 : i32
      %mul3A_1468 = arith.muli %select_n3A_746, %mul3A_1467 : i32
      %add3A_1469 = arith.constant 63 : i32
      %add3A_1470 = arith.addi %mul3A_1468, %add3A_1469 : i32
      %get3A_1471 = arith.index_cast %add3A_1470 : i32 to index
      %get3A_1472 = arith.constant 0 : index
      %get3A_1473 = tpu.vector_load %arg6[%get3A_1471, %get3A_1472] {strides = array<i32>} : memref<1024x32xf32, #tpu.memory_space<vmem>>, vector<16xf32>,
      %get3A_1474 = arith.index_cast %add3A_1470 : i32 to index
      %get3A_1475 = arith.constant 16 : index
      %get3A_1476 = tpu.vector_load %arg6[%get3A_1474, %get3A_1475] {strides = array<i32>} : memref<1024x32xf32, #tpu.memory_space<vmem>>, vector<16xf32>,
      tpu.vector_store_idx %arg7[%add3A_769, %add3A_1466], %get3A_1473 : memref<256x129xf32, #tpu.memory_space<vmem>>[vector<16xi32>, vector<16xi32>], vector<16xf32>,
      tpu.vector_store_idx %arg7[%add3A_772, %add3A_1466], %get3A_1476 : memref<256x129xf32, #tpu.memory_space<vmem>>[vector<16xi32>, vector<16xi32>], vector<16xf32>,
      %add3A_1477 = arith.addi %add3A_1466, %broadcast_in_dim3A_5 : vector<16xi32>
      %mul3A_1478 = arith.constant 128 : i32
      %mul3A_1479 = arith.muli %select_n3A_746, %mul3A_1478 : i32
      %add3A_1480 = arith.constant 64 : i32
      %add3A_1481 = arith.addi %mul3A_1479, %add3A_1480 : i32
      %get3A_1482 = arith.index_cast %add3A_1481 : i32 to index
      %get3A_1483 = arith.constant 0 : index
      %get3A_1484 = tpu.vector_load %arg6[%get3A_1482, %get3A_1483] {strides = array<i32>} : memref<1024x32xf32, #tpu.memory_space<vmem>>, vector<16xf32>,
      %get3A_1485 = arith.index_cast %add3A_1481 : i32 to index
      %get3A_1486 = arith.constant 16 : index
      %get3A_1487 = tpu.vector_load %arg6[%get3A_1485, %get3A_1486] {strides = array<i32>} : memref<1024x32xf32, #tpu.memory_space<vmem>>, vector<16xf32>,
      tpu.vector_store_idx %arg7[%add3A_769, %add3A_1477], %get3A_1484 : memref<256x129xf32, #tpu.memory_space<vmem>>[vector<16xi32>, vector<16xi32>], vector<16xf32>,
      tpu.vector_store_idx %arg7[%add3A_772, %add3A_1477], %get3A_1487 : memref<256x129xf32, #tpu.memory_space<vmem>>[vector<16xi32>, vector<16xi32>], vector<16xf32>,
      %add3A_1488 = arith.addi %add3A_1477, %broadcast_in_dim3A_5 : vector<16xi32>
      %mul3A_1489 = arith.constant 128 : i32
      %mul3A_1490 = arith.muli %select_n3A_746, %mul3A_1489 : i32
      %add3A_1491 = arith.constant 65 : i32
      %add3A_1492 = arith.addi %mul3A_1490, %add3A_1491 : i32
      %get3A_1493 = arith.index_cast %add3A_1492 : i32 to index
      %get3A_1494 = arith.constant 0 : index
      %get3A_1495 = tpu.vector_load %arg6[%get3A_1493, %get3A_1494] {strides = array<i32>} : memref<1024x32xf32, #tpu.memory_space<vmem>>, vector<16xf32>,
      %get3A_1496 = arith.index_cast %add3A_1492 : i32 to index
      %get3A_1497 = arith.constant 16 : index
      %get3A_1498 = tpu.vector_load %arg6[%get3A_1496, %get3A_1497] {strides = array<i32>} : memref<1024x32xf32, #tpu.memory_space<vmem>>, vector<16xf32>,
      tpu.vector_store_idx %arg7[%add3A_769, %add3A_1488], %get3A_1495 : memref<256x129xf32, #tpu.memory_space<vmem>>[vector<16xi32>, vector<16xi32>], vector<16xf32>,
      tpu.vector_store_idx %arg7[%add3A_772, %add3A_1488], %get3A_1498 : memref<256x129xf32, #tpu.memory_space<vmem>>[vector<16xi32>, vector<16xi32>], vector<16xf32>,
      %add3A_1499 = arith.addi %add3A_1488, %broadcast_in_dim3A_5 : vector<16xi32>
      %mul3A_1500 = arith.constant 128 : i32
      %mul3A_1501 = arith.muli %select_n3A_746, %mul3A_1500 : i32
      %add3A_1502 = arith.constant 66 : i32
      %add3A_1503 = arith.addi %mul3A_1501, %add3A_1502 : i32
      %get3A_1504 = arith.index_cast %add3A_1503 : i32 to index
      %get3A_1505 = arith.constant 0 : index
      %get3A_1506 = tpu.vector_load %arg6[%get3A_1504, %get3A_1505] {strides = array<i32>} : memref<1024x32xf32, #tpu.memory_space<vmem>>, vector<16xf32>,
      %get3A_1507 = arith.index_cast %add3A_1503 : i32 to index
      %get3A_1508 = arith.constant 16 : index
      %get3A_1509 = tpu.vector_load %arg6[%get3A_1507, %get3A_1508] {strides = array<i32>} : memref<1024x32xf32, #tpu.memory_space<vmem>>, vector<16xf32>,
      tpu.vector_store_idx %arg7[%add3A_769, %add3A_1499], %get3A_1506 : memref<256x129xf32, #tpu.memory_space<vmem>>[vector<16xi32>, vector<16xi32>], vector<16xf32>,
      tpu.vector_store_idx %arg7[%add3A_772, %add3A_1499], %get3A_1509 : memref<256x129xf32, #tpu.memory_space<vmem>>[vector<16xi32>, vector<16xi32>], vector<16xf32>,
      %add3A_1510 = arith.addi %add3A_1499, %broadcast_in_dim3A_5 : vector<16xi32>
      %mul3A_1511 = arith.constant 128 : i32
      %mul3A_1512 = arith.muli %select_n3A_746, %mul3A_1511 : i32
      %add3A_1513 = arith.constant 67 : i32
      %add3A_1514 = arith.addi %mul3A_1512, %add3A_1513 : i32
      %get3A_1515 = arith.index_cast %add3A_1514 : i32 to index
      %get3A_1516 = arith.constant 0 : index
      %get3A_1517 = tpu.vector_load %arg6[%get3A_1515, %get3A_1516] {strides = array<i32>} : memref<1024x32xf32, #tpu.memory_space<vmem>>, vector<16xf32>,
      %get3A_1518 = arith.index_cast %add3A_1514 : i32 to index
      %get3A_1519 = arith.constant 16 : index
      %get3A_1520 = tpu.vector_load %arg6[%get3A_1518, %get3A_1519] {strides = array<i32>} : memref<1024x32xf32, #tpu.memory_space<vmem>>, vector<16xf32>,
      tpu.vector_store_idx %arg7[%add3A_769, %add3A_1510], %get3A_1517 : memref<256x129xf32, #tpu.memory_space<vmem>>[vector<16xi32>, vector<16xi32>], vector<16xf32>,
      tpu.vector_store_idx %arg7[%add3A_772, %add3A_1510], %get3A_1520 : memref<256x129xf32, #tpu.memory_space<vmem>>[vector<16xi32>, vector<16xi32>], vector<16xf32>,
      %add3A_1521 = arith.addi %add3A_1510, %broadcast_in_dim3A_5 : vector<16xi32>
      %mul3A_1522 = arith.constant 128 : i32
      %mul3A_1523 = arith.muli %select_n3A_746, %mul3A_1522 : i32
      %add3A_1524 = arith.constant 68 : i32
      %add3A_1525 = arith.addi %mul3A_1523, %add3A_1524 : i32
      %get3A_1526 = arith.index_cast %add3A_1525 : i32 to index
      %get3A_1527 = arith.constant 0 : index
      %get3A_1528 = tpu.vector_load %arg6[%get3A_1526, %get3A_1527] {strides = array<i32>} : memref<1024x32xf32, #tpu.memory_space<vmem>>, vector<16xf32>,
      %get3A_1529 = arith.index_cast %add3A_1525 : i32 to index
      %get3A_1530 = arith.constant 16 : index
      %get3A_1531 = tpu.vector_load %arg6[%get3A_1529, %get3A_1530] {strides = array<i32>} : memref<1024x32xf32, #tpu.memory_space<vmem>>, vector<16xf32>,
      tpu.vector_store_idx %arg7[%add3A_769, %add3A_1521], %get3A_1528 : memref<256x129xf32, #tpu.memory_space<vmem>>[vector<16xi32>, vector<16xi32>], vector<16xf32>,
      tpu.vector_store_idx %arg7[%add3A_772, %add3A_1521], %get3A_1531 : memref<256x129xf32, #tpu.memory_space<vmem>>[vector<16xi32>, vector<16xi32>], vector<16xf32>,
      %add3A_1532 = arith.addi %add3A_1521, %broadcast_in_dim3A_5 : vector<16xi32>
      %mul3A_1533 = arith.constant 128 : i32
      %mul3A_1534 = arith.muli %select_n3A_746, %mul3A_1533 : i32
      %add3A_1535 = arith.constant 69 : i32
      %add3A_1536 = arith.addi %mul3A_1534, %add3A_1535 : i32
      %get3A_1537 = arith.index_cast %add3A_1536 : i32 to index
      %get3A_1538 = arith.constant 0 : index
      %get3A_1539 = tpu.vector_load %arg6[%get3A_1537, %get3A_1538] {strides = array<i32>} : memref<1024x32xf32, #tpu.memory_space<vmem>>, vector<16xf32>,
      %get3A_1540 = arith.index_cast %add3A_1536 : i32 to index
      %get3A_1541 = arith.constant 16 : index
      %get3A_1542 = tpu.vector_load %arg6[%get3A_1540, %get3A_1541] {strides = array<i32>} : memref<1024x32xf32, #tpu.memory_space<vmem>>, vector<16xf32>,
      tpu.vector_store_idx %arg7[%add3A_769, %add3A_1532], %get3A_1539 : memref<256x129xf32, #tpu.memory_space<vmem>>[vector<16xi32>, vector<16xi32>], vector<16xf32>,
      tpu.vector_store_idx %arg7[%add3A_772, %add3A_1532], %get3A_1542 : memref<256x129xf32, #tpu.memory_space<vmem>>[vector<16xi32>, vector<16xi32>], vector<16xf32>,
      %add3A_1543 = arith.addi %add3A_1532, %broadcast_in_dim3A_5 : vector<16xi32>
      %mul3A_1544 = arith.constant 128 : i32
      %mul3A_1545 = arith.muli %select_n3A_746, %mul3A_1544 : i32
      %add3A_1546 = arith.constant 70 : i32
      %add3A_1547 = arith.addi %mul3A_1545, %add3A_1546 : i32
      %get3A_1548 = arith.index_cast %add3A_1547 : i32 to index
      %get3A_1549 = arith.constant 0 : index
      %get3A_1550 = tpu.vector_load %arg6[%get3A_1548, %get3A_1549] {strides = array<i32>} : memref<1024x32xf32, #tpu.memory_space<vmem>>, vector<16xf32>,
      %get3A_1551 = arith.index_cast %add3A_1547 : i32 to index
      %get3A_1552 = arith.constant 16 : index
      %get3A_1553 = tpu.vector_load %arg6[%get3A_1551, %get3A_1552] {strides = array<i32>} : memref<1024x32xf32, #tpu.memory_space<vmem>>, vector<16xf32>,
      tpu.vector_store_idx %arg7[%add3A_769, %add3A_1543], %get3A_1550 : memref<256x129xf32, #tpu.memory_space<vmem>>[vector<16xi32>, vector<16xi32>], vector<16xf32>,
      tpu.vector_store_idx %arg7[%add3A_772, %add3A_1543], %get3A_1553 : memref<256x129xf32, #tpu.memory_space<vmem>>[vector<16xi32>, vector<16xi32>], vector<16xf32>,
      %add3A_1554 = arith.addi %add3A_1543, %broadcast_in_dim3A_5 : vector<16xi32>
      %mul3A_1555 = arith.constant 128 : i32
      %mul3A_1556 = arith.muli %select_n3A_746, %mul3A_1555 : i32
      %add3A_1557 = arith.constant 71 : i32
      %add3A_1558 = arith.addi %mul3A_1556, %add3A_1557 : i32
      %get3A_1559 = arith.index_cast %add3A_1558 : i32 to index
      %get3A_1560 = arith.constant 0 : index
      %get3A_1561 = tpu.vector_load %arg6[%get3A_1559, %get3A_1560] {strides = array<i32>} : memref<1024x32xf32, #tpu.memory_space<vmem>>, vector<16xf32>,
      %get3A_1562 = arith.index_cast %add3A_1558 : i32 to index
      %get3A_1563 = arith.constant 16 : index
      %get3A_1564 = tpu.vector_load %arg6[%get3A_1562, %get3A_1563] {strides = array<i32>} : memref<1024x32xf32, #tpu.memory_space<vmem>>, vector<16xf32>,
      tpu.vector_store_idx %arg7[%add3A_769, %add3A_1554], %get3A_1561 : memref<256x129xf32, #tpu.memory_space<vmem>>[vector<16xi32>, vector<16xi32>], vector<16xf32>,
      tpu.vector_store_idx %arg7[%add3A_772, %add3A_1554], %get3A_1564 : memref<256x129xf32, #tpu.memory_space<vmem>>[vector<16xi32>, vector<16xi32>], vector<16xf32>,
      %add3A_1565 = arith.addi %add3A_1554, %broadcast_in_dim3A_5 : vector<16xi32>
      %mul3A_1566 = arith.constant 128 : i32
      %mul3A_1567 = arith.muli %select_n3A_746, %mul3A_1566 : i32
      %add3A_1568 = arith.constant 72 : i32
      %add3A_1569 = arith.addi %mul3A_1567, %add3A_1568 : i32
      %get3A_1570 = arith.index_cast %add3A_1569 : i32 to index
      %get3A_1571 = arith.constant 0 : index
      %get3A_1572 = tpu.vector_load %arg6[%get3A_1570, %get3A_1571] {strides = array<i32>} : memref<1024x32xf32, #tpu.memory_space<vmem>>, vector<16xf32>,
      %get3A_1573 = arith.index_cast %add3A_1569 : i32 to index
      %get3A_1574 = arith.constant 16 : index
      %get3A_1575 = tpu.vector_load %arg6[%get3A_1573, %get3A_1574] {strides = array<i32>} : memref<1024x32xf32, #tpu.memory_space<vmem>>, vector<16xf32>,
      tpu.vector_store_idx %arg7[%add3A_769, %add3A_1565], %get3A_1572 : memref<256x129xf32, #tpu.memory_space<vmem>>[vector<16xi32>, vector<16xi32>], vector<16xf32>,
      tpu.vector_store_idx %arg7[%add3A_772, %add3A_1565], %get3A_1575 : memref<256x129xf32, #tpu.memory_space<vmem>>[vector<16xi32>, vector<16xi32>], vector<16xf32>,
      %add3A_1576 = arith.addi %add3A_1565, %broadcast_in_dim3A_5 : vector<16xi32>
      %mul3A_1577 = arith.constant 128 : i32
      %mul3A_1578 = arith.muli %select_n3A_746, %mul3A_1577 : i32
      %add3A_1579 = arith.constant 73 : i32
      %add3A_1580 = arith.addi %mul3A_1578, %add3A_1579 : i32
      %get3A_1581 = arith.index_cast %add3A_1580 : i32 to index
      %get3A_1582 = arith.constant 0 : index
      %get3A_1583 = tpu.vector_load %arg6[%get3A_1581, %get3A_1582] {strides = array<i32>} : memref<1024x32xf32, #tpu.memory_space<vmem>>, vector<16xf32>,
      %get3A_1584 = arith.index_cast %add3A_1580 : i32 to index
      %get3A_1585 = arith.constant 16 : index
      %get3A_1586 = tpu.vector_load %arg6[%get3A_1584, %get3A_1585] {strides = array<i32>} : memref<1024x32xf32, #tpu.memory_space<vmem>>, vector<16xf32>,
      tpu.vector_store_idx %arg7[%add3A_769, %add3A_1576], %get3A_1583 : memref<256x129xf32, #tpu.memory_space<vmem>>[vector<16xi32>, vector<16xi32>], vector<16xf32>,
      tpu.vector_store_idx %arg7[%add3A_772, %add3A_1576], %get3A_1586 : memref<256x129xf32, #tpu.memory_space<vmem>>[vector<16xi32>, vector<16xi32>], vector<16xf32>,
      %add3A_1587 = arith.addi %add3A_1576, %broadcast_in_dim3A_5 : vector<16xi32>
      %mul3A_1588 = arith.constant 128 : i32
      %mul3A_1589 = arith.muli %select_n3A_746, %mul3A_1588 : i32
      %add3A_1590 = arith.constant 74 : i32
      %add3A_1591 = arith.addi %mul3A_1589, %add3A_1590 : i32
      %get3A_1592 = arith.index_cast %add3A_1591 : i32 to index
      %get3A_1593 = arith.constant 0 : index
      %get3A_1594 = tpu.vector_load %arg6[%get3A_1592, %get3A_1593] {strides = array<i32>} : memref<1024x32xf32, #tpu.memory_space<vmem>>, vector<16xf32>,
      %get3A_1595 = arith.index_cast %add3A_1591 : i32 to index
      %get3A_1596 = arith.constant 16 : index
      %get3A_1597 = tpu.vector_load %arg6[%get3A_1595, %get3A_1596] {strides = array<i32>} : memref<1024x32xf32, #tpu.memory_space<vmem>>, vector<16xf32>,
      tpu.vector_store_idx %arg7[%add3A_769, %add3A_1587], %get3A_1594 : memref<256x129xf32, #tpu.memory_space<vmem>>[vector<16xi32>, vector<16xi32>], vector<16xf32>,
      tpu.vector_store_idx %arg7[%add3A_772, %add3A_1587], %get3A_1597 : memref<256x129xf32, #tpu.memory_space<vmem>>[vector<16xi32>, vector<16xi32>], vector<16xf32>,
      %add3A_1598 = arith.addi %add3A_1587, %broadcast_in_dim3A_5 : vector<16xi32>
      %mul3A_1599 = arith.constant 128 : i32
      %mul3A_1600 = arith.muli %select_n3A_746, %mul3A_1599 : i32
      %add3A_1601 = arith.constant 75 : i32
      %add3A_1602 = arith.addi %mul3A_1600, %add3A_1601 : i32
      %get3A_1603 = arith.index_cast %add3A_1602 : i32 to index
      %get3A_1604 = arith.constant 0 : index
      %get3A_1605 = tpu.vector_load %arg6[%get3A_1603, %get3A_1604] {strides = array<i32>} : memref<1024x32xf32, #tpu.memory_space<vmem>>, vector<16xf32>,
      %get3A_1606 = arith.index_cast %add3A_1602 : i32 to index
      %get3A_1607 = arith.constant 16 : index
      %get3A_1608 = tpu.vector_load %arg6[%get3A_1606, %get3A_1607] {strides = array<i32>} : memref<1024x32xf32, #tpu.memory_space<vmem>>, vector<16xf32>,
      tpu.vector_store_idx %arg7[%add3A_769, %add3A_1598], %get3A_1605 : memref<256x129xf32, #tpu.memory_space<vmem>>[vector<16xi32>, vector<16xi32>], vector<16xf32>,
      tpu.vector_store_idx %arg7[%add3A_772, %add3A_1598], %get3A_1608 : memref<256x129xf32, #tpu.memory_space<vmem>>[vector<16xi32>, vector<16xi32>], vector<16xf32>,
      %add3A_1609 = arith.addi %add3A_1598, %broadcast_in_dim3A_5 : vector<16xi32>
      %mul3A_1610 = arith.constant 128 : i32
      %mul3A_1611 = arith.muli %select_n3A_746, %mul3A_1610 : i32
      %add3A_1612 = arith.constant 76 : i32
      %add3A_1613 = arith.addi %mul3A_1611, %add3A_1612 : i32
      %get3A_1614 = arith.index_cast %add3A_1613 : i32 to index
      %get3A_1615 = arith.constant 0 : index
      %get3A_1616 = tpu.vector_load %arg6[%get3A_1614, %get3A_1615] {strides = array<i32>} : memref<1024x32xf32, #tpu.memory_space<vmem>>, vector<16xf32>,
      %get3A_1617 = arith.index_cast %add3A_1613 : i32 to index
      %get3A_1618 = arith.constant 16 : index
      %get3A_1619 = tpu.vector_load %arg6[%get3A_1617, %get3A_1618] {strides = array<i32>} : memref<1024x32xf32, #tpu.memory_space<vmem>>, vector<16xf32>,
      tpu.vector_store_idx %arg7[%add3A_769, %add3A_1609], %get3A_1616 : memref<256x129xf32, #tpu.memory_space<vmem>>[vector<16xi32>, vector<16xi32>], vector<16xf32>,
      tpu.vector_store_idx %arg7[%add3A_772, %add3A_1609], %get3A_1619 : memref<256x129xf32, #tpu.memory_space<vmem>>[vector<16xi32>, vector<16xi32>], vector<16xf32>,
      %add3A_1620 = arith.addi %add3A_1609, %broadcast_in_dim3A_5 : vector<16xi32>
      %mul3A_1621 = arith.constant 128 : i32
      %mul3A_1622 = arith.muli %select_n3A_746, %mul3A_1621 : i32
      %add3A_1623 = arith.constant 77 : i32
      %add3A_1624 = arith.addi %mul3A_1622, %add3A_1623 : i32
      %get3A_1625 = arith.index_cast %add3A_1624 : i32 to index
      %get3A_1626 = arith.constant 0 : index
      %get3A_1627 = tpu.vector_load %arg6[%get3A_1625, %get3A_1626] {strides = array<i32>} : memref<1024x32xf32, #tpu.memory_space<vmem>>, vector<16xf32>,
      %get3A_1628 = arith.index_cast %add3A_1624 : i32 to index
      %get3A_1629 = arith.constant 16 : index
      %get3A_1630 = tpu.vector_load %arg6[%get3A_1628, %get3A_1629] {strides = array<i32>} : memref<1024x32xf32, #tpu.memory_space<vmem>>, vector<16xf32>,
      tpu.vector_store_idx %arg7[%add3A_769, %add3A_1620], %get3A_1627 : memref<256x129xf32, #tpu.memory_space<vmem>>[vector<16xi32>, vector<16xi32>], vector<16xf32>,
      tpu.vector_store_idx %arg7[%add3A_772, %add3A_1620], %get3A_1630 : memref<256x129xf32, #tpu.memory_space<vmem>>[vector<16xi32>, vector<16xi32>], vector<16xf32>,
      %add3A_1631 = arith.addi %add3A_1620, %broadcast_in_dim3A_5 : vector<16xi32>
      %mul3A_1632 = arith.constant 128 : i32
      %mul3A_1633 = arith.muli %select_n3A_746, %mul3A_1632 : i32
      %add3A_1634 = arith.constant 78 : i32
      %add3A_1635 = arith.addi %mul3A_1633, %add3A_1634 : i32
      %get3A_1636 = arith.index_cast %add3A_1635 : i32 to index
      %get3A_1637 = arith.constant 0 : index
      %get3A_1638 = tpu.vector_load %arg6[%get3A_1636, %get3A_1637] {strides = array<i32>} : memref<1024x32xf32, #tpu.memory_space<vmem>>, vector<16xf32>,
      %get3A_1639 = arith.index_cast %add3A_1635 : i32 to index
      %get3A_1640 = arith.constant 16 : index
      %get3A_1641 = tpu.vector_load %arg6[%get3A_1639, %get3A_1640] {strides = array<i32>} : memref<1024x32xf32, #tpu.memory_space<vmem>>, vector<16xf32>,
      tpu.vector_store_idx %arg7[%add3A_769, %add3A_1631], %get3A_1638 : memref<256x129xf32, #tpu.memory_space<vmem>>[vector<16xi32>, vector<16xi32>], vector<16xf32>,
      tpu.vector_store_idx %arg7[%add3A_772, %add3A_1631], %get3A_1641 : memref<256x129xf32, #tpu.memory_space<vmem>>[vector<16xi32>, vector<16xi32>], vector<16xf32>,
      %add3A_1642 = arith.addi %add3A_1631, %broadcast_in_dim3A_5 : vector<16xi32>
      %mul3A_1643 = arith.constant 128 : i32
      %mul3A_1644 = arith.muli %select_n3A_746, %mul3A_1643 : i32
      %add3A_1645 = arith.constant 79 : i32
      %add3A_1646 = arith.addi %mul3A_1644, %add3A_1645 : i32
      %get3A_1647 = arith.index_cast %add3A_1646 : i32 to index
      %get3A_1648 = arith.constant 0 : index
      %get3A_1649 = tpu.vector_load %arg6[%get3A_1647, %get3A_1648] {strides = array<i32>} : memref<1024x32xf32, #tpu.memory_space<vmem>>, vector<16xf32>,
      %get3A_1650 = arith.index_cast %add3A_1646 : i32 to index
      %get3A_1651 = arith.constant 16 : index
      %get3A_1652 = tpu.vector_load %arg6[%get3A_1650, %get3A_1651] {strides = array<i32>} : memref<1024x32xf32, #tpu.memory_space<vmem>>, vector<16xf32>,
      tpu.vector_store_idx %arg7[%add3A_769, %add3A_1642], %get3A_1649 : memref<256x129xf32, #tpu.memory_space<vmem>>[vector<16xi32>, vector<16xi32>], vector<16xf32>,
      tpu.vector_store_idx %arg7[%add3A_772, %add3A_1642], %get3A_1652 : memref<256x129xf32, #tpu.memory_space<vmem>>[vector<16xi32>, vector<16xi32>], vector<16xf32>,
      %add3A_1653 = arith.addi %add3A_1642, %broadcast_in_dim3A_5 : vector<16xi32>
      %mul3A_1654 = arith.constant 128 : i32
      %mul3A_1655 = arith.muli %select_n3A_746, %mul3A_1654 : i32
      %add3A_1656 = arith.constant 80 : i32
      %add3A_1657 = arith.addi %mul3A_1655, %add3A_1656 : i32
      %get3A_1658 = arith.index_cast %add3A_1657 : i32 to index
      %get3A_1659 = arith.constant 0 : index
      %get3A_1660 = tpu.vector_load %arg6[%get3A_1658, %get3A_1659] {strides = array<i32>} : memref<1024x32xf32, #tpu.memory_space<vmem>>, vector<16xf32>,
      %get3A_1661 = arith.index_cast %add3A_1657 : i32 to index
      %get3A_1662 = arith.constant 16 : index
      %get3A_1663 = tpu.vector_load %arg6[%get3A_1661, %get3A_1662] {strides = array<i32>} : memref<1024x32xf32, #tpu.memory_space<vmem>>, vector<16xf32>,
      tpu.vector_store_idx %arg7[%add3A_769, %add3A_1653], %get3A_1660 : memref<256x129xf32, #tpu.memory_space<vmem>>[vector<16xi32>, vector<16xi32>], vector<16xf32>,
      tpu.vector_store_idx %arg7[%add3A_772, %add3A_1653], %get3A_1663 : memref<256x129xf32, #tpu.memory_space<vmem>>[vector<16xi32>, vector<16xi32>], vector<16xf32>,
      %add3A_1664 = arith.addi %add3A_1653, %broadcast_in_dim3A_5 : vector<16xi32>
      %mul3A_1665 = arith.constant 128 : i32
      %mul3A_1666 = arith.muli %select_n3A_746, %mul3A_1665 : i32
      %add3A_1667 = arith.constant 81 : i32
      %add3A_1668 = arith.addi %mul3A_1666, %add3A_1667 : i32
      %get3A_1669 = arith.index_cast %add3A_1668 : i32 to index
      %get3A_1670 = arith.constant 0 : index
      %get3A_1671 = tpu.vector_load %arg6[%get3A_1669, %get3A_1670] {strides = array<i32>} : memref<1024x32xf32, #tpu.memory_space<vmem>>, vector<16xf32>,
      %get3A_1672 = arith.index_cast %add3A_1668 : i32 to index
      %get3A_1673 = arith.constant 16 : index
      %get3A_1674 = tpu.vector_load %arg6[%get3A_1672, %get3A_1673] {strides = array<i32>} : memref<1024x32xf32, #tpu.memory_space<vmem>>, vector<16xf32>,
      tpu.vector_store_idx %arg7[%add3A_769, %add3A_1664], %get3A_1671 : memref<256x129xf32, #tpu.memory_space<vmem>>[vector<16xi32>, vector<16xi32>], vector<16xf32>,
      tpu.vector_store_idx %arg7[%add3A_772, %add3A_1664], %get3A_1674 : memref<256x129xf32, #tpu.memory_space<vmem>>[vector<16xi32>, vector<16xi32>], vector<16xf32>,
      %add3A_1675 = arith.addi %add3A_1664, %broadcast_in_dim3A_5 : vector<16xi32>
      %mul3A_1676 = arith.constant 128 : i32
      %mul3A_1677 = arith.muli %select_n3A_746, %mul3A_1676 : i32
      %add3A_1678 = arith.constant 82 : i32
      %add3A_1679 = arith.addi %mul3A_1677, %add3A_1678 : i32
      %get3A_1680 = arith.index_cast %add3A_1679 : i32 to index
      %get3A_1681 = arith.constant 0 : index
      %get3A_1682 = tpu.vector_load %arg6[%get3A_1680, %get3A_1681] {strides = array<i32>} : memref<1024x32xf32, #tpu.memory_space<vmem>>, vector<16xf32>,
      %get3A_1683 = arith.index_cast %add3A_1679 : i32 to index
      %get3A_1684 = arith.constant 16 : index
      %get3A_1685 = tpu.vector_load %arg6[%get3A_1683, %get3A_1684] {strides = array<i32>} : memref<1024x32xf32, #tpu.memory_space<vmem>>, vector<16xf32>,
      tpu.vector_store_idx %arg7[%add3A_769, %add3A_1675], %get3A_1682 : memref<256x129xf32, #tpu.memory_space<vmem>>[vector<16xi32>, vector<16xi32>], vector<16xf32>,
      tpu.vector_store_idx %arg7[%add3A_772, %add3A_1675], %get3A_1685 : memref<256x129xf32, #tpu.memory_space<vmem>>[vector<16xi32>, vector<16xi32>], vector<16xf32>,
      %add3A_1686 = arith.addi %add3A_1675, %broadcast_in_dim3A_5 : vector<16xi32>
      %mul3A_1687 = arith.constant 128 : i32
      %mul3A_1688 = arith.muli %select_n3A_746, %mul3A_1687 : i32
      %add3A_1689 = arith.constant 83 : i32
      %add3A_1690 = arith.addi %mul3A_1688, %add3A_1689 : i32
      %get3A_1691 = arith.index_cast %add3A_1690 : i32 to index
      %get3A_1692 = arith.constant 0 : index
      %get3A_1693 = tpu.vector_load %arg6[%get3A_1691, %get3A_1692] {strides = array<i32>} : memref<1024x32xf32, #tpu.memory_space<vmem>>, vector<16xf32>,
      %get3A_1694 = arith.index_cast %add3A_1690 : i32 to index
      %get3A_1695 = arith.constant 16 : index
      %get3A_1696 = tpu.vector_load %arg6[%get3A_1694, %get3A_1695] {strides = array<i32>} : memref<1024x32xf32, #tpu.memory_space<vmem>>, vector<16xf32>,
      tpu.vector_store_idx %arg7[%add3A_769, %add3A_1686], %get3A_1693 : memref<256x129xf32, #tpu.memory_space<vmem>>[vector<16xi32>, vector<16xi32>], vector<16xf32>,
      tpu.vector_store_idx %arg7[%add3A_772, %add3A_1686], %get3A_1696 : memref<256x129xf32, #tpu.memory_space<vmem>>[vector<16xi32>, vector<16xi32>], vector<16xf32>,
      %add3A_1697 = arith.addi %add3A_1686, %broadcast_in_dim3A_5 : vector<16xi32>
      %mul3A_1698 = arith.constant 128 : i32
      %mul3A_1699 = arith.muli %select_n3A_746, %mul3A_1698 : i32
      %add3A_1700 = arith.constant 84 : i32
      %add3A_1701 = arith.addi %mul3A_1699, %add3A_1700 : i32
      %get3A_1702 = arith.index_cast %add3A_1701 : i32 to index
      %get3A_1703 = arith.constant 0 : index
      %get3A_1704 = tpu.vector_load %arg6[%get3A_1702, %get3A_1703] {strides = array<i32>} : memref<1024x32xf32, #tpu.memory_space<vmem>>, vector<16xf32>,
      %get3A_1705 = arith.index_cast %add3A_1701 : i32 to index
      %get3A_1706 = arith.constant 16 : index
      %get3A_1707 = tpu.vector_load %arg6[%get3A_1705, %get3A_1706] {strides = array<i32>} : memref<1024x32xf32, #tpu.memory_space<vmem>>, vector<16xf32>,
      tpu.vector_store_idx %arg7[%add3A_769, %add3A_1697], %get3A_1704 : memref<256x129xf32, #tpu.memory_space<vmem>>[vector<16xi32>, vector<16xi32>], vector<16xf32>,
      tpu.vector_store_idx %arg7[%add3A_772, %add3A_1697], %get3A_1707 : memref<256x129xf32, #tpu.memory_space<vmem>>[vector<16xi32>, vector<16xi32>], vector<16xf32>,
      %add3A_1708 = arith.addi %add3A_1697, %broadcast_in_dim3A_5 : vector<16xi32>
      %mul3A_1709 = arith.constant 128 : i32
      %mul3A_1710 = arith.muli %select_n3A_746, %mul3A_1709 : i32
      %add3A_1711 = arith.constant 85 : i32
      %add3A_1712 = arith.addi %mul3A_1710, %add3A_1711 : i32
      %get3A_1713 = arith.index_cast %add3A_1712 : i32 to index
      %get3A_1714 = arith.constant 0 : index
      %get3A_1715 = tpu.vector_load %arg6[%get3A_1713, %get3A_1714] {strides = array<i32>} : memref<1024x32xf32, #tpu.memory_space<vmem>>, vector<16xf32>,
      %get3A_1716 = arith.index_cast %add3A_1712 : i32 to index
      %get3A_1717 = arith.constant 16 : index
      %get3A_1718 = tpu.vector_load %arg6[%get3A_1716, %get3A_1717] {strides = array<i32>} : memref<1024x32xf32, #tpu.memory_space<vmem>>, vector<16xf32>,
      tpu.vector_store_idx %arg7[%add3A_769, %add3A_1708], %get3A_1715 : memref<256x129xf32, #tpu.memory_space<vmem>>[vector<16xi32>, vector<16xi32>], vector<16xf32>,
      tpu.vector_store_idx %arg7[%add3A_772, %add3A_1708], %get3A_1718 : memref<256x129xf32, #tpu.memory_space<vmem>>[vector<16xi32>, vector<16xi32>], vector<16xf32>,
      %add3A_1719 = arith.addi %add3A_1708, %broadcast_in_dim3A_5 : vector<16xi32>
      %mul3A_1720 = arith.constant 128 : i32
      %mul3A_1721 = arith.muli %select_n3A_746, %mul3A_1720 : i32
      %add3A_1722 = arith.constant 86 : i32
      %add3A_1723 = arith.addi %mul3A_1721, %add3A_1722 : i32
      %get3A_1724 = arith.index_cast %add3A_1723 : i32 to index
      %get3A_1725 = arith.constant 0 : index
      %get3A_1726 = tpu.vector_load %arg6[%get3A_1724, %get3A_1725] {strides = array<i32>} : memref<1024x32xf32, #tpu.memory_space<vmem>>, vector<16xf32>,
      %get3A_1727 = arith.index_cast %add3A_1723 : i32 to index
      %get3A_1728 = arith.constant 16 : index
      %get3A_1729 = tpu.vector_load %arg6[%get3A_1727, %get3A_1728] {strides = array<i32>} : memref<1024x32xf32, #tpu.memory_space<vmem>>, vector<16xf32>,
      tpu.vector_store_idx %arg7[%add3A_769, %add3A_1719], %get3A_1726 : memref<256x129xf32, #tpu.memory_space<vmem>>[vector<16xi32>, vector<16xi32>], vector<16xf32>,
      tpu.vector_store_idx %arg7[%add3A_772, %add3A_1719], %get3A_1729 : memref<256x129xf32, #tpu.memory_space<vmem>>[vector<16xi32>, vector<16xi32>], vector<16xf32>,
      %add3A_1730 = arith.addi %add3A_1719, %broadcast_in_dim3A_5 : vector<16xi32>
      %mul3A_1731 = arith.constant 128 : i32
      %mul3A_1732 = arith.muli %select_n3A_746, %mul3A_1731 : i32
      %add3A_1733 = arith.constant 87 : i32
      %add3A_1734 = arith.addi %mul3A_1732, %add3A_1733 : i32
      %get3A_1735 = arith.index_cast %add3A_1734 : i32 to index
      %get3A_1736 = arith.constant 0 : index
      %get3A_1737 = tpu.vector_load %arg6[%get3A_1735, %get3A_1736] {strides = array<i32>} : memref<1024x32xf32, #tpu.memory_space<vmem>>, vector<16xf32>,
      %get3A_1738 = arith.index_cast %add3A_1734 : i32 to index
      %get3A_1739 = arith.constant 16 : index
      %get3A_1740 = tpu.vector_load %arg6[%get3A_1738, %get3A_1739] {strides = array<i32>} : memref<1024x32xf32, #tpu.memory_space<vmem>>, vector<16xf32>,
      tpu.vector_store_idx %arg7[%add3A_769, %add3A_1730], %get3A_1737 : memref<256x129xf32, #tpu.memory_space<vmem>>[vector<16xi32>, vector<16xi32>], vector<16xf32>,
      tpu.vector_store_idx %arg7[%add3A_772, %add3A_1730], %get3A_1740 : memref<256x129xf32, #tpu.memory_space<vmem>>[vector<16xi32>, vector<16xi32>], vector<16xf32>,
      %add3A_1741 = arith.addi %add3A_1730, %broadcast_in_dim3A_5 : vector<16xi32>
      %mul3A_1742 = arith.constant 128 : i32
      %mul3A_1743 = arith.muli %select_n3A_746, %mul3A_1742 : i32
      %add3A_1744 = arith.constant 88 : i32
      %add3A_1745 = arith.addi %mul3A_1743, %add3A_1744 : i32
      %get3A_1746 = arith.index_cast %add3A_1745 : i32 to index
      %get3A_1747 = arith.constant 0 : index
      %get3A_1748 = tpu.vector_load %arg6[%get3A_1746, %get3A_1747] {strides = array<i32>} : memref<1024x32xf32, #tpu.memory_space<vmem>>, vector<16xf32>,
      %get3A_1749 = arith.index_cast %add3A_1745 : i32 to index
      %get3A_1750 = arith.constant 16 : index
      %get3A_1751 = tpu.vector_load %arg6[%get3A_1749, %get3A_1750] {strides = array<i32>} : memref<1024x32xf32, #tpu.memory_space<vmem>>, vector<16xf32>,
      tpu.vector_store_idx %arg7[%add3A_769, %add3A_1741], %get3A_1748 : memref<256x129xf32, #tpu.memory_space<vmem>>[vector<16xi32>, vector<16xi32>], vector<16xf32>,
      tpu.vector_store_idx %arg7[%add3A_772, %add3A_1741], %get3A_1751 : memref<256x129xf32, #tpu.memory_space<vmem>>[vector<16xi32>, vector<16xi32>], vector<16xf32>,
      %add3A_1752 = arith.addi %add3A_1741, %broadcast_in_dim3A_5 : vector<16xi32>
      %mul3A_1753 = arith.constant 128 : i32
      %mul3A_1754 = arith.muli %select_n3A_746, %mul3A_1753 : i32
      %add3A_1755 = arith.constant 89 : i32
      %add3A_1756 = arith.addi %mul3A_1754, %add3A_1755 : i32
      %get3A_1757 = arith.index_cast %add3A_1756 : i32 to index
      %get3A_1758 = arith.constant 0 : index
      %get3A_1759 = tpu.vector_load %arg6[%get3A_1757, %get3A_1758] {strides = array<i32>} : memref<1024x32xf32, #tpu.memory_space<vmem>>, vector<16xf32>,
      %get3A_1760 = arith.index_cast %add3A_1756 : i32 to index
      %get3A_1761 = arith.constant 16 : index
      %get3A_1762 = tpu.vector_load %arg6[%get3A_1760, %get3A_1761] {strides = array<i32>} : memref<1024x32xf32, #tpu.memory_space<vmem>>, vector<16xf32>,
      tpu.vector_store_idx %arg7[%add3A_769, %add3A_1752], %get3A_1759 : memref<256x129xf32, #tpu.memory_space<vmem>>[vector<16xi32>, vector<16xi32>], vector<16xf32>,
      tpu.vector_store_idx %arg7[%add3A_772, %add3A_1752], %get3A_1762 : memref<256x129xf32, #tpu.memory_space<vmem>>[vector<16xi32>, vector<16xi32>], vector<16xf32>,
      %add3A_1763 = arith.addi %add3A_1752, %broadcast_in_dim3A_5 : vector<16xi32>
      %mul3A_1764 = arith.constant 128 : i32
      %mul3A_1765 = arith.muli %select_n3A_746, %mul3A_1764 : i32
      %add3A_1766 = arith.constant 90 : i32
      %add3A_1767 = arith.addi %mul3A_1765, %add3A_1766 : i32
      %get3A_1768 = arith.index_cast %add3A_1767 : i32 to index
      %get3A_1769 = arith.constant 0 : index
      %get3A_1770 = tpu.vector_load %arg6[%get3A_1768, %get3A_1769] {strides = array<i32>} : memref<1024x32xf32, #tpu.memory_space<vmem>>, vector<16xf32>,
      %get3A_1771 = arith.index_cast %add3A_1767 : i32 to index
      %get3A_1772 = arith.constant 16 : index
      %get3A_1773 = tpu.vector_load %arg6[%get3A_1771, %get3A_1772] {strides = array<i32>} : memref<1024x32xf32, #tpu.memory_space<vmem>>, vector<16xf32>,
      tpu.vector_store_idx %arg7[%add3A_769, %add3A_1763], %get3A_1770 : memref<256x129xf32, #tpu.memory_space<vmem>>[vector<16xi32>, vector<16xi32>], vector<16xf32>,
      tpu.vector_store_idx %arg7[%add3A_772, %add3A_1763], %get3A_1773 : memref<256x129xf32, #tpu.memory_space<vmem>>[vector<16xi32>, vector<16xi32>], vector<16xf32>,
      %add3A_1774 = arith.addi %add3A_1763, %broadcast_in_dim3A_5 : vector<16xi32>
      %mul3A_1775 = arith.constant 128 : i32
      %mul3A_1776 = arith.muli %select_n3A_746, %mul3A_1775 : i32
      %add3A_1777 = arith.constant 91 : i32
      %add3A_1778 = arith.addi %mul3A_1776, %add3A_1777 : i32
      %get3A_1779 = arith.index_cast %add3A_1778 : i32 to index
      %get3A_1780 = arith.constant 0 : index
      %get3A_1781 = tpu.vector_load %arg6[%get3A_1779, %get3A_1780] {strides = array<i32>} : memref<1024x32xf32, #tpu.memory_space<vmem>>, vector<16xf32>,
      %get3A_1782 = arith.index_cast %add3A_1778 : i32 to index
      %get3A_1783 = arith.constant 16 : index
      %get3A_1784 = tpu.vector_load %arg6[%get3A_1782, %get3A_1783] {strides = array<i32>} : memref<1024x32xf32, #tpu.memory_space<vmem>>, vector<16xf32>,
      tpu.vector_store_idx %arg7[%add3A_769, %add3A_1774], %get3A_1781 : memref<256x129xf32, #tpu.memory_space<vmem>>[vector<16xi32>, vector<16xi32>], vector<16xf32>,
      tpu.vector_store_idx %arg7[%add3A_772, %add3A_1774], %get3A_1784 : memref<256x129xf32, #tpu.memory_space<vmem>>[vector<16xi32>, vector<16xi32>], vector<16xf32>,
      %add3A_1785 = arith.addi %add3A_1774, %broadcast_in_dim3A_5 : vector<16xi32>
      %mul3A_1786 = arith.constant 128 : i32
      %mul3A_1787 = arith.muli %select_n3A_746, %mul3A_1786 : i32
      %add3A_1788 = arith.constant 92 : i32
      %add3A_1789 = arith.addi %mul3A_1787, %add3A_1788 : i32
      %get3A_1790 = arith.index_cast %add3A_1789 : i32 to index
      %get3A_1791 = arith.constant 0 : index
      %get3A_1792 = tpu.vector_load %arg6[%get3A_1790, %get3A_1791] {strides = array<i32>} : memref<1024x32xf32, #tpu.memory_space<vmem>>, vector<16xf32>,
      %get3A_1793 = arith.index_cast %add3A_1789 : i32 to index
      %get3A_1794 = arith.constant 16 : index
      %get3A_1795 = tpu.vector_load %arg6[%get3A_1793, %get3A_1794] {strides = array<i32>} : memref<1024x32xf32, #tpu.memory_space<vmem>>, vector<16xf32>,
      tpu.vector_store_idx %arg7[%add3A_769, %add3A_1785], %get3A_1792 : memref<256x129xf32, #tpu.memory_space<vmem>>[vector<16xi32>, vector<16xi32>], vector<16xf32>,
      tpu.vector_store_idx %arg7[%add3A_772, %add3A_1785], %get3A_1795 : memref<256x129xf32, #tpu.memory_space<vmem>>[vector<16xi32>, vector<16xi32>], vector<16xf32>,
      %add3A_1796 = arith.addi %add3A_1785, %broadcast_in_dim3A_5 : vector<16xi32>
      %mul3A_1797 = arith.constant 128 : i32
      %mul3A_1798 = arith.muli %select_n3A_746, %mul3A_1797 : i32
      %add3A_1799 = arith.constant 93 : i32
      %add3A_1800 = arith.addi %mul3A_1798, %add3A_1799 : i32
      %get3A_1801 = arith.index_cast %add3A_1800 : i32 to index
      %get3A_1802 = arith.constant 0 : index
      %get3A_1803 = tpu.vector_load %arg6[%get3A_1801, %get3A_1802] {strides = array<i32>} : memref<1024x32xf32, #tpu.memory_space<vmem>>, vector<16xf32>,
      %get3A_1804 = arith.index_cast %add3A_1800 : i32 to index
      %get3A_1805 = arith.constant 16 : index
      %get3A_1806 = tpu.vector_load %arg6[%get3A_1804, %get3A_1805] {strides = array<i32>} : memref<1024x32xf32, #tpu.memory_space<vmem>>, vector<16xf32>,
      tpu.vector_store_idx %arg7[%add3A_769, %add3A_1796], %get3A_1803 : memref<256x129xf32, #tpu.memory_space<vmem>>[vector<16xi32>, vector<16xi32>], vector<16xf32>,
      tpu.vector_store_idx %arg7[%add3A_772, %add3A_1796], %get3A_1806 : memref<256x129xf32, #tpu.memory_space<vmem>>[vector<16xi32>, vector<16xi32>], vector<16xf32>,
      %add3A_1807 = arith.addi %add3A_1796, %broadcast_in_dim3A_5 : vector<16xi32>
      %mul3A_1808 = arith.constant 128 : i32
      %mul3A_1809 = arith.muli %select_n3A_746, %mul3A_1808 : i32
      %add3A_1810 = arith.constant 94 : i32
      %add3A_1811 = arith.addi %mul3A_1809, %add3A_1810 : i32
      %get3A_1812 = arith.index_cast %add3A_1811 : i32 to index
      %get3A_1813 = arith.constant 0 : index
      %get3A_1814 = tpu.vector_load %arg6[%get3A_1812, %get3A_1813] {strides = array<i32>} : memref<1024x32xf32, #tpu.memory_space<vmem>>, vector<16xf32>,
      %get3A_1815 = arith.index_cast %add3A_1811 : i32 to index
      %get3A_1816 = arith.constant 16 : index
      %get3A_1817 = tpu.vector_load %arg6[%get3A_1815, %get3A_1816] {strides = array<i32>} : memref<1024x32xf32, #tpu.memory_space<vmem>>, vector<16xf32>,
      tpu.vector_store_idx %arg7[%add3A_769, %add3A_1807], %get3A_1814 : memref<256x129xf32, #tpu.memory_space<vmem>>[vector<16xi32>, vector<16xi32>], vector<16xf32>,
      tpu.vector_store_idx %arg7[%add3A_772, %add3A_1807], %get3A_1817 : memref<256x129xf32, #tpu.memory_space<vmem>>[vector<16xi32>, vector<16xi32>], vector<16xf32>,
      %add3A_1818 = arith.addi %add3A_1807, %broadcast_in_dim3A_5 : vector<16xi32>
      %mul3A_1819 = arith.constant 128 : i32
      %mul3A_1820 = arith.muli %select_n3A_746, %mul3A_1819 : i32
      %add3A_1821 = arith.constant 95 : i32
      %add3A_1822 = arith.addi %mul3A_1820, %add3A_1821 : i32
      %get3A_1823 = arith.index_cast %add3A_1822 : i32 to index
      %get3A_1824 = arith.constant 0 : index
      %get3A_1825 = tpu.vector_load %arg6[%get3A_1823, %get3A_1824] {strides = array<i32>} : memref<1024x32xf32, #tpu.memory_space<vmem>>, vector<16xf32>,
      %get3A_1826 = arith.index_cast %add3A_1822 : i32 to index
      %get3A_1827 = arith.constant 16 : index
      %get3A_1828 = tpu.vector_load %arg6[%get3A_1826, %get3A_1827] {strides = array<i32>} : memref<1024x32xf32, #tpu.memory_space<vmem>>, vector<16xf32>,
      tpu.vector_store_idx %arg7[%add3A_769, %add3A_1818], %get3A_1825 : memref<256x129xf32, #tpu.memory_space<vmem>>[vector<16xi32>, vector<16xi32>], vector<16xf32>,
      tpu.vector_store_idx %arg7[%add3A_772, %add3A_1818], %get3A_1828 : memref<256x129xf32, #tpu.memory_space<vmem>>[vector<16xi32>, vector<16xi32>], vector<16xf32>,
      %add3A_1829 = arith.addi %add3A_1818, %broadcast_in_dim3A_5 : vector<16xi32>
      %mul3A_1830 = arith.constant 128 : i32
      %mul3A_1831 = arith.muli %select_n3A_746, %mul3A_1830 : i32
      %add3A_1832 = arith.constant 96 : i32
      %add3A_1833 = arith.addi %mul3A_1831, %add3A_1832 : i32
      %get3A_1834 = arith.index_cast %add3A_1833 : i32 to index
      %get3A_1835 = arith.constant 0 : index
      %get3A_1836 = tpu.vector_load %arg6[%get3A_1834, %get3A_1835] {strides = array<i32>} : memref<1024x32xf32, #tpu.memory_space<vmem>>, vector<16xf32>,
      %get3A_1837 = arith.index_cast %add3A_1833 : i32 to index
      %get3A_1838 = arith.constant 16 : index
      %get3A_1839 = tpu.vector_load %arg6[%get3A_1837, %get3A_1838] {strides = array<i32>} : memref<1024x32xf32, #tpu.memory_space<vmem>>, vector<16xf32>,
      tpu.vector_store_idx %arg7[%add3A_769, %add3A_1829], %get3A_1836 : memref<256x129xf32, #tpu.memory_space<vmem>>[vector<16xi32>, vector<16xi32>], vector<16xf32>,
      tpu.vector_store_idx %arg7[%add3A_772, %add3A_1829], %get3A_1839 : memref<256x129xf32, #tpu.memory_space<vmem>>[vector<16xi32>, vector<16xi32>], vector<16xf32>,
      %add3A_1840 = arith.addi %add3A_1829, %broadcast_in_dim3A_5 : vector<16xi32>
      %mul3A_1841 = arith.constant 128 : i32
      %mul3A_1842 = arith.muli %select_n3A_746, %mul3A_1841 : i32
      %add3A_1843 = arith.constant 97 : i32
      %add3A_1844 = arith.addi %mul3A_1842, %add3A_1843 : i32
      %get3A_1845 = arith.index_cast %add3A_1844 : i32 to index
      %get3A_1846 = arith.constant 0 : index
      %get3A_1847 = tpu.vector_load %arg6[%get3A_1845, %get3A_1846] {strides = array<i32>} : memref<1024x32xf32, #tpu.memory_space<vmem>>, vector<16xf32>,
      %get3A_1848 = arith.index_cast %add3A_1844 : i32 to index
      %get3A_1849 = arith.constant 16 : index
      %get3A_1850 = tpu.vector_load %arg6[%get3A_1848, %get3A_1849] {strides = array<i32>} : memref<1024x32xf32, #tpu.memory_space<vmem>>, vector<16xf32>,
      tpu.vector_store_idx %arg7[%add3A_769, %add3A_1840], %get3A_1847 : memref<256x129xf32, #tpu.memory_space<vmem>>[vector<16xi32>, vector<16xi32>], vector<16xf32>,
      tpu.vector_store_idx %arg7[%add3A_772, %add3A_1840], %get3A_1850 : memref<256x129xf32, #tpu.memory_space<vmem>>[vector<16xi32>, vector<16xi32>], vector<16xf32>,
      %add3A_1851 = arith.addi %add3A_1840, %broadcast_in_dim3A_5 : vector<16xi32>
      %mul3A_1852 = arith.constant 128 : i32
      %mul3A_1853 = arith.muli %select_n3A_746, %mul3A_1852 : i32
      %add3A_1854 = arith.constant 98 : i32
      %add3A_1855 = arith.addi %mul3A_1853, %add3A_1854 : i32
      %get3A_1856 = arith.index_cast %add3A_1855 : i32 to index
      %get3A_1857 = arith.constant 0 : index
      %get3A_1858 = tpu.vector_load %arg6[%get3A_1856, %get3A_1857] {strides = array<i32>} : memref<1024x32xf32, #tpu.memory_space<vmem>>, vector<16xf32>,
      %get3A_1859 = arith.index_cast %add3A_1855 : i32 to index
      %get3A_1860 = arith.constant 16 : index
      %get3A_1861 = tpu.vector_load %arg6[%get3A_1859, %get3A_1860] {strides = array<i32>} : memref<1024x32xf32, #tpu.memory_space<vmem>>, vector<16xf32>,
      tpu.vector_store_idx %arg7[%add3A_769, %add3A_1851], %get3A_1858 : memref<256x129xf32, #tpu.memory_space<vmem>>[vector<16xi32>, vector<16xi32>], vector<16xf32>,
      tpu.vector_store_idx %arg7[%add3A_772, %add3A_1851], %get3A_1861 : memref<256x129xf32, #tpu.memory_space<vmem>>[vector<16xi32>, vector<16xi32>], vector<16xf32>,
      %add3A_1862 = arith.addi %add3A_1851, %broadcast_in_dim3A_5 : vector<16xi32>
      %mul3A_1863 = arith.constant 128 : i32
      %mul3A_1864 = arith.muli %select_n3A_746, %mul3A_1863 : i32
      %add3A_1865 = arith.constant 99 : i32
      %add3A_1866 = arith.addi %mul3A_1864, %add3A_1865 : i32
      %get3A_1867 = arith.index_cast %add3A_1866 : i32 to index
      %get3A_1868 = arith.constant 0 : index
      %get3A_1869 = tpu.vector_load %arg6[%get3A_1867, %get3A_1868] {strides = array<i32>} : memref<1024x32xf32, #tpu.memory_space<vmem>>, vector<16xf32>,
      %get3A_1870 = arith.index_cast %add3A_1866 : i32 to index
      %get3A_1871 = arith.constant 16 : index
      %get3A_1872 = tpu.vector_load %arg6[%get3A_1870, %get3A_1871] {strides = array<i32>} : memref<1024x32xf32, #tpu.memory_space<vmem>>, vector<16xf32>,
      tpu.vector_store_idx %arg7[%add3A_769, %add3A_1862], %get3A_1869 : memref<256x129xf32, #tpu.memory_space<vmem>>[vector<16xi32>, vector<16xi32>], vector<16xf32>,
      tpu.vector_store_idx %arg7[%add3A_772, %add3A_1862], %get3A_1872 : memref<256x129xf32, #tpu.memory_space<vmem>>[vector<16xi32>, vector<16xi32>], vector<16xf32>,
      %add3A_1873 = arith.addi %add3A_1862, %broadcast_in_dim3A_5 : vector<16xi32>
      %mul3A_1874 = arith.constant 128 : i32
      %mul3A_1875 = arith.muli %select_n3A_746, %mul3A_1874 : i32
      %add3A_1876 = arith.constant 100 : i32
      %add3A_1877 = arith.addi %mul3A_1875, %add3A_1876 : i32
      %get3A_1878 = arith.index_cast %add3A_1877 : i32 to index
      %get3A_1879 = arith.constant 0 : index
      %get3A_1880 = tpu.vector_load %arg6[%get3A_1878, %get3A_1879] {strides = array<i32>} : memref<1024x32xf32, #tpu.memory_space<vmem>>, vector<16xf32>,
      %get3A_1881 = arith.index_cast %add3A_1877 : i32 to index
      %get3A_1882 = arith.constant 16 : index
      %get3A_1883 = tpu.vector_load %arg6[%get3A_1881, %get3A_1882] {strides = array<i32>} : memref<1024x32xf32, #tpu.memory_space<vmem>>, vector<16xf32>,
      tpu.vector_store_idx %arg7[%add3A_769, %add3A_1873], %get3A_1880 : memref<256x129xf32, #tpu.memory_space<vmem>>[vector<16xi32>, vector<16xi32>], vector<16xf32>,
      tpu.vector_store_idx %arg7[%add3A_772, %add3A_1873], %get3A_1883 : memref<256x129xf32, #tpu.memory_space<vmem>>[vector<16xi32>, vector<16xi32>], vector<16xf32>,
      %add3A_1884 = arith.addi %add3A_1873, %broadcast_in_dim3A_5 : vector<16xi32>
      %mul3A_1885 = arith.constant 128 : i32
      %mul3A_1886 = arith.muli %select_n3A_746, %mul3A_1885 : i32
      %add3A_1887 = arith.constant 101 : i32
      %add3A_1888 = arith.addi %mul3A_1886, %add3A_1887 : i32
      %get3A_1889 = arith.index_cast %add3A_1888 : i32 to index
      %get3A_1890 = arith.constant 0 : index
      %get3A_1891 = tpu.vector_load %arg6[%get3A_1889, %get3A_1890] {strides = array<i32>} : memref<1024x32xf32, #tpu.memory_space<vmem>>, vector<16xf32>,
      %get3A_1892 = arith.index_cast %add3A_1888 : i32 to index
      %get3A_1893 = arith.constant 16 : index
      %get3A_1894 = tpu.vector_load %arg6[%get3A_1892, %get3A_1893] {strides = array<i32>} : memref<1024x32xf32, #tpu.memory_space<vmem>>, vector<16xf32>,
      tpu.vector_store_idx %arg7[%add3A_769, %add3A_1884], %get3A_1891 : memref<256x129xf32, #tpu.memory_space<vmem>>[vector<16xi32>, vector<16xi32>], vector<16xf32>,
      tpu.vector_store_idx %arg7[%add3A_772, %add3A_1884], %get3A_1894 : memref<256x129xf32, #tpu.memory_space<vmem>>[vector<16xi32>, vector<16xi32>], vector<16xf32>,
      %add3A_1895 = arith.addi %add3A_1884, %broadcast_in_dim3A_5 : vector<16xi32>
      %mul3A_1896 = arith.constant 128 : i32
      %mul3A_1897 = arith.muli %select_n3A_746, %mul3A_1896 : i32
      %add3A_1898 = arith.constant 102 : i32
      %add3A_1899 = arith.addi %mul3A_1897, %add3A_1898 : i32
      %get3A_1900 = arith.index_cast %add3A_1899 : i32 to index
      %get3A_1901 = arith.constant 0 : index
      %get3A_1902 = tpu.vector_load %arg6[%get3A_1900, %get3A_1901] {strides = array<i32>} : memref<1024x32xf32, #tpu.memory_space<vmem>>, vector<16xf32>,
      %get3A_1903 = arith.index_cast %add3A_1899 : i32 to index
      %get3A_1904 = arith.constant 16 : index
      %get3A_1905 = tpu.vector_load %arg6[%get3A_1903, %get3A_1904] {strides = array<i32>} : memref<1024x32xf32, #tpu.memory_space<vmem>>, vector<16xf32>,
      tpu.vector_store_idx %arg7[%add3A_769, %add3A_1895], %get3A_1902 : memref<256x129xf32, #tpu.memory_space<vmem>>[vector<16xi32>, vector<16xi32>], vector<16xf32>,
      tpu.vector_store_idx %arg7[%add3A_772, %add3A_1895], %get3A_1905 : memref<256x129xf32, #tpu.memory_space<vmem>>[vector<16xi32>, vector<16xi32>], vector<16xf32>,
      %add3A_1906 = arith.addi %add3A_1895, %broadcast_in_dim3A_5 : vector<16xi32>
      %mul3A_1907 = arith.constant 128 : i32
      %mul3A_1908 = arith.muli %select_n3A_746, %mul3A_1907 : i32
      %add3A_1909 = arith.constant 103 : i32
      %add3A_1910 = arith.addi %mul3A_1908, %add3A_1909 : i32
      %get3A_1911 = arith.index_cast %add3A_1910 : i32 to index
      %get3A_1912 = arith.constant 0 : index
      %get3A_1913 = tpu.vector_load %arg6[%get3A_1911, %get3A_1912] {strides = array<i32>} : memref<1024x32xf32, #tpu.memory_space<vmem>>, vector<16xf32>,
      %get3A_1914 = arith.index_cast %add3A_1910 : i32 to index
      %get3A_1915 = arith.constant 16 : index
      %get3A_1916 = tpu.vector_load %arg6[%get3A_1914, %get3A_1915] {strides = array<i32>} : memref<1024x32xf32, #tpu.memory_space<vmem>>, vector<16xf32>,
      tpu.vector_store_idx %arg7[%add3A_769, %add3A_1906], %get3A_1913 : memref<256x129xf32, #tpu.memory_space<vmem>>[vector<16xi32>, vector<16xi32>], vector<16xf32>,
      tpu.vector_store_idx %arg7[%add3A_772, %add3A_1906], %get3A_1916 : memref<256x129xf32, #tpu.memory_space<vmem>>[vector<16xi32>, vector<16xi32>], vector<16xf32>,
      %add3A_1917 = arith.addi %add3A_1906, %broadcast_in_dim3A_5 : vector<16xi32>
      %mul3A_1918 = arith.constant 128 : i32
      %mul3A_1919 = arith.muli %select_n3A_746, %mul3A_1918 : i32
      %add3A_1920 = arith.constant 104 : i32
      %add3A_1921 = arith.addi %mul3A_1919, %add3A_1920 : i32
      %get3A_1922 = arith.index_cast %add3A_1921 : i32 to index
      %get3A_1923 = arith.constant 0 : index
      %get3A_1924 = tpu.vector_load %arg6[%get3A_1922, %get3A_1923] {strides = array<i32>} : memref<1024x32xf32, #tpu.memory_space<vmem>>, vector<16xf32>,
      %get3A_1925 = arith.index_cast %add3A_1921 : i32 to index
      %get3A_1926 = arith.constant 16 : index
      %get3A_1927 = tpu.vector_load %arg6[%get3A_1925, %get3A_1926] {strides = array<i32>} : memref<1024x32xf32, #tpu.memory_space<vmem>>, vector<16xf32>,
      tpu.vector_store_idx %arg7[%add3A_769, %add3A_1917], %get3A_1924 : memref<256x129xf32, #tpu.memory_space<vmem>>[vector<16xi32>, vector<16xi32>], vector<16xf32>,
      tpu.vector_store_idx %arg7[%add3A_772, %add3A_1917], %get3A_1927 : memref<256x129xf32, #tpu.memory_space<vmem>>[vector<16xi32>, vector<16xi32>], vector<16xf32>,
      %add3A_1928 = arith.addi %add3A_1917, %broadcast_in_dim3A_5 : vector<16xi32>
      %mul3A_1929 = arith.constant 128 : i32
      %mul3A_1930 = arith.muli %select_n3A_746, %mul3A_1929 : i32
      %add3A_1931 = arith.constant 105 : i32
      %add3A_1932 = arith.addi %mul3A_1930, %add3A_1931 : i32
      %get3A_1933 = arith.index_cast %add3A_1932 : i32 to index
      %get3A_1934 = arith.constant 0 : index
      %get3A_1935 = tpu.vector_load %arg6[%get3A_1933, %get3A_1934] {strides = array<i32>} : memref<1024x32xf32, #tpu.memory_space<vmem>>, vector<16xf32>,
      %get3A_1936 = arith.index_cast %add3A_1932 : i32 to index
      %get3A_1937 = arith.constant 16 : index
      %get3A_1938 = tpu.vector_load %arg6[%get3A_1936, %get3A_1937] {strides = array<i32>} : memref<1024x32xf32, #tpu.memory_space<vmem>>, vector<16xf32>,
      tpu.vector_store_idx %arg7[%add3A_769, %add3A_1928], %get3A_1935 : memref<256x129xf32, #tpu.memory_space<vmem>>[vector<16xi32>, vector<16xi32>], vector<16xf32>,
      tpu.vector_store_idx %arg7[%add3A_772, %add3A_1928], %get3A_1938 : memref<256x129xf32, #tpu.memory_space<vmem>>[vector<16xi32>, vector<16xi32>], vector<16xf32>,
      %add3A_1939 = arith.addi %add3A_1928, %broadcast_in_dim3A_5 : vector<16xi32>
      %mul3A_1940 = arith.constant 128 : i32
      %mul3A_1941 = arith.muli %select_n3A_746, %mul3A_1940 : i32
      %add3A_1942 = arith.constant 106 : i32
      %add3A_1943 = arith.addi %mul3A_1941, %add3A_1942 : i32
      %get3A_1944 = arith.index_cast %add3A_1943 : i32 to index
      %get3A_1945 = arith.constant 0 : index
      %get3A_1946 = tpu.vector_load %arg6[%get3A_1944, %get3A_1945] {strides = array<i32>} : memref<1024x32xf32, #tpu.memory_space<vmem>>, vector<16xf32>,
      %get3A_1947 = arith.index_cast %add3A_1943 : i32 to index
      %get3A_1948 = arith.constant 16 : index
      %get3A_1949 = tpu.vector_load %arg6[%get3A_1947, %get3A_1948] {strides = array<i32>} : memref<1024x32xf32, #tpu.memory_space<vmem>>, vector<16xf32>,
      tpu.vector_store_idx %arg7[%add3A_769, %add3A_1939], %get3A_1946 : memref<256x129xf32, #tpu.memory_space<vmem>>[vector<16xi32>, vector<16xi32>], vector<16xf32>,
      tpu.vector_store_idx %arg7[%add3A_772, %add3A_1939], %get3A_1949 : memref<256x129xf32, #tpu.memory_space<vmem>>[vector<16xi32>, vector<16xi32>], vector<16xf32>,
      %add3A_1950 = arith.addi %add3A_1939, %broadcast_in_dim3A_5 : vector<16xi32>
      %mul3A_1951 = arith.constant 128 : i32
      %mul3A_1952 = arith.muli %select_n3A_746, %mul3A_1951 : i32
      %add3A_1953 = arith.constant 107 : i32
      %add3A_1954 = arith.addi %mul3A_1952, %add3A_1953 : i32
      %get3A_1955 = arith.index_cast %add3A_1954 : i32 to index
      %get3A_1956 = arith.constant 0 : index
      %get3A_1957 = tpu.vector_load %arg6[%get3A_1955, %get3A_1956] {strides = array<i32>} : memref<1024x32xf32, #tpu.memory_space<vmem>>, vector<16xf32>,
      %get3A_1958 = arith.index_cast %add3A_1954 : i32 to index
      %get3A_1959 = arith.constant 16 : index
      %get3A_1960 = tpu.vector_load %arg6[%get3A_1958, %get3A_1959] {strides = array<i32>} : memref<1024x32xf32, #tpu.memory_space<vmem>>, vector<16xf32>,
      tpu.vector_store_idx %arg7[%add3A_769, %add3A_1950], %get3A_1957 : memref<256x129xf32, #tpu.memory_space<vmem>>[vector<16xi32>, vector<16xi32>], vector<16xf32>,
      tpu.vector_store_idx %arg7[%add3A_772, %add3A_1950], %get3A_1960 : memref<256x129xf32, #tpu.memory_space<vmem>>[vector<16xi32>, vector<16xi32>], vector<16xf32>,
      %add3A_1961 = arith.addi %add3A_1950, %broadcast_in_dim3A_5 : vector<16xi32>
      %mul3A_1962 = arith.constant 128 : i32
      %mul3A_1963 = arith.muli %select_n3A_746, %mul3A_1962 : i32
      %add3A_1964 = arith.constant 108 : i32
      %add3A_1965 = arith.addi %mul3A_1963, %add3A_1964 : i32
      %get3A_1966 = arith.index_cast %add3A_1965 : i32 to index
      %get3A_1967 = arith.constant 0 : index
      %get3A_1968 = tpu.vector_load %arg6[%get3A_1966, %get3A_1967] {strides = array<i32>} : memref<1024x32xf32, #tpu.memory_space<vmem>>, vector<16xf32>,
      %get3A_1969 = arith.index_cast %add3A_1965 : i32 to index
      %get3A_1970 = arith.constant 16 : index
      %get3A_1971 = tpu.vector_load %arg6[%get3A_1969, %get3A_1970] {strides = array<i32>} : memref<1024x32xf32, #tpu.memory_space<vmem>>, vector<16xf32>,
      tpu.vector_store_idx %arg7[%add3A_769, %add3A_1961], %get3A_1968 : memref<256x129xf32, #tpu.memory_space<vmem>>[vector<16xi32>, vector<16xi32>], vector<16xf32>,
      tpu.vector_store_idx %arg7[%add3A_772, %add3A_1961], %get3A_1971 : memref<256x129xf32, #tpu.memory_space<vmem>>[vector<16xi32>, vector<16xi32>], vector<16xf32>,
      %add3A_1972 = arith.addi %add3A_1961, %broadcast_in_dim3A_5 : vector<16xi32>
      %mul3A_1973 = arith.constant 128 : i32
      %mul3A_1974 = arith.muli %select_n3A_746, %mul3A_1973 : i32
      %add3A_1975 = arith.constant 109 : i32
      %add3A_1976 = arith.addi %mul3A_1974, %add3A_1975 : i32
      %get3A_1977 = arith.index_cast %add3A_1976 : i32 to index
      %get3A_1978 = arith.constant 0 : index
      %get3A_1979 = tpu.vector_load %arg6[%get3A_1977, %get3A_1978] {strides = array<i32>} : memref<1024x32xf32, #tpu.memory_space<vmem>>, vector<16xf32>,
      %get3A_1980 = arith.index_cast %add3A_1976 : i32 to index
      %get3A_1981 = arith.constant 16 : index
      %get3A_1982 = tpu.vector_load %arg6[%get3A_1980, %get3A_1981] {strides = array<i32>} : memref<1024x32xf32, #tpu.memory_space<vmem>>, vector<16xf32>,
      tpu.vector_store_idx %arg7[%add3A_769, %add3A_1972], %get3A_1979 : memref<256x129xf32, #tpu.memory_space<vmem>>[vector<16xi32>, vector<16xi32>], vector<16xf32>,
      tpu.vector_store_idx %arg7[%add3A_772, %add3A_1972], %get3A_1982 : memref<256x129xf32, #tpu.memory_space<vmem>>[vector<16xi32>, vector<16xi32>], vector<16xf32>,
      %add3A_1983 = arith.addi %add3A_1972, %broadcast_in_dim3A_5 : vector<16xi32>
      %mul3A_1984 = arith.constant 128 : i32
      %mul3A_1985 = arith.muli %select_n3A_746, %mul3A_1984 : i32
      %add3A_1986 = arith.constant 110 : i32
      %add3A_1987 = arith.addi %mul3A_1985, %add3A_1986 : i32
      %get3A_1988 = arith.index_cast %add3A_1987 : i32 to index
      %get3A_1989 = arith.constant 0 : index
      %get3A_1990 = tpu.vector_load %arg6[%get3A_1988, %get3A_1989] {strides = array<i32>} : memref<1024x32xf32, #tpu.memory_space<vmem>>, vector<16xf32>,
      %get3A_1991 = arith.index_cast %add3A_1987 : i32 to index
      %get3A_1992 = arith.constant 16 : index
      %get3A_1993 = tpu.vector_load %arg6[%get3A_1991, %get3A_1992] {strides = array<i32>} : memref<1024x32xf32, #tpu.memory_space<vmem>>, vector<16xf32>,
      tpu.vector_store_idx %arg7[%add3A_769, %add3A_1983], %get3A_1990 : memref<256x129xf32, #tpu.memory_space<vmem>>[vector<16xi32>, vector<16xi32>], vector<16xf32>,
      tpu.vector_store_idx %arg7[%add3A_772, %add3A_1983], %get3A_1993 : memref<256x129xf32, #tpu.memory_space<vmem>>[vector<16xi32>, vector<16xi32>], vector<16xf32>,
      %add3A_1994 = arith.addi %add3A_1983, %broadcast_in_dim3A_5 : vector<16xi32>
      %mul3A_1995 = arith.constant 128 : i32
      %mul3A_1996 = arith.muli %select_n3A_746, %mul3A_1995 : i32
      %add3A_1997 = arith.constant 111 : i32
      %add3A_1998 = arith.addi %mul3A_1996, %add3A_1997 : i32
      %get3A_1999 = arith.index_cast %add3A_1998 : i32 to index
      %get3A_2000 = arith.constant 0 : index
      %get3A_2001 = tpu.vector_load %arg6[%get3A_1999, %get3A_2000] {strides = array<i32>} : memref<1024x32xf32, #tpu.memory_space<vmem>>, vector<16xf32>,
      %get3A_2002 = arith.index_cast %add3A_1998 : i32 to index
      %get3A_2003 = arith.constant 16 : index
      %get3A_2004 = tpu.vector_load %arg6[%get3A_2002, %get3A_2003] {strides = array<i32>} : memref<1024x32xf32, #tpu.memory_space<vmem>>, vector<16xf32>,
      tpu.vector_store_idx %arg7[%add3A_769, %add3A_1994], %get3A_2001 : memref<256x129xf32, #tpu.memory_space<vmem>>[vector<16xi32>, vector<16xi32>], vector<16xf32>,
      tpu.vector_store_idx %arg7[%add3A_772, %add3A_1994], %get3A_2004 : memref<256x129xf32, #tpu.memory_space<vmem>>[vector<16xi32>, vector<16xi32>], vector<16xf32>,
      %add3A_2005 = arith.addi %add3A_1994, %broadcast_in_dim3A_5 : vector<16xi32>
      %mul3A_2006 = arith.constant 128 : i32
      %mul3A_2007 = arith.muli %select_n3A_746, %mul3A_2006 : i32
      %add3A_2008 = arith.constant 112 : i32
      %add3A_2009 = arith.addi %mul3A_2007, %add3A_2008 : i32
      %get3A_2010 = arith.index_cast %add3A_2009 : i32 to index
      %get3A_2011 = arith.constant 0 : index
      %get3A_2012 = tpu.vector_load %arg6[%get3A_2010, %get3A_2011] {strides = array<i32>} : memref<1024x32xf32, #tpu.memory_space<vmem>>, vector<16xf32>,
      %get3A_2013 = arith.index_cast %add3A_2009 : i32 to index
      %get3A_2014 = arith.constant 16 : index
      %get3A_2015 = tpu.vector_load %arg6[%get3A_2013, %get3A_2014] {strides = array<i32>} : memref<1024x32xf32, #tpu.memory_space<vmem>>, vector<16xf32>,
      tpu.vector_store_idx %arg7[%add3A_769, %add3A_2005], %get3A_2012 : memref<256x129xf32, #tpu.memory_space<vmem>>[vector<16xi32>, vector<16xi32>], vector<16xf32>,
      tpu.vector_store_idx %arg7[%add3A_772, %add3A_2005], %get3A_2015 : memref<256x129xf32, #tpu.memory_space<vmem>>[vector<16xi32>, vector<16xi32>], vector<16xf32>,
      %add3A_2016 = arith.addi %add3A_2005, %broadcast_in_dim3A_5 : vector<16xi32>
      %mul3A_2017 = arith.constant 128 : i32
      %mul3A_2018 = arith.muli %select_n3A_746, %mul3A_2017 : i32
      %add3A_2019 = arith.constant 113 : i32
      %add3A_2020 = arith.addi %mul3A_2018, %add3A_2019 : i32
      %get3A_2021 = arith.index_cast %add3A_2020 : i32 to index
      %get3A_2022 = arith.constant 0 : index
      %get3A_2023 = tpu.vector_load %arg6[%get3A_2021, %get3A_2022] {strides = array<i32>} : memref<1024x32xf32, #tpu.memory_space<vmem>>, vector<16xf32>,
      %get3A_2024 = arith.index_cast %add3A_2020 : i32 to index
      %get3A_2025 = arith.constant 16 : index
      %get3A_2026 = tpu.vector_load %arg6[%get3A_2024, %get3A_2025] {strides = array<i32>} : memref<1024x32xf32, #tpu.memory_space<vmem>>, vector<16xf32>,
      tpu.vector_store_idx %arg7[%add3A_769, %add3A_2016], %get3A_2023 : memref<256x129xf32, #tpu.memory_space<vmem>>[vector<16xi32>, vector<16xi32>], vector<16xf32>,
      tpu.vector_store_idx %arg7[%add3A_772, %add3A_2016], %get3A_2026 : memref<256x129xf32, #tpu.memory_space<vmem>>[vector<16xi32>, vector<16xi32>], vector<16xf32>,
      %add3A_2027 = arith.addi %add3A_2016, %broadcast_in_dim3A_5 : vector<16xi32>
      %mul3A_2028 = arith.constant 128 : i32
      %mul3A_2029 = arith.muli %select_n3A_746, %mul3A_2028 : i32
      %add3A_2030 = arith.constant 114 : i32
      %add3A_2031 = arith.addi %mul3A_2029, %add3A_2030 : i32
      %get3A_2032 = arith.index_cast %add3A_2031 : i32 to index
      %get3A_2033 = arith.constant 0 : index
      %get3A_2034 = tpu.vector_load %arg6[%get3A_2032, %get3A_2033] {strides = array<i32>} : memref<1024x32xf32, #tpu.memory_space<vmem>>, vector<16xf32>,
      %get3A_2035 = arith.index_cast %add3A_2031 : i32 to index
      %get3A_2036 = arith.constant 16 : index
      %get3A_2037 = tpu.vector_load %arg6[%get3A_2035, %get3A_2036] {strides = array<i32>} : memref<1024x32xf32, #tpu.memory_space<vmem>>, vector<16xf32>,
      tpu.vector_store_idx %arg7[%add3A_769, %add3A_2027], %get3A_2034 : memref<256x129xf32, #tpu.memory_space<vmem>>[vector<16xi32>, vector<16xi32>], vector<16xf32>,
      tpu.vector_store_idx %arg7[%add3A_772, %add3A_2027], %get3A_2037 : memref<256x129xf32, #tpu.memory_space<vmem>>[vector<16xi32>, vector<16xi32>], vector<16xf32>,
      %add3A_2038 = arith.addi %add3A_2027, %broadcast_in_dim3A_5 : vector<16xi32>
      %mul3A_2039 = arith.constant 128 : i32
      %mul3A_2040 = arith.muli %select_n3A_746, %mul3A_2039 : i32
      %add3A_2041 = arith.constant 115 : i32
      %add3A_2042 = arith.addi %mul3A_2040, %add3A_2041 : i32
      %get3A_2043 = arith.index_cast %add3A_2042 : i32 to index
      %get3A_2044 = arith.constant 0 : index
      %get3A_2045 = tpu.vector_load %arg6[%get3A_2043, %get3A_2044] {strides = array<i32>} : memref<1024x32xf32, #tpu.memory_space<vmem>>, vector<16xf32>,
      %get3A_2046 = arith.index_cast %add3A_2042 : i32 to index
      %get3A_2047 = arith.constant 16 : index
      %get3A_2048 = tpu.vector_load %arg6[%get3A_2046, %get3A_2047] {strides = array<i32>} : memref<1024x32xf32, #tpu.memory_space<vmem>>, vector<16xf32>,
      tpu.vector_store_idx %arg7[%add3A_769, %add3A_2038], %get3A_2045 : memref<256x129xf32, #tpu.memory_space<vmem>>[vector<16xi32>, vector<16xi32>], vector<16xf32>,
      tpu.vector_store_idx %arg7[%add3A_772, %add3A_2038], %get3A_2048 : memref<256x129xf32, #tpu.memory_space<vmem>>[vector<16xi32>, vector<16xi32>], vector<16xf32>,
      %add3A_2049 = arith.addi %add3A_2038, %broadcast_in_dim3A_5 : vector<16xi32>
      %mul3A_2050 = arith.constant 128 : i32
      %mul3A_2051 = arith.muli %select_n3A_746, %mul3A_2050 : i32
      %add3A_2052 = arith.constant 116 : i32
      %add3A_2053 = arith.addi %mul3A_2051, %add3A_2052 : i32
      %get3A_2054 = arith.index_cast %add3A_2053 : i32 to index
      %get3A_2055 = arith.constant 0 : index
      %get3A_2056 = tpu.vector_load %arg6[%get3A_2054, %get3A_2055] {strides = array<i32>} : memref<1024x32xf32, #tpu.memory_space<vmem>>, vector<16xf32>,
      %get3A_2057 = arith.index_cast %add3A_2053 : i32 to index
      %get3A_2058 = arith.constant 16 : index
      %get3A_2059 = tpu.vector_load %arg6[%get3A_2057, %get3A_2058] {strides = array<i32>} : memref<1024x32xf32, #tpu.memory_space<vmem>>, vector<16xf32>,
      tpu.vector_store_idx %arg7[%add3A_769, %add3A_2049], %get3A_2056 : memref<256x129xf32, #tpu.memory_space<vmem>>[vector<16xi32>, vector<16xi32>], vector<16xf32>,
      tpu.vector_store_idx %arg7[%add3A_772, %add3A_2049], %get3A_2059 : memref<256x129xf32, #tpu.memory_space<vmem>>[vector<16xi32>, vector<16xi32>], vector<16xf32>,
      %add3A_2060 = arith.addi %add3A_2049, %broadcast_in_dim3A_5 : vector<16xi32>
      %mul3A_2061 = arith.constant 128 : i32
      %mul3A_2062 = arith.muli %select_n3A_746, %mul3A_2061 : i32
      %add3A_2063 = arith.constant 117 : i32
      %add3A_2064 = arith.addi %mul3A_2062, %add3A_2063 : i32
      %get3A_2065 = arith.index_cast %add3A_2064 : i32 to index
      %get3A_2066 = arith.constant 0 : index
      %get3A_2067 = tpu.vector_load %arg6[%get3A_2065, %get3A_2066] {strides = array<i32>} : memref<1024x32xf32, #tpu.memory_space<vmem>>, vector<16xf32>,
      %get3A_2068 = arith.index_cast %add3A_2064 : i32 to index
      %get3A_2069 = arith.constant 16 : index
      %get3A_2070 = tpu.vector_load %arg6[%get3A_2068, %get3A_2069] {strides = array<i32>} : memref<1024x32xf32, #tpu.memory_space<vmem>>, vector<16xf32>,
      tpu.vector_store_idx %arg7[%add3A_769, %add3A_2060], %get3A_2067 : memref<256x129xf32, #tpu.memory_space<vmem>>[vector<16xi32>, vector<16xi32>], vector<16xf32>,
      tpu.vector_store_idx %arg7[%add3A_772, %add3A_2060], %get3A_2070 : memref<256x129xf32, #tpu.memory_space<vmem>>[vector<16xi32>, vector<16xi32>], vector<16xf32>,
      %add3A_2071 = arith.addi %add3A_2060, %broadcast_in_dim3A_5 : vector<16xi32>
      %mul3A_2072 = arith.constant 128 : i32
      %mul3A_2073 = arith.muli %select_n3A_746, %mul3A_2072 : i32
      %add3A_2074 = arith.constant 118 : i32
      %add3A_2075 = arith.addi %mul3A_2073, %add3A_2074 : i32
      %get3A_2076 = arith.index_cast %add3A_2075 : i32 to index
      %get3A_2077 = arith.constant 0 : index
      %get3A_2078 = tpu.vector_load %arg6[%get3A_2076, %get3A_2077] {strides = array<i32>} : memref<1024x32xf32, #tpu.memory_space<vmem>>, vector<16xf32>,
      %get3A_2079 = arith.index_cast %add3A_2075 : i32 to index
      %get3A_2080 = arith.constant 16 : index
      %get3A_2081 = tpu.vector_load %arg6[%get3A_2079, %get3A_2080] {strides = array<i32>} : memref<1024x32xf32, #tpu.memory_space<vmem>>, vector<16xf32>,
      tpu.vector_store_idx %arg7[%add3A_769, %add3A_2071], %get3A_2078 : memref<256x129xf32, #tpu.memory_space<vmem>>[vector<16xi32>, vector<16xi32>], vector<16xf32>,
      tpu.vector_store_idx %arg7[%add3A_772, %add3A_2071], %get3A_2081 : memref<256x129xf32, #tpu.memory_space<vmem>>[vector<16xi32>, vector<16xi32>], vector<16xf32>,
      %add3A_2082 = arith.addi %add3A_2071, %broadcast_in_dim3A_5 : vector<16xi32>
      %mul3A_2083 = arith.constant 128 : i32
      %mul3A_2084 = arith.muli %select_n3A_746, %mul3A_2083 : i32
      %add3A_2085 = arith.constant 119 : i32
      %add3A_2086 = arith.addi %mul3A_2084, %add3A_2085 : i32
      %get3A_2087 = arith.index_cast %add3A_2086 : i32 to index
      %get3A_2088 = arith.constant 0 : index
      %get3A_2089 = tpu.vector_load %arg6[%get3A_2087, %get3A_2088] {strides = array<i32>} : memref<1024x32xf32, #tpu.memory_space<vmem>>, vector<16xf32>,
      %get3A_2090 = arith.index_cast %add3A_2086 : i32 to index
      %get3A_2091 = arith.constant 16 : index
      %get3A_2092 = tpu.vector_load %arg6[%get3A_2090, %get3A_2091] {strides = array<i32>} : memref<1024x32xf32, #tpu.memory_space<vmem>>, vector<16xf32>,
      tpu.vector_store_idx %arg7[%add3A_769, %add3A_2082], %get3A_2089 : memref<256x129xf32, #tpu.memory_space<vmem>>[vector<16xi32>, vector<16xi32>], vector<16xf32>,
      tpu.vector_store_idx %arg7[%add3A_772, %add3A_2082], %get3A_2092 : memref<256x129xf32, #tpu.memory_space<vmem>>[vector<16xi32>, vector<16xi32>], vector<16xf32>,
      %add3A_2093 = arith.addi %add3A_2082, %broadcast_in_dim3A_5 : vector<16xi32>
      %mul3A_2094 = arith.constant 128 : i32
      %mul3A_2095 = arith.muli %select_n3A_746, %mul3A_2094 : i32
      %add3A_2096 = arith.constant 120 : i32
      %add3A_2097 = arith.addi %mul3A_2095, %add3A_2096 : i32
      %get3A_2098 = arith.index_cast %add3A_2097 : i32 to index
      %get3A_2099 = arith.constant 0 : index
      %get3A_2100 = tpu.vector_load %arg6[%get3A_2098, %get3A_2099] {strides = array<i32>} : memref<1024x32xf32, #tpu.memory_space<vmem>>, vector<16xf32>,
      %get3A_2101 = arith.index_cast %add3A_2097 : i32 to index
      %get3A_2102 = arith.constant 16 : index
      %get3A_2103 = tpu.vector_load %arg6[%get3A_2101, %get3A_2102] {strides = array<i32>} : memref<1024x32xf32, #tpu.memory_space<vmem>>, vector<16xf32>,
      tpu.vector_store_idx %arg7[%add3A_769, %add3A_2093], %get3A_2100 : memref<256x129xf32, #tpu.memory_space<vmem>>[vector<16xi32>, vector<16xi32>], vector<16xf32>,
      tpu.vector_store_idx %arg7[%add3A_772, %add3A_2093], %get3A_2103 : memref<256x129xf32, #tpu.memory_space<vmem>>[vector<16xi32>, vector<16xi32>], vector<16xf32>,
      %add3A_2104 = arith.addi %add3A_2093, %broadcast_in_dim3A_5 : vector<16xi32>
      %mul3A_2105 = arith.constant 128 : i32
      %mul3A_2106 = arith.muli %select_n3A_746, %mul3A_2105 : i32
      %add3A_2107 = arith.constant 121 : i32
      %add3A_2108 = arith.addi %mul3A_2106, %add3A_2107 : i32
      %get3A_2109 = arith.index_cast %add3A_2108 : i32 to index
      %get3A_2110 = arith.constant 0 : index
      %get3A_2111 = tpu.vector_load %arg6[%get3A_2109, %get3A_2110] {strides = array<i32>} : memref<1024x32xf32, #tpu.memory_space<vmem>>, vector<16xf32>,
      %get3A_2112 = arith.index_cast %add3A_2108 : i32 to index
      %get3A_2113 = arith.constant 16 : index
      %get3A_2114 = tpu.vector_load %arg6[%get3A_2112, %get3A_2113] {strides = array<i32>} : memref<1024x32xf32, #tpu.memory_space<vmem>>, vector<16xf32>,
      tpu.vector_store_idx %arg7[%add3A_769, %add3A_2104], %get3A_2111 : memref<256x129xf32, #tpu.memory_space<vmem>>[vector<16xi32>, vector<16xi32>], vector<16xf32>,
      tpu.vector_store_idx %arg7[%add3A_772, %add3A_2104], %get3A_2114 : memref<256x129xf32, #tpu.memory_space<vmem>>[vector<16xi32>, vector<16xi32>], vector<16xf32>,
      %add3A_2115 = arith.addi %add3A_2104, %broadcast_in_dim3A_5 : vector<16xi32>
      %mul3A_2116 = arith.constant 128 : i32
      %mul3A_2117 = arith.muli %select_n3A_746, %mul3A_2116 : i32
      %add3A_2118 = arith.constant 122 : i32
      %add3A_2119 = arith.addi %mul3A_2117, %add3A_2118 : i32
      %get3A_2120 = arith.index_cast %add3A_2119 : i32 to index
      %get3A_2121 = arith.constant 0 : index
      %get3A_2122 = tpu.vector_load %arg6[%get3A_2120, %get3A_2121] {strides = array<i32>} : memref<1024x32xf32, #tpu.memory_space<vmem>>, vector<16xf32>,
      %get3A_2123 = arith.index_cast %add3A_2119 : i32 to index
      %get3A_2124 = arith.constant 16 : index
      %get3A_2125 = tpu.vector_load %arg6[%get3A_2123, %get3A_2124] {strides = array<i32>} : memref<1024x32xf32, #tpu.memory_space<vmem>>, vector<16xf32>,
      tpu.vector_store_idx %arg7[%add3A_769, %add3A_2115], %get3A_2122 : memref<256x129xf32, #tpu.memory_space<vmem>>[vector<16xi32>, vector<16xi32>], vector<16xf32>,
      tpu.vector_store_idx %arg7[%add3A_772, %add3A_2115], %get3A_2125 : memref<256x129xf32, #tpu.memory_space<vmem>>[vector<16xi32>, vector<16xi32>], vector<16xf32>,
      %add3A_2126 = arith.addi %add3A_2115, %broadcast_in_dim3A_5 : vector<16xi32>
      %mul3A_2127 = arith.constant 128 : i32
      %mul3A_2128 = arith.muli %select_n3A_746, %mul3A_2127 : i32
      %add3A_2129 = arith.constant 123 : i32
      %add3A_2130 = arith.addi %mul3A_2128, %add3A_2129 : i32
      %get3A_2131 = arith.index_cast %add3A_2130 : i32 to index
      %get3A_2132 = arith.constant 0 : index
      %get3A_2133 = tpu.vector_load %arg6[%get3A_2131, %get3A_2132] {strides = array<i32>} : memref<1024x32xf32, #tpu.memory_space<vmem>>, vector<16xf32>,
      %get3A_2134 = arith.index_cast %add3A_2130 : i32 to index
      %get3A_2135 = arith.constant 16 : index
      %get3A_2136 = tpu.vector_load %arg6[%get3A_2134, %get3A_2135] {strides = array<i32>} : memref<1024x32xf32, #tpu.memory_space<vmem>>, vector<16xf32>,
      tpu.vector_store_idx %arg7[%add3A_769, %add3A_2126], %get3A_2133 : memref<256x129xf32, #tpu.memory_space<vmem>>[vector<16xi32>, vector<16xi32>], vector<16xf32>,
      tpu.vector_store_idx %arg7[%add3A_772, %add3A_2126], %get3A_2136 : memref<256x129xf32, #tpu.memory_space<vmem>>[vector<16xi32>, vector<16xi32>], vector<16xf32>,
      %add3A_2137 = arith.addi %add3A_2126, %broadcast_in_dim3A_5 : vector<16xi32>
      %mul3A_2138 = arith.constant 128 : i32
      %mul3A_2139 = arith.muli %select_n3A_746, %mul3A_2138 : i32
      %add3A_2140 = arith.constant 124 : i32
      %add3A_2141 = arith.addi %mul3A_2139, %add3A_2140 : i32
      %get3A_2142 = arith.index_cast %add3A_2141 : i32 to index
      %get3A_2143 = arith.constant 0 : index
      %get3A_2144 = tpu.vector_load %arg6[%get3A_2142, %get3A_2143] {strides = array<i32>} : memref<1024x32xf32, #tpu.memory_space<vmem>>, vector<16xf32>,
      %get3A_2145 = arith.index_cast %add3A_2141 : i32 to index
      %get3A_2146 = arith.constant 16 : index
      %get3A_2147 = tpu.vector_load %arg6[%get3A_2145, %get3A_2146] {strides = array<i32>} : memref<1024x32xf32, #tpu.memory_space<vmem>>, vector<16xf32>,
      tpu.vector_store_idx %arg7[%add3A_769, %add3A_2137], %get3A_2144 : memref<256x129xf32, #tpu.memory_space<vmem>>[vector<16xi32>, vector<16xi32>], vector<16xf32>,
      tpu.vector_store_idx %arg7[%add3A_772, %add3A_2137], %get3A_2147 : memref<256x129xf32, #tpu.memory_space<vmem>>[vector<16xi32>, vector<16xi32>], vector<16xf32>,
      %add3A_2148 = arith.addi %add3A_2137, %broadcast_in_dim3A_5 : vector<16xi32>
      %mul3A_2149 = arith.constant 128 : i32
      %mul3A_2150 = arith.muli %select_n3A_746, %mul3A_2149 : i32
      %add3A_2151 = arith.constant 125 : i32
      %add3A_2152 = arith.addi %mul3A_2150, %add3A_2151 : i32
      %get3A_2153 = arith.index_cast %add3A_2152 : i32 to index
      %get3A_2154 = arith.constant 0 : index
      %get3A_2155 = tpu.vector_load %arg6[%get3A_2153, %get3A_2154] {strides = array<i32>} : memref<1024x32xf32, #tpu.memory_space<vmem>>, vector<16xf32>,
      %get3A_2156 = arith.index_cast %add3A_2152 : i32 to index
      %get3A_2157 = arith.constant 16 : index
      %get3A_2158 = tpu.vector_load %arg6[%get3A_2156, %get3A_2157] {strides = array<i32>} : memref<1024x32xf32, #tpu.memory_space<vmem>>, vector<16xf32>,
      tpu.vector_store_idx %arg7[%add3A_769, %add3A_2148], %get3A_2155 : memref<256x129xf32, #tpu.memory_space<vmem>>[vector<16xi32>, vector<16xi32>], vector<16xf32>,
      tpu.vector_store_idx %arg7[%add3A_772, %add3A_2148], %get3A_2158 : memref<256x129xf32, #tpu.memory_space<vmem>>[vector<16xi32>, vector<16xi32>], vector<16xf32>,
      %add3A_2159 = arith.addi %add3A_2148, %broadcast_in_dim3A_5 : vector<16xi32>
      %mul3A_2160 = arith.constant 128 : i32
      %mul3A_2161 = arith.muli %select_n3A_746, %mul3A_2160 : i32
      %add3A_2162 = arith.constant 126 : i32
      %add3A_2163 = arith.addi %mul3A_2161, %add3A_2162 : i32
      %get3A_2164 = arith.index_cast %add3A_2163 : i32 to index
      %get3A_2165 = arith.constant 0 : index
      %get3A_2166 = tpu.vector_load %arg6[%get3A_2164, %get3A_2165] {strides = array<i32>} : memref<1024x32xf32, #tpu.memory_space<vmem>>, vector<16xf32>,
      %get3A_2167 = arith.index_cast %add3A_2163 : i32 to index
      %get3A_2168 = arith.constant 16 : index
      %get3A_2169 = tpu.vector_load %arg6[%get3A_2167, %get3A_2168] {strides = array<i32>} : memref<1024x32xf32, #tpu.memory_space<vmem>>, vector<16xf32>,
      tpu.vector_store_idx %arg7[%add3A_769, %add3A_2159], %get3A_2166 : memref<256x129xf32, #tpu.memory_space<vmem>>[vector<16xi32>, vector<16xi32>], vector<16xf32>,
      tpu.vector_store_idx %arg7[%add3A_772, %add3A_2159], %get3A_2169 : memref<256x129xf32, #tpu.memory_space<vmem>>[vector<16xi32>, vector<16xi32>], vector<16xf32>,
      %add3A_2170 = arith.addi %add3A_2159, %broadcast_in_dim3A_5 : vector<16xi32>
      %mul3A_2171 = arith.constant 128 : i32
      %mul3A_2172 = arith.muli %select_n3A_746, %mul3A_2171 : i32
      %add3A_2173 = arith.constant 127 : i32
      %add3A_2174 = arith.addi %mul3A_2172, %add3A_2173 : i32
      %get3A_2175 = arith.index_cast %add3A_2174 : i32 to index
      %get3A_2176 = arith.constant 0 : index
      %get3A_2177 = tpu.vector_load %arg6[%get3A_2175, %get3A_2176] {strides = array<i32>} : memref<1024x32xf32, #tpu.memory_space<vmem>>, vector<16xf32>,
      %get3A_2178 = arith.index_cast %add3A_2174 : i32 to index
      %get3A_2179 = arith.constant 16 : index
      %get3A_2180 = tpu.vector_load %arg6[%get3A_2178, %get3A_2179] {strides = array<i32>} : memref<1024x32xf32, #tpu.memory_space<vmem>>, vector<16xf32>,
      tpu.vector_store_idx %arg7[%add3A_769, %add3A_2170], %get3A_2177 : memref<256x129xf32, #tpu.memory_space<vmem>>[vector<16xi32>, vector<16xi32>], vector<16xf32>,
      tpu.vector_store_idx %arg7[%add3A_772, %add3A_2170], %get3A_2180 : memref<256x129xf32, #tpu.memory_space<vmem>>[vector<16xi32>, vector<16xi32>], vector<16xf32>,
      %add3A_2181 = arith.addi %mul3A_2, %scan3A_737 : i32
      %jit3A_2182 = arith.constant 128 : i32
      %div3A = arith.divsi %add3A_2181, %jit3A_2182 : i32
      %sign3A = arith.constant 0 : i32
      %sign3A_2183 = arith.cmpi sgt, %add3A_2181, %sign3A : i32
      %sign3A_2184 = arith.extui %sign3A_2183 : i1 to i32
      %sign3A_2185 = arith.constant 0 : i32
      %sign3A_2186 = arith.cmpi slt, %add3A_2181, %sign3A_2185 : i32
      %sign3A_2187 = arith.extui %sign3A_2186 : i1 to i32
      %sign3A_2188 = arith.subi %sign3A_2184, %sign3A_2187 : i32
      %sign3A_2189 = arith.constant 0 : i32
      %sign3A_2190 = arith.cmpi sgt, %jit3A_2182, %sign3A_2189 : i32
      %sign3A_2191 = arith.extui %sign3A_2190 : i1 to i32
      %sign3A_2192 = arith.constant 0 : i32
      %sign3A_2193 = arith.cmpi slt, %jit3A_2182, %sign3A_2192 : i32
      %sign3A_2194 = arith.extui %sign3A_2193 : i1 to i32
      %sign3A_2195 = arith.subi %sign3A_2191, %sign3A_2194 : i32
      %ne3A_2196 = arith.cmpi ne, %sign3A_2188, %sign3A_2195 : i32
      %rem3A_2197 = arith.remsi %add3A_2181, %jit3A_2182 : i32
      %ne3A_2198 = arith.constant 0 : i32
      %ne3A_2199 = arith.cmpi ne, %rem3A_2197, %ne3A_2198 : i32
      %and3A_2200 = arith.andi %ne3A_2196, %ne3A_2199 : i1
      %sub3A_2201 = arith.constant 1 : i32
      %sub3A_2202 = arith.subi %div3A, %sub3A_2201 : i32
      %select_n3A_2203 = arith.select %and3A_2200, %sub3A_2202, %div3A : i32
      %jit3A_2204 = arith.constant 128 : i32
      %eq3A_2205 = arith.constant 0 : i32
      %eq3A_2206 = arith.cmpi eq, %jit3A_2204, %eq3A_2205 : i32
      %jit3A_2207 = arith.constant 1 : i32
      %select_n3A_2208 = arith.select %eq3A_2206, %jit3A_2207, %jit3A_2204 : i32
      %rem3A_2209 = arith.remsi %add3A_2181, %select_n3A_2208 : i32
      %ne3A_2210 = arith.constant 0 : i32
      %ne3A_2211 = arith.cmpi ne, %rem3A_2209, %ne3A_2210 : i32
      %lt3A_2212 = arith.constant 0 : i32
      %lt3A_2213 = arith.cmpi slt, %rem3A_2209, %lt3A_2212 : i32
      %lt3A_2214 = arith.constant 0 : i32
      %lt3A_2215 = arith.cmpi slt, %select_n3A_2208, %lt3A_2214 : i32
      %ne3A_2216 = arith.xori %lt3A_2213, %lt3A_2215 : i1
      %and3A_2217 = arith.andi %ne3A_2216, %ne3A_2211 : i1
      %add3A_2218 = arith.addi %rem3A_2209, %select_n3A_2208 : i32
      %select_n3A_2219 = arith.select %and3A_2217, %add3A_2218, %rem3A_2209 : i32
      %mul3A_2220 = arith.constant 32 : i32
      %mul3A_2221 = arith.muli %select_n3A_746, %mul3A_2220 : i32
      %add3A_2222 = arith.constant 0 : i32
      %add3A_2223 = arith.addi %mul3A_2221, %add3A_2222 : i32
      %dma_start3A_2224 = arith.constant 0 : i32
      %dma_start3A_2225 = arith.constant 0 : i32
      %dma_start3A_2226 = tpu.memref_slice %arg7[%add3A_2223, %dma_start3A_2225] : memref<256x129xf32, #tpu.memory_space<vmem>> -> memref<8x128xf32, #tpu.memory_space<vmem>>
      %dma_start3A_2227 = arith.constant 0 : i32
      %dma_start3A_2228 = arith.constant 0 : i32
      %dma_start3A_2229 = tpu.memref_slice %arg4[%select_n3A_2203, %dma_start3A_2224, %select_n3A_2219, %dma_start3A_2227, %dma_start3A_2228] : memref<50x4x128x8x128xf32, #tpu.memory_space<hbm>> -> memref<1x1x1x8x128xf32, #tpu.memory_space<hbm>>
      %dma_start3A_2230 = tpu.memref_squeeze %dma_start3A_2229 : memref<1x1x1x8x128xf32, #tpu.memory_space<hbm>> -> memref<8x128xf32, #tpu.memory_space<hbm>>
      %dma_start3A_2231 = tpu.memref_slice %arg9[%select_n3A_746] : memref<8x!tpu.dma_semaphore, #tpu.memory_space<semaphore_mem>> -> memref<1x!tpu.dma_semaphore, #tpu.memory_space<semaphore_mem>>
      %dma_start3A_2232 = tpu.memref_squeeze %dma_start3A_2231 : memref<1x!tpu.dma_semaphore, #tpu.memory_space<semaphore_mem>> -> memref<!tpu.dma_semaphore, #tpu.memory_space<semaphore_mem>>
      %dma_start3A_2233 = arith.constant 0 : i32
      %dma_start3A_2234 = arith.constant 0 : i32
      %dma_start3A_2235 = tpu.memref_slice %arg4[%select_n3A_2203, %dma_start3A_2224, %select_n3A_2219, %dma_start3A_2233, %dma_start3A_2234] : memref<50x4x128x8x128xf32, #tpu.memory_space<hbm>> -> memref<1x1x1x8x128xf32, #tpu.memory_space<hbm>>
      %dma_start3A_2236 = tpu.memref_squeeze %dma_start3A_2235 : memref<1x1x1x8x128xf32, #tpu.memory_space<hbm>> -> memref<8x128xf32, #tpu.memory_space<hbm>>
      %dma_start3A_2237 = arith.constant 0 : i32
      %dma_start3A_2238 = tpu.memref_slice %arg7[%add3A_2223, %dma_start3A_2237] : memref<256x129xf32, #tpu.memory_space<vmem>> -> memref<8x128xf32, #tpu.memory_space<vmem>>
      tpu.enqueue_dma source(%dma_start3A_2238 : memref<8x128xf32, #tpu.memory_space<vmem>>) target(%dma_start3A_2236 : memref<8x128xf32, #tpu.memory_space<hbm>>) target_semaphore(%dma_start3A_2232 : memref<!tpu.dma_semaphore, #tpu.memory_space<semaphore_mem>>)
      %mul3A_2239 = arith.constant 32 : i32
      %mul3A_2240 = arith.muli %select_n3A_746, %mul3A_2239 : i32
      %add3A_2241 = arith.constant 8 : i32
      %add3A_2242 = arith.addi %mul3A_2240, %add3A_2241 : i32
      %dma_start3A_2243 = arith.constant 1 : i32
      %dma_start3A_2244 = arith.constant 0 : i32
      %dma_start3A_2245 = tpu.memref_slice %arg7[%add3A_2242, %dma_start3A_2244] : memref<256x129xf32, #tpu.memory_space<vmem>> -> memref<8x128xf32, #tpu.memory_space<vmem>>
      %dma_start3A_2246 = arith.constant 0 : i32
      %dma_start3A_2247 = arith.constant 0 : i32
      %dma_start3A_2248 = tpu.memref_slice %arg4[%select_n3A_2203, %dma_start3A_2243, %select_n3A_2219, %dma_start3A_2246, %dma_start3A_2247] : memref<50x4x128x8x128xf32, #tpu.memory_space<hbm>> -> memref<1x1x1x8x128xf32, #tpu.memory_space<hbm>>
      %dma_start3A_2249 = tpu.memref_squeeze %dma_start3A_2248 : memref<1x1x1x8x128xf32, #tpu.memory_space<hbm>> -> memref<8x128xf32, #tpu.memory_space<hbm>>
      %dma_start3A_2250 = tpu.memref_slice %arg9[%select_n3A_746] : memref<8x!tpu.dma_semaphore, #tpu.memory_space<semaphore_mem>> -> memref<1x!tpu.dma_semaphore, #tpu.memory_space<semaphore_mem>>
      %dma_start3A_2251 = tpu.memref_squeeze %dma_start3A_2250 : memref<1x!tpu.dma_semaphore, #tpu.memory_space<semaphore_mem>> -> memref<!tpu.dma_semaphore, #tpu.memory_space<semaphore_mem>>
      %dma_start3A_2252 = arith.constant 0 : i32
      %dma_start3A_2253 = arith.constant 0 : i32
      %dma_start3A_2254 = tpu.memref_slice %arg4[%select_n3A_2203, %dma_start3A_2243, %select_n3A_2219, %dma_start3A_2252, %dma_start3A_2253] : memref<50x4x128x8x128xf32, #tpu.memory_space<hbm>> -> memref<1x1x1x8x128xf32, #tpu.memory_space<hbm>>
      %dma_start3A_2255 = tpu.memref_squeeze %dma_start3A_2254 : memref<1x1x1x8x128xf32, #tpu.memory_space<hbm>> -> memref<8x128xf32, #tpu.memory_space<hbm>>
      %dma_start3A_2256 = arith.constant 0 : i32
      %dma_start3A_2257 = tpu.memref_slice %arg7[%add3A_2242, %dma_start3A_2256] : memref<256x129xf32, #tpu.memory_space<vmem>> -> memref<8x128xf32, #tpu.memory_space<vmem>>
      tpu.enqueue_dma source(%dma_start3A_2257 : memref<8x128xf32, #tpu.memory_space<vmem>>) target(%dma_start3A_2255 : memref<8x128xf32, #tpu.memory_space<hbm>>) target_semaphore(%dma_start3A_2251 : memref<!tpu.dma_semaphore, #tpu.memory_space<semaphore_mem>>)
      %mul3A_2258 = arith.constant 32 : i32
      %mul3A_2259 = arith.muli %select_n3A_746, %mul3A_2258 : i32
      %add3A_2260 = arith.constant 16 : i32
      %add3A_2261 = arith.addi %mul3A_2259, %add3A_2260 : i32
      %dma_start3A_2262 = arith.constant 2 : i32
      %dma_start3A_2263 = arith.constant 0 : i32
      %dma_start3A_2264 = tpu.memref_slice %arg7[%add3A_2261, %dma_start3A_2263] : memref<256x129xf32, #tpu.memory_space<vmem>> -> memref<8x128xf32, #tpu.memory_space<vmem>>
      %dma_start3A_2265 = arith.constant 0 : i32
      %dma_start3A_2266 = arith.constant 0 : i32
      %dma_start3A_2267 = tpu.memref_slice %arg4[%select_n3A_2203, %dma_start3A_2262, %select_n3A_2219, %dma_start3A_2265, %dma_start3A_2266] : memref<50x4x128x8x128xf32, #tpu.memory_space<hbm>> -> memref<1x1x1x8x128xf32, #tpu.memory_space<hbm>>
      %dma_start3A_2268 = tpu.memref_squeeze %dma_start3A_2267 : memref<1x1x1x8x128xf32, #tpu.memory_space<hbm>> -> memref<8x128xf32, #tpu.memory_space<hbm>>
      %dma_start3A_2269 = tpu.memref_slice %arg9[%select_n3A_746] : memref<8x!tpu.dma_semaphore, #tpu.memory_space<semaphore_mem>> -> memref<1x!tpu.dma_semaphore, #tpu.memory_space<semaphore_mem>>
      %dma_start3A_2270 = tpu.memref_squeeze %dma_start3A_2269 : memref<1x!tpu.dma_semaphore, #tpu.memory_space<semaphore_mem>> -> memref<!tpu.dma_semaphore, #tpu.memory_space<semaphore_mem>>
      %dma_start3A_2271 = arith.constant 0 : i32
      %dma_start3A_2272 = arith.constant 0 : i32
      %dma_start3A_2273 = tpu.memref_slice %arg4[%select_n3A_2203, %dma_start3A_2262, %select_n3A_2219, %dma_start3A_2271, %dma_start3A_2272] : memref<50x4x128x8x128xf32, #tpu.memory_space<hbm>> -> memref<1x1x1x8x128xf32, #tpu.memory_space<hbm>>
      %dma_start3A_2274 = tpu.memref_squeeze %dma_start3A_2273 : memref<1x1x1x8x128xf32, #tpu.memory_space<hbm>> -> memref<8x128xf32, #tpu.memory_space<hbm>>
      %dma_start3A_2275 = arith.constant 0 : i32
      %dma_start3A_2276 = tpu.memref_slice %arg7[%add3A_2261, %dma_start3A_2275] : memref<256x129xf32, #tpu.memory_space<vmem>> -> memref<8x128xf32, #tpu.memory_space<vmem>>
      tpu.enqueue_dma source(%dma_start3A_2276 : memref<8x128xf32, #tpu.memory_space<vmem>>) target(%dma_start3A_2274 : memref<8x128xf32, #tpu.memory_space<hbm>>) target_semaphore(%dma_start3A_2270 : memref<!tpu.dma_semaphore, #tpu.memory_space<semaphore_mem>>)
      %mul3A_2277 = arith.constant 32 : i32
      %mul3A_2278 = arith.muli %select_n3A_746, %mul3A_2277 : i32
      %add3A_2279 = arith.constant 24 : i32
      %add3A_2280 = arith.addi %mul3A_2278, %add3A_2279 : i32
      %dma_start3A_2281 = arith.constant 3 : i32
      %dma_start3A_2282 = arith.constant 0 : i32
      %dma_start3A_2283 = tpu.memref_slice %arg7[%add3A_2280, %dma_start3A_2282] : memref<256x129xf32, #tpu.memory_space<vmem>> -> memref<8x128xf32, #tpu.memory_space<vmem>>
      %dma_start3A_2284 = arith.constant 0 : i32
      %dma_start3A_2285 = arith.constant 0 : i32
      %dma_start3A_2286 = tpu.memref_slice %arg4[%select_n3A_2203, %dma_start3A_2281, %select_n3A_2219, %dma_start3A_2284, %dma_start3A_2285] : memref<50x4x128x8x128xf32, #tpu.memory_space<hbm>> -> memref<1x1x1x8x128xf32, #tpu.memory_space<hbm>>
      %dma_start3A_2287 = tpu.memref_squeeze %dma_start3A_2286 : memref<1x1x1x8x128xf32, #tpu.memory_space<hbm>> -> memref<8x128xf32, #tpu.memory_space<hbm>>
      %dma_start3A_2288 = tpu.memref_slice %arg9[%select_n3A_746] : memref<8x!tpu.dma_semaphore, #tpu.memory_space<semaphore_mem>> -> memref<1x!tpu.dma_semaphore, #tpu.memory_space<semaphore_mem>>
      %dma_start3A_2289 = tpu.memref_squeeze %dma_start3A_2288 : memref<1x!tpu.dma_semaphore, #tpu.memory_space<semaphore_mem>> -> memref<!tpu.dma_semaphore, #tpu.memory_space<semaphore_mem>>
      %dma_start3A_2290 = arith.constant 0 : i32
      %dma_start3A_2291 = arith.constant 0 : i32
      %dma_start3A_2292 = tpu.memref_slice %arg4[%select_n3A_2203, %dma_start3A_2281, %select_n3A_2219, %dma_start3A_2290, %dma_start3A_2291] : memref<50x4x128x8x128xf32, #tpu.memory_space<hbm>> -> memref<1x1x1x8x128xf32, #tpu.memory_space<hbm>>
      %dma_start3A_2293 = tpu.memref_squeeze %dma_start3A_2292 : memref<1x1x1x8x128xf32, #tpu.memory_space<hbm>> -> memref<8x128xf32, #tpu.memory_space<hbm>>
      %dma_start3A_2294 = arith.constant 0 : i32
      %dma_start3A_2295 = tpu.memref_slice %arg7[%add3A_2280, %dma_start3A_2294] : memref<256x129xf32, #tpu.memory_space<vmem>> -> memref<8x128xf32, #tpu.memory_space<vmem>>
      tpu.enqueue_dma source(%dma_start3A_2295 : memref<8x128xf32, #tpu.memory_space<vmem>>) target(%dma_start3A_2293 : memref<8x128xf32, #tpu.memory_space<hbm>>) target_semaphore(%dma_start3A_2289 : memref<!tpu.dma_semaphore, #tpu.memory_space<semaphore_mem>>)
    }
    %scan3A_97 = arith.constant 200 : i32
    %dma_wait3A = arith.constant 0 : i32
    %dma_wait3A_98 = arith.constant 0 : i32
    %dma_wait3A_99 = arith.constant 0 : i32
    %dma_wait3A_100 = arith.constant 0 : i32
    %dma_wait3A_101 = arith.constant 0 : i32
    %dma_wait3A_102 = arith.constant 0 : i32
    %dma_wait3A_103 = tpu.memref_slice %arg7[%dma_wait3A_101, %dma_wait3A_102] : memref<256x129xf32, #tpu.memory_space<vmem>> -> memref<8x128xf32, #tpu.memory_space<vmem>>
    %dma_wait3A_104 = arith.constant 0 : i32
    %dma_wait3A_105 = arith.constant 0 : i32
    %dma_wait3A_106 = tpu.memref_slice %arg4[%dma_wait3A, %dma_wait3A_98, %dma_wait3A_99, %dma_wait3A_104, %dma_wait3A_105] : memref<50x4x128x8x128xf32, #tpu.memory_space<hbm>> -> memref<1x1x1x8x128xf32, #tpu.memory_space<hbm>>
    %dma_wait3A_107 = tpu.memref_squeeze %dma_wait3A_106 : memref<1x1x1x8x128xf32, #tpu.memory_space<hbm>> -> memref<8x128xf32, #tpu.memory_space<hbm>>
    %dma_wait3A_108 = tpu.memref_slice %arg9[%dma_wait3A_100] : memref<8x!tpu.dma_semaphore, #tpu.memory_space<semaphore_mem>> -> memref<1x!tpu.dma_semaphore, #tpu.memory_space<semaphore_mem>>
    %dma_wait3A_109 = tpu.memref_squeeze %dma_wait3A_108 : memref<1x!tpu.dma_semaphore, #tpu.memory_space<semaphore_mem>> -> memref<!tpu.dma_semaphore, #tpu.memory_space<semaphore_mem>>
    %dma_wait3A_110 = arith.constant 0 : i32
    %dma_wait3A_111 = arith.constant 0 : i32
    %dma_wait3A_112 = tpu.memref_slice %arg4[%dma_wait3A, %dma_wait3A_98, %dma_wait3A_99, %dma_wait3A_110, %dma_wait3A_111] : memref<50x4x128x8x128xf32, #tpu.memory_space<hbm>> -> memref<1x1x1x8x128xf32, #tpu.memory_space<hbm>>
    %dma_wait3A_113 = tpu.memref_squeeze %dma_wait3A_112 : memref<1x1x1x8x128xf32, #tpu.memory_space<hbm>> -> memref<8x128xf32, #tpu.memory_space<hbm>>
    %dma_wait3A_114 = arith.constant 0 : i32
    %dma_wait3A_115 = arith.constant 0 : i32
    %dma_wait3A_116 = tpu.memref_slice %arg7[%dma_wait3A_114, %dma_wait3A_115] : memref<256x129xf32, #tpu.memory_space<vmem>> -> memref<8x128xf32, #tpu.memory_space<vmem>>
    tpu.wait_dma2 semaphore(%dma_wait3A_109 : memref<!tpu.dma_semaphore, #tpu.memory_space<semaphore_mem>>) src(%dma_wait3A_116 : memref<8x128xf32, #tpu.memory_space<vmem>>) dst(%dma_wait3A_113 : memref<8x128xf32, #tpu.memory_space<hbm>>)
    %dma_wait3A_117 = arith.constant 0 : i32
    %dma_wait3A_118 = arith.constant 1 : i32
    %dma_wait3A_119 = arith.constant 0 : i32
    %dma_wait3A_120 = arith.constant 0 : i32
    %dma_wait3A_121 = arith.constant 8 : i32
    %dma_wait3A_122 = arith.constant 0 : i32
    %dma_wait3A_123 = tpu.memref_slice %arg7[%dma_wait3A_121, %dma_wait3A_122] : memref<256x129xf32, #tpu.memory_space<vmem>> -> memref<8x128xf32, #tpu.memory_space<vmem>>
    %dma_wait3A_124 = arith.constant 0 : i32
    %dma_wait3A_125 = arith.constant 0 : i32
    %dma_wait3A_126 = tpu.memref_slice %arg4[%dma_wait3A_117, %dma_wait3A_118, %dma_wait3A_119, %dma_wait3A_124, %dma_wait3A_125] : memref<50x4x128x8x128xf32, #tpu.memory_space<hbm>> -> memref<1x1x1x8x128xf32, #tpu.memory_space<hbm>>
    %dma_wait3A_127 = tpu.memref_squeeze %dma_wait3A_126 : memref<1x1x1x8x128xf32, #tpu.memory_space<hbm>> -> memref<8x128xf32, #tpu.memory_space<hbm>>
    %dma_wait3A_128 = tpu.memref_slice %arg9[%dma_wait3A_120] : memref<8x!tpu.dma_semaphore, #tpu.memory_space<semaphore_mem>> -> memref<1x!tpu.dma_semaphore, #tpu.memory_space<semaphore_mem>>
    %dma_wait3A_129 = tpu.memref_squeeze %dma_wait3A_128 : memref<1x!tpu.dma_semaphore, #tpu.memory_space<semaphore_mem>> -> memref<!tpu.dma_semaphore, #tpu.memory_space<semaphore_mem>>
    %dma_wait3A_130 = arith.constant 0 : i32
    %dma_wait3A_131 = arith.constant 0 : i32
    %dma_wait3A_132 = tpu.memref_slice %arg4[%dma_wait3A_117, %dma_wait3A_118, %dma_wait3A_119, %dma_wait3A_130, %dma_wait3A_131] : memref<50x4x128x8x128xf32, #tpu.memory_space<hbm>> -> memref<1x1x1x8x128xf32, #tpu.memory_space<hbm>>
    %dma_wait3A_133 = tpu.memref_squeeze %dma_wait3A_132 : memref<1x1x1x8x128xf32, #tpu.memory_space<hbm>> -> memref<8x128xf32, #tpu.memory_space<hbm>>
    %dma_wait3A_134 = arith.constant 8 : i32
    %dma_wait3A_135 = arith.constant 0 : i32
    %dma_wait3A_136 = tpu.memref_slice %arg7[%dma_wait3A_134, %dma_wait3A_135] : memref<256x129xf32, #tpu.memory_space<vmem>> -> memref<8x128xf32, #tpu.memory_space<vmem>>
    tpu.wait_dma2 semaphore(%dma_wait3A_129 : memref<!tpu.dma_semaphore, #tpu.memory_space<semaphore_mem>>) src(%dma_wait3A_136 : memref<8x128xf32, #tpu.memory_space<vmem>>) dst(%dma_wait3A_133 : memref<8x128xf32, #tpu.memory_space<hbm>>)
    %dma_wait3A_137 = arith.constant 0 : i32
    %dma_wait3A_138 = arith.constant 2 : i32
    %dma_wait3A_139 = arith.constant 0 : i32
    %dma_wait3A_140 = arith.constant 0 : i32
    %dma_wait3A_141 = arith.constant 16 : i32
    %dma_wait3A_142 = arith.constant 0 : i32
    %dma_wait3A_143 = tpu.memref_slice %arg7[%dma_wait3A_141, %dma_wait3A_142] : memref<256x129xf32, #tpu.memory_space<vmem>> -> memref<8x128xf32, #tpu.memory_space<vmem>>
    %dma_wait3A_144 = arith.constant 0 : i32
    %dma_wait3A_145 = arith.constant 0 : i32
    %dma_wait3A_146 = tpu.memref_slice %arg4[%dma_wait3A_137, %dma_wait3A_138, %dma_wait3A_139, %dma_wait3A_144, %dma_wait3A_145] : memref<50x4x128x8x128xf32, #tpu.memory_space<hbm>> -> memref<1x1x1x8x128xf32, #tpu.memory_space<hbm>>
    %dma_wait3A_147 = tpu.memref_squeeze %dma_wait3A_146 : memref<1x1x1x8x128xf32, #tpu.memory_space<hbm>> -> memref<8x128xf32, #tpu.memory_space<hbm>>
    %dma_wait3A_148 = tpu.memref_slice %arg9[%dma_wait3A_140] : memref<8x!tpu.dma_semaphore, #tpu.memory_space<semaphore_mem>> -> memref<1x!tpu.dma_semaphore, #tpu.memory_space<semaphore_mem>>
    %dma_wait3A_149 = tpu.memref_squeeze %dma_wait3A_148 : memref<1x!tpu.dma_semaphore, #tpu.memory_space<semaphore_mem>> -> memref<!tpu.dma_semaphore, #tpu.memory_space<semaphore_mem>>
    %dma_wait3A_150 = arith.constant 0 : i32
    %dma_wait3A_151 = arith.constant 0 : i32
    %dma_wait3A_152 = tpu.memref_slice %arg4[%dma_wait3A_137, %dma_wait3A_138, %dma_wait3A_139, %dma_wait3A_150, %dma_wait3A_151] : memref<50x4x128x8x128xf32, #tpu.memory_space<hbm>> -> memref<1x1x1x8x128xf32, #tpu.memory_space<hbm>>
    %dma_wait3A_153 = tpu.memref_squeeze %dma_wait3A_152 : memref<1x1x1x8x128xf32, #tpu.memory_space<hbm>> -> memref<8x128xf32, #tpu.memory_space<hbm>>
    %dma_wait3A_154 = arith.constant 16 : i32
    %dma_wait3A_155 = arith.constant 0 : i32
    %dma_wait3A_156 = tpu.memref_slice %arg7[%dma_wait3A_154, %dma_wait3A_155] : memref<256x129xf32, #tpu.memory_space<vmem>> -> memref<8x128xf32, #tpu.memory_space<vmem>>
    tpu.wait_dma2 semaphore(%dma_wait3A_149 : memref<!tpu.dma_semaphore, #tpu.memory_space<semaphore_mem>>) src(%dma_wait3A_156 : memref<8x128xf32, #tpu.memory_space<vmem>>) dst(%dma_wait3A_153 : memref<8x128xf32, #tpu.memory_space<hbm>>)
    %dma_wait3A_157 = arith.constant 0 : i32
    %dma_wait3A_158 = arith.constant 3 : i32
    %dma_wait3A_159 = arith.constant 0 : i32
    %dma_wait3A_160 = arith.constant 0 : i32
    %dma_wait3A_161 = arith.constant 24 : i32
    %dma_wait3A_162 = arith.constant 0 : i32
    %dma_wait3A_163 = tpu.memref_slice %arg7[%dma_wait3A_161, %dma_wait3A_162] : memref<256x129xf32, #tpu.memory_space<vmem>> -> memref<8x128xf32, #tpu.memory_space<vmem>>
    %dma_wait3A_164 = arith.constant 0 : i32
    %dma_wait3A_165 = arith.constant 0 : i32
    %dma_wait3A_166 = tpu.memref_slice %arg4[%dma_wait3A_157, %dma_wait3A_158, %dma_wait3A_159, %dma_wait3A_164, %dma_wait3A_165] : memref<50x4x128x8x128xf32, #tpu.memory_space<hbm>> -> memref<1x1x1x8x128xf32, #tpu.memory_space<hbm>>
    %dma_wait3A_167 = tpu.memref_squeeze %dma_wait3A_166 : memref<1x1x1x8x128xf32, #tpu.memory_space<hbm>> -> memref<8x128xf32, #tpu.memory_space<hbm>>
    %dma_wait3A_168 = tpu.memref_slice %arg9[%dma_wait3A_160] : memref<8x!tpu.dma_semaphore, #tpu.memory_space<semaphore_mem>> -> memref<1x!tpu.dma_semaphore, #tpu.memory_space<semaphore_mem>>
    %dma_wait3A_169 = tpu.memref_squeeze %dma_wait3A_168 : memref<1x!tpu.dma_semaphore, #tpu.memory_space<semaphore_mem>> -> memref<!tpu.dma_semaphore, #tpu.memory_space<semaphore_mem>>
    %dma_wait3A_170 = arith.constant 0 : i32
    %dma_wait3A_171 = arith.constant 0 : i32
    %dma_wait3A_172 = tpu.memref_slice %arg4[%dma_wait3A_157, %dma_wait3A_158, %dma_wait3A_159, %dma_wait3A_170, %dma_wait3A_171] : memref<50x4x128x8x128xf32, #tpu.memory_space<hbm>> -> memref<1x1x1x8x128xf32, #tpu.memory_space<hbm>>
    %dma_wait3A_173 = tpu.memref_squeeze %dma_wait3A_172 : memref<1x1x1x8x128xf32, #tpu.memory_space<hbm>> -> memref<8x128xf32, #tpu.memory_space<hbm>>
    %dma_wait3A_174 = arith.constant 24 : i32
    %dma_wait3A_175 = arith.constant 0 : i32
    %dma_wait3A_176 = tpu.memref_slice %arg7[%dma_wait3A_174, %dma_wait3A_175] : memref<256x129xf32, #tpu.memory_space<vmem>> -> memref<8x128xf32, #tpu.memory_space<vmem>>
    tpu.wait_dma2 semaphore(%dma_wait3A_169 : memref<!tpu.dma_semaphore, #tpu.memory_space<semaphore_mem>>) src(%dma_wait3A_176 : memref<8x128xf32, #tpu.memory_space<vmem>>) dst(%dma_wait3A_173 : memref<8x128xf32, #tpu.memory_space<hbm>>)
    %dma_wait3A_177 = arith.constant 0 : i32
    %dma_wait3A_178 = arith.constant 0 : i32
    %dma_wait3A_179 = arith.constant 0 : i32
    %dma_wait3A_180 = arith.constant 1 : i32
    %dma_wait3A_181 = arith.constant 0 : i32
    %dma_wait3A_182 = arith.constant 0 : i32
    %dma_wait3A_183 = tpu.memref_slice %arg7[%dma_wait3A_181, %dma_wait3A_182] : memref<256x129xf32, #tpu.memory_space<vmem>> -> memref<8x128xf32, #tpu.memory_space<vmem>>
    %dma_wait3A_184 = arith.constant 0 : i32
    %dma_wait3A_185 = arith.constant 0 : i32
    %dma_wait3A_186 = tpu.memref_slice %arg4[%dma_wait3A_177, %dma_wait3A_178, %dma_wait3A_179, %dma_wait3A_184, %dma_wait3A_185] : memref<50x4x128x8x128xf32, #tpu.memory_space<hbm>> -> memref<1x1x1x8x128xf32, #tpu.memory_space<hbm>>
    %dma_wait3A_187 = tpu.memref_squeeze %dma_wait3A_186 : memref<1x1x1x8x128xf32, #tpu.memory_space<hbm>> -> memref<8x128xf32, #tpu.memory_space<hbm>>
    %dma_wait3A_188 = tpu.memref_slice %arg9[%dma_wait3A_180] : memref<8x!tpu.dma_semaphore, #tpu.memory_space<semaphore_mem>> -> memref<1x!tpu.dma_semaphore, #tpu.memory_space<semaphore_mem>>
    %dma_wait3A_189 = tpu.memref_squeeze %dma_wait3A_188 : memref<1x!tpu.dma_semaphore, #tpu.memory_space<semaphore_mem>> -> memref<!tpu.dma_semaphore, #tpu.memory_space<semaphore_mem>>
    %dma_wait3A_190 = arith.constant 0 : i32
    %dma_wait3A_191 = arith.constant 0 : i32
    %dma_wait3A_192 = tpu.memref_slice %arg4[%dma_wait3A_177, %dma_wait3A_178, %dma_wait3A_179, %dma_wait3A_190, %dma_wait3A_191] : memref<50x4x128x8x128xf32, #tpu.memory_space<hbm>> -> memref<1x1x1x8x128xf32, #tpu.memory_space<hbm>>
    %dma_wait3A_193 = tpu.memref_squeeze %dma_wait3A_192 : memref<1x1x1x8x128xf32, #tpu.memory_space<hbm>> -> memref<8x128xf32, #tpu.memory_space<hbm>>
    %dma_wait3A_194 = arith.constant 0 : i32
    %dma_wait3A_195 = arith.constant 0 : i32
    %dma_wait3A_196 = tpu.memref_slice %arg7[%dma_wait3A_194, %dma_wait3A_195] : memref<256x129xf32, #tpu.memory_space<vmem>> -> memref<8x128xf32, #tpu.memory_space<vmem>>
    tpu.wait_dma2 semaphore(%dma_wait3A_189 : memref<!tpu.dma_semaphore, #tpu.memory_space<semaphore_mem>>) src(%dma_wait3A_196 : memref<8x128xf32, #tpu.memory_space<vmem>>) dst(%dma_wait3A_193 : memref<8x128xf32, #tpu.memory_space<hbm>>)
    %dma_wait3A_197 = arith.constant 0 : i32
    %dma_wait3A_198 = arith.constant 1 : i32
    %dma_wait3A_199 = arith.constant 0 : i32
    %dma_wait3A_200 = arith.constant 1 : i32
    %dma_wait3A_201 = arith.constant 8 : i32
    %dma_wait3A_202 = arith.constant 0 : i32
    %dma_wait3A_203 = tpu.memref_slice %arg7[%dma_wait3A_201, %dma_wait3A_202] : memref<256x129xf32, #tpu.memory_space<vmem>> -> memref<8x128xf32, #tpu.memory_space<vmem>>
    %dma_wait3A_204 = arith.constant 0 : i32
    %dma_wait3A_205 = arith.constant 0 : i32
    %dma_wait3A_206 = tpu.memref_slice %arg4[%dma_wait3A_197, %dma_wait3A_198, %dma_wait3A_199, %dma_wait3A_204, %dma_wait3A_205] : memref<50x4x128x8x128xf32, #tpu.memory_space<hbm>> -> memref<1x1x1x8x128xf32, #tpu.memory_space<hbm>>
    %dma_wait3A_207 = tpu.memref_squeeze %dma_wait3A_206 : memref<1x1x1x8x128xf32, #tpu.memory_space<hbm>> -> memref<8x128xf32, #tpu.memory_space<hbm>>
    %dma_wait3A_208 = tpu.memref_slice %arg9[%dma_wait3A_200] : memref<8x!tpu.dma_semaphore, #tpu.memory_space<semaphore_mem>> -> memref<1x!tpu.dma_semaphore, #tpu.memory_space<semaphore_mem>>
    %dma_wait3A_209 = tpu.memref_squeeze %dma_wait3A_208 : memref<1x!tpu.dma_semaphore, #tpu.memory_space<semaphore_mem>> -> memref<!tpu.dma_semaphore, #tpu.memory_space<semaphore_mem>>
    %dma_wait3A_210 = arith.constant 0 : i32
    %dma_wait3A_211 = arith.constant 0 : i32
    %dma_wait3A_212 = tpu.memref_slice %arg4[%dma_wait3A_197, %dma_wait3A_198, %dma_wait3A_199, %dma_wait3A_210, %dma_wait3A_211] : memref<50x4x128x8x128xf32, #tpu.memory_space<hbm>> -> memref<1x1x1x8x128xf32, #tpu.memory_space<hbm>>
    %dma_wait3A_213 = tpu.memref_squeeze %dma_wait3A_212 : memref<1x1x1x8x128xf32, #tpu.memory_space<hbm>> -> memref<8x128xf32, #tpu.memory_space<hbm>>
    %dma_wait3A_214 = arith.constant 8 : i32
    %dma_wait3A_215 = arith.constant 0 : i32
    %dma_wait3A_216 = tpu.memref_slice %arg7[%dma_wait3A_214, %dma_wait3A_215] : memref<256x129xf32, #tpu.memory_space<vmem>> -> memref<8x128xf32, #tpu.memory_space<vmem>>
    tpu.wait_dma2 semaphore(%dma_wait3A_209 : memref<!tpu.dma_semaphore, #tpu.memory_space<semaphore_mem>>) src(%dma_wait3A_216 : memref<8x128xf32, #tpu.memory_space<vmem>>) dst(%dma_wait3A_213 : memref<8x128xf32, #tpu.memory_space<hbm>>)
    %dma_wait3A_217 = arith.constant 0 : i32
    %dma_wait3A_218 = arith.constant 2 : i32
    %dma_wait3A_219 = arith.constant 0 : i32
    %dma_wait3A_220 = arith.constant 1 : i32
    %dma_wait3A_221 = arith.constant 16 : i32
    %dma_wait3A_222 = arith.constant 0 : i32
    %dma_wait3A_223 = tpu.memref_slice %arg7[%dma_wait3A_221, %dma_wait3A_222] : memref<256x129xf32, #tpu.memory_space<vmem>> -> memref<8x128xf32, #tpu.memory_space<vmem>>
    %dma_wait3A_224 = arith.constant 0 : i32
    %dma_wait3A_225 = arith.constant 0 : i32
    %dma_wait3A_226 = tpu.memref_slice %arg4[%dma_wait3A_217, %dma_wait3A_218, %dma_wait3A_219, %dma_wait3A_224, %dma_wait3A_225] : memref<50x4x128x8x128xf32, #tpu.memory_space<hbm>> -> memref<1x1x1x8x128xf32, #tpu.memory_space<hbm>>
    %dma_wait3A_227 = tpu.memref_squeeze %dma_wait3A_226 : memref<1x1x1x8x128xf32, #tpu.memory_space<hbm>> -> memref<8x128xf32, #tpu.memory_space<hbm>>
    %dma_wait3A_228 = tpu.memref_slice %arg9[%dma_wait3A_220] : memref<8x!tpu.dma_semaphore, #tpu.memory_space<semaphore_mem>> -> memref<1x!tpu.dma_semaphore, #tpu.memory_space<semaphore_mem>>
    %dma_wait3A_229 = tpu.memref_squeeze %dma_wait3A_228 : memref<1x!tpu.dma_semaphore, #tpu.memory_space<semaphore_mem>> -> memref<!tpu.dma_semaphore, #tpu.memory_space<semaphore_mem>>
    %dma_wait3A_230 = arith.constant 0 : i32
    %dma_wait3A_231 = arith.constant 0 : i32
    %dma_wait3A_232 = tpu.memref_slice %arg4[%dma_wait3A_217, %dma_wait3A_218, %dma_wait3A_219, %dma_wait3A_230, %dma_wait3A_231] : memref<50x4x128x8x128xf32, #tpu.memory_space<hbm>> -> memref<1x1x1x8x128xf32, #tpu.memory_space<hbm>>
    %dma_wait3A_233 = tpu.memref_squeeze %dma_wait3A_232 : memref<1x1x1x8x128xf32, #tpu.memory_space<hbm>> -> memref<8x128xf32, #tpu.memory_space<hbm>>
    %dma_wait3A_234 = arith.constant 16 : i32
    %dma_wait3A_235 = arith.constant 0 : i32
    %dma_wait3A_236 = tpu.memref_slice %arg7[%dma_wait3A_234, %dma_wait3A_235] : memref<256x129xf32, #tpu.memory_space<vmem>> -> memref<8x128xf32, #tpu.memory_space<vmem>>
    tpu.wait_dma2 semaphore(%dma_wait3A_229 : memref<!tpu.dma_semaphore, #tpu.memory_space<semaphore_mem>>) src(%dma_wait3A_236 : memref<8x128xf32, #tpu.memory_space<vmem>>) dst(%dma_wait3A_233 : memref<8x128xf32, #tpu.memory_space<hbm>>)
    %dma_wait3A_237 = arith.constant 0 : i32
    %dma_wait3A_238 = arith.constant 3 : i32
    %dma_wait3A_239 = arith.constant 0 : i32
    %dma_wait3A_240 = arith.constant 1 : i32
    %dma_wait3A_241 = arith.constant 24 : i32
    %dma_wait3A_242 = arith.constant 0 : i32
    %dma_wait3A_243 = tpu.memref_slice %arg7[%dma_wait3A_241, %dma_wait3A_242] : memref<256x129xf32, #tpu.memory_space<vmem>> -> memref<8x128xf32, #tpu.memory_space<vmem>>
    %dma_wait3A_244 = arith.constant 0 : i32
    %dma_wait3A_245 = arith.constant 0 : i32
    %dma_wait3A_246 = tpu.memref_slice %arg4[%dma_wait3A_237, %dma_wait3A_238, %dma_wait3A_239, %dma_wait3A_244, %dma_wait3A_245] : memref<50x4x128x8x128xf32, #tpu.memory_space<hbm>> -> memref<1x1x1x8x128xf32, #tpu.memory_space<hbm>>
    %dma_wait3A_247 = tpu.memref_squeeze %dma_wait3A_246 : memref<1x1x1x8x128xf32, #tpu.memory_space<hbm>> -> memref<8x128xf32, #tpu.memory_space<hbm>>
    %dma_wait3A_248 = tpu.memref_slice %arg9[%dma_wait3A_240] : memref<8x!tpu.dma_semaphore, #tpu.memory_space<semaphore_mem>> -> memref<1x!tpu.dma_semaphore, #tpu.memory_space<semaphore_mem>>
    %dma_wait3A_249 = tpu.memref_squeeze %dma_wait3A_248 : memref<1x!tpu.dma_semaphore, #tpu.memory_space<semaphore_mem>> -> memref<!tpu.dma_semaphore, #tpu.memory_space<semaphore_mem>>
    %dma_wait3A_250 = arith.constant 0 : i32
    %dma_wait3A_251 = arith.constant 0 : i32
    %dma_wait3A_252 = tpu.memref_slice %arg4[%dma_wait3A_237, %dma_wait3A_238, %dma_wait3A_239, %dma_wait3A_250, %dma_wait3A_251] : memref<50x4x128x8x128xf32, #tpu.memory_space<hbm>> -> memref<1x1x1x8x128xf32, #tpu.memory_space<hbm>>
    %dma_wait3A_253 = tpu.memref_squeeze %dma_wait3A_252 : memref<1x1x1x8x128xf32, #tpu.memory_space<hbm>> -> memref<8x128xf32, #tpu.memory_space<hbm>>
    %dma_wait3A_254 = arith.constant 24 : i32
    %dma_wait3A_255 = arith.constant 0 : i32
    %dma_wait3A_256 = tpu.memref_slice %arg7[%dma_wait3A_254, %dma_wait3A_255] : memref<256x129xf32, #tpu.memory_space<vmem>> -> memref<8x128xf32, #tpu.memory_space<vmem>>
    tpu.wait_dma2 semaphore(%dma_wait3A_249 : memref<!tpu.dma_semaphore, #tpu.memory_space<semaphore_mem>>) src(%dma_wait3A_256 : memref<8x128xf32, #tpu.memory_space<vmem>>) dst(%dma_wait3A_253 : memref<8x128xf32, #tpu.memory_space<hbm>>)
    %dma_wait3A_257 = arith.constant 0 : i32
    %dma_wait3A_258 = arith.constant 0 : i32
    %dma_wait3A_259 = arith.constant 0 : i32
    %dma_wait3A_260 = arith.constant 2 : i32
    %dma_wait3A_261 = arith.constant 0 : i32
    %dma_wait3A_262 = arith.constant 0 : i32
    %dma_wait3A_263 = tpu.memref_slice %arg7[%dma_wait3A_261, %dma_wait3A_262] : memref<256x129xf32, #tpu.memory_space<vmem>> -> memref<8x128xf32, #tpu.memory_space<vmem>>
    %dma_wait3A_264 = arith.constant 0 : i32
    %dma_wait3A_265 = arith.constant 0 : i32
    %dma_wait3A_266 = tpu.memref_slice %arg4[%dma_wait3A_257, %dma_wait3A_258, %dma_wait3A_259, %dma_wait3A_264, %dma_wait3A_265] : memref<50x4x128x8x128xf32, #tpu.memory_space<hbm>> -> memref<1x1x1x8x128xf32, #tpu.memory_space<hbm>>
    %dma_wait3A_267 = tpu.memref_squeeze %dma_wait3A_266 : memref<1x1x1x8x128xf32, #tpu.memory_space<hbm>> -> memref<8x128xf32, #tpu.memory_space<hbm>>
    %dma_wait3A_268 = tpu.memref_slice %arg9[%dma_wait3A_260] : memref<8x!tpu.dma_semaphore, #tpu.memory_space<semaphore_mem>> -> memref<1x!tpu.dma_semaphore, #tpu.memory_space<semaphore_mem>>
    %dma_wait3A_269 = tpu.memref_squeeze %dma_wait3A_268 : memref<1x!tpu.dma_semaphore, #tpu.memory_space<semaphore_mem>> -> memref<!tpu.dma_semaphore, #tpu.memory_space<semaphore_mem>>
    %dma_wait3A_270 = arith.constant 0 : i32
    %dma_wait3A_271 = arith.constant 0 : i32
    %dma_wait3A_272 = tpu.memref_slice %arg4[%dma_wait3A_257, %dma_wait3A_258, %dma_wait3A_259, %dma_wait3A_270, %dma_wait3A_271] : memref<50x4x128x8x128xf32, #tpu.memory_space<hbm>> -> memref<1x1x1x8x128xf32, #tpu.memory_space<hbm>>
    %dma_wait3A_273 = tpu.memref_squeeze %dma_wait3A_272 : memref<1x1x1x8x128xf32, #tpu.memory_space<hbm>> -> memref<8x128xf32, #tpu.memory_space<hbm>>
    %dma_wait3A_274 = arith.constant 0 : i32
    %dma_wait3A_275 = arith.constant 0 : i32
    %dma_wait3A_276 = tpu.memref_slice %arg7[%dma_wait3A_274, %dma_wait3A_275] : memref<256x129xf32, #tpu.memory_space<vmem>> -> memref<8x128xf32, #tpu.memory_space<vmem>>
    tpu.wait_dma2 semaphore(%dma_wait3A_269 : memref<!tpu.dma_semaphore, #tpu.memory_space<semaphore_mem>>) src(%dma_wait3A_276 : memref<8x128xf32, #tpu.memory_space<vmem>>) dst(%dma_wait3A_273 : memref<8x128xf32, #tpu.memory_space<hbm>>)
    %dma_wait3A_277 = arith.constant 0 : i32
    %dma_wait3A_278 = arith.constant 1 : i32
    %dma_wait3A_279 = arith.constant 0 : i32
    %dma_wait3A_280 = arith.constant 2 : i32
    %dma_wait3A_281 = arith.constant 8 : i32
    %dma_wait3A_282 = arith.constant 0 : i32
    %dma_wait3A_283 = tpu.memref_slice %arg7[%dma_wait3A_281, %dma_wait3A_282] : memref<256x129xf32, #tpu.memory_space<vmem>> -> memref<8x128xf32, #tpu.memory_space<vmem>>
    %dma_wait3A_284 = arith.constant 0 : i32
    %dma_wait3A_285 = arith.constant 0 : i32
    %dma_wait3A_286 = tpu.memref_slice %arg4[%dma_wait3A_277, %dma_wait3A_278, %dma_wait3A_279, %dma_wait3A_284, %dma_wait3A_285] : memref<50x4x128x8x128xf32, #tpu.memory_space<hbm>> -> memref<1x1x1x8x128xf32, #tpu.memory_space<hbm>>
    %dma_wait3A_287 = tpu.memref_squeeze %dma_wait3A_286 : memref<1x1x1x8x128xf32, #tpu.memory_space<hbm>> -> memref<8x128xf32, #tpu.memory_space<hbm>>
    %dma_wait3A_288 = tpu.memref_slice %arg9[%dma_wait3A_280] : memref<8x!tpu.dma_semaphore, #tpu.memory_space<semaphore_mem>> -> memref<1x!tpu.dma_semaphore, #tpu.memory_space<semaphore_mem>>
    %dma_wait3A_289 = tpu.memref_squeeze %dma_wait3A_288 : memref<1x!tpu.dma_semaphore, #tpu.memory_space<semaphore_mem>> -> memref<!tpu.dma_semaphore, #tpu.memory_space<semaphore_mem>>
    %dma_wait3A_290 = arith.constant 0 : i32
    %dma_wait3A_291 = arith.constant 0 : i32
    %dma_wait3A_292 = tpu.memref_slice %arg4[%dma_wait3A_277, %dma_wait3A_278, %dma_wait3A_279, %dma_wait3A_290, %dma_wait3A_291] : memref<50x4x128x8x128xf32, #tpu.memory_space<hbm>> -> memref<1x1x1x8x128xf32, #tpu.memory_space<hbm>>
    %dma_wait3A_293 = tpu.memref_squeeze %dma_wait3A_292 : memref<1x1x1x8x128xf32, #tpu.memory_space<hbm>> -> memref<8x128xf32, #tpu.memory_space<hbm>>
    %dma_wait3A_294 = arith.constant 8 : i32
    %dma_wait3A_295 = arith.constant 0 : i32
    %dma_wait3A_296 = tpu.memref_slice %arg7[%dma_wait3A_294, %dma_wait3A_295] : memref<256x129xf32, #tpu.memory_space<vmem>> -> memref<8x128xf32, #tpu.memory_space<vmem>>
    tpu.wait_dma2 semaphore(%dma_wait3A_289 : memref<!tpu.dma_semaphore, #tpu.memory_space<semaphore_mem>>) src(%dma_wait3A_296 : memref<8x128xf32, #tpu.memory_space<vmem>>) dst(%dma_wait3A_293 : memref<8x128xf32, #tpu.memory_space<hbm>>)
    %dma_wait3A_297 = arith.constant 0 : i32
    %dma_wait3A_298 = arith.constant 2 : i32
    %dma_wait3A_299 = arith.constant 0 : i32
    %dma_wait3A_300 = arith.constant 2 : i32
    %dma_wait3A_301 = arith.constant 16 : i32
    %dma_wait3A_302 = arith.constant 0 : i32
    %dma_wait3A_303 = tpu.memref_slice %arg7[%dma_wait3A_301, %dma_wait3A_302] : memref<256x129xf32, #tpu.memory_space<vmem>> -> memref<8x128xf32, #tpu.memory_space<vmem>>
    %dma_wait3A_304 = arith.constant 0 : i32
    %dma_wait3A_305 = arith.constant 0 : i32
    %dma_wait3A_306 = tpu.memref_slice %arg4[%dma_wait3A_297, %dma_wait3A_298, %dma_wait3A_299, %dma_wait3A_304, %dma_wait3A_305] : memref<50x4x128x8x128xf32, #tpu.memory_space<hbm>> -> memref<1x1x1x8x128xf32, #tpu.memory_space<hbm>>
    %dma_wait3A_307 = tpu.memref_squeeze %dma_wait3A_306 : memref<1x1x1x8x128xf32, #tpu.memory_space<hbm>> -> memref<8x128xf32, #tpu.memory_space<hbm>>
    %dma_wait3A_308 = tpu.memref_slice %arg9[%dma_wait3A_300] : memref<8x!tpu.dma_semaphore, #tpu.memory_space<semaphore_mem>> -> memref<1x!tpu.dma_semaphore, #tpu.memory_space<semaphore_mem>>
    %dma_wait3A_309 = tpu.memref_squeeze %dma_wait3A_308 : memref<1x!tpu.dma_semaphore, #tpu.memory_space<semaphore_mem>> -> memref<!tpu.dma_semaphore, #tpu.memory_space<semaphore_mem>>
    %dma_wait3A_310 = arith.constant 0 : i32
    %dma_wait3A_311 = arith.constant 0 : i32
    %dma_wait3A_312 = tpu.memref_slice %arg4[%dma_wait3A_297, %dma_wait3A_298, %dma_wait3A_299, %dma_wait3A_310, %dma_wait3A_311] : memref<50x4x128x8x128xf32, #tpu.memory_space<hbm>> -> memref<1x1x1x8x128xf32, #tpu.memory_space<hbm>>
    %dma_wait3A_313 = tpu.memref_squeeze %dma_wait3A_312 : memref<1x1x1x8x128xf32, #tpu.memory_space<hbm>> -> memref<8x128xf32, #tpu.memory_space<hbm>>
    %dma_wait3A_314 = arith.constant 16 : i32
    %dma_wait3A_315 = arith.constant 0 : i32
    %dma_wait3A_316 = tpu.memref_slice %arg7[%dma_wait3A_314, %dma_wait3A_315] : memref<256x129xf32, #tpu.memory_space<vmem>> -> memref<8x128xf32, #tpu.memory_space<vmem>>
    tpu.wait_dma2 semaphore(%dma_wait3A_309 : memref<!tpu.dma_semaphore, #tpu.memory_space<semaphore_mem>>) src(%dma_wait3A_316 : memref<8x128xf32, #tpu.memory_space<vmem>>) dst(%dma_wait3A_313 : memref<8x128xf32, #tpu.memory_space<hbm>>)
    %dma_wait3A_317 = arith.constant 0 : i32
    %dma_wait3A_318 = arith.constant 3 : i32
    %dma_wait3A_319 = arith.constant 0 : i32
    %dma_wait3A_320 = arith.constant 2 : i32
    %dma_wait3A_321 = arith.constant 24 : i32
    %dma_wait3A_322 = arith.constant 0 : i32
    %dma_wait3A_323 = tpu.memref_slice %arg7[%dma_wait3A_321, %dma_wait3A_322] : memref<256x129xf32, #tpu.memory_space<vmem>> -> memref<8x128xf32, #tpu.memory_space<vmem>>
    %dma_wait3A_324 = arith.constant 0 : i32
    %dma_wait3A_325 = arith.constant 0 : i32
    %dma_wait3A_326 = tpu.memref_slice %arg4[%dma_wait3A_317, %dma_wait3A_318, %dma_wait3A_319, %dma_wait3A_324, %dma_wait3A_325] : memref<50x4x128x8x128xf32, #tpu.memory_space<hbm>> -> memref<1x1x1x8x128xf32, #tpu.memory_space<hbm>>
    %dma_wait3A_327 = tpu.memref_squeeze %dma_wait3A_326 : memref<1x1x1x8x128xf32, #tpu.memory_space<hbm>> -> memref<8x128xf32, #tpu.memory_space<hbm>>
    %dma_wait3A_328 = tpu.memref_slice %arg9[%dma_wait3A_320] : memref<8x!tpu.dma_semaphore, #tpu.memory_space<semaphore_mem>> -> memref<1x!tpu.dma_semaphore, #tpu.memory_space<semaphore_mem>>
    %dma_wait3A_329 = tpu.memref_squeeze %dma_wait3A_328 : memref<1x!tpu.dma_semaphore, #tpu.memory_space<semaphore_mem>> -> memref<!tpu.dma_semaphore, #tpu.memory_space<semaphore_mem>>
    %dma_wait3A_330 = arith.constant 0 : i32
    %dma_wait3A_331 = arith.constant 0 : i32
    %dma_wait3A_332 = tpu.memref_slice %arg4[%dma_wait3A_317, %dma_wait3A_318, %dma_wait3A_319, %dma_wait3A_330, %dma_wait3A_331] : memref<50x4x128x8x128xf32, #tpu.memory_space<hbm>> -> memref<1x1x1x8x128xf32, #tpu.memory_space<hbm>>
    %dma_wait3A_333 = tpu.memref_squeeze %dma_wait3A_332 : memref<1x1x1x8x128xf32, #tpu.memory_space<hbm>> -> memref<8x128xf32, #tpu.memory_space<hbm>>
    %dma_wait3A_334 = arith.constant 24 : i32
    %dma_wait3A_335 = arith.constant 0 : i32
    %dma_wait3A_336 = tpu.memref_slice %arg7[%dma_wait3A_334, %dma_wait3A_335] : memref<256x129xf32, #tpu.memory_space<vmem>> -> memref<8x128xf32, #tpu.memory_space<vmem>>
    tpu.wait_dma2 semaphore(%dma_wait3A_329 : memref<!tpu.dma_semaphore, #tpu.memory_space<semaphore_mem>>) src(%dma_wait3A_336 : memref<8x128xf32, #tpu.memory_space<vmem>>) dst(%dma_wait3A_333 : memref<8x128xf32, #tpu.memory_space<hbm>>)
    %dma_wait3A_337 = arith.constant 0 : i32
    %dma_wait3A_338 = arith.constant 0 : i32
    %dma_wait3A_339 = arith.constant 0 : i32
    %dma_wait3A_340 = arith.constant 3 : i32
    %dma_wait3A_341 = arith.constant 0 : i32
    %dma_wait3A_342 = arith.constant 0 : i32
    %dma_wait3A_343 = tpu.memref_slice %arg7[%dma_wait3A_341, %dma_wait3A_342] : memref<256x129xf32, #tpu.memory_space<vmem>> -> memref<8x128xf32, #tpu.memory_space<vmem>>
    %dma_wait3A_344 = arith.constant 0 : i32
    %dma_wait3A_345 = arith.constant 0 : i32
    %dma_wait3A_346 = tpu.memref_slice %arg4[%dma_wait3A_337, %dma_wait3A_338, %dma_wait3A_339, %dma_wait3A_344, %dma_wait3A_345] : memref<50x4x128x8x128xf32, #tpu.memory_space<hbm>> -> memref<1x1x1x8x128xf32, #tpu.memory_space<hbm>>
    %dma_wait3A_347 = tpu.memref_squeeze %dma_wait3A_346 : memref<1x1x1x8x128xf32, #tpu.memory_space<hbm>> -> memref<8x128xf32, #tpu.memory_space<hbm>>
    %dma_wait3A_348 = tpu.memref_slice %arg9[%dma_wait3A_340] : memref<8x!tpu.dma_semaphore, #tpu.memory_space<semaphore_mem>> -> memref<1x!tpu.dma_semaphore, #tpu.memory_space<semaphore_mem>>
    %dma_wait3A_349 = tpu.memref_squeeze %dma_wait3A_348 : memref<1x!tpu.dma_semaphore, #tpu.memory_space<semaphore_mem>> -> memref<!tpu.dma_semaphore, #tpu.memory_space<semaphore_mem>>
    %dma_wait3A_350 = arith.constant 0 : i32
    %dma_wait3A_351 = arith.constant 0 : i32
    %dma_wait3A_352 = tpu.memref_slice %arg4[%dma_wait3A_337, %dma_wait3A_338, %dma_wait3A_339, %dma_wait3A_350, %dma_wait3A_351] : memref<50x4x128x8x128xf32, #tpu.memory_space<hbm>> -> memref<1x1x1x8x128xf32, #tpu.memory_space<hbm>>
    %dma_wait3A_353 = tpu.memref_squeeze %dma_wait3A_352 : memref<1x1x1x8x128xf32, #tpu.memory_space<hbm>> -> memref<8x128xf32, #tpu.memory_space<hbm>>
    %dma_wait3A_354 = arith.constant 0 : i32
    %dma_wait3A_355 = arith.constant 0 : i32
    %dma_wait3A_356 = tpu.memref_slice %arg7[%dma_wait3A_354, %dma_wait3A_355] : memref<256x129xf32, #tpu.memory_space<vmem>> -> memref<8x128xf32, #tpu.memory_space<vmem>>
    tpu.wait_dma2 semaphore(%dma_wait3A_349 : memref<!tpu.dma_semaphore, #tpu.memory_space<semaphore_mem>>) src(%dma_wait3A_356 : memref<8x128xf32, #tpu.memory_space<vmem>>) dst(%dma_wait3A_353 : memref<8x128xf32, #tpu.memory_space<hbm>>)
    %dma_wait3A_357 = arith.constant 0 : i32
    %dma_wait3A_358 = arith.constant 1 : i32
    %dma_wait3A_359 = arith.constant 0 : i32
    %dma_wait3A_360 = arith.constant 3 : i32
    %dma_wait3A_361 = arith.constant 8 : i32
    %dma_wait3A_362 = arith.constant 0 : i32
    %dma_wait3A_363 = tpu.memref_slice %arg7[%dma_wait3A_361, %dma_wait3A_362] : memref<256x129xf32, #tpu.memory_space<vmem>> -> memref<8x128xf32, #tpu.memory_space<vmem>>
    %dma_wait3A_364 = arith.constant 0 : i32
    %dma_wait3A_365 = arith.constant 0 : i32
    %dma_wait3A_366 = tpu.memref_slice %arg4[%dma_wait3A_357, %dma_wait3A_358, %dma_wait3A_359, %dma_wait3A_364, %dma_wait3A_365] : memref<50x4x128x8x128xf32, #tpu.memory_space<hbm>> -> memref<1x1x1x8x128xf32, #tpu.memory_space<hbm>>
    %dma_wait3A_367 = tpu.memref_squeeze %dma_wait3A_366 : memref<1x1x1x8x128xf32, #tpu.memory_space<hbm>> -> memref<8x128xf32, #tpu.memory_space<hbm>>
    %dma_wait3A_368 = tpu.memref_slice %arg9[%dma_wait3A_360] : memref<8x!tpu.dma_semaphore, #tpu.memory_space<semaphore_mem>> -> memref<1x!tpu.dma_semaphore, #tpu.memory_space<semaphore_mem>>
    %dma_wait3A_369 = tpu.memref_squeeze %dma_wait3A_368 : memref<1x!tpu.dma_semaphore, #tpu.memory_space<semaphore_mem>> -> memref<!tpu.dma_semaphore, #tpu.memory_space<semaphore_mem>>
    %dma_wait3A_370 = arith.constant 0 : i32
    %dma_wait3A_371 = arith.constant 0 : i32
    %dma_wait3A_372 = tpu.memref_slice %arg4[%dma_wait3A_357, %dma_wait3A_358, %dma_wait3A_359, %dma_wait3A_370, %dma_wait3A_371] : memref<50x4x128x8x128xf32, #tpu.memory_space<hbm>> -> memref<1x1x1x8x128xf32, #tpu.memory_space<hbm>>
    %dma_wait3A_373 = tpu.memref_squeeze %dma_wait3A_372 : memref<1x1x1x8x128xf32, #tpu.memory_space<hbm>> -> memref<8x128xf32, #tpu.memory_space<hbm>>
    %dma_wait3A_374 = arith.constant 8 : i32
    %dma_wait3A_375 = arith.constant 0 : i32
    %dma_wait3A_376 = tpu.memref_slice %arg7[%dma_wait3A_374, %dma_wait3A_375] : memref<256x129xf32, #tpu.memory_space<vmem>> -> memref<8x128xf32, #tpu.memory_space<vmem>>
    tpu.wait_dma2 semaphore(%dma_wait3A_369 : memref<!tpu.dma_semaphore, #tpu.memory_space<semaphore_mem>>) src(%dma_wait3A_376 : memref<8x128xf32, #tpu.memory_space<vmem>>) dst(%dma_wait3A_373 : memref<8x128xf32, #tpu.memory_space<hbm>>)
    %dma_wait3A_377 = arith.constant 0 : i32
    %dma_wait3A_378 = arith.constant 2 : i32
    %dma_wait3A_379 = arith.constant 0 : i32
    %dma_wait3A_380 = arith.constant 3 : i32
    %dma_wait3A_381 = arith.constant 16 : i32
    %dma_wait3A_382 = arith.constant 0 : i32
    %dma_wait3A_383 = tpu.memref_slice %arg7[%dma_wait3A_381, %dma_wait3A_382] : memref<256x129xf32, #tpu.memory_space<vmem>> -> memref<8x128xf32, #tpu.memory_space<vmem>>
    %dma_wait3A_384 = arith.constant 0 : i32
    %dma_wait3A_385 = arith.constant 0 : i32
    %dma_wait3A_386 = tpu.memref_slice %arg4[%dma_wait3A_377, %dma_wait3A_378, %dma_wait3A_379, %dma_wait3A_384, %dma_wait3A_385] : memref<50x4x128x8x128xf32, #tpu.memory_space<hbm>> -> memref<1x1x1x8x128xf32, #tpu.memory_space<hbm>>
    %dma_wait3A_387 = tpu.memref_squeeze %dma_wait3A_386 : memref<1x1x1x8x128xf32, #tpu.memory_space<hbm>> -> memref<8x128xf32, #tpu.memory_space<hbm>>
    %dma_wait3A_388 = tpu.memref_slice %arg9[%dma_wait3A_380] : memref<8x!tpu.dma_semaphore, #tpu.memory_space<semaphore_mem>> -> memref<1x!tpu.dma_semaphore, #tpu.memory_space<semaphore_mem>>
    %dma_wait3A_389 = tpu.memref_squeeze %dma_wait3A_388 : memref<1x!tpu.dma_semaphore, #tpu.memory_space<semaphore_mem>> -> memref<!tpu.dma_semaphore, #tpu.memory_space<semaphore_mem>>
    %dma_wait3A_390 = arith.constant 0 : i32
    %dma_wait3A_391 = arith.constant 0 : i32
    %dma_wait3A_392 = tpu.memref_slice %arg4[%dma_wait3A_377, %dma_wait3A_378, %dma_wait3A_379, %dma_wait3A_390, %dma_wait3A_391] : memref<50x4x128x8x128xf32, #tpu.memory_space<hbm>> -> memref<1x1x1x8x128xf32, #tpu.memory_space<hbm>>
    %dma_wait3A_393 = tpu.memref_squeeze %dma_wait3A_392 : memref<1x1x1x8x128xf32, #tpu.memory_space<hbm>> -> memref<8x128xf32, #tpu.memory_space<hbm>>
    %dma_wait3A_394 = arith.constant 16 : i32
    %dma_wait3A_395 = arith.constant 0 : i32
    %dma_wait3A_396 = tpu.memref_slice %arg7[%dma_wait3A_394, %dma_wait3A_395] : memref<256x129xf32, #tpu.memory_space<vmem>> -> memref<8x128xf32, #tpu.memory_space<vmem>>
    tpu.wait_dma2 semaphore(%dma_wait3A_389 : memref<!tpu.dma_semaphore, #tpu.memory_space<semaphore_mem>>) src(%dma_wait3A_396 : memref<8x128xf32, #tpu.memory_space<vmem>>) dst(%dma_wait3A_393 : memref<8x128xf32, #tpu.memory_space<hbm>>)
    %dma_wait3A_397 = arith.constant 0 : i32
    %dma_wait3A_398 = arith.constant 3 : i32
    %dma_wait3A_399 = arith.constant 0 : i32
    %dma_wait3A_400 = arith.constant 3 : i32
    %dma_wait3A_401 = arith.constant 24 : i32
    %dma_wait3A_402 = arith.constant 0 : i32
    %dma_wait3A_403 = tpu.memref_slice %arg7[%dma_wait3A_401, %dma_wait3A_402] : memref<256x129xf32, #tpu.memory_space<vmem>> -> memref<8x128xf32, #tpu.memory_space<vmem>>
    %dma_wait3A_404 = arith.constant 0 : i32
    %dma_wait3A_405 = arith.constant 0 : i32
    %dma_wait3A_406 = tpu.memref_slice %arg4[%dma_wait3A_397, %dma_wait3A_398, %dma_wait3A_399, %dma_wait3A_404, %dma_wait3A_405] : memref<50x4x128x8x128xf32, #tpu.memory_space<hbm>> -> memref<1x1x1x8x128xf32, #tpu.memory_space<hbm>>
    %dma_wait3A_407 = tpu.memref_squeeze %dma_wait3A_406 : memref<1x1x1x8x128xf32, #tpu.memory_space<hbm>> -> memref<8x128xf32, #tpu.memory_space<hbm>>
    %dma_wait3A_408 = tpu.memref_slice %arg9[%dma_wait3A_400] : memref<8x!tpu.dma_semaphore, #tpu.memory_space<semaphore_mem>> -> memref<1x!tpu.dma_semaphore, #tpu.memory_space<semaphore_mem>>
    %dma_wait3A_409 = tpu.memref_squeeze %dma_wait3A_408 : memref<1x!tpu.dma_semaphore, #tpu.memory_space<semaphore_mem>> -> memref<!tpu.dma_semaphore, #tpu.memory_space<semaphore_mem>>
    %dma_wait3A_410 = arith.constant 0 : i32
    %dma_wait3A_411 = arith.constant 0 : i32
    %dma_wait3A_412 = tpu.memref_slice %arg4[%dma_wait3A_397, %dma_wait3A_398, %dma_wait3A_399, %dma_wait3A_410, %dma_wait3A_411] : memref<50x4x128x8x128xf32, #tpu.memory_space<hbm>> -> memref<1x1x1x8x128xf32, #tpu.memory_space<hbm>>
    %dma_wait3A_413 = tpu.memref_squeeze %dma_wait3A_412 : memref<1x1x1x8x128xf32, #tpu.memory_space<hbm>> -> memref<8x128xf32, #tpu.memory_space<hbm>>
    %dma_wait3A_414 = arith.constant 24 : i32
    %dma_wait3A_415 = arith.constant 0 : i32
    %dma_wait3A_416 = tpu.memref_slice %arg7[%dma_wait3A_414, %dma_wait3A_415] : memref<256x129xf32, #tpu.memory_space<vmem>> -> memref<8x128xf32, #tpu.memory_space<vmem>>
    tpu.wait_dma2 semaphore(%dma_wait3A_409 : memref<!tpu.dma_semaphore, #tpu.memory_space<semaphore_mem>>) src(%dma_wait3A_416 : memref<8x128xf32, #tpu.memory_space<vmem>>) dst(%dma_wait3A_413 : memref<8x128xf32, #tpu.memory_space<hbm>>)
    %dma_wait3A_417 = arith.constant 0 : i32
    %dma_wait3A_418 = arith.constant 0 : i32
    %dma_wait3A_419 = arith.constant 0 : i32
    %dma_wait3A_420 = arith.constant 4 : i32
    %dma_wait3A_421 = arith.constant 0 : i32
    %dma_wait3A_422 = arith.constant 0 : i32
    %dma_wait3A_423 = tpu.memref_slice %arg7[%dma_wait3A_421, %dma_wait3A_422] : memref<256x129xf32, #tpu.memory_space<vmem>> -> memref<8x128xf32, #tpu.memory_space<vmem>>
    %dma_wait3A_424 = arith.constant 0 : i32
    %dma_wait3A_425 = arith.constant 0 : i32
    %dma_wait3A_426 = tpu.memref_slice %arg4[%dma_wait3A_417, %dma_wait3A_418, %dma_wait3A_419, %dma_wait3A_424, %dma_wait3A_425] : memref<50x4x128x8x128xf32, #tpu.memory_space<hbm>> -> memref<1x1x1x8x128xf32, #tpu.memory_space<hbm>>
    %dma_wait3A_427 = tpu.memref_squeeze %dma_wait3A_426 : memref<1x1x1x8x128xf32, #tpu.memory_space<hbm>> -> memref<8x128xf32, #tpu.memory_space<hbm>>
    %dma_wait3A_428 = tpu.memref_slice %arg9[%dma_wait3A_420] : memref<8x!tpu.dma_semaphore, #tpu.memory_space<semaphore_mem>> -> memref<1x!tpu.dma_semaphore, #tpu.memory_space<semaphore_mem>>
    %dma_wait3A_429 = tpu.memref_squeeze %dma_wait3A_428 : memref<1x!tpu.dma_semaphore, #tpu.memory_space<semaphore_mem>> -> memref<!tpu.dma_semaphore, #tpu.memory_space<semaphore_mem>>
    %dma_wait3A_430 = arith.constant 0 : i32
    %dma_wait3A_431 = arith.constant 0 : i32
    %dma_wait3A_432 = tpu.memref_slice %arg4[%dma_wait3A_417, %dma_wait3A_418, %dma_wait3A_419, %dma_wait3A_430, %dma_wait3A_431] : memref<50x4x128x8x128xf32, #tpu.memory_space<hbm>> -> memref<1x1x1x8x128xf32, #tpu.memory_space<hbm>>
    %dma_wait3A_433 = tpu.memref_squeeze %dma_wait3A_432 : memref<1x1x1x8x128xf32, #tpu.memory_space<hbm>> -> memref<8x128xf32, #tpu.memory_space<hbm>>
    %dma_wait3A_434 = arith.constant 0 : i32
    %dma_wait3A_435 = arith.constant 0 : i32
    %dma_wait3A_436 = tpu.memref_slice %arg7[%dma_wait3A_434, %dma_wait3A_435] : memref<256x129xf32, #tpu.memory_space<vmem>> -> memref<8x128xf32, #tpu.memory_space<vmem>>
    tpu.wait_dma2 semaphore(%dma_wait3A_429 : memref<!tpu.dma_semaphore, #tpu.memory_space<semaphore_mem>>) src(%dma_wait3A_436 : memref<8x128xf32, #tpu.memory_space<vmem>>) dst(%dma_wait3A_433 : memref<8x128xf32, #tpu.memory_space<hbm>>)
    %dma_wait3A_437 = arith.constant 0 : i32
    %dma_wait3A_438 = arith.constant 1 : i32
    %dma_wait3A_439 = arith.constant 0 : i32
    %dma_wait3A_440 = arith.constant 4 : i32
    %dma_wait3A_441 = arith.constant 8 : i32
    %dma_wait3A_442 = arith.constant 0 : i32
    %dma_wait3A_443 = tpu.memref_slice %arg7[%dma_wait3A_441, %dma_wait3A_442] : memref<256x129xf32, #tpu.memory_space<vmem>> -> memref<8x128xf32, #tpu.memory_space<vmem>>
    %dma_wait3A_444 = arith.constant 0 : i32
    %dma_wait3A_445 = arith.constant 0 : i32
    %dma_wait3A_446 = tpu.memref_slice %arg4[%dma_wait3A_437, %dma_wait3A_438, %dma_wait3A_439, %dma_wait3A_444, %dma_wait3A_445] : memref<50x4x128x8x128xf32, #tpu.memory_space<hbm>> -> memref<1x1x1x8x128xf32, #tpu.memory_space<hbm>>
    %dma_wait3A_447 = tpu.memref_squeeze %dma_wait3A_446 : memref<1x1x1x8x128xf32, #tpu.memory_space<hbm>> -> memref<8x128xf32, #tpu.memory_space<hbm>>
    %dma_wait3A_448 = tpu.memref_slice %arg9[%dma_wait3A_440] : memref<8x!tpu.dma_semaphore, #tpu.memory_space<semaphore_mem>> -> memref<1x!tpu.dma_semaphore, #tpu.memory_space<semaphore_mem>>
    %dma_wait3A_449 = tpu.memref_squeeze %dma_wait3A_448 : memref<1x!tpu.dma_semaphore, #tpu.memory_space<semaphore_mem>> -> memref<!tpu.dma_semaphore, #tpu.memory_space<semaphore_mem>>
    %dma_wait3A_450 = arith.constant 0 : i32
    %dma_wait3A_451 = arith.constant 0 : i32
    %dma_wait3A_452 = tpu.memref_slice %arg4[%dma_wait3A_437, %dma_wait3A_438, %dma_wait3A_439, %dma_wait3A_450, %dma_wait3A_451] : memref<50x4x128x8x128xf32, #tpu.memory_space<hbm>> -> memref<1x1x1x8x128xf32, #tpu.memory_space<hbm>>
    %dma_wait3A_453 = tpu.memref_squeeze %dma_wait3A_452 : memref<1x1x1x8x128xf32, #tpu.memory_space<hbm>> -> memref<8x128xf32, #tpu.memory_space<hbm>>
    %dma_wait3A_454 = arith.constant 8 : i32
    %dma_wait3A_455 = arith.constant 0 : i32
    %dma_wait3A_456 = tpu.memref_slice %arg7[%dma_wait3A_454, %dma_wait3A_455] : memref<256x129xf32, #tpu.memory_space<vmem>> -> memref<8x128xf32, #tpu.memory_space<vmem>>
    tpu.wait_dma2 semaphore(%dma_wait3A_449 : memref<!tpu.dma_semaphore, #tpu.memory_space<semaphore_mem>>) src(%dma_wait3A_456 : memref<8x128xf32, #tpu.memory_space<vmem>>) dst(%dma_wait3A_453 : memref<8x128xf32, #tpu.memory_space<hbm>>)
    %dma_wait3A_457 = arith.constant 0 : i32
    %dma_wait3A_458 = arith.constant 2 : i32
    %dma_wait3A_459 = arith.constant 0 : i32
    %dma_wait3A_460 = arith.constant 4 : i32
    %dma_wait3A_461 = arith.constant 16 : i32
    %dma_wait3A_462 = arith.constant 0 : i32
    %dma_wait3A_463 = tpu.memref_slice %arg7[%dma_wait3A_461, %dma_wait3A_462] : memref<256x129xf32, #tpu.memory_space<vmem>> -> memref<8x128xf32, #tpu.memory_space<vmem>>
    %dma_wait3A_464 = arith.constant 0 : i32
    %dma_wait3A_465 = arith.constant 0 : i32
    %dma_wait3A_466 = tpu.memref_slice %arg4[%dma_wait3A_457, %dma_wait3A_458, %dma_wait3A_459, %dma_wait3A_464, %dma_wait3A_465] : memref<50x4x128x8x128xf32, #tpu.memory_space<hbm>> -> memref<1x1x1x8x128xf32, #tpu.memory_space<hbm>>
    %dma_wait3A_467 = tpu.memref_squeeze %dma_wait3A_466 : memref<1x1x1x8x128xf32, #tpu.memory_space<hbm>> -> memref<8x128xf32, #tpu.memory_space<hbm>>
    %dma_wait3A_468 = tpu.memref_slice %arg9[%dma_wait3A_460] : memref<8x!tpu.dma_semaphore, #tpu.memory_space<semaphore_mem>> -> memref<1x!tpu.dma_semaphore, #tpu.memory_space<semaphore_mem>>
    %dma_wait3A_469 = tpu.memref_squeeze %dma_wait3A_468 : memref<1x!tpu.dma_semaphore, #tpu.memory_space<semaphore_mem>> -> memref<!tpu.dma_semaphore, #tpu.memory_space<semaphore_mem>>
    %dma_wait3A_470 = arith.constant 0 : i32
    %dma_wait3A_471 = arith.constant 0 : i32
    %dma_wait3A_472 = tpu.memref_slice %arg4[%dma_wait3A_457, %dma_wait3A_458, %dma_wait3A_459, %dma_wait3A_470, %dma_wait3A_471] : memref<50x4x128x8x128xf32, #tpu.memory_space<hbm>> -> memref<1x1x1x8x128xf32, #tpu.memory_space<hbm>>
    %dma_wait3A_473 = tpu.memref_squeeze %dma_wait3A_472 : memref<1x1x1x8x128xf32, #tpu.memory_space<hbm>> -> memref<8x128xf32, #tpu.memory_space<hbm>>
    %dma_wait3A_474 = arith.constant 16 : i32
    %dma_wait3A_475 = arith.constant 0 : i32
    %dma_wait3A_476 = tpu.memref_slice %arg7[%dma_wait3A_474, %dma_wait3A_475] : memref<256x129xf32, #tpu.memory_space<vmem>> -> memref<8x128xf32, #tpu.memory_space<vmem>>
    tpu.wait_dma2 semaphore(%dma_wait3A_469 : memref<!tpu.dma_semaphore, #tpu.memory_space<semaphore_mem>>) src(%dma_wait3A_476 : memref<8x128xf32, #tpu.memory_space<vmem>>) dst(%dma_wait3A_473 : memref<8x128xf32, #tpu.memory_space<hbm>>)
    %dma_wait3A_477 = arith.constant 0 : i32
    %dma_wait3A_478 = arith.constant 3 : i32
    %dma_wait3A_479 = arith.constant 0 : i32
    %dma_wait3A_480 = arith.constant 4 : i32
    %dma_wait3A_481 = arith.constant 24 : i32
    %dma_wait3A_482 = arith.constant 0 : i32
    %dma_wait3A_483 = tpu.memref_slice %arg7[%dma_wait3A_481, %dma_wait3A_482] : memref<256x129xf32, #tpu.memory_space<vmem>> -> memref<8x128xf32, #tpu.memory_space<vmem>>
    %dma_wait3A_484 = arith.constant 0 : i32
    %dma_wait3A_485 = arith.constant 0 : i32
    %dma_wait3A_486 = tpu.memref_slice %arg4[%dma_wait3A_477, %dma_wait3A_478, %dma_wait3A_479, %dma_wait3A_484, %dma_wait3A_485] : memref<50x4x128x8x128xf32, #tpu.memory_space<hbm>> -> memref<1x1x1x8x128xf32, #tpu.memory_space<hbm>>
    %dma_wait3A_487 = tpu.memref_squeeze %dma_wait3A_486 : memref<1x1x1x8x128xf32, #tpu.memory_space<hbm>> -> memref<8x128xf32, #tpu.memory_space<hbm>>
    %dma_wait3A_488 = tpu.memref_slice %arg9[%dma_wait3A_480] : memref<8x!tpu.dma_semaphore, #tpu.memory_space<semaphore_mem>> -> memref<1x!tpu.dma_semaphore, #tpu.memory_space<semaphore_mem>>
    %dma_wait3A_489 = tpu.memref_squeeze %dma_wait3A_488 : memref<1x!tpu.dma_semaphore, #tpu.memory_space<semaphore_mem>> -> memref<!tpu.dma_semaphore, #tpu.memory_space<semaphore_mem>>
    %dma_wait3A_490 = arith.constant 0 : i32
    %dma_wait3A_491 = arith.constant 0 : i32
    %dma_wait3A_492 = tpu.memref_slice %arg4[%dma_wait3A_477, %dma_wait3A_478, %dma_wait3A_479, %dma_wait3A_490, %dma_wait3A_491] : memref<50x4x128x8x128xf32, #tpu.memory_space<hbm>> -> memref<1x1x1x8x128xf32, #tpu.memory_space<hbm>>
    %dma_wait3A_493 = tpu.memref_squeeze %dma_wait3A_492 : memref<1x1x1x8x128xf32, #tpu.memory_space<hbm>> -> memref<8x128xf32, #tpu.memory_space<hbm>>
    %dma_wait3A_494 = arith.constant 24 : i32
    %dma_wait3A_495 = arith.constant 0 : i32
    %dma_wait3A_496 = tpu.memref_slice %arg7[%dma_wait3A_494, %dma_wait3A_495] : memref<256x129xf32, #tpu.memory_space<vmem>> -> memref<8x128xf32, #tpu.memory_space<vmem>>
    tpu.wait_dma2 semaphore(%dma_wait3A_489 : memref<!tpu.dma_semaphore, #tpu.memory_space<semaphore_mem>>) src(%dma_wait3A_496 : memref<8x128xf32, #tpu.memory_space<vmem>>) dst(%dma_wait3A_493 : memref<8x128xf32, #tpu.memory_space<hbm>>)
    %dma_wait3A_497 = arith.constant 0 : i32
    %dma_wait3A_498 = arith.constant 0 : i32
    %dma_wait3A_499 = arith.constant 0 : i32
    %dma_wait3A_500 = arith.constant 5 : i32
    %dma_wait3A_501 = arith.constant 0 : i32
    %dma_wait3A_502 = arith.constant 0 : i32
    %dma_wait3A_503 = tpu.memref_slice %arg7[%dma_wait3A_501, %dma_wait3A_502] : memref<256x129xf32, #tpu.memory_space<vmem>> -> memref<8x128xf32, #tpu.memory_space<vmem>>
    %dma_wait3A_504 = arith.constant 0 : i32
    %dma_wait3A_505 = arith.constant 0 : i32
    %dma_wait3A_506 = tpu.memref_slice %arg4[%dma_wait3A_497, %dma_wait3A_498, %dma_wait3A_499, %dma_wait3A_504, %dma_wait3A_505] : memref<50x4x128x8x128xf32, #tpu.memory_space<hbm>> -> memref<1x1x1x8x128xf32, #tpu.memory_space<hbm>>
    %dma_wait3A_507 = tpu.memref_squeeze %dma_wait3A_506 : memref<1x1x1x8x128xf32, #tpu.memory_space<hbm>> -> memref<8x128xf32, #tpu.memory_space<hbm>>
    %dma_wait3A_508 = tpu.memref_slice %arg9[%dma_wait3A_500] : memref<8x!tpu.dma_semaphore, #tpu.memory_space<semaphore_mem>> -> memref<1x!tpu.dma_semaphore, #tpu.memory_space<semaphore_mem>>
    %dma_wait3A_509 = tpu.memref_squeeze %dma_wait3A_508 : memref<1x!tpu.dma_semaphore, #tpu.memory_space<semaphore_mem>> -> memref<!tpu.dma_semaphore, #tpu.memory_space<semaphore_mem>>
    %dma_wait3A_510 = arith.constant 0 : i32
    %dma_wait3A_511 = arith.constant 0 : i32
    %dma_wait3A_512 = tpu.memref_slice %arg4[%dma_wait3A_497, %dma_wait3A_498, %dma_wait3A_499, %dma_wait3A_510, %dma_wait3A_511] : memref<50x4x128x8x128xf32, #tpu.memory_space<hbm>> -> memref<1x1x1x8x128xf32, #tpu.memory_space<hbm>>
    %dma_wait3A_513 = tpu.memref_squeeze %dma_wait3A_512 : memref<1x1x1x8x128xf32, #tpu.memory_space<hbm>> -> memref<8x128xf32, #tpu.memory_space<hbm>>
    %dma_wait3A_514 = arith.constant 0 : i32
    %dma_wait3A_515 = arith.constant 0 : i32
    %dma_wait3A_516 = tpu.memref_slice %arg7[%dma_wait3A_514, %dma_wait3A_515] : memref<256x129xf32, #tpu.memory_space<vmem>> -> memref<8x128xf32, #tpu.memory_space<vmem>>
    tpu.wait_dma2 semaphore(%dma_wait3A_509 : memref<!tpu.dma_semaphore, #tpu.memory_space<semaphore_mem>>) src(%dma_wait3A_516 : memref<8x128xf32, #tpu.memory_space<vmem>>) dst(%dma_wait3A_513 : memref<8x128xf32, #tpu.memory_space<hbm>>)
    %dma_wait3A_517 = arith.constant 0 : i32
    %dma_wait3A_518 = arith.constant 1 : i32
    %dma_wait3A_519 = arith.constant 0 : i32
    %dma_wait3A_520 = arith.constant 5 : i32
    %dma_wait3A_521 = arith.constant 8 : i32
    %dma_wait3A_522 = arith.constant 0 : i32
    %dma_wait3A_523 = tpu.memref_slice %arg7[%dma_wait3A_521, %dma_wait3A_522] : memref<256x129xf32, #tpu.memory_space<vmem>> -> memref<8x128xf32, #tpu.memory_space<vmem>>
    %dma_wait3A_524 = arith.constant 0 : i32
    %dma_wait3A_525 = arith.constant 0 : i32
    %dma_wait3A_526 = tpu.memref_slice %arg4[%dma_wait3A_517, %dma_wait3A_518, %dma_wait3A_519, %dma_wait3A_524, %dma_wait3A_525] : memref<50x4x128x8x128xf32, #tpu.memory_space<hbm>> -> memref<1x1x1x8x128xf32, #tpu.memory_space<hbm>>
    %dma_wait3A_527 = tpu.memref_squeeze %dma_wait3A_526 : memref<1x1x1x8x128xf32, #tpu.memory_space<hbm>> -> memref<8x128xf32, #tpu.memory_space<hbm>>
    %dma_wait3A_528 = tpu.memref_slice %arg9[%dma_wait3A_520] : memref<8x!tpu.dma_semaphore, #tpu.memory_space<semaphore_mem>> -> memref<1x!tpu.dma_semaphore, #tpu.memory_space<semaphore_mem>>
    %dma_wait3A_529 = tpu.memref_squeeze %dma_wait3A_528 : memref<1x!tpu.dma_semaphore, #tpu.memory_space<semaphore_mem>> -> memref<!tpu.dma_semaphore, #tpu.memory_space<semaphore_mem>>
    %dma_wait3A_530 = arith.constant 0 : i32
    %dma_wait3A_531 = arith.constant 0 : i32
    %dma_wait3A_532 = tpu.memref_slice %arg4[%dma_wait3A_517, %dma_wait3A_518, %dma_wait3A_519, %dma_wait3A_530, %dma_wait3A_531] : memref<50x4x128x8x128xf32, #tpu.memory_space<hbm>> -> memref<1x1x1x8x128xf32, #tpu.memory_space<hbm>>
    %dma_wait3A_533 = tpu.memref_squeeze %dma_wait3A_532 : memref<1x1x1x8x128xf32, #tpu.memory_space<hbm>> -> memref<8x128xf32, #tpu.memory_space<hbm>>
    %dma_wait3A_534 = arith.constant 8 : i32
    %dma_wait3A_535 = arith.constant 0 : i32
    %dma_wait3A_536 = tpu.memref_slice %arg7[%dma_wait3A_534, %dma_wait3A_535] : memref<256x129xf32, #tpu.memory_space<vmem>> -> memref<8x128xf32, #tpu.memory_space<vmem>>
    tpu.wait_dma2 semaphore(%dma_wait3A_529 : memref<!tpu.dma_semaphore, #tpu.memory_space<semaphore_mem>>) src(%dma_wait3A_536 : memref<8x128xf32, #tpu.memory_space<vmem>>) dst(%dma_wait3A_533 : memref<8x128xf32, #tpu.memory_space<hbm>>)
    %dma_wait3A_537 = arith.constant 0 : i32
    %dma_wait3A_538 = arith.constant 2 : i32
    %dma_wait3A_539 = arith.constant 0 : i32
    %dma_wait3A_540 = arith.constant 5 : i32
    %dma_wait3A_541 = arith.constant 16 : i32
    %dma_wait3A_542 = arith.constant 0 : i32
    %dma_wait3A_543 = tpu.memref_slice %arg7[%dma_wait3A_541, %dma_wait3A_542] : memref<256x129xf32, #tpu.memory_space<vmem>> -> memref<8x128xf32, #tpu.memory_space<vmem>>
    %dma_wait3A_544 = arith.constant 0 : i32
    %dma_wait3A_545 = arith.constant 0 : i32
    %dma_wait3A_546 = tpu.memref_slice %arg4[%dma_wait3A_537, %dma_wait3A_538, %dma_wait3A_539, %dma_wait3A_544, %dma_wait3A_545] : memref<50x4x128x8x128xf32, #tpu.memory_space<hbm>> -> memref<1x1x1x8x128xf32, #tpu.memory_space<hbm>>
    %dma_wait3A_547 = tpu.memref_squeeze %dma_wait3A_546 : memref<1x1x1x8x128xf32, #tpu.memory_space<hbm>> -> memref<8x128xf32, #tpu.memory_space<hbm>>
    %dma_wait3A_548 = tpu.memref_slice %arg9[%dma_wait3A_540] : memref<8x!tpu.dma_semaphore, #tpu.memory_space<semaphore_mem>> -> memref<1x!tpu.dma_semaphore, #tpu.memory_space<semaphore_mem>>
    %dma_wait3A_549 = tpu.memref_squeeze %dma_wait3A_548 : memref<1x!tpu.dma_semaphore, #tpu.memory_space<semaphore_mem>> -> memref<!tpu.dma_semaphore, #tpu.memory_space<semaphore_mem>>
    %dma_wait3A_550 = arith.constant 0 : i32
    %dma_wait3A_551 = arith.constant 0 : i32
    %dma_wait3A_552 = tpu.memref_slice %arg4[%dma_wait3A_537, %dma_wait3A_538, %dma_wait3A_539, %dma_wait3A_550, %dma_wait3A_551] : memref<50x4x128x8x128xf32, #tpu.memory_space<hbm>> -> memref<1x1x1x8x128xf32, #tpu.memory_space<hbm>>
    %dma_wait3A_553 = tpu.memref_squeeze %dma_wait3A_552 : memref<1x1x1x8x128xf32, #tpu.memory_space<hbm>> -> memref<8x128xf32, #tpu.memory_space<hbm>>
    %dma_wait3A_554 = arith.constant 16 : i32
    %dma_wait3A_555 = arith.constant 0 : i32
    %dma_wait3A_556 = tpu.memref_slice %arg7[%dma_wait3A_554, %dma_wait3A_555] : memref<256x129xf32, #tpu.memory_space<vmem>> -> memref<8x128xf32, #tpu.memory_space<vmem>>
    tpu.wait_dma2 semaphore(%dma_wait3A_549 : memref<!tpu.dma_semaphore, #tpu.memory_space<semaphore_mem>>) src(%dma_wait3A_556 : memref<8x128xf32, #tpu.memory_space<vmem>>) dst(%dma_wait3A_553 : memref<8x128xf32, #tpu.memory_space<hbm>>)
    %dma_wait3A_557 = arith.constant 0 : i32
    %dma_wait3A_558 = arith.constant 3 : i32
    %dma_wait3A_559 = arith.constant 0 : i32
    %dma_wait3A_560 = arith.constant 5 : i32
    %dma_wait3A_561 = arith.constant 24 : i32
    %dma_wait3A_562 = arith.constant 0 : i32
    %dma_wait3A_563 = tpu.memref_slice %arg7[%dma_wait3A_561, %dma_wait3A_562] : memref<256x129xf32, #tpu.memory_space<vmem>> -> memref<8x128xf32, #tpu.memory_space<vmem>>
    %dma_wait3A_564 = arith.constant 0 : i32
    %dma_wait3A_565 = arith.constant 0 : i32
    %dma_wait3A_566 = tpu.memref_slice %arg4[%dma_wait3A_557, %dma_wait3A_558, %dma_wait3A_559, %dma_wait3A_564, %dma_wait3A_565] : memref<50x4x128x8x128xf32, #tpu.memory_space<hbm>> -> memref<1x1x1x8x128xf32, #tpu.memory_space<hbm>>
    %dma_wait3A_567 = tpu.memref_squeeze %dma_wait3A_566 : memref<1x1x1x8x128xf32, #tpu.memory_space<hbm>> -> memref<8x128xf32, #tpu.memory_space<hbm>>
    %dma_wait3A_568 = tpu.memref_slice %arg9[%dma_wait3A_560] : memref<8x!tpu.dma_semaphore, #tpu.memory_space<semaphore_mem>> -> memref<1x!tpu.dma_semaphore, #tpu.memory_space<semaphore_mem>>
    %dma_wait3A_569 = tpu.memref_squeeze %dma_wait3A_568 : memref<1x!tpu.dma_semaphore, #tpu.memory_space<semaphore_mem>> -> memref<!tpu.dma_semaphore, #tpu.memory_space<semaphore_mem>>
    %dma_wait3A_570 = arith.constant 0 : i32
    %dma_wait3A_571 = arith.constant 0 : i32
    %dma_wait3A_572 = tpu.memref_slice %arg4[%dma_wait3A_557, %dma_wait3A_558, %dma_wait3A_559, %dma_wait3A_570, %dma_wait3A_571] : memref<50x4x128x8x128xf32, #tpu.memory_space<hbm>> -> memref<1x1x1x8x128xf32, #tpu.memory_space<hbm>>
    %dma_wait3A_573 = tpu.memref_squeeze %dma_wait3A_572 : memref<1x1x1x8x128xf32, #tpu.memory_space<hbm>> -> memref<8x128xf32, #tpu.memory_space<hbm>>
    %dma_wait3A_574 = arith.constant 24 : i32
    %dma_wait3A_575 = arith.constant 0 : i32
    %dma_wait3A_576 = tpu.memref_slice %arg7[%dma_wait3A_574, %dma_wait3A_575] : memref<256x129xf32, #tpu.memory_space<vmem>> -> memref<8x128xf32, #tpu.memory_space<vmem>>
    tpu.wait_dma2 semaphore(%dma_wait3A_569 : memref<!tpu.dma_semaphore, #tpu.memory_space<semaphore_mem>>) src(%dma_wait3A_576 : memref<8x128xf32, #tpu.memory_space<vmem>>) dst(%dma_wait3A_573 : memref<8x128xf32, #tpu.memory_space<hbm>>)
    %dma_wait3A_577 = arith.constant 0 : i32
    %dma_wait3A_578 = arith.constant 0 : i32
    %dma_wait3A_579 = arith.constant 0 : i32
    %dma_wait3A_580 = arith.constant 6 : i32
    %dma_wait3A_581 = arith.constant 0 : i32
    %dma_wait3A_582 = arith.constant 0 : i32
    %dma_wait3A_583 = tpu.memref_slice %arg7[%dma_wait3A_581, %dma_wait3A_582] : memref<256x129xf32, #tpu.memory_space<vmem>> -> memref<8x128xf32, #tpu.memory_space<vmem>>
    %dma_wait3A_584 = arith.constant 0 : i32
    %dma_wait3A_585 = arith.constant 0 : i32
    %dma_wait3A_586 = tpu.memref_slice %arg4[%dma_wait3A_577, %dma_wait3A_578, %dma_wait3A_579, %dma_wait3A_584, %dma_wait3A_585] : memref<50x4x128x8x128xf32, #tpu.memory_space<hbm>> -> memref<1x1x1x8x128xf32, #tpu.memory_space<hbm>>
    %dma_wait3A_587 = tpu.memref_squeeze %dma_wait3A_586 : memref<1x1x1x8x128xf32, #tpu.memory_space<hbm>> -> memref<8x128xf32, #tpu.memory_space<hbm>>
    %dma_wait3A_588 = tpu.memref_slice %arg9[%dma_wait3A_580] : memref<8x!tpu.dma_semaphore, #tpu.memory_space<semaphore_mem>> -> memref<1x!tpu.dma_semaphore, #tpu.memory_space<semaphore_mem>>
    %dma_wait3A_589 = tpu.memref_squeeze %dma_wait3A_588 : memref<1x!tpu.dma_semaphore, #tpu.memory_space<semaphore_mem>> -> memref<!tpu.dma_semaphore, #tpu.memory_space<semaphore_mem>>
    %dma_wait3A_590 = arith.constant 0 : i32
    %dma_wait3A_591 = arith.constant 0 : i32
    %dma_wait3A_592 = tpu.memref_slice %arg4[%dma_wait3A_577, %dma_wait3A_578, %dma_wait3A_579, %dma_wait3A_590, %dma_wait3A_591] : memref<50x4x128x8x128xf32, #tpu.memory_space<hbm>> -> memref<1x1x1x8x128xf32, #tpu.memory_space<hbm>>
    %dma_wait3A_593 = tpu.memref_squeeze %dma_wait3A_592 : memref<1x1x1x8x128xf32, #tpu.memory_space<hbm>> -> memref<8x128xf32, #tpu.memory_space<hbm>>
    %dma_wait3A_594 = arith.constant 0 : i32
    %dma_wait3A_595 = arith.constant 0 : i32
    %dma_wait3A_596 = tpu.memref_slice %arg7[%dma_wait3A_594, %dma_wait3A_595] : memref<256x129xf32, #tpu.memory_space<vmem>> -> memref<8x128xf32, #tpu.memory_space<vmem>>
    tpu.wait_dma2 semaphore(%dma_wait3A_589 : memref<!tpu.dma_semaphore, #tpu.memory_space<semaphore_mem>>) src(%dma_wait3A_596 : memref<8x128xf32, #tpu.memory_space<vmem>>) dst(%dma_wait3A_593 : memref<8x128xf32, #tpu.memory_space<hbm>>)
    %dma_wait3A_597 = arith.constant 0 : i32
    %dma_wait3A_598 = arith.constant 1 : i32
    %dma_wait3A_599 = arith.constant 0 : i32
    %dma_wait3A_600 = arith.constant 6 : i32
    %dma_wait3A_601 = arith.constant 8 : i32
    %dma_wait3A_602 = arith.constant 0 : i32
    %dma_wait3A_603 = tpu.memref_slice %arg7[%dma_wait3A_601, %dma_wait3A_602] : memref<256x129xf32, #tpu.memory_space<vmem>> -> memref<8x128xf32, #tpu.memory_space<vmem>>
    %dma_wait3A_604 = arith.constant 0 : i32
    %dma_wait3A_605 = arith.constant 0 : i32
    %dma_wait3A_606 = tpu.memref_slice %arg4[%dma_wait3A_597, %dma_wait3A_598, %dma_wait3A_599, %dma_wait3A_604, %dma_wait3A_605] : memref<50x4x128x8x128xf32, #tpu.memory_space<hbm>> -> memref<1x1x1x8x128xf32, #tpu.memory_space<hbm>>
    %dma_wait3A_607 = tpu.memref_squeeze %dma_wait3A_606 : memref<1x1x1x8x128xf32, #tpu.memory_space<hbm>> -> memref<8x128xf32, #tpu.memory_space<hbm>>
    %dma_wait3A_608 = tpu.memref_slice %arg9[%dma_wait3A_600] : memref<8x!tpu.dma_semaphore, #tpu.memory_space<semaphore_mem>> -> memref<1x!tpu.dma_semaphore, #tpu.memory_space<semaphore_mem>>
    %dma_wait3A_609 = tpu.memref_squeeze %dma_wait3A_608 : memref<1x!tpu.dma_semaphore, #tpu.memory_space<semaphore_mem>> -> memref<!tpu.dma_semaphore, #tpu.memory_space<semaphore_mem>>
    %dma_wait3A_610 = arith.constant 0 : i32
    %dma_wait3A_611 = arith.constant 0 : i32
    %dma_wait3A_612 = tpu.memref_slice %arg4[%dma_wait3A_597, %dma_wait3A_598, %dma_wait3A_599, %dma_wait3A_610, %dma_wait3A_611] : memref<50x4x128x8x128xf32, #tpu.memory_space<hbm>> -> memref<1x1x1x8x128xf32, #tpu.memory_space<hbm>>
    %dma_wait3A_613 = tpu.memref_squeeze %dma_wait3A_612 : memref<1x1x1x8x128xf32, #tpu.memory_space<hbm>> -> memref<8x128xf32, #tpu.memory_space<hbm>>
    %dma_wait3A_614 = arith.constant 8 : i32
    %dma_wait3A_615 = arith.constant 0 : i32
    %dma_wait3A_616 = tpu.memref_slice %arg7[%dma_wait3A_614, %dma_wait3A_615] : memref<256x129xf32, #tpu.memory_space<vmem>> -> memref<8x128xf32, #tpu.memory_space<vmem>>
    tpu.wait_dma2 semaphore(%dma_wait3A_609 : memref<!tpu.dma_semaphore, #tpu.memory_space<semaphore_mem>>) src(%dma_wait3A_616 : memref<8x128xf32, #tpu.memory_space<vmem>>) dst(%dma_wait3A_613 : memref<8x128xf32, #tpu.memory_space<hbm>>)
    %dma_wait3A_617 = arith.constant 0 : i32
    %dma_wait3A_618 = arith.constant 2 : i32
    %dma_wait3A_619 = arith.constant 0 : i32
    %dma_wait3A_620 = arith.constant 6 : i32
    %dma_wait3A_621 = arith.constant 16 : i32
    %dma_wait3A_622 = arith.constant 0 : i32
    %dma_wait3A_623 = tpu.memref_slice %arg7[%dma_wait3A_621, %dma_wait3A_622] : memref<256x129xf32, #tpu.memory_space<vmem>> -> memref<8x128xf32, #tpu.memory_space<vmem>>
    %dma_wait3A_624 = arith.constant 0 : i32
    %dma_wait3A_625 = arith.constant 0 : i32
    %dma_wait3A_626 = tpu.memref_slice %arg4[%dma_wait3A_617, %dma_wait3A_618, %dma_wait3A_619, %dma_wait3A_624, %dma_wait3A_625] : memref<50x4x128x8x128xf32, #tpu.memory_space<hbm>> -> memref<1x1x1x8x128xf32, #tpu.memory_space<hbm>>
    %dma_wait3A_627 = tpu.memref_squeeze %dma_wait3A_626 : memref<1x1x1x8x128xf32, #tpu.memory_space<hbm>> -> memref<8x128xf32, #tpu.memory_space<hbm>>
    %dma_wait3A_628 = tpu.memref_slice %arg9[%dma_wait3A_620] : memref<8x!tpu.dma_semaphore, #tpu.memory_space<semaphore_mem>> -> memref<1x!tpu.dma_semaphore, #tpu.memory_space<semaphore_mem>>
    %dma_wait3A_629 = tpu.memref_squeeze %dma_wait3A_628 : memref<1x!tpu.dma_semaphore, #tpu.memory_space<semaphore_mem>> -> memref<!tpu.dma_semaphore, #tpu.memory_space<semaphore_mem>>
    %dma_wait3A_630 = arith.constant 0 : i32
    %dma_wait3A_631 = arith.constant 0 : i32
    %dma_wait3A_632 = tpu.memref_slice %arg4[%dma_wait3A_617, %dma_wait3A_618, %dma_wait3A_619, %dma_wait3A_630, %dma_wait3A_631] : memref<50x4x128x8x128xf32, #tpu.memory_space<hbm>> -> memref<1x1x1x8x128xf32, #tpu.memory_space<hbm>>
    %dma_wait3A_633 = tpu.memref_squeeze %dma_wait3A_632 : memref<1x1x1x8x128xf32, #tpu.memory_space<hbm>> -> memref<8x128xf32, #tpu.memory_space<hbm>>
    %dma_wait3A_634 = arith.constant 16 : i32
    %dma_wait3A_635 = arith.constant 0 : i32
    %dma_wait3A_636 = tpu.memref_slice %arg7[%dma_wait3A_634, %dma_wait3A_635] : memref<256x129xf32, #tpu.memory_space<vmem>> -> memref<8x128xf32, #tpu.memory_space<vmem>>
    tpu.wait_dma2 semaphore(%dma_wait3A_629 : memref<!tpu.dma_semaphore, #tpu.memory_space<semaphore_mem>>) src(%dma_wait3A_636 : memref<8x128xf32, #tpu.memory_space<vmem>>) dst(%dma_wait3A_633 : memref<8x128xf32, #tpu.memory_space<hbm>>)
    %dma_wait3A_637 = arith.constant 0 : i32
    %dma_wait3A_638 = arith.constant 3 : i32
    %dma_wait3A_639 = arith.constant 0 : i32
    %dma_wait3A_640 = arith.constant 6 : i32
    %dma_wait3A_641 = arith.constant 24 : i32
    %dma_wait3A_642 = arith.constant 0 : i32
    %dma_wait3A_643 = tpu.memref_slice %arg7[%dma_wait3A_641, %dma_wait3A_642] : memref<256x129xf32, #tpu.memory_space<vmem>> -> memref<8x128xf32, #tpu.memory_space<vmem>>
    %dma_wait3A_644 = arith.constant 0 : i32
    %dma_wait3A_645 = arith.constant 0 : i32
    %dma_wait3A_646 = tpu.memref_slice %arg4[%dma_wait3A_637, %dma_wait3A_638, %dma_wait3A_639, %dma_wait3A_644, %dma_wait3A_645] : memref<50x4x128x8x128xf32, #tpu.memory_space<hbm>> -> memref<1x1x1x8x128xf32, #tpu.memory_space<hbm>>
    %dma_wait3A_647 = tpu.memref_squeeze %dma_wait3A_646 : memref<1x1x1x8x128xf32, #tpu.memory_space<hbm>> -> memref<8x128xf32, #tpu.memory_space<hbm>>
    %dma_wait3A_648 = tpu.memref_slice %arg9[%dma_wait3A_640] : memref<8x!tpu.dma_semaphore, #tpu.memory_space<semaphore_mem>> -> memref<1x!tpu.dma_semaphore, #tpu.memory_space<semaphore_mem>>
    %dma_wait3A_649 = tpu.memref_squeeze %dma_wait3A_648 : memref<1x!tpu.dma_semaphore, #tpu.memory_space<semaphore_mem>> -> memref<!tpu.dma_semaphore, #tpu.memory_space<semaphore_mem>>
    %dma_wait3A_650 = arith.constant 0 : i32
    %dma_wait3A_651 = arith.constant 0 : i32
    %dma_wait3A_652 = tpu.memref_slice %arg4[%dma_wait3A_637, %dma_wait3A_638, %dma_wait3A_639, %dma_wait3A_650, %dma_wait3A_651] : memref<50x4x128x8x128xf32, #tpu.memory_space<hbm>> -> memref<1x1x1x8x128xf32, #tpu.memory_space<hbm>>
    %dma_wait3A_653 = tpu.memref_squeeze %dma_wait3A_652 : memref<1x1x1x8x128xf32, #tpu.memory_space<hbm>> -> memref<8x128xf32, #tpu.memory_space<hbm>>
    %dma_wait3A_654 = arith.constant 24 : i32
    %dma_wait3A_655 = arith.constant 0 : i32
    %dma_wait3A_656 = tpu.memref_slice %arg7[%dma_wait3A_654, %dma_wait3A_655] : memref<256x129xf32, #tpu.memory_space<vmem>> -> memref<8x128xf32, #tpu.memory_space<vmem>>
    tpu.wait_dma2 semaphore(%dma_wait3A_649 : memref<!tpu.dma_semaphore, #tpu.memory_space<semaphore_mem>>) src(%dma_wait3A_656 : memref<8x128xf32, #tpu.memory_space<vmem>>) dst(%dma_wait3A_653 : memref<8x128xf32, #tpu.memory_space<hbm>>)
    %dma_wait3A_657 = arith.constant 0 : i32
    %dma_wait3A_658 = arith.constant 0 : i32
    %dma_wait3A_659 = arith.constant 0 : i32
    %dma_wait3A_660 = arith.constant 7 : i32
    %dma_wait3A_661 = arith.constant 0 : i32
    %dma_wait3A_662 = arith.constant 0 : i32
    %dma_wait3A_663 = tpu.memref_slice %arg7[%dma_wait3A_661, %dma_wait3A_662] : memref<256x129xf32, #tpu.memory_space<vmem>> -> memref<8x128xf32, #tpu.memory_space<vmem>>
    %dma_wait3A_664 = arith.constant 0 : i32
    %dma_wait3A_665 = arith.constant 0 : i32
    %dma_wait3A_666 = tpu.memref_slice %arg4[%dma_wait3A_657, %dma_wait3A_658, %dma_wait3A_659, %dma_wait3A_664, %dma_wait3A_665] : memref<50x4x128x8x128xf32, #tpu.memory_space<hbm>> -> memref<1x1x1x8x128xf32, #tpu.memory_space<hbm>>
    %dma_wait3A_667 = tpu.memref_squeeze %dma_wait3A_666 : memref<1x1x1x8x128xf32, #tpu.memory_space<hbm>> -> memref<8x128xf32, #tpu.memory_space<hbm>>
    %dma_wait3A_668 = tpu.memref_slice %arg9[%dma_wait3A_660] : memref<8x!tpu.dma_semaphore, #tpu.memory_space<semaphore_mem>> -> memref<1x!tpu.dma_semaphore, #tpu.memory_space<semaphore_mem>>
    %dma_wait3A_669 = tpu.memref_squeeze %dma_wait3A_668 : memref<1x!tpu.dma_semaphore, #tpu.memory_space<semaphore_mem>> -> memref<!tpu.dma_semaphore, #tpu.memory_space<semaphore_mem>>
    %dma_wait3A_670 = arith.constant 0 : i32
    %dma_wait3A_671 = arith.constant 0 : i32
    %dma_wait3A_672 = tpu.memref_slice %arg4[%dma_wait3A_657, %dma_wait3A_658, %dma_wait3A_659, %dma_wait3A_670, %dma_wait3A_671] : memref<50x4x128x8x128xf32, #tpu.memory_space<hbm>> -> memref<1x1x1x8x128xf32, #tpu.memory_space<hbm>>
    %dma_wait3A_673 = tpu.memref_squeeze %dma_wait3A_672 : memref<1x1x1x8x128xf32, #tpu.memory_space<hbm>> -> memref<8x128xf32, #tpu.memory_space<hbm>>
    %dma_wait3A_674 = arith.constant 0 : i32
    %dma_wait3A_675 = arith.constant 0 : i32
    %dma_wait3A_676 = tpu.memref_slice %arg7[%dma_wait3A_674, %dma_wait3A_675] : memref<256x129xf32, #tpu.memory_space<vmem>> -> memref<8x128xf32, #tpu.memory_space<vmem>>
    tpu.wait_dma2 semaphore(%dma_wait3A_669 : memref<!tpu.dma_semaphore, #tpu.memory_space<semaphore_mem>>) src(%dma_wait3A_676 : memref<8x128xf32, #tpu.memory_space<vmem>>) dst(%dma_wait3A_673 : memref<8x128xf32, #tpu.memory_space<hbm>>)
    %dma_wait3A_677 = arith.constant 0 : i32
    %dma_wait3A_678 = arith.constant 1 : i32
    %dma_wait3A_679 = arith.constant 0 : i32
    %dma_wait3A_680 = arith.constant 7 : i32
    %dma_wait3A_681 = arith.constant 8 : i32
    %dma_wait3A_682 = arith.constant 0 : i32
    %dma_wait3A_683 = tpu.memref_slice %arg7[%dma_wait3A_681, %dma_wait3A_682] : memref<256x129xf32, #tpu.memory_space<vmem>> -> memref<8x128xf32, #tpu.memory_space<vmem>>
    %dma_wait3A_684 = arith.constant 0 : i32
    %dma_wait3A_685 = arith.constant 0 : i32
    %dma_wait3A_686 = tpu.memref_slice %arg4[%dma_wait3A_677, %dma_wait3A_678, %dma_wait3A_679, %dma_wait3A_684, %dma_wait3A_685] : memref<50x4x128x8x128xf32, #tpu.memory_space<hbm>> -> memref<1x1x1x8x128xf32, #tpu.memory_space<hbm>>
    %dma_wait3A_687 = tpu.memref_squeeze %dma_wait3A_686 : memref<1x1x1x8x128xf32, #tpu.memory_space<hbm>> -> memref<8x128xf32, #tpu.memory_space<hbm>>
    %dma_wait3A_688 = tpu.memref_slice %arg9[%dma_wait3A_680] : memref<8x!tpu.dma_semaphore, #tpu.memory_space<semaphore_mem>> -> memref<1x!tpu.dma_semaphore, #tpu.memory_space<semaphore_mem>>
    %dma_wait3A_689 = tpu.memref_squeeze %dma_wait3A_688 : memref<1x!tpu.dma_semaphore, #tpu.memory_space<semaphore_mem>> -> memref<!tpu.dma_semaphore, #tpu.memory_space<semaphore_mem>>
    %dma_wait3A_690 = arith.constant 0 : i32
    %dma_wait3A_691 = arith.constant 0 : i32
    %dma_wait3A_692 = tpu.memref_slice %arg4[%dma_wait3A_677, %dma_wait3A_678, %dma_wait3A_679, %dma_wait3A_690, %dma_wait3A_691] : memref<50x4x128x8x128xf32, #tpu.memory_space<hbm>> -> memref<1x1x1x8x128xf32, #tpu.memory_space<hbm>>
    %dma_wait3A_693 = tpu.memref_squeeze %dma_wait3A_692 : memref<1x1x1x8x128xf32, #tpu.memory_space<hbm>> -> memref<8x128xf32, #tpu.memory_space<hbm>>
    %dma_wait3A_694 = arith.constant 8 : i32
    %dma_wait3A_695 = arith.constant 0 : i32
    %dma_wait3A_696 = tpu.memref_slice %arg7[%dma_wait3A_694, %dma_wait3A_695] : memref<256x129xf32, #tpu.memory_space<vmem>> -> memref<8x128xf32, #tpu.memory_space<vmem>>
    tpu.wait_dma2 semaphore(%dma_wait3A_689 : memref<!tpu.dma_semaphore, #tpu.memory_space<semaphore_mem>>) src(%dma_wait3A_696 : memref<8x128xf32, #tpu.memory_space<vmem>>) dst(%dma_wait3A_693 : memref<8x128xf32, #tpu.memory_space<hbm>>)
    %dma_wait3A_697 = arith.constant 0 : i32
    %dma_wait3A_698 = arith.constant 2 : i32
    %dma_wait3A_699 = arith.constant 0 : i32
    %dma_wait3A_700 = arith.constant 7 : i32
    %dma_wait3A_701 = arith.constant 16 : i32
    %dma_wait3A_702 = arith.constant 0 : i32
    %dma_wait3A_703 = tpu.memref_slice %arg7[%dma_wait3A_701, %dma_wait3A_702] : memref<256x129xf32, #tpu.memory_space<vmem>> -> memref<8x128xf32, #tpu.memory_space<vmem>>
    %dma_wait3A_704 = arith.constant 0 : i32
    %dma_wait3A_705 = arith.constant 0 : i32
    %dma_wait3A_706 = tpu.memref_slice %arg4[%dma_wait3A_697, %dma_wait3A_698, %dma_wait3A_699, %dma_wait3A_704, %dma_wait3A_705] : memref<50x4x128x8x128xf32, #tpu.memory_space<hbm>> -> memref<1x1x1x8x128xf32, #tpu.memory_space<hbm>>
    %dma_wait3A_707 = tpu.memref_squeeze %dma_wait3A_706 : memref<1x1x1x8x128xf32, #tpu.memory_space<hbm>> -> memref<8x128xf32, #tpu.memory_space<hbm>>
    %dma_wait3A_708 = tpu.memref_slice %arg9[%dma_wait3A_700] : memref<8x!tpu.dma_semaphore, #tpu.memory_space<semaphore_mem>> -> memref<1x!tpu.dma_semaphore, #tpu.memory_space<semaphore_mem>>
    %dma_wait3A_709 = tpu.memref_squeeze %dma_wait3A_708 : memref<1x!tpu.dma_semaphore, #tpu.memory_space<semaphore_mem>> -> memref<!tpu.dma_semaphore, #tpu.memory_space<semaphore_mem>>
    %dma_wait3A_710 = arith.constant 0 : i32
    %dma_wait3A_711 = arith.constant 0 : i32
    %dma_wait3A_712 = tpu.memref_slice %arg4[%dma_wait3A_697, %dma_wait3A_698, %dma_wait3A_699, %dma_wait3A_710, %dma_wait3A_711] : memref<50x4x128x8x128xf32, #tpu.memory_space<hbm>> -> memref<1x1x1x8x128xf32, #tpu.memory_space<hbm>>
    %dma_wait3A_713 = tpu.memref_squeeze %dma_wait3A_712 : memref<1x1x1x8x128xf32, #tpu.memory_space<hbm>> -> memref<8x128xf32, #tpu.memory_space<hbm>>
    %dma_wait3A_714 = arith.constant 16 : i32
    %dma_wait3A_715 = arith.constant 0 : i32
    %dma_wait3A_716 = tpu.memref_slice %arg7[%dma_wait3A_714, %dma_wait3A_715] : memref<256x129xf32, #tpu.memory_space<vmem>> -> memref<8x128xf32, #tpu.memory_space<vmem>>
    tpu.wait_dma2 semaphore(%dma_wait3A_709 : memref<!tpu.dma_semaphore, #tpu.memory_space<semaphore_mem>>) src(%dma_wait3A_716 : memref<8x128xf32, #tpu.memory_space<vmem>>) dst(%dma_wait3A_713 : memref<8x128xf32, #tpu.memory_space<hbm>>)
    %dma_wait3A_717 = arith.constant 0 : i32
    %dma_wait3A_718 = arith.constant 3 : i32
    %dma_wait3A_719 = arith.constant 0 : i32
    %dma_wait3A_720 = arith.constant 7 : i32
    %dma_wait3A_721 = arith.constant 24 : i32
    %dma_wait3A_722 = arith.constant 0 : i32
    %dma_wait3A_723 = tpu.memref_slice %arg7[%dma_wait3A_721, %dma_wait3A_722] : memref<256x129xf32, #tpu.memory_space<vmem>> -> memref<8x128xf32, #tpu.memory_space<vmem>>
    %dma_wait3A_724 = arith.constant 0 : i32
    %dma_wait3A_725 = arith.constant 0 : i32
    %dma_wait3A_726 = tpu.memref_slice %arg4[%dma_wait3A_717, %dma_wait3A_718, %dma_wait3A_719, %dma_wait3A_724, %dma_wait3A_725] : memref<50x4x128x8x128xf32, #tpu.memory_space<hbm>> -> memref<1x1x1x8x128xf32, #tpu.memory_space<hbm>>
    %dma_wait3A_727 = tpu.memref_squeeze %dma_wait3A_726 : memref<1x1x1x8x128xf32, #tpu.memory_space<hbm>> -> memref<8x128xf32, #tpu.memory_space<hbm>>
    %dma_wait3A_728 = tpu.memref_slice %arg9[%dma_wait3A_720] : memref<8x!tpu.dma_semaphore, #tpu.memory_space<semaphore_mem>> -> memref<1x!tpu.dma_semaphore, #tpu.memory_space<semaphore_mem>>
    %dma_wait3A_729 = tpu.memref_squeeze %dma_wait3A_728 : memref<1x!tpu.dma_semaphore, #tpu.memory_space<semaphore_mem>> -> memref<!tpu.dma_semaphore, #tpu.memory_space<semaphore_mem>>
    %dma_wait3A_730 = arith.constant 0 : i32
    %dma_wait3A_731 = arith.constant 0 : i32
    %dma_wait3A_732 = tpu.memref_slice %arg4[%dma_wait3A_717, %dma_wait3A_718, %dma_wait3A_719, %dma_wait3A_730, %dma_wait3A_731] : memref<50x4x128x8x128xf32, #tpu.memory_space<hbm>> -> memref<1x1x1x8x128xf32, #tpu.memory_space<hbm>>
    %dma_wait3A_733 = tpu.memref_squeeze %dma_wait3A_732 : memref<1x1x1x8x128xf32, #tpu.memory_space<hbm>> -> memref<8x128xf32, #tpu.memory_space<hbm>>
    %dma_wait3A_734 = arith.constant 24 : i32
    %dma_wait3A_735 = arith.constant 0 : i32
    %dma_wait3A_736 = tpu.memref_slice %arg7[%dma_wait3A_734, %dma_wait3A_735] : memref<256x129xf32, #tpu.memory_space<vmem>> -> memref<8x128xf32, #tpu.memory_space<vmem>>
    tpu.wait_dma2 semaphore(%dma_wait3A_729 : memref<!tpu.dma_semaphore, #tpu.memory_space<semaphore_mem>>) src(%dma_wait3A_736 : memref<8x128xf32, #tpu.memory_space<vmem>>) dst(%dma_wait3A_733 : memref<8x128xf32, #tpu.memory_space<hbm>>)
    return
  }
}

</mosaic_0001>

<sc_bundles>
// kernel: kernel.3.cloned.1.call-start
scs
__scs_entry_jumppad:
0x0: {  	(pc) =	sbr.rel $0x88, $3  }
0x1: {  	(tag) =	ssettag $0x0;
	lr =	simm.s32 $0x1  }
0x2: {  	[smem:$0x3F9F] =	sst lr;
	_ =	strace $0xD0000000  }
0x3: {  	_ = 	snop  }
0x4: {  	_ = 	snop  }
0x5: {  	_ = 	snop  }
0x6: {  	_ = 	snop  }
0x7: {  	_ = 	snop  }
__scs_overlays_trampoline_lowered:
0x8: {  	[smem:$0x3FAE] =	sst s0  }
0x9: {  	[smem:$0x3FAF] =	sst s1  }
0xa: {  	[smem:$0x3FB0] =	sst s2  }
0xb: {  	[smem:$0x3FB1] =	sst s3  }
0xc: {  	[smem:$0x3FB2] =	sst s4  }
0xd: {  	[smem:$0x3FB3] =	sst s5  }
0xe: {  	[smem:$0x3FB4] =	sst s6  }
0xf: {  	[smem:$0x3FB5] =	sst s7  }
0x10: {  	[smem:$0x3FB6] =	sst s8  }
0x11: {  	[smem:$0x3FB7] =	sst s9;
	s0 =	simm.s32 @!p0 $0x0  }
0x12: {  	s1 =	sld [smem:$0x3F9D];
	s0 =	simm.s32 @p0 $0x1  }
0x13: {  	[smem:$0x3FB8] =	sst s0;
	s0 =	simm.s32 @!p1 $0x0  }
0x14: {  	s2 =	sld [smem:$0x3F9C];
	s0 =	simm.s32 @p1 $0x1  }
0x15: {  	[smem:$0x3FB9] =	sst s0;
	s0 =	simm.s32 @!p2 $0x0  }
0x16: {  	s3 =	sld [smem:$0x3FDB];
	s0 =	simm.s32 @p2 $0x1  }
0x17: {  	s4 =	simm.s32 $0x1BF5;
	[smem:$0x3FBB] =	sst s0  }
0x18: {  	s0 =	sld [smem:$0x3F9E];
	_ =	swait.ge [sflag:s4], $0x0  }
0x19: {  	s7 =	sld [smem:$0x3F9F]  }
0x1a: {  	s8 =	sadd.s32 $0xFFFFE003, lr  }
0x1b: {  	s9 =	sadd.s32 $0xFFFFFEF7, lr;
	s5 =	simm.s32 $0xFFFFFFFF;
	p2 =	slt.u32 s8, $0xFFFFF086  }
0x1c: {  	p1 =	slt.u32 s9, $0xF7A;
	s5 =	simm.s32 @!p2 $0x0  }
0x1d: {  	s5 =	simm.s32 @p1 $0x1;
	p0 =	seq.s32 s7, s2  }
0x1e: {  	s7 =	smul.u32 @!p0 $0xF7A, s2;
	p2 =	seq.s32 @!p0 s5, $0x0  }
0x1f: {  	s9 =	smul.u32 $0xF7A, s1;
	s8 =	simm.s32 @!p0 $0x1BF5;
	p2 =	por !p2, p0  }
0x20: {  	[sflag:s8] =	ssyncset.s32 @!p0 $0xFFFFF086;
	s6 =	sadd.s32 @!p0 s3, s7;
	s7 =	simm.s32 @!p0 $0x108  }
0x21: {  	s3 =	sadd.s32 s3, s9;
	s6 =	sadd.s32 @!p0 $0x88, s6;
	s7 =	simm.s32 @p2 $0x1082  }
0x22: {  	[simem:s7], [sflag:s8] =	dma.local @!p0 [hbm:s6], $0xF7A  }
0x23: {  	s9 =	sor.u32 $0xD0000000, s2;
	s6 =	simm.s32 $0x108;
	_ =	swait.ge @!p0 [sflag:s8], $0x0  }
0x24: {  	s3 =	sadd.s32 $0x88, s3;
	s6 =	simm.s32 @!p1 $0x1082;
	[sflag:s4] =	ssyncset.s32 $0xFFFFF086  }
0x25: {  	[simem:s6], [sflag:s4] =	dma.local [hbm:s3], $0xF7A  }
0x26: {  	[smem:$0x3F9F] =	sst s1;
	(tag) =	ssettag s2;
	_ =	strace s9  }
0x27: {  	s1 =	sld [smem:$0x3FAF]  }
0x28: {  	s2 =	sld [smem:$0x3FB0]  }
0x29: {  	s4 =	sld [smem:$0x3FB2]  }
0x2a: {  	p0 =	seq.s32 s5, $0x0;
	s5 =	sld [smem:$0x3FB3]  }
0x2b: {  	s6 =	sld [smem:$0x3FB4]  }
0x2c: {  	s7 =	sld [smem:$0x3FB5]  }
0x2d: {  	s3 =	simm.s32 $0x108;
	s8 =	sld [smem:$0x3FB6]  }
0x2e: {  	s3 =	simm.s32 @!p0 $0x1082;
	s9 =	sld [smem:$0x3FB7]  }
0x2f: {  	lr =	sadd.s32 s0, s3;
	s0 =	sld [smem:$0x3FAE]  }
0x30: {  	s3 =	sld [smem:$0x3FB1]  }
0x31: {  	[smem:$0x3FBA] =	sst s10  }
0x32: {  	s10 =	sld [smem:$0x3FB8];
	_ =	sdelay $0x3  }
0x33: {  	p0 =	seq.s32 s10, $0x1;
	s10 =	sld [smem:$0x3FBA];
	_ =	sdelay $0x3  }
0x34: {  	[smem:$0x3FBA] =	sst s10  }
0x35: {  	s10 =	sld [smem:$0x3FB9];
	_ =	sdelay $0x3  }
0x36: {  	p1 =	seq.s32 s10, $0x1;
	s10 =	sld [smem:$0x3FBA];
	_ =	sdelay $0x3  }
0x37: {  	[smem:$0x3FBA] =	sst s10  }
0x38: {  	s10 =	sld [smem:$0x3FBB]  }
0x39: {  	_ = 	snop;
	(pc) =	sbr.ind lr, $3  }
0x3a: {  	_ = 	snop  }
0x3b: {  	_ = 	snop  }
0x3c: {  	p2 =	seq.s32 s10, $0x1;
	s10 =	sld [smem:$0x3FBA]  }
0x3d: {  	_ =	shalt  }
0x3e: {  	_ =	shalt  }
0x3f: {  	_ =	shalt  }
0x40: {  	_ =	shalt  }
0x41: {  	_ =	shalt  }
0x42: {  	_ =	shalt  }
0x43: {  	_ =	shalt  }
0x44: {  	_ =	shalt  }
0x45: {  	_ =	shalt  }
0x46: {  	_ =	shalt  }
0x47: {  	_ =	shalt  }
0x48: {  	_ =	shalt  }
0x49: {  	_ =	shalt  }
0x4a: {  	_ =	shalt  }
0x4b: {  	_ =	shalt  }
0x4c: {  	_ =	shalt  }
0x4d: {  	_ =	shalt  }
0x4e: {  	_ =	shalt  }
0x4f: {  	_ =	shalt  }
0x50: {  	_ =	shalt  }
0x51: {  	_ =	shalt  }
0x52: {  	_ =	shalt  }
0x53: {  	_ =	shalt  }
0x54: {  	_ =	shalt  }
0x55: {  	_ =	shalt  }
0x56: {  	_ =	shalt  }
0x57: {  	_ =	shalt  }
0x58: {  	_ =	shalt  }
0x59: {  	_ =	shalt  }
0x5a: {  	_ =	shalt  }
0x5b: {  	_ =	shalt  }
0x5c: {  	_ =	shalt  }
0x5d: {  	_ =	shalt  }
0x5e: {  	_ =	shalt  }
0x5f: {  	_ =	shalt  }
0x60: {  	_ =	shalt  }
0x61: {  	_ =	shalt  }
0x62: {  	_ =	shalt  }
0x63: {  	_ =	shalt  }
0x64: {  	_ =	shalt  }
0x65: {  	_ =	shalt  }
0x66: {  	_ =	shalt  }
0x67: {  	_ =	shalt  }
0x68: {  	_ =	shalt  }
0x69: {  	_ =	shalt  }
0x6a: {  	_ =	shalt  }
0x6b: {  	_ =	shalt  }
0x6c: {  	_ =	shalt  }
0x6d: {  	_ =	shalt  }
0x6e: {  	_ =	shalt  }
0x6f: {  	_ =	shalt  }
0x70: {  	_ =	shalt  }
0x71: {  	_ =	shalt  }
0x72: {  	_ =	shalt  }
0x73: {  	_ =	shalt  }
0x74: {  	_ =	shalt  }
0x75: {  	_ =	shalt  }
0x76: {  	_ =	shalt  }
0x77: {  	_ =	shalt  }
0x78: {  	_ =	shalt  }
0x79: {  	_ =	shalt  }
0x7a: {  	_ =	shalt  }
0x7b: {  	_ =	shalt  }
0x7c: {  	_ =	shalt  }
0x7d: {  	_ =	shalt  }
0x7e: {  	_ =	shalt  }
0x7f: {  	_ =	shalt  }
0x80: {  	_ =	shalt  }
0x81: {  	_ =	shalt  }
0x82: {  	_ =	shalt  }
0x83: {  	_ =	shalt  }
0x84: {  	_ =	shalt  }
0x85: {  	_ =	shalt  }
0x86: {  	_ =	shalt  }
0x87: {  	_ =	shalt  }
.Lfunc_end0:
.L_simem_size_0:
called_computation_lowered:
.L_overlay_start_0:
0x88: {  	s2 =	sld [smem:$0x3FD9]  }
0x89: {  	s3 =	sld [smem:$0x3FFE];
	_ =	sdelay $0x1  }
0x8a: {  	s1 =	srdreg.scid  }
0x8b: {  	s0 =	sand.u32 $0x1, s1  }
0x8c: {  	s17 =	sshll.u32 s0, $0xA;
	s2 =	sadd.s32 s3, s2  }
0x8d: {  	s2 =	sadd.s32 s2, s17  }
0x8e: {  	[smem:$0x3FC6] =	sst s2  }
0x8f: {  	_ = 	snop  }
0x90: {  	s2 =	sld [smem:$0x3FD0];
	(tm) =	ssettm $0x1  }
0x91: {  	s18 =	sld [smem:$0x3FFB];
	_ =	sdelay $0x3  }
0x92: {  	_ =	strace s18  }
0x93: {  	s3 =	sld [smem:$0x3FFC];
	_ =	sdelay $0x3  }
0x94: {  	_ =	strace s3  }
0x95: {  	s3 =	sld [smem:$0x3FFD];
	_ =	sdelay $0x3  }
0x96: {  	_ =	strace s3  }
0x97: {  	_ =	strace $0x8FFFFFFF  }
0x98: {  	s19 =	sld [smem:$0x3FDB];
	_ =	sdelay $0x1  }
0x99: {  	s4 =	simm.s32 $_scs_section_size  }
0x9a: {  	s5 =	simm.s32 $_size__tile_overlayer_lowered;
	s6 =	simm.s32 $_tile_overlayer_lowered  }
0x9b: {  	s22 =	simm.s32 $0x1BFF;
	s21 =	sshll.u32 s6, $0x1;
	s3 =	sadd.s32 s4, s19  }
0x9c: {  	s7 =	simm.s32 $0x0;
	s20 =	sshll.u32 s5, $0x1;
	s5 =	sadd.s32 s21, s3  }
0x9d: {  	[timem:s7], [sflag:s22] =	dma.local [hbm:s5], s20  }
0x9e: {  	_ =	swait.ge [sflag:s22], s20  }
0x9f: {  	s4 =	ssub.s32 $0x0, s20;
	[sflag:s22] =	ssyncset.done $0x0  }
0xa0: {  	[sflag:s22] =	ssyncadd.s32 s4;
	_ =	sdelay $0x1  }
0xa1: {  	s23 =	simm.s32 $0x1B8B  }
0xa2: {  	_ =	swait.ge [sflag:s23], $0x1  }
0xa3: {  	[sflag:s23] =	ssyncset.done $0x0  }
0xa4: {  	s25 =	simm.s32 $0x1B8E;
	s24 =	sld [smem:$0x3FFE];
	[sflag:s23] =	ssyncadd.s32 $0xFFFFFFFF  }
0xa5: {  	s26 =	simm.s32 $execute0_lowered;
	[smem:$0x3FD2] =	sst s25  }
0xa6: {  	s5 =	sshll.u32 s26, $0x1;
	_ =	strace $0x80000046;
	[dreg:$0x1] =	wrdreg $0xFFFFFFFF  }
0xa7: {  	s28 =	simm.s32 $_size_execute0_lowered;
	s3 =	sadd.s32 s3, s5;
	[dreg:$0x0] =	wrdreg $0x0  }
0xa8: {  	s5 =	sshll.u32 s28, $0x1;
	[dreg:$0x2] =	wrdreg s3  }
0xa9: {  	[dreg:$0x3] =	wrdreg s5  }
0xaa: {  	[dreg:$0x4] =	wrdreg $0xC0  }
0xab: {  	_ =	task [dreg:s7], $0x5FFFF  }
0xac: {  	[dreg:$0x1] =	wrdreg $0xFFFFFFFF  }
0xad: {  	[dreg:$0x0] =	wrdreg $0x60  }
0xae: {  	[dreg:$0x2] =	wrdreg s24  }
0xaf: {  	[dreg:$0x3] =	wrdreg s2  }
0xb0: {  	[dreg:$0x4] =	wrdreg $0x9  }
0xb1: {  	_ =	task.clear_ibuf [dreg:s7], $0x5FFFF;
	_ =	strace $0x90000046  }
0xb2: {  	s29 =	simm.s32 $0x9;
	_ =	strace $0x80000048  }
0xb3: {  	_ =	swait.ge [sflag:s29], $0x1  }
0xb4: {  	[sflag:s29] =	ssyncadd.s32 $0xFFFFFFFF  }
0xb5: {  	_ =	strace $0x90000048  }
0xb6: {  	_ =	sfence  }
0xb7: {  	s30 =	sld [smem:$0x0];
	_ =	sdelay $0x2  }
0xb8: {  	s31 =	sshll.u32 s1, $0xD;
	s1 =	sshrl.u32 s1, $0x2  }
0xb9: {  	s3 =	sand.u32 $0x4000, s31;
	s1 =	sadd.s32 s1, s30  }
0xba: {  	s0 =	sor.u32 s3, s0;
	s1 =	sshll.u32 s1, $0x11  }
0xbb: {  	s0 =	sor.u32 s1, s0  }
0xbc: {  	s0 =	sadd.s32 $0x8F2B, s0  }
0xbd: {  	[sflag:s0] =	ssyncadd.remote.s32 $0x1  }
0xbe: {  	_ =	sfence.sel $0xFFFF  }
0xbf: {  	[dreg:$0x0] =	wrdreg $0xFFFFFFFF;
	(pc) =	sbr.abs _section_cstart, $3  }
0xc0: {  	[dreg:$0x1] =	wrdreg $0xFFFFFFFF  }
0xc1: {  	_ =	task.clear_ibuf [dreg:s7], $0x2FFFF;
	_ =	strace $0x9FFFFFFF  }
0xc2: {  	(tm) =	ssettm $0x7FFFFFFF  }
0xc3: {  	_ =	shalt  }
tec
execute0_lowered:
.L_overlay_start_1:
0x0: {  	(tag) =	ssettag $0x1  }
0x1: {  	v0 =	vlaneseq.u32  }
0x2: {  	v0 =	vmul.u32 $0x88, v0;
	_ =	sdelay $0x1  }
0x3: {  	v1 =	vor.u32 $0x1, v0  }
0x4: {  	[tilespmem:$0x1FC20] =	vst v1;
	v1 =	vadd.s32 $0x881, v0  }
0x5: {  	[tilespmem:$0x1FC30] =	vst v1;
	v1 =	vor.u32 $0x2, v0  }
0x6: {  	[tilespmem:$0x1FC40] =	vst v1;
	v1 =	vadd.s32 $0x882, v0  }
0x7: {  	[tilespmem:$0x1FC50] =	vst v1;
	v1 =	vor.u32 $0x3, v0  }
0x8: {  	[tilespmem:$0x1FC60] =	vst v1;
	v1 =	vadd.s32 $0x883, v0  }
0x9: {  	[tilespmem:$0x1FC70] =	vst v1;
	v1 =	vor.u32 $0x4, v0  }
0xa: {  	[tilespmem:$0x1FC80] =	vst v1;
	v1 =	vadd.s32 $0x884, v0  }
0xb: {  	[tilespmem:$0x1FC90] =	vst v1;
	v1 =	vor.u32 $0x5, v0  }
0xc: {  	[tilespmem:$0x1FCA0] =	vst v1;
	v1 =	vadd.s32 $0x885, v0  }
0xd: {  	[tilespmem:$0x1FCB0] =	vst v1;
	v1 =	vor.u32 $0x6, v0  }
0xe: {  	[tilespmem:$0x1FCC0] =	vst v1;
	v1 =	vadd.s32 $0x886, v0  }
0xf: {  	[tilespmem:$0x1FCD0] =	vst v1;
	v1 =	vor.u32 $0x7, v0  }
0x10: {  	[tilespmem:$0x1FCE0] =	vst v1;
	v1 =	vadd.s32 $0x887, v0  }
0x11: {  	s0 =	srdreg.scid;
	s9 =	stileid.u32;
	[tilespmem:$0x1FCF0] =	vst v1;
	v1 =	vadd.s32 $0x8, v0  }
0x12: {  	s0 =	sand.u32 $0x1, s0;
	s3 =	sshll.u32 s9, $0x1;
	[tilespmem:$0x1FD00] =	vst v1;
	v1 =	vadd.s32 $0x888, v0  }
0x13: {  	s1 =	rddreg [dreg:$0x0];
	s4 =	sor.u32 s0, s3;
	s3 =	simm.s32 $0x0;
	[tilespmem:$0x1FD10] =	vst v1;
	v1 =	vadd.s32 $0x9, v0  }
0x14: {  	[smem:$0x7FF] =	sst s3;
	[tilespmem:$0x1FD20] =	vst v1;
	v1 =	vadd.s32 $0x889, v0  }
0x15: {  	s2 =	rddreg [dreg:$0x1];
	_ =	strace $0x80000047;
	[tilespmem:$0x1FD30] =	vst v1;
	v1 =	vadd.s32 $0xA, v0  }
0x16: {  	[tilespmem:$0x1FD40] =	vst v1;
	v1 =	vadd.s32 $0x88A, v0  }
0x17: {  	[tilespmem:$0x1FD50] =	vst v1;
	v1 =	vadd.s32 $0xB, v0  }
0x18: {  	[tilespmem:$0x1FD60] =	vst v1;
	v1 =	vadd.s32 $0x88B, v0  }
0x19: {  	[tilespmem:$0x1FD70] =	vst v1;
	v1 =	vadd.s32 $0xC, v0  }
0x1a: {  	[tilespmem:$0x1FD80] =	vst v1;
	v1 =	vadd.s32 $0x88C, v0  }
0x1b: {  	[tilespmem:$0x1FD90] =	vst v1;
	v1 =	vadd.s32 $0xD, v0  }
0x1c: {  	[tilespmem:$0x1FDA0] =	vst v1;
	v1 =	vadd.s32 $0x88D, v0  }
0x1d: {  	[tilespmem:$0x1FDB0] =	vst v1;
	v1 =	vadd.s32 $0xE, v0  }
0x1e: {  	[tilespmem:$0x1FDC0] =	vst v1;
	v1 =	vadd.s32 $0x88E, v0  }
0x1f: {  	[tilespmem:$0x1FDD0] =	vst v1;
	v1 =	vadd.s32 $0xF, v0  }
0x20: {  	[tilespmem:$0x1FDE0] =	vst v1;
	v1 =	vadd.s32 $0x88F, v0  }
0x21: {  	[tilespmem:$0x1FDF0] =	vst v1;
	v1 =	vadd.s32 $0x10, v0  }
0x22: {  	[tilespmem:$0x1FE00] =	vst v1;
	v1 =	vadd.s32 $0x890, v0  }
0x23: {  	[tilespmem:$0x1FE10] =	vst v1;
	v1 =	vadd.s32 $0x11, v0  }
0x24: {  	[tilespmem:$0x1FE20] =	vst v1;
	v1 =	vadd.s32 $0x891, v0  }
0x25: {  	[tilespmem:$0x1FE30] =	vst v1;
	v1 =	vadd.s32 $0x12, v0  }
0x26: {  	[tilespmem:$0x1FE40] =	vst v1;
	v1 =	vadd.s32 $0x892, v0  }
0x27: {  	[tilespmem:$0x1FE50] =	vst v1;
	v1 =	vadd.s32 $0x13, v0  }
0x28: {  	[tilespmem:$0x1FE60] =	vst v1;
	v1 =	vadd.s32 $0x893, v0  }
0x29: {  	[tilespmem:$0x1FE70] =	vst v1;
	v1 =	vadd.s32 $0x14, v0  }
0x2a: {  	[tilespmem:$0x1FE80] =	vst v1;
	v1 =	vadd.s32 $0x894, v0  }
0x2b: {  	[tilespmem:$0x1FE90] =	vst v1;
	v1 =	vadd.s32 $0x15, v0  }
0x2c: {  	[tilespmem:$0x1FEA0] =	vst v1;
	v1 =	vadd.s32 $0x895, v0  }
0x2d: {  	[tilespmem:$0x1FEB0] =	vst v1;
	v1 =	vadd.s32 $0x16, v0  }
0x2e: {  	[tilespmem:$0x1FEC0] =	vst v1;
	v1 =	vadd.s32 $0x896, v0  }
0x2f: {  	[tilespmem:$0x1FED0] =	vst v1;
	v1 =	vadd.s32 $0x17, v0  }
0x30: {  	[tilespmem:$0x1FEE0] =	vst v1;
	v1 =	vadd.s32 $0x897, v0  }
0x31: {  	[tilespmem:$0x1FEF0] =	vst v1;
	v1 =	vadd.s32 $0x18, v0  }
0x32: {  	[tilespmem:$0x1FF00] =	vst v1;
	v1 =	vadd.s32 $0x898, v0  }
0x33: {  	[tilespmem:$0x1FF10] =	vst v1;
	v1 =	vadd.s32 $0x19, v0  }
0x34: {  	[tilespmem:$0x1FF20] =	vst v1;
	v1 =	vadd.s32 $0x899, v0  }
0x35: {  	[tilespmem:$0x1FF30] =	vst v1;
	v1 =	vadd.s32 $0x1A, v0  }
0x36: {  	s10 =	simm.s32 $0x80;
	[tilespmem:$0x1FF40] =	vst v1;
	v1 =	vadd.s32 $0x89A, v0  }
0x37: {  	s22 =	simm.s32 $0xC400;
	s28 =	simm.s32 $0xB;
	s7 =	smul.u32 $0xC800, s9;
	[tilespmem:$0x1FF50] =	vst v1;
	v1 =	vadd.s32 $0x1B, v0  }
0x38: {  	s29 =	simm.s32 $0xC;
	s30 =	simm.s32 $0xD;
	s9 =	smul.u32 $0x32000, s9;
	[tilespmem:$0x1FF60] =	vst v1;
	v1 =	vadd.s32 $0x89B, v0  }
0x39: {  	s31 =	simm.s32 $0xE;
	s11 =	simm.s32 $0x0;
	s8 =	smul.u32 $0x6400, s0;
	[tilespmem:$0x1FF70] =	vst v1;
	v1 =	vadd.s32 $0x1C, v0  }
0x3a: {  	s24 =	sadd.s32 $0x4000, s2;
	s6 =	ssub.s32 $0x2, s0;
	s0 =	smul.u32 $0x19000, s0;
	[tilespmem:$0x1FF80] =	vst v1;
	v1 =	vadd.s32 $0x89C, v0  }
0x3b: {  	s25 =	sadd.s32 $0x8000, s2;
	s26 =	sadd.s32 $0xC000, s2;
	s4 =	smul.u32 $0xC80, s4;
	[tilespmem:$0x1FF90] =	vst v1;
	v1 =	vadd.s32 $0x1D, v0  }
0x3c: {  	s23 =	sshrl.u32 s6, $0x1;
	s14 =	sadd.s32 s8, s7;
	s13 =	sadd.s32 s0, s9;
	[tilespmem:$0x1FFA0] =	vst v1;
	v1 =	vadd.s32 $0x89D, v0  }
0x3d: {  	s9 =	simm.s32 $0x11;
	s0 =	simm.s32 $0x10;
	s5 =	sadd.s32 s4, s1;
	[tilespmem:$0x1FFB0] =	vst v1;
	v1 =	vadd.s32 $0x1E, v0  }
0x3e: {  	s4 =	sadd.s32 $0xF42A00, s1;
	s1 =	ssub.s32 s6, s23;
	[dreg:$0x3] =	wrdreg s24;
	[tilespmem:$0x1FFC0] =	vst v1;
	v1 =	vadd.s32 $0x89E, v0  }
0x3f: {  	s23 =	simm.s32 $0xD400;
	s5 =	sadd.s32 $0x600, s5;
	[dreg:$0x4] =	wrdreg s25;
	[tilespmem:$0x1FFD0] =	vst v1;
	v1 =	vadd.s32 $0x1F, v0  }
0x40: {  	s6 =	smax.u32 s1, $0x1;
	s1 =	simm.s32 $0xF;
	[dreg:$0x5] =	wrdreg s26;
	[tilespmem:$0x1FFE0] =	vst v1;
	v1 =	vadd.s32 $0x89F, v0  }
0x41: {  	v6 =	vadd.s32 $0x880, v0;
	s24 =	simm.s32 $0xE400;
	s25 =	simm.s32 $0x9;
	s26 =	simm.s32 $0xA;
	[tilespmem:$0x1FFF0] =	vst v1  }
.LBB2_1:
0x42: {  	[tilespmem:s3], [sflag:$0x11] =	stream.linear.gather [hbm4b:s5+s3], $0x6400, $0x38;
	[tilespmem:$0x16C00] =	vst v63  }
0x43: {  	_ =	swait.ge [sflag:s9], $0x6400  }
0x44: {  	v12 =	vld [tilespmem:$0x1FC70]  }
0x45: {  	v13 =	vld [tilespmem:$0x1FC80]  }
0x46: {  	v14 =	vld [tilespmem:$0x1FC90]  }
0x47: {  	v15 =	vld [tilespmem:$0x1FCA0]  }
0x48: {  	v16 =	vld [tilespmem:$0x1FCB0]  }
0x49: {  	v17 =	vld [tilespmem:$0x1FCC0]  }
0x4a: {  	v18 =	vld [tilespmem:$0x1FCD0]  }
0x4b: {  	v19 =	vld [tilespmem:$0x1FCE0]  }
0x4c: {  	v20 =	vld [tilespmem:$0x1FCF0]  }
0x4d: {  	v21 =	vld [tilespmem:$0x1FD00]  }
0x4e: {  	v22 =	vld [tilespmem:$0x1FD10]  }
0x4f: {  	v23 =	vld [tilespmem:$0x1FD20]  }
0x50: {  	v24 =	vld [tilespmem:$0x1FD30]  }
0x51: {  	v25 =	vld [tilespmem:$0x1FD40]  }
0x52: {  	v26 =	vld [tilespmem:$0x1FD50]  }
0x53: {  	v27 =	vld [tilespmem:$0x1FD60]  }
0x54: {  	v28 =	vld [tilespmem:$0x1FD70]  }
0x55: {  	v29 =	vld [tilespmem:$0x1FD80]  }
0x56: {  	v30 =	vld [tilespmem:$0x1FD90]  }
0x57: {  	v31 =	vld [tilespmem:$0x1FDA0]  }
0x58: {  	v32 =	vld [tilespmem:$0x1FDB0]  }
0x59: {  	v33 =	vld [tilespmem:$0x1FDC0]  }
0x5a: {  	v34 =	vld [tilespmem:$0x1FDD0]  }
0x5b: {  	v35 =	vld [tilespmem:$0x1FDE0]  }
0x5c: {  	v36 =	vld [tilespmem:$0x1FDF0]  }
0x5d: {  	v37 =	vld [tilespmem:$0x1FE00]  }
0x5e: {  	v38 =	vld [tilespmem:$0x1FE10]  }
0x5f: {  	v39 =	vld [tilespmem:$0x1FE20]  }
0x60: {  	v40 =	vld [tilespmem:$0x1FE30]  }
0x61: {  	v41 =	vld [tilespmem:$0x1FE40]  }
0x62: {  	v42 =	vld [tilespmem:$0x1FE50]  }
0x63: {  	v43 =	vld [tilespmem:$0x1FE60]  }
0x64: {  	v44 =	vld [tilespmem:$0x1FE70]  }
0x65: {  	v45 =	vld [tilespmem:$0x1FE80]  }
0x66: {  	v46 =	vld [tilespmem:$0x1FE90]  }
0x67: {  	v47 =	vld [tilespmem:$0x1FEA0]  }
0x68: {  	v48 =	vld [tilespmem:$0x1FEB0]  }
0x69: {  	v49 =	vld [tilespmem:$0x1FEC0]  }
0x6a: {  	v50 =	vld [tilespmem:$0x1FED0]  }
0x6b: {  	v51 =	vld [tilespmem:$0x1FEE0]  }
0x6c: {  	[sflag:s9] =	ssyncset.done $0x0;
	v52 =	vld [tilespmem:$0x1FEF0]  }
0x6d: {  	s7 =	simm.s32 $0x6400;
	v53 =	vld [tilespmem:$0x1FF00];
	[sflag:s9] =	ssyncadd.s32 $0xFFFF9C00  }
0x6e: {  	v54 =	vld [tilespmem:$0x1FF10];
	[tilespmem:s7], [sflag:$0x1] =	stream.indirect.gather [hbm4b:s4+s10], $0x20, s3, s10, $0xb8  }
0x6f: {  	s8 =	simm.s32 $0x7400;
	v55 =	vld [tilespmem:$0x1FF20]  }
0x70: {  	v56 =	vld [tilespmem:$0x1FF30];
	[tilespmem:s8], [sflag:$0x2] =	stream.indirect.gather [hbm4b:s4+s10], $0x20, s10, s10, $0xb8  }
0x71: {  	s12 =	simm.s32 $0x100;
	v57 =	vld [tilespmem:$0x1FF40];
	s8 =	simm.s32 $0x8400  }
0x72: {  	v58 =	vld [tilespmem:$0x1FF50];
	[tilespmem:s8], [sflag:$0x3] =	stream.indirect.gather [hbm4b:s4+s10], $0x20, s12, s10, $0xb8  }
0x73: {  	s15 =	simm.s32 $0x180;
	s16 =	simm.s32 $0x9400;
	v59 =	vld [tilespmem:$0x1FF60]  }
0x74: {  	v60 =	vld [tilespmem:$0x1FF70];
	[tilespmem:s16], [sflag:$0x4] =	stream.indirect.gather [hbm4b:s4+s10], $0x20, s15, s10, $0xb8  }
0x75: {  	s17 =	simm.s32 $0x200;
	s18 =	simm.s32 $0xA400;
	v61 =	vld [tilespmem:$0x1FF80]  }
0x76: {  	v62 =	vld [tilespmem:$0x1FF90];
	[tilespmem:s18], [sflag:$0x5] =	stream.indirect.gather [hbm4b:s4+s10], $0x20, s17, s10, $0xb8  }
0x77: {  	s19 =	simm.s32 $0x280;
	s20 =	simm.s32 $0xB400;
	v63 =	vld [tilespmem:$0x1FFA0]  }
0x78: {  	v7 =	vld [tilespmem:$0x1FFB0];
	[tilespmem:s20], [sflag:$0x6] =	stream.indirect.gather [hbm4b:s4+s10], $0x20, s19, s10, $0xb8  }
0x79: {  	s21 =	simm.s32 $0x300;
	v8 =	vld [tilespmem:$0x1FFC0];
	s7 =	smov.u32 s14  }
0x7a: {  	v9 =	vld [tilespmem:$0x1FFD0];
	[tilespmem:s22], [sflag:$0x7] =	stream.indirect.gather [hbm4b:s4+s10], $0x20, s21, s10, $0xb8  }
0x7b: {  	v10 =	vld [tilespmem:$0x1FFE0];
	s12 =	simm.s32 $0x380;
	s8 =	smov.u32 s13;
	s17 =	simm.s32 $0xFFFFFFFF  }
0x7c: {  	v11 =	vld [tilespmem:$0x1FFF0];
	[tilespmem:s23], [sflag:$0x8] =	stream.indirect.gather [hbm4b:s4+s10], $0x20, s12, s10, $0xb8  }
.LBB2_2:
0x7d: {  	s15 =	sadd.s32 $0x1, s17  }
0x7e: {  	s16 =	sand.u32 $0x7, s15  }
0x7f: {  	p0 =	sgt.u32 s17, $0xBF;
	s18 =	sadd.s32 $0x1, s16  }
0x80: {  	s17 =	sadd.s32 @!p0 $0x8, s17;
	_ =	swait.ge [sflag:s18], $0x1000  }
0x81: {  	s17 =	sand.u32 @!p0 $0x7, s17;
	[sflag:s18] =	ssyncset.done $0x0  }
0x82: {  	[sflag:s18] =	ssyncadd.s32 $0xFFFFF000;
	s18 =	sadd.s32 @!p0 $0x9, s17  }
0x83: {  	_ =	swait.ge @!p0 [sflag:s18], $0x400  }
0x84: {  	[sflag:s18] =	ssyncset.done @!p0 $0x0  }
0x85: {  	[sflag:s18] =	ssyncadd.s32 @!p0 $0xFFFFFC00  }
0x86: {  	_ =	swait.ge @!p0 [sflag:s18], $0x400  }
0x87: {  	[sflag:s18] =	ssyncset.done @!p0 $0x0  }
0x88: {  	[sflag:s18] =	ssyncadd.s32 @!p0 $0xFFFFFC00  }
0x89: {  	_ =	swait.ge @!p0 [sflag:s18], $0x400  }
0x8a: {  	[sflag:s18] =	ssyncset.done @!p0 $0x0  }
0x8b: {  	s19 =	sshll.u32 s16, $0x5;
	[sflag:s18] =	ssyncadd.s32 @!p0 $0xFFFFFC00  }
0x8c: {  	v1 =	vmov s19;
	_ =	swait.ge @!p0 [sflag:s18], $0x400  }
0x8d: {  	v1 =	vmul.u32 $0x88, v1;
	[sflag:s18] =	ssyncset.done @!p0 $0x0  }
0x8e: {  	s20 =	sshll.u32 s16, $0xC;
	[sflag:s18] =	ssyncadd.s32 @!p0 $0xFFFFFC00;
	s18 =	sshll.u32 @!p0 s17, $0xC  }
0x8f: {  	s19 =	simm.s32 @!p0 $0x80;
	v1 =	vbroadcast v1, $0x0;
	s17 =	sadd.s32 @!p0 $0x1, s17;
	s18 =	sadd.s32 @!p0 $0x6400, s18  }
0x90: {  	[tilespmem:s18], [sflag:s17] =	stream.indirect.gather @!p0 [hbm4b:s4+s19], $0x20, s12, s19, $0xb8;
	[tilespmem:$0x16C00] =	vst v63  }
0x91: {  	v3 =	vadd.s32 v0, v1;
	v2 =	vld [tilespmem:s20+$0x6400];
	_ =	sdelay $0x3  }
0x92: {  	v5 =	vadd.s32 v6, v1;
	v4 =	vld [tilespmem:s20+$0x6410]  }
0x93: {  	[tilespmem:v3+s24+$0x0] =	vst.idx.msk $0xffff, v2;
	v3 =	vld [tilespmem:$0x1FC20];
	_ =	sdelay $0x3  }
0x94: {  	[tilespmem:v5+s24+$0x0] =	vst.idx.msk $0xffff, v4;
	v5 =	vld [tilespmem:$0x1FC30]  }
0x95: {  	v2 =	vld [tilespmem:s20+$0x6420];
	v3 =	vadd.s32 v3, v1;
	_ =	sdelay $0x3  }
0x96: {  	v4 =	vld [tilespmem:s20+$0x6430];
	v5 =	vadd.s32 v5, v1  }
0x97: {  	[tilespmem:v3+s24+$0x0] =	vst.idx.msk $0xffff, v2;
	v3 =	vld [tilespmem:$0x1FC40];
	_ =	sdelay $0x3  }
0x98: {  	[tilespmem:v5+s24+$0x0] =	vst.idx.msk $0xffff, v4;
	v5 =	vld [tilespmem:$0x1FC50]  }
0x99: {  	v2 =	vld [tilespmem:s20+$0x6440];
	v3 =	vadd.s32 v3, v1;
	_ =	sdelay $0x3  }
0x9a: {  	v4 =	vld [tilespmem:s20+$0x6450];
	v5 =	vadd.s32 v5, v1  }
0x9b: {  	[tilespmem:v3+s24+$0x0] =	vst.idx.msk $0xffff, v2;
	v3 =	vld [tilespmem:$0x1FC60];
	_ =	sdelay $0x3  }
0x9c: {  	[tilespmem:v5+s24+$0x0] =	vst.idx.msk $0xffff, v4  }
0x9d: {  	v2 =	vld [tilespmem:s20+$0x6460];
	v3 =	vadd.s32 v3, v1  }
0x9e: {  	v5 =	vadd.s32 v12, v1;
	v4 =	vld [tilespmem:s20+$0x6470];
	_ =	sdelay $0x3  }
0x9f: {  	[tilespmem:v3+s24+$0x0] =	vst.idx.msk $0xffff, v2  }
0xa0: {  	[tilespmem:v5+s24+$0x0] =	vst.idx.msk $0xffff, v4  }
0xa1: {  	v3 =	vadd.s32 v13, v1;
	v2 =	vld [tilespmem:s20+$0x6480]  }
0xa2: {  	v5 =	vadd.s32 v14, v1;
	v4 =	vld [tilespmem:s20+$0x6490];
	_ =	sdelay $0x3  }
0xa3: {  	[tilespmem:v3+s24+$0x0] =	vst.idx.msk $0xffff, v2  }
0xa4: {  	[tilespmem:v5+s24+$0x0] =	vst.idx.msk $0xffff, v4  }
0xa5: {  	v3 =	vadd.s32 v15, v1;
	v2 =	vld [tilespmem:s20+$0x64A0]  }
0xa6: {  	v5 =	vadd.s32 v16, v1;
	v4 =	vld [tilespmem:s20+$0x64B0];
	_ =	sdelay $0x3  }
0xa7: {  	[tilespmem:v3+s24+$0x0] =	vst.idx.msk $0xffff, v2  }
0xa8: {  	[tilespmem:v5+s24+$0x0] =	vst.idx.msk $0xffff, v4  }
0xa9: {  	v3 =	vadd.s32 v17, v1;
	v2 =	vld [tilespmem:s20+$0x64C0]  }
0xaa: {  	v5 =	vadd.s32 v18, v1;
	v4 =	vld [tilespmem:s20+$0x64D0];
	_ =	sdelay $0x3  }
0xab: {  	[tilespmem:v3+s24+$0x0] =	vst.idx.msk $0xffff, v2  }
0xac: {  	[tilespmem:v5+s24+$0x0] =	vst.idx.msk $0xffff, v4  }
0xad: {  	v3 =	vadd.s32 v19, v1;
	v2 =	vld [tilespmem:s20+$0x64E0]  }
0xae: {  	v5 =	vadd.s32 v20, v1;
	v4 =	vld [tilespmem:s20+$0x64F0];
	_ =	sdelay $0x3  }
0xaf: {  	[tilespmem:v3+s24+$0x0] =	vst.idx.msk $0xffff, v2  }
0xb0: {  	[tilespmem:v5+s24+$0x0] =	vst.idx.msk $0xffff, v4  }
0xb1: {  	v3 =	vadd.s32 v21, v1;
	v2 =	vld [tilespmem:s20+$0x6500]  }
0xb2: {  	v5 =	vadd.s32 v22, v1;
	v4 =	vld [tilespmem:s20+$0x6510];
	_ =	sdelay $0x3  }
0xb3: {  	[tilespmem:v3+s24+$0x0] =	vst.idx.msk $0xffff, v2  }
0xb4: {  	[tilespmem:v5+s24+$0x0] =	vst.idx.msk $0xffff, v4  }
0xb5: {  	v3 =	vadd.s32 v23, v1;
	v2 =	vld [tilespmem:s20+$0x6520]  }
0xb6: {  	v5 =	vadd.s32 v24, v1;
	v4 =	vld [tilespmem:s20+$0x6530];
	_ =	sdelay $0x3  }
0xb7: {  	[tilespmem:v3+s24+$0x0] =	vst.idx.msk $0xffff, v2  }
0xb8: {  	[tilespmem:v5+s24+$0x0] =	vst.idx.msk $0xffff, v4  }
0xb9: {  	v3 =	vadd.s32 v25, v1;
	v2 =	vld [tilespmem:s20+$0x6540]  }
0xba: {  	v5 =	vadd.s32 v26, v1;
	v4 =	vld [tilespmem:s20+$0x6550];
	_ =	sdelay $0x3  }
0xbb: {  	[tilespmem:v3+s24+$0x0] =	vst.idx.msk $0xffff, v2  }
0xbc: {  	[tilespmem:v5+s24+$0x0] =	vst.idx.msk $0xffff, v4  }
0xbd: {  	v3 =	vadd.s32 v27, v1;
	v2 =	vld [tilespmem:s20+$0x6560]  }
0xbe: {  	v5 =	vadd.s32 v28, v1;
	v4 =	vld [tilespmem:s20+$0x6570];
	_ =	sdelay $0x3  }
0xbf: {  	[tilespmem:v3+s24+$0x0] =	vst.idx.msk $0xffff, v2  }
0xc0: {  	[tilespmem:v5+s24+$0x0] =	vst.idx.msk $0xffff, v4  }
0xc1: {  	v3 =	vadd.s32 v29, v1;
	v2 =	vld [tilespmem:s20+$0x6580]  }
0xc2: {  	v5 =	vadd.s32 v30, v1;
	v4 =	vld [tilespmem:s20+$0x6590];
	_ =	sdelay $0x3  }
0xc3: {  	[tilespmem:v3+s24+$0x0] =	vst.idx.msk $0xffff, v2  }
0xc4: {  	[tilespmem:v5+s24+$0x0] =	vst.idx.msk $0xffff, v4  }
0xc5: {  	v3 =	vadd.s32 v31, v1;
	v2 =	vld [tilespmem:s20+$0x65A0]  }
0xc6: {  	v5 =	vadd.s32 v32, v1;
	v4 =	vld [tilespmem:s20+$0x65B0];
	_ =	sdelay $0x3  }
0xc7: {  	[tilespmem:v3+s24+$0x0] =	vst.idx.msk $0xffff, v2  }
0xc8: {  	[tilespmem:v5+s24+$0x0] =	vst.idx.msk $0xffff, v4  }
0xc9: {  	v3 =	vadd.s32 v33, v1;
	v2 =	vld [tilespmem:s20+$0x65C0]  }
0xca: {  	v5 =	vadd.s32 v34, v1;
	v4 =	vld [tilespmem:s20+$0x65D0];
	_ =	sdelay $0x3  }
0xcb: {  	[tilespmem:v3+s24+$0x0] =	vst.idx.msk $0xffff, v2  }
0xcc: {  	[tilespmem:v5+s24+$0x0] =	vst.idx.msk $0xffff, v4  }
0xcd: {  	v3 =	vadd.s32 v35, v1;
	v2 =	vld [tilespmem:s20+$0x65E0]  }
0xce: {  	v5 =	vadd.s32 v36, v1;
	v4 =	vld [tilespmem:s20+$0x65F0];
	_ =	sdelay $0x3  }
0xcf: {  	[tilespmem:v3+s24+$0x0] =	vst.idx.msk $0xffff, v2  }
0xd0: {  	[tilespmem:v5+s24+$0x0] =	vst.idx.msk $0xffff, v4  }
0xd1: {  	v3 =	vadd.s32 v37, v1;
	v2 =	vld [tilespmem:s20+$0x6600]  }
0xd2: {  	v5 =	vadd.s32 v38, v1;
	v4 =	vld [tilespmem:s20+$0x6610];
	_ =	sdelay $0x3  }
0xd3: {  	[tilespmem:v3+s24+$0x0] =	vst.idx.msk $0xffff, v2  }
0xd4: {  	[tilespmem:v5+s24+$0x0] =	vst.idx.msk $0xffff, v4  }
0xd5: {  	v3 =	vadd.s32 v39, v1;
	v2 =	vld [tilespmem:s20+$0x6620]  }
0xd6: {  	v5 =	vadd.s32 v40, v1;
	v4 =	vld [tilespmem:s20+$0x6630];
	_ =	sdelay $0x3  }
0xd7: {  	[tilespmem:v3+s24+$0x0] =	vst.idx.msk $0xffff, v2  }
0xd8: {  	[tilespmem:v5+s24+$0x0] =	vst.idx.msk $0xffff, v4  }
0xd9: {  	v3 =	vadd.s32 v41, v1;
	v2 =	vld [tilespmem:s20+$0x6640]  }
0xda: {  	v5 =	vadd.s32 v42, v1;
	v4 =	vld [tilespmem:s20+$0x6650];
	_ =	sdelay $0x3  }
0xdb: {  	[tilespmem:v3+s24+$0x0] =	vst.idx.msk $0xffff, v2  }
0xdc: {  	[tilespmem:v5+s24+$0x0] =	vst.idx.msk $0xffff, v4  }
0xdd: {  	v3 =	vadd.s32 v43, v1;
	v2 =	vld [tilespmem:s20+$0x6660]  }
0xde: {  	v5 =	vadd.s32 v44, v1;
	v4 =	vld [tilespmem:s20+$0x6670];
	_ =	sdelay $0x3  }
0xdf: {  	[tilespmem:v3+s24+$0x0] =	vst.idx.msk $0xffff, v2  }
0xe0: {  	[tilespmem:v5+s24+$0x0] =	vst.idx.msk $0xffff, v4  }
0xe1: {  	v3 =	vadd.s32 v45, v1;
	v2 =	vld [tilespmem:s20+$0x6680]  }
0xe2: {  	v5 =	vadd.s32 v46, v1;
	v4 =	vld [tilespmem:s20+$0x6690];
	_ =	sdelay $0x3  }
0xe3: {  	[tilespmem:v3+s24+$0x0] =	vst.idx.msk $0xffff, v2  }
0xe4: {  	[tilespmem:v5+s24+$0x0] =	vst.idx.msk $0xffff, v4  }
0xe5: {  	v3 =	vadd.s32 v47, v1;
	v2 =	vld [tilespmem:s20+$0x66A0]  }
0xe6: {  	v5 =	vadd.s32 v48, v1;
	v4 =	vld [tilespmem:s20+$0x66B0];
	_ =	sdelay $0x3  }
0xe7: {  	[tilespmem:v3+s24+$0x0] =	vst.idx.msk $0xffff, v2  }
0xe8: {  	[tilespmem:v5+s24+$0x0] =	vst.idx.msk $0xffff, v4  }
0xe9: {  	v3 =	vadd.s32 v49, v1;
	v2 =	vld [tilespmem:s20+$0x66C0]  }
0xea: {  	v5 =	vadd.s32 v50, v1;
	v4 =	vld [tilespmem:s20+$0x66D0];
	_ =	sdelay $0x3  }
0xeb: {  	[tilespmem:v3+s24+$0x0] =	vst.idx.msk $0xffff, v2  }
0xec: {  	[tilespmem:v5+s24+$0x0] =	vst.idx.msk $0xffff, v4  }
0xed: {  	v3 =	vadd.s32 v51, v1;
	v2 =	vld [tilespmem:s20+$0x66E0]  }
0xee: {  	v5 =	vadd.s32 v52, v1;
	v4 =	vld [tilespmem:s20+$0x66F0];
	_ =	sdelay $0x3  }
0xef: {  	[tilespmem:v3+s24+$0x0] =	vst.idx.msk $0xffff, v2  }
0xf0: {  	[tilespmem:v5+s24+$0x0] =	vst.idx.msk $0xffff, v4  }
0xf1: {  	v3 =	vadd.s32 v53, v1;
	v2 =	vld [tilespmem:s20+$0x6700]  }
0xf2: {  	v5 =	vadd.s32 v54, v1;
	v4 =	vld [tilespmem:s20+$0x6710];
	_ =	sdelay $0x3  }
0xf3: {  	[tilespmem:v3+s24+$0x0] =	vst.idx.msk $0xffff, v2  }
0xf4: {  	[tilespmem:v5+s24+$0x0] =	vst.idx.msk $0xffff, v4  }
0xf5: {  	v3 =	vadd.s32 v55, v1;
	v2 =	vld [tilespmem:s20+$0x6720]  }
0xf6: {  	v5 =	vadd.s32 v56, v1;
	v4 =	vld [tilespmem:s20+$0x6730];
	_ =	sdelay $0x3  }
0xf7: {  	[tilespmem:v3+s24+$0x0] =	vst.idx.msk $0xffff, v2  }
0xf8: {  	[tilespmem:v5+s24+$0x0] =	vst.idx.msk $0xffff, v4  }
0xf9: {  	v3 =	vadd.s32 v57, v1;
	v2 =	vld [tilespmem:s20+$0x6740]  }
0xfa: {  	v5 =	vadd.s32 v58, v1;
	v4 =	vld [tilespmem:s20+$0x6750];
	_ =	sdelay $0x3  }
0xfb: {  	[tilespmem:v3+s24+$0x0] =	vst.idx.msk $0xffff, v2  }
0xfc: {  	[tilespmem:v5+s24+$0x0] =	vst.idx.msk $0xffff, v4  }
0xfd: {  	v3 =	vadd.s32 v59, v1;
	v2 =	vld [tilespmem:s20+$0x6760]  }
0xfe: {  	v5 =	vadd.s32 v60, v1;
	v4 =	vld [tilespmem:s20+$0x6770];
	_ =	sdelay $0x3  }
0xff: {  	[tilespmem:v3+s24+$0x0] =	vst.idx.msk $0xffff, v2  }
0x100: {  	[tilespmem:v5+s24+$0x0] =	vst.idx.msk $0xffff, v4  }
0x101: {  	v3 =	vadd.s32 v61, v1;
	v2 =	vld [tilespmem:s20+$0x6780]  }
0x102: {  	v5 =	vadd.s32 v62, v1;
	v4 =	vld [tilespmem:s20+$0x6790];
	_ =	sdelay $0x3  }
0x103: {  	[tilespmem:v3+s24+$0x0] =	vst.idx.msk $0xffff, v2  }
0x104: {  	[tilespmem:v5+s24+$0x0] =	vst.idx.msk $0xffff, v4  }
0x105: {  	v3 =	vadd.s32 v63, v1;
	v2 =	vld [tilespmem:s20+$0x67A0]  }
0x106: {  	v5 =	vadd.s32 v7, v1;
	v4 =	vld [tilespmem:s20+$0x67B0];
	_ =	sdelay $0x3  }
0x107: {  	[tilespmem:v3+s24+$0x0] =	vst.idx.msk $0xffff, v2  }
0x108: {  	[tilespmem:v5+s24+$0x0] =	vst.idx.msk $0xffff, v4  }
0x109: {  	v3 =	vadd.s32 v8, v1;
	v2 =	vld [tilespmem:s20+$0x67C0]  }
0x10a: {  	v5 =	vadd.s32 v9, v1;
	v4 =	vld [tilespmem:s20+$0x67D0];
	_ =	sdelay $0x3  }
0x10b: {  	[tilespmem:v3+s24+$0x0] =	vst.idx.msk $0xffff, v2  }
0x10c: {  	[tilespmem:v5+s24+$0x0] =	vst.idx.msk $0xffff, v4  }
0x10d: {  	v3 =	vadd.s32 v10, v1;
	v2 =	vld [tilespmem:s20+$0x67E0]  }
0x10e: {  	v5 =	vadd.s32 v11, v1;
	v4 =	vld [tilespmem:s20+$0x67F0];
	_ =	sdelay $0x3  }
0x10f: {  	[tilespmem:v3+s24+$0x0] =	vst.idx.msk $0xffff, v2  }
0x110: {  	v2 =	vadd.s32 $0x20, v0;
	[tilespmem:v5+s24+$0x0] =	vst.idx.msk $0xffff, v4  }
0x111: {  	v2 =	vadd.s32 v2, v1;
	v4 =	vadd.s32 $0x8A0, v0;
	v3 =	vld [tilespmem:s20+$0x6800]  }
0x112: {  	v5 =	vld [tilespmem:s20+$0x6810];
	v4 =	vadd.s32 v4, v1;
	_ =	sdelay $0x3  }
0x113: {  	[tilespmem:v2+s24+$0x0] =	vst.idx.msk $0xffff, v3  }
0x114: {  	v2 =	vadd.s32 $0x21, v0;
	[tilespmem:v4+s24+$0x0] =	vst.idx.msk $0xffff, v5  }
0x115: {  	v2 =	vadd.s32 v2, v1;
	v4 =	vadd.s32 $0x8A1, v0;
	v3 =	vld [tilespmem:s20+$0x6820]  }
0x116: {  	v5 =	vld [tilespmem:s20+$0x6830];
	v4 =	vadd.s32 v4, v1;
	_ =	sdelay $0x3  }
0x117: {  	[tilespmem:v2+s24+$0x0] =	vst.idx.msk $0xffff, v3  }
0x118: {  	v2 =	vadd.s32 $0x22, v0;
	[tilespmem:v4+s24+$0x0] =	vst.idx.msk $0xffff, v5  }
0x119: {  	v2 =	vadd.s32 v2, v1;
	v4 =	vadd.s32 $0x8A2, v0;
	v3 =	vld [tilespmem:s20+$0x6840]  }
0x11a: {  	v5 =	vld [tilespmem:s20+$0x6850];
	v4 =	vadd.s32 v4, v1;
	_ =	sdelay $0x3  }
0x11b: {  	[tilespmem:v2+s24+$0x0] =	vst.idx.msk $0xffff, v3  }
0x11c: {  	v2 =	vadd.s32 $0x23, v0;
	[tilespmem:v4+s24+$0x0] =	vst.idx.msk $0xffff, v5  }
0x11d: {  	v2 =	vadd.s32 v2, v1;
	v4 =	vadd.s32 $0x8A3, v0;
	v3 =	vld [tilespmem:s20+$0x6860]  }
0x11e: {  	v5 =	vld [tilespmem:s20+$0x6870];
	v4 =	vadd.s32 v4, v1;
	_ =	sdelay $0x3  }
0x11f: {  	[tilespmem:v2+s24+$0x0] =	vst.idx.msk $0xffff, v3  }
0x120: {  	v2 =	vadd.s32 $0x24, v0;
	[tilespmem:v4+s24+$0x0] =	vst.idx.msk $0xffff, v5  }
0x121: {  	v2 =	vadd.s32 v2, v1;
	v4 =	vadd.s32 $0x8A4, v0;
	v3 =	vld [tilespmem:s20+$0x6880]  }
0x122: {  	v5 =	vld [tilespmem:s20+$0x6890];
	v4 =	vadd.s32 v4, v1;
	_ =	sdelay $0x3  }
0x123: {  	[tilespmem:v2+s24+$0x0] =	vst.idx.msk $0xffff, v3  }
0x124: {  	v2 =	vadd.s32 $0x25, v0;
	[tilespmem:v4+s24+$0x0] =	vst.idx.msk $0xffff, v5  }
0x125: {  	v2 =	vadd.s32 v2, v1;
	v4 =	vadd.s32 $0x8A5, v0;
	v3 =	vld [tilespmem:s20+$0x68A0]  }
0x126: {  	v5 =	vld [tilespmem:s20+$0x68B0];
	v4 =	vadd.s32 v4, v1;
	_ =	sdelay $0x3  }
0x127: {  	[tilespmem:v2+s24+$0x0] =	vst.idx.msk $0xffff, v3  }
0x128: {  	v2 =	vadd.s32 $0x26, v0;
	[tilespmem:v4+s24+$0x0] =	vst.idx.msk $0xffff, v5  }
0x129: {  	v2 =	vadd.s32 v2, v1;
	v4 =	vadd.s32 $0x8A6, v0;
	v3 =	vld [tilespmem:s20+$0x68C0]  }
0x12a: {  	v5 =	vld [tilespmem:s20+$0x68D0];
	v4 =	vadd.s32 v4, v1;
	_ =	sdelay $0x3  }
0x12b: {  	[tilespmem:v2+s24+$0x0] =	vst.idx.msk $0xffff, v3  }
0x12c: {  	v2 =	vadd.s32 $0x27, v0;
	[tilespmem:v4+s24+$0x0] =	vst.idx.msk $0xffff, v5  }
0x12d: {  	v2 =	vadd.s32 v2, v1;
	v4 =	vadd.s32 $0x8A7, v0;
	v3 =	vld [tilespmem:s20+$0x68E0]  }
0x12e: {  	v5 =	vld [tilespmem:s20+$0x68F0];
	v4 =	vadd.s32 v4, v1;
	_ =	sdelay $0x3  }
0x12f: {  	[tilespmem:v2+s24+$0x0] =	vst.idx.msk $0xffff, v3  }
0x130: {  	v2 =	vadd.s32 $0x28, v0;
	[tilespmem:v4+s24+$0x0] =	vst.idx.msk $0xffff, v5  }
0x131: {  	v2 =	vadd.s32 v2, v1;
	v4 =	vadd.s32 $0x8A8, v0;
	v3 =	vld [tilespmem:s20+$0x6900]  }
0x132: {  	v5 =	vld [tilespmem:s20+$0x6910];
	v4 =	vadd.s32 v4, v1;
	_ =	sdelay $0x3  }
0x133: {  	[tilespmem:v2+s24+$0x0] =	vst.idx.msk $0xffff, v3  }
0x134: {  	v2 =	vadd.s32 $0x29, v0;
	[tilespmem:v4+s24+$0x0] =	vst.idx.msk $0xffff, v5  }
0x135: {  	v2 =	vadd.s32 v2, v1;
	v4 =	vadd.s32 $0x8A9, v0;
	v3 =	vld [tilespmem:s20+$0x6920]  }
0x136: {  	v5 =	vld [tilespmem:s20+$0x6930];
	v4 =	vadd.s32 v4, v1;
	_ =	sdelay $0x3  }
0x137: {  	[tilespmem:v2+s24+$0x0] =	vst.idx.msk $0xffff, v3  }
0x138: {  	v2 =	vadd.s32 $0x2A, v0;
	[tilespmem:v4+s24+$0x0] =	vst.idx.msk $0xffff, v5  }
0x139: {  	v2 =	vadd.s32 v2, v1;
	v4 =	vadd.s32 $0x8AA, v0;
	v3 =	vld [tilespmem:s20+$0x6940]  }
0x13a: {  	v5 =	vld [tilespmem:s20+$0x6950];
	v4 =	vadd.s32 v4, v1;
	_ =	sdelay $0x3  }
0x13b: {  	[tilespmem:v2+s24+$0x0] =	vst.idx.msk $0xffff, v3  }
0x13c: {  	v2 =	vadd.s32 $0x2B, v0;
	[tilespmem:v4+s24+$0x0] =	vst.idx.msk $0xffff, v5  }
0x13d: {  	v2 =	vadd.s32 v2, v1;
	v4 =	vadd.s32 $0x8AB, v0;
	v3 =	vld [tilespmem:s20+$0x6960]  }
0x13e: {  	v5 =	vld [tilespmem:s20+$0x6970];
	v4 =	vadd.s32 v4, v1;
	_ =	sdelay $0x3  }
0x13f: {  	[tilespmem:v2+s24+$0x0] =	vst.idx.msk $0xffff, v3  }
0x140: {  	v2 =	vadd.s32 $0x2C, v0;
	[tilespmem:v4+s24+$0x0] =	vst.idx.msk $0xffff, v5  }
0x141: {  	v2 =	vadd.s32 v2, v1;
	v4 =	vadd.s32 $0x8AC, v0;
	v3 =	vld [tilespmem:s20+$0x6980]  }
0x142: {  	v5 =	vld [tilespmem:s20+$0x6990];
	v4 =	vadd.s32 v4, v1;
	_ =	sdelay $0x3  }
0x143: {  	[tilespmem:v2+s24+$0x0] =	vst.idx.msk $0xffff, v3  }
0x144: {  	v2 =	vadd.s32 $0x2D, v0;
	[tilespmem:v4+s24+$0x0] =	vst.idx.msk $0xffff, v5  }
0x145: {  	v2 =	vadd.s32 v2, v1;
	v4 =	vadd.s32 $0x8AD, v0;
	v3 =	vld [tilespmem:s20+$0x69A0]  }
0x146: {  	v5 =	vld [tilespmem:s20+$0x69B0];
	v4 =	vadd.s32 v4, v1;
	_ =	sdelay $0x3  }
0x147: {  	[tilespmem:v2+s24+$0x0] =	vst.idx.msk $0xffff, v3  }
0x148: {  	v2 =	vadd.s32 $0x2E, v0;
	[tilespmem:v4+s24+$0x0] =	vst.idx.msk $0xffff, v5  }
0x149: {  	v2 =	vadd.s32 v2, v1;
	v4 =	vadd.s32 $0x8AE, v0;
	v3 =	vld [tilespmem:s20+$0x69C0]  }
0x14a: {  	v5 =	vld [tilespmem:s20+$0x69D0];
	v4 =	vadd.s32 v4, v1;
	_ =	sdelay $0x3  }
0x14b: {  	[tilespmem:v2+s24+$0x0] =	vst.idx.msk $0xffff, v3  }
0x14c: {  	v2 =	vadd.s32 $0x2F, v0;
	[tilespmem:v4+s24+$0x0] =	vst.idx.msk $0xffff, v5  }
0x14d: {  	v2 =	vadd.s32 v2, v1;
	v4 =	vadd.s32 $0x8AF, v0;
	v3 =	vld [tilespmem:s20+$0x69E0]  }
0x14e: {  	v5 =	vld [tilespmem:s20+$0x69F0];
	v4 =	vadd.s32 v4, v1;
	_ =	sdelay $0x3  }
0x14f: {  	[tilespmem:v2+s24+$0x0] =	vst.idx.msk $0xffff, v3  }
0x150: {  	v2 =	vadd.s32 $0x30, v0;
	[tilespmem:v4+s24+$0x0] =	vst.idx.msk $0xffff, v5  }
0x151: {  	v2 =	vadd.s32 v2, v1;
	v4 =	vadd.s32 $0x8B0, v0;
	v3 =	vld [tilespmem:s20+$0x6A00]  }
0x152: {  	v5 =	vld [tilespmem:s20+$0x6A10];
	v4 =	vadd.s32 v4, v1;
	_ =	sdelay $0x3  }
0x153: {  	[tilespmem:v2+s24+$0x0] =	vst.idx.msk $0xffff, v3  }
0x154: {  	v2 =	vadd.s32 $0x31, v0;
	[tilespmem:v4+s24+$0x0] =	vst.idx.msk $0xffff, v5  }
0x155: {  	v2 =	vadd.s32 v2, v1;
	v4 =	vadd.s32 $0x8B1, v0;
	v3 =	vld [tilespmem:s20+$0x6A20]  }
0x156: {  	v5 =	vld [tilespmem:s20+$0x6A30];
	v4 =	vadd.s32 v4, v1;
	_ =	sdelay $0x3  }
0x157: {  	[tilespmem:v2+s24+$0x0] =	vst.idx.msk $0xffff, v3  }
0x158: {  	v2 =	vadd.s32 $0x32, v0;
	[tilespmem:v4+s24+$0x0] =	vst.idx.msk $0xffff, v5  }
0x159: {  	v2 =	vadd.s32 v2, v1;
	v4 =	vadd.s32 $0x8B2, v0;
	v3 =	vld [tilespmem:s20+$0x6A40]  }
0x15a: {  	v5 =	vld [tilespmem:s20+$0x6A50];
	v4 =	vadd.s32 v4, v1;
	_ =	sdelay $0x3  }
0x15b: {  	[tilespmem:v2+s24+$0x0] =	vst.idx.msk $0xffff, v3  }
0x15c: {  	v2 =	vadd.s32 $0x33, v0;
	[tilespmem:v4+s24+$0x0] =	vst.idx.msk $0xffff, v5  }
0x15d: {  	v2 =	vadd.s32 v2, v1;
	v4 =	vadd.s32 $0x8B3, v0;
	v3 =	vld [tilespmem:s20+$0x6A60]  }
0x15e: {  	v5 =	vld [tilespmem:s20+$0x6A70];
	v4 =	vadd.s32 v4, v1;
	_ =	sdelay $0x3  }
0x15f: {  	[tilespmem:v2+s24+$0x0] =	vst.idx.msk $0xffff, v3  }
0x160: {  	v2 =	vadd.s32 $0x34, v0;
	[tilespmem:v4+s24+$0x0] =	vst.idx.msk $0xffff, v5  }
0x161: {  	v2 =	vadd.s32 v2, v1;
	v4 =	vadd.s32 $0x8B4, v0;
	v3 =	vld [tilespmem:s20+$0x6A80]  }
0x162: {  	v5 =	vld [tilespmem:s20+$0x6A90];
	v4 =	vadd.s32 v4, v1;
	_ =	sdelay $0x3  }
0x163: {  	[tilespmem:v2+s24+$0x0] =	vst.idx.msk $0xffff, v3  }
0x164: {  	v2 =	vadd.s32 $0x35, v0;
	[tilespmem:v4+s24+$0x0] =	vst.idx.msk $0xffff, v5  }
0x165: {  	v2 =	vadd.s32 v2, v1;
	v4 =	vadd.s32 $0x8B5, v0;
	v3 =	vld [tilespmem:s20+$0x6AA0]  }
0x166: {  	v5 =	vld [tilespmem:s20+$0x6AB0];
	v4 =	vadd.s32 v4, v1;
	_ =	sdelay $0x3  }
0x167: {  	[tilespmem:v2+s24+$0x0] =	vst.idx.msk $0xffff, v3  }
0x168: {  	v2 =	vadd.s32 $0x36, v0;
	[tilespmem:v4+s24+$0x0] =	vst.idx.msk $0xffff, v5  }
0x169: {  	v2 =	vadd.s32 v2, v1;
	v4 =	vadd.s32 $0x8B6, v0;
	v3 =	vld [tilespmem:s20+$0x6AC0]  }
0x16a: {  	v5 =	vld [tilespmem:s20+$0x6AD0];
	v4 =	vadd.s32 v4, v1;
	_ =	sdelay $0x3  }
0x16b: {  	[tilespmem:v2+s24+$0x0] =	vst.idx.msk $0xffff, v3  }
0x16c: {  	v2 =	vadd.s32 $0x37, v0;
	[tilespmem:v4+s24+$0x0] =	vst.idx.msk $0xffff, v5  }
0x16d: {  	v2 =	vadd.s32 v2, v1;
	v4 =	vadd.s32 $0x8B7, v0;
	v3 =	vld [tilespmem:s20+$0x6AE0]  }
0x16e: {  	v5 =	vld [tilespmem:s20+$0x6AF0];
	v4 =	vadd.s32 v4, v1;
	_ =	sdelay $0x3  }
0x16f: {  	[tilespmem:v2+s24+$0x0] =	vst.idx.msk $0xffff, v3  }
0x170: {  	v2 =	vadd.s32 $0x38, v0;
	[tilespmem:v4+s24+$0x0] =	vst.idx.msk $0xffff, v5  }
0x171: {  	v2 =	vadd.s32 v2, v1;
	v4 =	vadd.s32 $0x8B8, v0;
	v3 =	vld [tilespmem:s20+$0x6B00]  }
0x172: {  	v5 =	vld [tilespmem:s20+$0x6B10];
	v4 =	vadd.s32 v4, v1;
	_ =	sdelay $0x3  }
0x173: {  	[tilespmem:v2+s24+$0x0] =	vst.idx.msk $0xffff, v3  }
0x174: {  	v2 =	vadd.s32 $0x39, v0;
	[tilespmem:v4+s24+$0x0] =	vst.idx.msk $0xffff, v5  }
0x175: {  	v2 =	vadd.s32 v2, v1;
	v4 =	vadd.s32 $0x8B9, v0;
	v3 =	vld [tilespmem:s20+$0x6B20]  }
0x176: {  	v5 =	vld [tilespmem:s20+$0x6B30];
	v4 =	vadd.s32 v4, v1;
	_ =	sdelay $0x3  }
0x177: {  	[tilespmem:v2+s24+$0x0] =	vst.idx.msk $0xffff, v3  }
0x178: {  	v2 =	vadd.s32 $0x3A, v0;
	[tilespmem:v4+s24+$0x0] =	vst.idx.msk $0xffff, v5  }
0x179: {  	v2 =	vadd.s32 v2, v1;
	v4 =	vadd.s32 $0x8BA, v0;
	v3 =	vld [tilespmem:s20+$0x6B40]  }
0x17a: {  	v5 =	vld [tilespmem:s20+$0x6B50];
	v4 =	vadd.s32 v4, v1;
	_ =	sdelay $0x3  }
0x17b: {  	[tilespmem:v2+s24+$0x0] =	vst.idx.msk $0xffff, v3  }
0x17c: {  	v2 =	vadd.s32 $0x3B, v0;
	[tilespmem:v4+s24+$0x0] =	vst.idx.msk $0xffff, v5  }
0x17d: {  	v2 =	vadd.s32 v2, v1;
	v4 =	vadd.s32 $0x8BB, v0;
	v3 =	vld [tilespmem:s20+$0x6B60]  }
0x17e: {  	v5 =	vld [tilespmem:s20+$0x6B70];
	v4 =	vadd.s32 v4, v1;
	_ =	sdelay $0x3  }
0x17f: {  	[tilespmem:v2+s24+$0x0] =	vst.idx.msk $0xffff, v3  }
0x180: {  	v2 =	vadd.s32 $0x3C, v0;
	[tilespmem:v4+s24+$0x0] =	vst.idx.msk $0xffff, v5  }
0x181: {  	v2 =	vadd.s32 v2, v1;
	v4 =	vadd.s32 $0x8BC, v0;
	v3 =	vld [tilespmem:s20+$0x6B80]  }
0x182: {  	v5 =	vld [tilespmem:s20+$0x6B90];
	v4 =	vadd.s32 v4, v1;
	_ =	sdelay $0x3  }
0x183: {  	[tilespmem:v2+s24+$0x0] =	vst.idx.msk $0xffff, v3  }
0x184: {  	v2 =	vadd.s32 $0x3D, v0;
	[tilespmem:v4+s24+$0x0] =	vst.idx.msk $0xffff, v5  }
0x185: {  	v2 =	vadd.s32 v2, v1;
	v4 =	vadd.s32 $0x8BD, v0;
	v3 =	vld [tilespmem:s20+$0x6BA0]  }
0x186: {  	v5 =	vld [tilespmem:s20+$0x6BB0];
	v4 =	vadd.s32 v4, v1;
	_ =	sdelay $0x3  }
0x187: {  	[tilespmem:v2+s24+$0x0] =	vst.idx.msk $0xffff, v3  }
0x188: {  	v2 =	vadd.s32 $0x3E, v0;
	[tilespmem:v4+s24+$0x0] =	vst.idx.msk $0xffff, v5  }
0x189: {  	v2 =	vadd.s32 v2, v1;
	v4 =	vadd.s32 $0x8BE, v0;
	v3 =	vld [tilespmem:s20+$0x6BC0]  }
0x18a: {  	v5 =	vld [tilespmem:s20+$0x6BD0];
	v4 =	vadd.s32 v4, v1;
	_ =	sdelay $0x3  }
0x18b: {  	[tilespmem:v2+s24+$0x0] =	vst.idx.msk $0xffff, v3  }
0x18c: {  	v2 =	vadd.s32 $0x3F, v0;
	[tilespmem:v4+s24+$0x0] =	vst.idx.msk $0xffff, v5  }
0x18d: {  	v2 =	vadd.s32 v2, v1;
	v4 =	vadd.s32 $0x8BF, v0;
	v3 =	vld [tilespmem:s20+$0x6BE0]  }
0x18e: {  	v5 =	vld [tilespmem:s20+$0x6BF0];
	v4 =	vadd.s32 v4, v1;
	_ =	sdelay $0x3  }
0x18f: {  	[tilespmem:v2+s24+$0x0] =	vst.idx.msk $0xffff, v3  }
0x190: {  	v2 =	vadd.s32 $0x40, v0;
	[tilespmem:v4+s24+$0x0] =	vst.idx.msk $0xffff, v5  }
0x191: {  	v2 =	vadd.s32 v2, v1;
	v4 =	vadd.s32 $0x8C0, v0;
	v3 =	vld [tilespmem:s20+$0x6C00]  }
0x192: {  	v5 =	vld [tilespmem:s20+$0x6C10];
	v4 =	vadd.s32 v4, v1;
	_ =	sdelay $0x3  }
0x193: {  	[tilespmem:v2+s24+$0x0] =	vst.idx.msk $0xffff, v3  }
0x194: {  	v2 =	vadd.s32 $0x41, v0;
	[tilespmem:v4+s24+$0x0] =	vst.idx.msk $0xffff, v5  }
0x195: {  	v2 =	vadd.s32 v2, v1;
	v4 =	vadd.s32 $0x8C1, v0;
	v3 =	vld [tilespmem:s20+$0x6C20]  }
0x196: {  	v5 =	vld [tilespmem:s20+$0x6C30];
	v4 =	vadd.s32 v4, v1;
	_ =	sdelay $0x3  }
0x197: {  	[tilespmem:v2+s24+$0x0] =	vst.idx.msk $0xffff, v3  }
0x198: {  	v2 =	vadd.s32 $0x42, v0;
	[tilespmem:v4+s24+$0x0] =	vst.idx.msk $0xffff, v5  }
0x199: {  	v2 =	vadd.s32 v2, v1;
	v4 =	vadd.s32 $0x8C2, v0;
	v3 =	vld [tilespmem:s20+$0x6C40]  }
0x19a: {  	v5 =	vld [tilespmem:s20+$0x6C50];
	v4 =	vadd.s32 v4, v1;
	_ =	sdelay $0x3  }
0x19b: {  	[tilespmem:v2+s24+$0x0] =	vst.idx.msk $0xffff, v3  }
0x19c: {  	v2 =	vadd.s32 $0x43, v0;
	[tilespmem:v4+s24+$0x0] =	vst.idx.msk $0xffff, v5  }
0x19d: {  	v2 =	vadd.s32 v2, v1;
	v4 =	vadd.s32 $0x8C3, v0;
	v3 =	vld [tilespmem:s20+$0x6C60]  }
0x19e: {  	v5 =	vld [tilespmem:s20+$0x6C70];
	v4 =	vadd.s32 v4, v1;
	_ =	sdelay $0x3  }
0x19f: {  	[tilespmem:v2+s24+$0x0] =	vst.idx.msk $0xffff, v3  }
0x1a0: {  	v2 =	vadd.s32 $0x44, v0;
	[tilespmem:v4+s24+$0x0] =	vst.idx.msk $0xffff, v5  }
0x1a1: {  	v2 =	vadd.s32 v2, v1;
	v4 =	vadd.s32 $0x8C4, v0;
	v3 =	vld [tilespmem:s20+$0x6C80]  }
0x1a2: {  	v5 =	vld [tilespmem:s20+$0x6C90];
	v4 =	vadd.s32 v4, v1;
	_ =	sdelay $0x3  }
0x1a3: {  	[tilespmem:v2+s24+$0x0] =	vst.idx.msk $0xffff, v3  }
0x1a4: {  	v2 =	vadd.s32 $0x45, v0;
	[tilespmem:v4+s24+$0x0] =	vst.idx.msk $0xffff, v5  }
0x1a5: {  	v2 =	vadd.s32 v2, v1;
	v4 =	vadd.s32 $0x8C5, v0;
	v3 =	vld [tilespmem:s20+$0x6CA0]  }
0x1a6: {  	v5 =	vld [tilespmem:s20+$0x6CB0];
	v4 =	vadd.s32 v4, v1;
	_ =	sdelay $0x3  }
0x1a7: {  	[tilespmem:v2+s24+$0x0] =	vst.idx.msk $0xffff, v3  }
0x1a8: {  	v2 =	vadd.s32 $0x46, v0;
	[tilespmem:v4+s24+$0x0] =	vst.idx.msk $0xffff, v5  }
0x1a9: {  	v2 =	vadd.s32 v2, v1;
	v4 =	vadd.s32 $0x8C6, v0;
	v3 =	vld [tilespmem:s20+$0x6CC0]  }
0x1aa: {  	v5 =	vld [tilespmem:s20+$0x6CD0];
	v4 =	vadd.s32 v4, v1;
	_ =	sdelay $0x3  }
0x1ab: {  	[tilespmem:v2+s24+$0x0] =	vst.idx.msk $0xffff, v3  }
0x1ac: {  	v2 =	vadd.s32 $0x47, v0;
	[tilespmem:v4+s24+$0x0] =	vst.idx.msk $0xffff, v5  }
0x1ad: {  	v2 =	vadd.s32 v2, v1;
	v4 =	vadd.s32 $0x8C7, v0;
	v3 =	vld [tilespmem:s20+$0x6CE0]  }
0x1ae: {  	v5 =	vld [tilespmem:s20+$0x6CF0];
	v4 =	vadd.s32 v4, v1;
	_ =	sdelay $0x3  }
0x1af: {  	[tilespmem:v2+s24+$0x0] =	vst.idx.msk $0xffff, v3  }
0x1b0: {  	v2 =	vadd.s32 $0x48, v0;
	[tilespmem:v4+s24+$0x0] =	vst.idx.msk $0xffff, v5  }
0x1b1: {  	v2 =	vadd.s32 v2, v1;
	v4 =	vadd.s32 $0x8C8, v0;
	v3 =	vld [tilespmem:s20+$0x6D00]  }
0x1b2: {  	v5 =	vld [tilespmem:s20+$0x6D10];
	v4 =	vadd.s32 v4, v1;
	_ =	sdelay $0x3  }
0x1b3: {  	[tilespmem:v2+s24+$0x0] =	vst.idx.msk $0xffff, v3  }
0x1b4: {  	v2 =	vadd.s32 $0x49, v0;
	[tilespmem:v4+s24+$0x0] =	vst.idx.msk $0xffff, v5  }
0x1b5: {  	v2 =	vadd.s32 v2, v1;
	v4 =	vadd.s32 $0x8C9, v0;
	v3 =	vld [tilespmem:s20+$0x6D20]  }
0x1b6: {  	v5 =	vld [tilespmem:s20+$0x6D30];
	v4 =	vadd.s32 v4, v1;
	_ =	sdelay $0x3  }
0x1b7: {  	[tilespmem:v2+s24+$0x0] =	vst.idx.msk $0xffff, v3  }
0x1b8: {  	v2 =	vadd.s32 $0x4A, v0;
	[tilespmem:v4+s24+$0x0] =	vst.idx.msk $0xffff, v5  }
0x1b9: {  	v2 =	vadd.s32 v2, v1;
	v4 =	vadd.s32 $0x8CA, v0;
	v3 =	vld [tilespmem:s20+$0x6D40]  }
0x1ba: {  	v5 =	vld [tilespmem:s20+$0x6D50];
	v4 =	vadd.s32 v4, v1;
	_ =	sdelay $0x3  }
0x1bb: {  	[tilespmem:v2+s24+$0x0] =	vst.idx.msk $0xffff, v3  }
0x1bc: {  	v2 =	vadd.s32 $0x4B, v0;
	[tilespmem:v4+s24+$0x0] =	vst.idx.msk $0xffff, v5  }
0x1bd: {  	v2 =	vadd.s32 v2, v1;
	v4 =	vadd.s32 $0x8CB, v0;
	v3 =	vld [tilespmem:s20+$0x6D60]  }
0x1be: {  	v5 =	vld [tilespmem:s20+$0x6D70];
	v4 =	vadd.s32 v4, v1;
	_ =	sdelay $0x3  }
0x1bf: {  	[tilespmem:v2+s24+$0x0] =	vst.idx.msk $0xffff, v3  }
0x1c0: {  	v2 =	vadd.s32 $0x4C, v0;
	[tilespmem:v4+s24+$0x0] =	vst.idx.msk $0xffff, v5  }
0x1c1: {  	v2 =	vadd.s32 v2, v1;
	v4 =	vadd.s32 $0x8CC, v0;
	v3 =	vld [tilespmem:s20+$0x6D80]  }
0x1c2: {  	v5 =	vld [tilespmem:s20+$0x6D90];
	v4 =	vadd.s32 v4, v1;
	_ =	sdelay $0x3  }
0x1c3: {  	[tilespmem:v2+s24+$0x0] =	vst.idx.msk $0xffff, v3  }
0x1c4: {  	v2 =	vadd.s32 $0x4D, v0;
	[tilespmem:v4+s24+$0x0] =	vst.idx.msk $0xffff, v5  }
0x1c5: {  	v2 =	vadd.s32 v2, v1;
	v4 =	vadd.s32 $0x8CD, v0;
	v3 =	vld [tilespmem:s20+$0x6DA0]  }
0x1c6: {  	v5 =	vld [tilespmem:s20+$0x6DB0];
	v4 =	vadd.s32 v4, v1;
	_ =	sdelay $0x3  }
0x1c7: {  	[tilespmem:v2+s24+$0x0] =	vst.idx.msk $0xffff, v3  }
0x1c8: {  	v2 =	vadd.s32 $0x4E, v0;
	[tilespmem:v4+s24+$0x0] =	vst.idx.msk $0xffff, v5  }
0x1c9: {  	v2 =	vadd.s32 v2, v1;
	v4 =	vadd.s32 $0x8CE, v0;
	v3 =	vld [tilespmem:s20+$0x6DC0]  }
0x1ca: {  	v5 =	vld [tilespmem:s20+$0x6DD0];
	v4 =	vadd.s32 v4, v1;
	_ =	sdelay $0x3  }
0x1cb: {  	[tilespmem:v2+s24+$0x0] =	vst.idx.msk $0xffff, v3  }
0x1cc: {  	v2 =	vadd.s32 $0x4F, v0;
	[tilespmem:v4+s24+$0x0] =	vst.idx.msk $0xffff, v5  }
0x1cd: {  	v2 =	vadd.s32 v2, v1;
	v4 =	vadd.s32 $0x8CF, v0;
	v3 =	vld [tilespmem:s20+$0x6DE0]  }
0x1ce: {  	v5 =	vld [tilespmem:s20+$0x6DF0];
	v4 =	vadd.s32 v4, v1;
	_ =	sdelay $0x3  }
0x1cf: {  	[tilespmem:v2+s24+$0x0] =	vst.idx.msk $0xffff, v3  }
0x1d0: {  	v2 =	vadd.s32 $0x50, v0;
	[tilespmem:v4+s24+$0x0] =	vst.idx.msk $0xffff, v5  }
0x1d1: {  	v2 =	vadd.s32 v2, v1;
	v4 =	vadd.s32 $0x8D0, v0;
	v3 =	vld [tilespmem:s20+$0x6E00]  }
0x1d2: {  	v5 =	vld [tilespmem:s20+$0x6E10];
	v4 =	vadd.s32 v4, v1;
	_ =	sdelay $0x3  }
0x1d3: {  	[tilespmem:v2+s24+$0x0] =	vst.idx.msk $0xffff, v3  }
0x1d4: {  	v2 =	vadd.s32 $0x51, v0;
	[tilespmem:v4+s24+$0x0] =	vst.idx.msk $0xffff, v5  }
0x1d5: {  	v2 =	vadd.s32 v2, v1;
	v4 =	vadd.s32 $0x8D1, v0;
	v3 =	vld [tilespmem:s20+$0x6E20]  }
0x1d6: {  	v5 =	vld [tilespmem:s20+$0x6E30];
	v4 =	vadd.s32 v4, v1;
	_ =	sdelay $0x3  }
0x1d7: {  	[tilespmem:v2+s24+$0x0] =	vst.idx.msk $0xffff, v3  }
0x1d8: {  	v2 =	vadd.s32 $0x52, v0;
	[tilespmem:v4+s24+$0x0] =	vst.idx.msk $0xffff, v5  }
0x1d9: {  	v2 =	vadd.s32 v2, v1;
	v4 =	vadd.s32 $0x8D2, v0;
	v3 =	vld [tilespmem:s20+$0x6E40]  }
0x1da: {  	v5 =	vld [tilespmem:s20+$0x6E50];
	v4 =	vadd.s32 v4, v1;
	_ =	sdelay $0x3  }
0x1db: {  	[tilespmem:v2+s24+$0x0] =	vst.idx.msk $0xffff, v3  }
0x1dc: {  	v2 =	vadd.s32 $0x53, v0;
	[tilespmem:v4+s24+$0x0] =	vst.idx.msk $0xffff, v5  }
0x1dd: {  	v2 =	vadd.s32 v2, v1;
	v4 =	vadd.s32 $0x8D3, v0;
	v3 =	vld [tilespmem:s20+$0x6E60]  }
0x1de: {  	v5 =	vld [tilespmem:s20+$0x6E70];
	v4 =	vadd.s32 v4, v1;
	_ =	sdelay $0x3  }
0x1df: {  	[tilespmem:v2+s24+$0x0] =	vst.idx.msk $0xffff, v3  }
0x1e0: {  	v2 =	vadd.s32 $0x54, v0;
	[tilespmem:v4+s24+$0x0] =	vst.idx.msk $0xffff, v5  }
0x1e1: {  	v2 =	vadd.s32 v2, v1;
	v4 =	vadd.s32 $0x8D4, v0;
	v3 =	vld [tilespmem:s20+$0x6E80]  }
0x1e2: {  	v5 =	vld [tilespmem:s20+$0x6E90];
	v4 =	vadd.s32 v4, v1;
	_ =	sdelay $0x3  }
0x1e3: {  	[tilespmem:v2+s24+$0x0] =	vst.idx.msk $0xffff, v3  }
0x1e4: {  	v2 =	vadd.s32 $0x55, v0;
	[tilespmem:v4+s24+$0x0] =	vst.idx.msk $0xffff, v5  }
0x1e5: {  	v2 =	vadd.s32 v2, v1;
	v4 =	vadd.s32 $0x8D5, v0;
	v3 =	vld [tilespmem:s20+$0x6EA0]  }
0x1e6: {  	v5 =	vld [tilespmem:s20+$0x6EB0];
	v4 =	vadd.s32 v4, v1;
	_ =	sdelay $0x3  }
0x1e7: {  	[tilespmem:v2+s24+$0x0] =	vst.idx.msk $0xffff, v3  }
0x1e8: {  	v2 =	vadd.s32 $0x56, v0;
	[tilespmem:v4+s24+$0x0] =	vst.idx.msk $0xffff, v5  }
0x1e9: {  	v2 =	vadd.s32 v2, v1;
	v4 =	vadd.s32 $0x8D6, v0;
	v3 =	vld [tilespmem:s20+$0x6EC0]  }
0x1ea: {  	v5 =	vld [tilespmem:s20+$0x6ED0];
	v4 =	vadd.s32 v4, v1;
	_ =	sdelay $0x3  }
0x1eb: {  	[tilespmem:v2+s24+$0x0] =	vst.idx.msk $0xffff, v3  }
0x1ec: {  	v2 =	vadd.s32 $0x57, v0;
	[tilespmem:v4+s24+$0x0] =	vst.idx.msk $0xffff, v5  }
0x1ed: {  	v2 =	vadd.s32 v2, v1;
	v4 =	vadd.s32 $0x8D7, v0;
	v3 =	vld [tilespmem:s20+$0x6EE0]  }
0x1ee: {  	v5 =	vld [tilespmem:s20+$0x6EF0];
	v4 =	vadd.s32 v4, v1;
	_ =	sdelay $0x3  }
0x1ef: {  	[tilespmem:v2+s24+$0x0] =	vst.idx.msk $0xffff, v3  }
0x1f0: {  	v2 =	vadd.s32 $0x58, v0;
	[tilespmem:v4+s24+$0x0] =	vst.idx.msk $0xffff, v5  }
0x1f1: {  	v2 =	vadd.s32 v2, v1;
	v4 =	vadd.s32 $0x8D8, v0;
	v3 =	vld [tilespmem:s20+$0x6F00]  }
0x1f2: {  	v5 =	vld [tilespmem:s20+$0x6F10];
	v4 =	vadd.s32 v4, v1;
	_ =	sdelay $0x3  }
0x1f3: {  	[tilespmem:v2+s24+$0x0] =	vst.idx.msk $0xffff, v3  }
0x1f4: {  	v2 =	vadd.s32 $0x59, v0;
	[tilespmem:v4+s24+$0x0] =	vst.idx.msk $0xffff, v5  }
0x1f5: {  	v2 =	vadd.s32 v2, v1;
	v4 =	vadd.s32 $0x8D9, v0;
	v3 =	vld [tilespmem:s20+$0x6F20]  }
0x1f6: {  	v5 =	vld [tilespmem:s20+$0x6F30];
	v4 =	vadd.s32 v4, v1;
	_ =	sdelay $0x3  }
0x1f7: {  	[tilespmem:v2+s24+$0x0] =	vst.idx.msk $0xffff, v3  }
0x1f8: {  	v2 =	vadd.s32 $0x5A, v0;
	[tilespmem:v4+s24+$0x0] =	vst.idx.msk $0xffff, v5  }
0x1f9: {  	v2 =	vadd.s32 v2, v1;
	v4 =	vadd.s32 $0x8DA, v0;
	v3 =	vld [tilespmem:s20+$0x6F40]  }
0x1fa: {  	v5 =	vld [tilespmem:s20+$0x6F50];
	v4 =	vadd.s32 v4, v1;
	_ =	sdelay $0x3  }
0x1fb: {  	[tilespmem:v2+s24+$0x0] =	vst.idx.msk $0xffff, v3  }
0x1fc: {  	v2 =	vadd.s32 $0x5B, v0;
	[tilespmem:v4+s24+$0x0] =	vst.idx.msk $0xffff, v5  }
0x1fd: {  	v2 =	vadd.s32 v2, v1;
	v4 =	vadd.s32 $0x8DB, v0;
	v3 =	vld [tilespmem:s20+$0x6F60]  }
0x1fe: {  	v5 =	vld [tilespmem:s20+$0x6F70];
	v4 =	vadd.s32 v4, v1;
	_ =	sdelay $0x3  }
0x1ff: {  	[tilespmem:v2+s24+$0x0] =	vst.idx.msk $0xffff, v3  }
0x200: {  	v2 =	vadd.s32 $0x5C, v0;
	[tilespmem:v4+s24+$0x0] =	vst.idx.msk $0xffff, v5  }
0x201: {  	v2 =	vadd.s32 v2, v1;
	v4 =	vadd.s32 $0x8DC, v0;
	v3 =	vld [tilespmem:s20+$0x6F80]  }
0x202: {  	v5 =	vld [tilespmem:s20+$0x6F90];
	v4 =	vadd.s32 v4, v1;
	_ =	sdelay $0x3  }
0x203: {  	[tilespmem:v2+s24+$0x0] =	vst.idx.msk $0xffff, v3  }
0x204: {  	v2 =	vadd.s32 $0x5D, v0;
	[tilespmem:v4+s24+$0x0] =	vst.idx.msk $0xffff, v5  }
0x205: {  	v2 =	vadd.s32 v2, v1;
	v4 =	vadd.s32 $0x8DD, v0;
	v3 =	vld [tilespmem:s20+$0x6FA0]  }
0x206: {  	v5 =	vld [tilespmem:s20+$0x6FB0];
	v4 =	vadd.s32 v4, v1;
	_ =	sdelay $0x3  }
0x207: {  	[tilespmem:v2+s24+$0x0] =	vst.idx.msk $0xffff, v3  }
0x208: {  	v2 =	vadd.s32 $0x5E, v0;
	[tilespmem:v4+s24+$0x0] =	vst.idx.msk $0xffff, v5  }
0x209: {  	v2 =	vadd.s32 v2, v1;
	v4 =	vadd.s32 $0x8DE, v0;
	v3 =	vld [tilespmem:s20+$0x6FC0]  }
0x20a: {  	v5 =	vld [tilespmem:s20+$0x6FD0];
	v4 =	vadd.s32 v4, v1;
	_ =	sdelay $0x3  }
0x20b: {  	[tilespmem:v2+s24+$0x0] =	vst.idx.msk $0xffff, v3  }
0x20c: {  	v2 =	vadd.s32 $0x5F, v0;
	[tilespmem:v4+s24+$0x0] =	vst.idx.msk $0xffff, v5  }
0x20d: {  	v2 =	vadd.s32 v2, v1;
	v4 =	vadd.s32 $0x8DF, v0;
	v3 =	vld [tilespmem:s20+$0x6FE0]  }
0x20e: {  	v5 =	vld [tilespmem:s20+$0x6FF0];
	v4 =	vadd.s32 v4, v1;
	_ =	sdelay $0x3  }
0x20f: {  	[tilespmem:v2+s24+$0x0] =	vst.idx.msk $0xffff, v3  }
0x210: {  	v2 =	vadd.s32 $0x60, v0;
	[tilespmem:v4+s24+$0x0] =	vst.idx.msk $0xffff, v5  }
0x211: {  	v2 =	vadd.s32 v2, v1;
	v4 =	vadd.s32 $0x8E0, v0;
	v3 =	vld [tilespmem:s20+$0x7000]  }
0x212: {  	v5 =	vld [tilespmem:s20+$0x7010];
	v4 =	vadd.s32 v4, v1;
	_ =	sdelay $0x3  }
0x213: {  	[tilespmem:v2+s24+$0x0] =	vst.idx.msk $0xffff, v3  }
0x214: {  	v2 =	vadd.s32 $0x61, v0;
	[tilespmem:v4+s24+$0x0] =	vst.idx.msk $0xffff, v5  }
0x215: {  	v2 =	vadd.s32 v2, v1;
	v4 =	vadd.s32 $0x8E1, v0;
	v3 =	vld [tilespmem:s20+$0x7020]  }
0x216: {  	v5 =	vld [tilespmem:s20+$0x7030];
	v4 =	vadd.s32 v4, v1;
	_ =	sdelay $0x3  }
0x217: {  	[tilespmem:v2+s24+$0x0] =	vst.idx.msk $0xffff, v3  }
0x218: {  	v2 =	vadd.s32 $0x62, v0;
	[tilespmem:v4+s24+$0x0] =	vst.idx.msk $0xffff, v5  }
0x219: {  	v2 =	vadd.s32 v2, v1;
	v4 =	vadd.s32 $0x8E2, v0;
	v3 =	vld [tilespmem:s20+$0x7040]  }
0x21a: {  	v5 =	vld [tilespmem:s20+$0x7050];
	v4 =	vadd.s32 v4, v1;
	_ =	sdelay $0x3  }
0x21b: {  	[tilespmem:v2+s24+$0x0] =	vst.idx.msk $0xffff, v3  }
0x21c: {  	v2 =	vadd.s32 $0x63, v0;
	[tilespmem:v4+s24+$0x0] =	vst.idx.msk $0xffff, v5  }
0x21d: {  	v2 =	vadd.s32 v2, v1;
	v4 =	vadd.s32 $0x8E3, v0;
	v3 =	vld [tilespmem:s20+$0x7060]  }
0x21e: {  	v5 =	vld [tilespmem:s20+$0x7070];
	v4 =	vadd.s32 v4, v1;
	_ =	sdelay $0x3  }
0x21f: {  	[tilespmem:v2+s24+$0x0] =	vst.idx.msk $0xffff, v3  }
0x220: {  	v2 =	vadd.s32 $0x64, v0;
	[tilespmem:v4+s24+$0x0] =	vst.idx.msk $0xffff, v5  }
0x221: {  	v2 =	vadd.s32 v2, v1;
	v4 =	vadd.s32 $0x8E4, v0;
	v3 =	vld [tilespmem:s20+$0x7080]  }
0x222: {  	v5 =	vld [tilespmem:s20+$0x7090];
	v4 =	vadd.s32 v4, v1;
	_ =	sdelay $0x3  }
0x223: {  	[tilespmem:v2+s24+$0x0] =	vst.idx.msk $0xffff, v3  }
0x224: {  	v2 =	vadd.s32 $0x65, v0;
	[tilespmem:v4+s24+$0x0] =	vst.idx.msk $0xffff, v5  }
0x225: {  	v2 =	vadd.s32 v2, v1;
	v4 =	vadd.s32 $0x8E5, v0;
	v3 =	vld [tilespmem:s20+$0x70A0]  }
0x226: {  	v5 =	vld [tilespmem:s20+$0x70B0];
	v4 =	vadd.s32 v4, v1;
	_ =	sdelay $0x3  }
0x227: {  	[tilespmem:v2+s24+$0x0] =	vst.idx.msk $0xffff, v3  }
0x228: {  	v2 =	vadd.s32 $0x66, v0;
	[tilespmem:v4+s24+$0x0] =	vst.idx.msk $0xffff, v5  }
0x229: {  	v2 =	vadd.s32 v2, v1;
	v4 =	vadd.s32 $0x8E6, v0;
	v3 =	vld [tilespmem:s20+$0x70C0]  }
0x22a: {  	v5 =	vld [tilespmem:s20+$0x70D0];
	v4 =	vadd.s32 v4, v1;
	_ =	sdelay $0x3  }
0x22b: {  	[tilespmem:v2+s24+$0x0] =	vst.idx.msk $0xffff, v3  }
0x22c: {  	v2 =	vadd.s32 $0x67, v0;
	[tilespmem:v4+s24+$0x0] =	vst.idx.msk $0xffff, v5  }
0x22d: {  	v2 =	vadd.s32 v2, v1;
	v4 =	vadd.s32 $0x8E7, v0;
	v3 =	vld [tilespmem:s20+$0x70E0]  }
0x22e: {  	v5 =	vld [tilespmem:s20+$0x70F0];
	v4 =	vadd.s32 v4, v1;
	_ =	sdelay $0x3  }
0x22f: {  	[tilespmem:v2+s24+$0x0] =	vst.idx.msk $0xffff, v3  }
0x230: {  	v2 =	vadd.s32 $0x68, v0;
	[tilespmem:v4+s24+$0x0] =	vst.idx.msk $0xffff, v5  }
0x231: {  	v2 =	vadd.s32 v2, v1;
	v4 =	vadd.s32 $0x8E8, v0;
	v3 =	vld [tilespmem:s20+$0x7100]  }
0x232: {  	v5 =	vld [tilespmem:s20+$0x7110];
	v4 =	vadd.s32 v4, v1;
	_ =	sdelay $0x3  }
0x233: {  	[tilespmem:v2+s24+$0x0] =	vst.idx.msk $0xffff, v3  }
0x234: {  	v2 =	vadd.s32 $0x69, v0;
	[tilespmem:v4+s24+$0x0] =	vst.idx.msk $0xffff, v5  }
0x235: {  	v2 =	vadd.s32 v2, v1;
	v4 =	vadd.s32 $0x8E9, v0;
	v3 =	vld [tilespmem:s20+$0x7120]  }
0x236: {  	v5 =	vld [tilespmem:s20+$0x7130];
	v4 =	vadd.s32 v4, v1;
	_ =	sdelay $0x3  }
0x237: {  	[tilespmem:v2+s24+$0x0] =	vst.idx.msk $0xffff, v3  }
0x238: {  	v2 =	vadd.s32 $0x6A, v0;
	[tilespmem:v4+s24+$0x0] =	vst.idx.msk $0xffff, v5  }
0x239: {  	v2 =	vadd.s32 v2, v1;
	v4 =	vadd.s32 $0x8EA, v0;
	v3 =	vld [tilespmem:s20+$0x7140]  }
0x23a: {  	v5 =	vld [tilespmem:s20+$0x7150];
	v4 =	vadd.s32 v4, v1;
	_ =	sdelay $0x3  }
0x23b: {  	[tilespmem:v2+s24+$0x0] =	vst.idx.msk $0xffff, v3  }
0x23c: {  	v2 =	vadd.s32 $0x6B, v0;
	[tilespmem:v4+s24+$0x0] =	vst.idx.msk $0xffff, v5  }
0x23d: {  	v2 =	vadd.s32 v2, v1;
	v4 =	vadd.s32 $0x8EB, v0;
	v3 =	vld [tilespmem:s20+$0x7160]  }
0x23e: {  	v5 =	vld [tilespmem:s20+$0x7170];
	v4 =	vadd.s32 v4, v1;
	_ =	sdelay $0x3  }
0x23f: {  	[tilespmem:v2+s24+$0x0] =	vst.idx.msk $0xffff, v3  }
0x240: {  	v2 =	vadd.s32 $0x6C, v0;
	[tilespmem:v4+s24+$0x0] =	vst.idx.msk $0xffff, v5  }
0x241: {  	v2 =	vadd.s32 v2, v1;
	v4 =	vadd.s32 $0x8EC, v0;
	v3 =	vld [tilespmem:s20+$0x7180]  }
0x242: {  	v5 =	vld [tilespmem:s20+$0x7190];
	v4 =	vadd.s32 v4, v1;
	_ =	sdelay $0x3  }
0x243: {  	[tilespmem:v2+s24+$0x0] =	vst.idx.msk $0xffff, v3  }
0x244: {  	v2 =	vadd.s32 $0x6D, v0;
	[tilespmem:v4+s24+$0x0] =	vst.idx.msk $0xffff, v5  }
0x245: {  	v2 =	vadd.s32 v2, v1;
	v4 =	vadd.s32 $0x8ED, v0;
	v3 =	vld [tilespmem:s20+$0x71A0]  }
0x246: {  	v5 =	vld [tilespmem:s20+$0x71B0];
	v4 =	vadd.s32 v4, v1;
	_ =	sdelay $0x3  }
0x247: {  	[tilespmem:v2+s24+$0x0] =	vst.idx.msk $0xffff, v3  }
0x248: {  	v2 =	vadd.s32 $0x6E, v0;
	[tilespmem:v4+s24+$0x0] =	vst.idx.msk $0xffff, v5  }
0x249: {  	v2 =	vadd.s32 v2, v1;
	v4 =	vadd.s32 $0x8EE, v0;
	v3 =	vld [tilespmem:s20+$0x71C0]  }
0x24a: {  	v5 =	vld [tilespmem:s20+$0x71D0];
	v4 =	vadd.s32 v4, v1;
	_ =	sdelay $0x3  }
0x24b: {  	[tilespmem:v2+s24+$0x0] =	vst.idx.msk $0xffff, v3  }
0x24c: {  	v2 =	vadd.s32 $0x6F, v0;
	[tilespmem:v4+s24+$0x0] =	vst.idx.msk $0xffff, v5  }
0x24d: {  	v2 =	vadd.s32 v2, v1;
	v4 =	vadd.s32 $0x8EF, v0;
	v3 =	vld [tilespmem:s20+$0x71E0]  }
0x24e: {  	v5 =	vld [tilespmem:s20+$0x71F0];
	v4 =	vadd.s32 v4, v1;
	_ =	sdelay $0x3  }
0x24f: {  	[tilespmem:v2+s24+$0x0] =	vst.idx.msk $0xffff, v3  }
0x250: {  	v2 =	vadd.s32 $0x70, v0;
	[tilespmem:v4+s24+$0x0] =	vst.idx.msk $0xffff, v5  }
0x251: {  	v2 =	vadd.s32 v2, v1;
	v4 =	vadd.s32 $0x8F0, v0;
	v3 =	vld [tilespmem:s20+$0x7200]  }
0x252: {  	v5 =	vld [tilespmem:s20+$0x7210];
	v4 =	vadd.s32 v4, v1;
	_ =	sdelay $0x3  }
0x253: {  	[tilespmem:v2+s24+$0x0] =	vst.idx.msk $0xffff, v3  }
0x254: {  	v2 =	vadd.s32 $0x71, v0;
	[tilespmem:v4+s24+$0x0] =	vst.idx.msk $0xffff, v5  }
0x255: {  	v2 =	vadd.s32 v2, v1;
	v4 =	vadd.s32 $0x8F1, v0;
	v3 =	vld [tilespmem:s20+$0x7220]  }
0x256: {  	v5 =	vld [tilespmem:s20+$0x7230];
	v4 =	vadd.s32 v4, v1;
	_ =	sdelay $0x3  }
0x257: {  	[tilespmem:v2+s24+$0x0] =	vst.idx.msk $0xffff, v3  }
0x258: {  	v2 =	vadd.s32 $0x72, v0;
	[tilespmem:v4+s24+$0x0] =	vst.idx.msk $0xffff, v5  }
0x259: {  	v2 =	vadd.s32 v2, v1;
	v4 =	vadd.s32 $0x8F2, v0;
	v3 =	vld [tilespmem:s20+$0x7240]  }
0x25a: {  	v5 =	vld [tilespmem:s20+$0x7250];
	v4 =	vadd.s32 v4, v1;
	_ =	sdelay $0x3  }
0x25b: {  	[tilespmem:v2+s24+$0x0] =	vst.idx.msk $0xffff, v3  }
0x25c: {  	v2 =	vadd.s32 $0x73, v0;
	[tilespmem:v4+s24+$0x0] =	vst.idx.msk $0xffff, v5  }
0x25d: {  	v2 =	vadd.s32 v2, v1;
	v4 =	vadd.s32 $0x8F3, v0;
	v3 =	vld [tilespmem:s20+$0x7260]  }
0x25e: {  	v5 =	vld [tilespmem:s20+$0x7270];
	v4 =	vadd.s32 v4, v1;
	_ =	sdelay $0x3  }
0x25f: {  	[tilespmem:v2+s24+$0x0] =	vst.idx.msk $0xffff, v3  }
0x260: {  	v2 =	vadd.s32 $0x74, v0;
	[tilespmem:v4+s24+$0x0] =	vst.idx.msk $0xffff, v5  }
0x261: {  	v2 =	vadd.s32 v2, v1;
	v4 =	vadd.s32 $0x8F4, v0;
	v3 =	vld [tilespmem:s20+$0x7280]  }
0x262: {  	v5 =	vld [tilespmem:s20+$0x7290];
	v4 =	vadd.s32 v4, v1;
	_ =	sdelay $0x3  }
0x263: {  	[tilespmem:v2+s24+$0x0] =	vst.idx.msk $0xffff, v3  }
0x264: {  	v2 =	vadd.s32 $0x75, v0;
	[tilespmem:v4+s24+$0x0] =	vst.idx.msk $0xffff, v5  }
0x265: {  	v2 =	vadd.s32 v2, v1;
	v4 =	vadd.s32 $0x8F5, v0;
	v3 =	vld [tilespmem:s20+$0x72A0]  }
0x266: {  	v5 =	vld [tilespmem:s20+$0x72B0];
	v4 =	vadd.s32 v4, v1;
	_ =	sdelay $0x3  }
0x267: {  	[tilespmem:v2+s24+$0x0] =	vst.idx.msk $0xffff, v3  }
0x268: {  	v2 =	vadd.s32 $0x76, v0;
	[tilespmem:v4+s24+$0x0] =	vst.idx.msk $0xffff, v5  }
0x269: {  	v2 =	vadd.s32 v2, v1;
	v4 =	vadd.s32 $0x8F6, v0;
	v3 =	vld [tilespmem:s20+$0x72C0]  }
0x26a: {  	v5 =	vld [tilespmem:s20+$0x72D0];
	v4 =	vadd.s32 v4, v1;
	_ =	sdelay $0x3  }
0x26b: {  	[tilespmem:v2+s24+$0x0] =	vst.idx.msk $0xffff, v3  }
0x26c: {  	v2 =	vadd.s32 $0x77, v0;
	[tilespmem:v4+s24+$0x0] =	vst.idx.msk $0xffff, v5  }
0x26d: {  	v2 =	vadd.s32 v2, v1;
	v4 =	vadd.s32 $0x8F7, v0;
	v3 =	vld [tilespmem:s20+$0x72E0]  }
0x26e: {  	v5 =	vld [tilespmem:s20+$0x72F0];
	v4 =	vadd.s32 v4, v1;
	_ =	sdelay $0x3  }
0x26f: {  	[tilespmem:v2+s24+$0x0] =	vst.idx.msk $0xffff, v3  }
0x270: {  	v2 =	vadd.s32 $0x78, v0;
	[tilespmem:v4+s24+$0x0] =	vst.idx.msk $0xffff, v5  }
0x271: {  	v2 =	vadd.s32 v2, v1;
	v4 =	vadd.s32 $0x8F8, v0;
	v3 =	vld [tilespmem:s20+$0x7300]  }
0x272: {  	v5 =	vld [tilespmem:s20+$0x7310];
	v4 =	vadd.s32 v4, v1;
	_ =	sdelay $0x3  }
0x273: {  	[tilespmem:v2+s24+$0x0] =	vst.idx.msk $0xffff, v3  }
0x274: {  	v2 =	vadd.s32 $0x79, v0;
	[tilespmem:v4+s24+$0x0] =	vst.idx.msk $0xffff, v5  }
0x275: {  	v2 =	vadd.s32 v2, v1;
	v4 =	vadd.s32 $0x8F9, v0;
	v3 =	vld [tilespmem:s20+$0x7320]  }
0x276: {  	v5 =	vld [tilespmem:s20+$0x7330];
	v4 =	vadd.s32 v4, v1;
	_ =	sdelay $0x3  }
0x277: {  	[tilespmem:v2+s24+$0x0] =	vst.idx.msk $0xffff, v3  }
0x278: {  	v2 =	vadd.s32 $0x7A, v0;
	[tilespmem:v4+s24+$0x0] =	vst.idx.msk $0xffff, v5  }
0x279: {  	v2 =	vadd.s32 v2, v1;
	v4 =	vadd.s32 $0x8FA, v0;
	v3 =	vld [tilespmem:s20+$0x7340]  }
0x27a: {  	v5 =	vld [tilespmem:s20+$0x7350];
	v4 =	vadd.s32 v4, v1;
	_ =	sdelay $0x3  }
0x27b: {  	[tilespmem:v2+s24+$0x0] =	vst.idx.msk $0xffff, v3  }
0x27c: {  	v2 =	vadd.s32 $0x7B, v0;
	[tilespmem:v4+s24+$0x0] =	vst.idx.msk $0xffff, v5  }
0x27d: {  	v2 =	vadd.s32 v2, v1;
	v4 =	vadd.s32 $0x8FB, v0;
	v3 =	vld [tilespmem:s20+$0x7360]  }
0x27e: {  	v5 =	vld [tilespmem:s20+$0x7370];
	v4 =	vadd.s32 v4, v1;
	_ =	sdelay $0x3  }
0x27f: {  	[tilespmem:v2+s24+$0x0] =	vst.idx.msk $0xffff, v3  }
0x280: {  	v2 =	vadd.s32 $0x7C, v0;
	[tilespmem:v4+s24+$0x0] =	vst.idx.msk $0xffff, v5  }
0x281: {  	v2 =	vadd.s32 v2, v1;
	v4 =	vadd.s32 $0x8FC, v0;
	v3 =	vld [tilespmem:s20+$0x7380]  }
0x282: {  	v5 =	vld [tilespmem:s20+$0x7390];
	v4 =	vadd.s32 v4, v1;
	_ =	sdelay $0x3  }
0x283: {  	[tilespmem:v2+s24+$0x0] =	vst.idx.msk $0xffff, v3  }
0x284: {  	v2 =	vadd.s32 $0x7D, v0;
	[tilespmem:v4+s24+$0x0] =	vst.idx.msk $0xffff, v5  }
0x285: {  	v2 =	vadd.s32 v2, v1;
	v4 =	vadd.s32 $0x8FD, v0;
	v3 =	vld [tilespmem:s20+$0x73A0]  }
0x286: {  	v5 =	vld [tilespmem:s20+$0x73B0];
	v4 =	vadd.s32 v4, v1;
	_ =	sdelay $0x3  }
0x287: {  	[tilespmem:v2+s24+$0x0] =	vst.idx.msk $0xffff, v3  }
0x288: {  	v2 =	vadd.s32 $0x7E, v0;
	[tilespmem:v4+s24+$0x0] =	vst.idx.msk $0xffff, v5  }
0x289: {  	v2 =	vadd.s32 v2, v1;
	v4 =	vadd.s32 $0x8FE, v0;
	v3 =	vld [tilespmem:s20+$0x73C0]  }
0x28a: {  	v5 =	vld [tilespmem:s20+$0x73D0];
	v4 =	vadd.s32 v4, v1;
	_ =	sdelay $0x3  }
0x28b: {  	[tilespmem:v2+s24+$0x0] =	vst.idx.msk $0xffff, v3  }
0x28c: {  	v2 =	vadd.s32 $0x7F, v0;
	[tilespmem:v4+s24+$0x0] =	vst.idx.msk $0xffff, v5  }
0x28d: {  	v2 =	vadd.s32 v2, v1;
	v4 =	vadd.s32 $0x8FF, v0;
	v3 =	vld [tilespmem:s20+$0x73E0]  }
0x28e: {  	v1 =	vadd.s32 v4, v1;
	v4 =	vld [tilespmem:s20+$0x73F0];
	_ =	sdelay $0x1  }
0x28f: {  	s21 =	smul.u32 $0x4400, s16  }
0x290: {  	s19 =	sand.u32 $0xFFF0000, s8;
	s20 =	sand.u32 $0x3F80, s7  }
0x291: {  	s17 =	sshrl.u32 s21, $0x2;
	s18 =	sor.u32 s20, s19;
	[tilespmem:v2+s24+$0x0] =	vst.idx.msk $0xffff, v3  }
0x292: {  	s16 =	sadd.s32 $0x9, s16;
	s20 =	sadd.s32 $0xE400, s17;
	s19 =	sadd.s32 s2, s18;
	[tilespmem:v1+s24+$0x0] =	vst.idx.msk $0xffff, v4  }
0x293: {  	[hbm4b:s19+s3] =	stream.linear.scatter [tilespmem:s20], [sflag:s16], $0x80, $0x38;
	[tilespmem:$0x16C00] =	vst v63  }
0x294: {  	s21 =	sadd.s32 $0x10, s19;
	s20 =	sadd.s32 $0xE488, s17  }
0x295: {  	[hbm4b:s21+s3] =	stream.linear.scatter [tilespmem:s20], [sflag:s16], $0x80, $0x38;
	[tilespmem:$0x16C00] =	vst v63  }
0x296: {  	s20 =	sadd.s32 $0xE510, s17;
	s21 =	sadd.s32 $0x20, s19  }
0x297: {  	[hbm4b:s21+s3] =	stream.linear.scatter [tilespmem:s20], [sflag:s16], $0x80, $0x38;
	[tilespmem:$0x16C00] =	vst v63  }
0x298: {  	s20 =	sadd.s32 $0xE598, s17;
	s21 =	sadd.s32 $0x30, s19  }
0x299: {  	[hbm4b:s21+s3] =	stream.linear.scatter [tilespmem:s20], [sflag:s16], $0x80, $0x38;
	[tilespmem:$0x16C00] =	vst v63  }
0x29a: {  	s20 =	sadd.s32 $0xE620, s17;
	s21 =	sadd.s32 $0x40, s19  }
0x29b: {  	[hbm4b:s21+s3] =	stream.linear.scatter [tilespmem:s20], [sflag:s16], $0x80, $0x38;
	[tilespmem:$0x16C00] =	vst v63  }
0x29c: {  	s20 =	sadd.s32 $0xE6A8, s17;
	s21 =	sadd.s32 $0x50, s19  }
0x29d: {  	[hbm4b:s21+s3] =	stream.linear.scatter [tilespmem:s20], [sflag:s16], $0x80, $0x38;
	[tilespmem:$0x16C00] =	vst v63  }
0x29e: {  	s20 =	sadd.s32 $0xE730, s17;
	s21 =	sadd.s32 $0x60, s19  }
0x29f: {  	[hbm4b:s21+s3] =	stream.linear.scatter [tilespmem:s20], [sflag:s16], $0x80, $0x38;
	[tilespmem:$0x16C00] =	vst v63  }
0x2a0: {  	s19 =	sadd.s32 $0x70, s19;
	s20 =	rddreg [dreg:$0x3];
	s21 =	sadd.s32 $0xE7B8, s17  }
0x2a1: {  	[hbm4b:s19+s3] =	stream.linear.scatter [tilespmem:s21], [sflag:s16], $0x80, $0x38;
	[tilespmem:$0x16C00] =	vst v63  }
0x2a2: {  	s19 =	sadd.s32 s18, s20;
	s21 =	sadd.s32 $0xE840, s17  }
0x2a3: {  	[hbm4b:s19+s3] =	stream.linear.scatter [tilespmem:s21], [sflag:s16], $0x80, $0x38;
	[tilespmem:$0x16C00] =	vst v63  }
0x2a4: {  	s20 =	sadd.s32 $0xE8C8, s17;
	s21 =	sadd.s32 $0x10, s19  }
0x2a5: {  	[hbm4b:s21+s3] =	stream.linear.scatter [tilespmem:s20], [sflag:s16], $0x80, $0x38;
	[tilespmem:$0x16C00] =	vst v63  }
0x2a6: {  	s20 =	sadd.s32 $0xE950, s17;
	s21 =	sadd.s32 $0x20, s19  }
0x2a7: {  	[hbm4b:s21+s3] =	stream.linear.scatter [tilespmem:s20], [sflag:s16], $0x80, $0x38;
	[tilespmem:$0x16C00] =	vst v63  }
0x2a8: {  	s20 =	sadd.s32 $0xE9D8, s17;
	s21 =	sadd.s32 $0x30, s19  }
0x2a9: {  	[hbm4b:s21+s3] =	stream.linear.scatter [tilespmem:s20], [sflag:s16], $0x80, $0x38;
	[tilespmem:$0x16C00] =	vst v63  }
0x2aa: {  	s20 =	sadd.s32 $0xEA60, s17;
	s21 =	sadd.s32 $0x40, s19  }
0x2ab: {  	[hbm4b:s21+s3] =	stream.linear.scatter [tilespmem:s20], [sflag:s16], $0x80, $0x38;
	[tilespmem:$0x16C00] =	vst v63  }
0x2ac: {  	s20 =	sadd.s32 $0xEAE8, s17;
	s21 =	sadd.s32 $0x50, s19  }
0x2ad: {  	[hbm4b:s21+s3] =	stream.linear.scatter [tilespmem:s20], [sflag:s16], $0x80, $0x38;
	[tilespmem:$0x16C00] =	vst v63  }
0x2ae: {  	s20 =	sadd.s32 $0xEB70, s17;
	s21 =	sadd.s32 $0x60, s19  }
0x2af: {  	[hbm4b:s21+s3] =	stream.linear.scatter [tilespmem:s20], [sflag:s16], $0x80, $0x38;
	[tilespmem:$0x16C00] =	vst v63  }
0x2b0: {  	s19 =	sadd.s32 $0x70, s19;
	s20 =	rddreg [dreg:$0x4];
	s21 =	sadd.s32 $0xEBF8, s17  }
0x2b1: {  	[hbm4b:s19+s3] =	stream.linear.scatter [tilespmem:s21], [sflag:s16], $0x80, $0x38;
	[tilespmem:$0x16C00] =	vst v63  }
0x2b2: {  	s19 =	sadd.s32 s18, s20;
	s21 =	sadd.s32 $0xEC80, s17  }
0x2b3: {  	[hbm4b:s19+s3] =	stream.linear.scatter [tilespmem:s21], [sflag:s16], $0x80, $0x38;
	[tilespmem:$0x16C00] =	vst v63  }
0x2b4: {  	s20 =	sadd.s32 $0xED08, s17;
	s21 =	sadd.s32 $0x10, s19  }
0x2b5: {  	[hbm4b:s21+s3] =	stream.linear.scatter [tilespmem:s20], [sflag:s16], $0x80, $0x38;
	[tilespmem:$0x16C00] =	vst v63  }
0x2b6: {  	s20 =	sadd.s32 $0xED90, s17;
	s21 =	sadd.s32 $0x20, s19  }
0x2b7: {  	[hbm4b:s21+s3] =	stream.linear.scatter [tilespmem:s20], [sflag:s16], $0x80, $0x38;
	[tilespmem:$0x16C00] =	vst v63  }
0x2b8: {  	s20 =	sadd.s32 $0xEE18, s17;
	s21 =	sadd.s32 $0x30, s19  }
0x2b9: {  	[hbm4b:s21+s3] =	stream.linear.scatter [tilespmem:s20], [sflag:s16], $0x80, $0x38;
	[tilespmem:$0x16C00] =	vst v63  }
0x2ba: {  	s20 =	sadd.s32 $0xEEA0, s17;
	s21 =	sadd.s32 $0x40, s19  }
0x2bb: {  	[hbm4b:s21+s3] =	stream.linear.scatter [tilespmem:s20], [sflag:s16], $0x80, $0x38;
	[tilespmem:$0x16C00] =	vst v63  }
0x2bc: {  	s20 =	sadd.s32 $0xEF28, s17;
	s21 =	sadd.s32 $0x50, s19  }
0x2bd: {  	[hbm4b:s21+s3] =	stream.linear.scatter [tilespmem:s20], [sflag:s16], $0x80, $0x38;
	[tilespmem:$0x16C00] =	vst v63  }
0x2be: {  	s20 =	sadd.s32 $0xEFB0, s17;
	s21 =	sadd.s32 $0x60, s19  }
0x2bf: {  	[hbm4b:s21+s3] =	stream.linear.scatter [tilespmem:s20], [sflag:s16], $0x80, $0x38;
	[tilespmem:$0x16C00] =	vst v63  }
0x2c0: {  	s19 =	sadd.s32 $0x70, s19;
	s20 =	rddreg [dreg:$0x5];
	s21 =	sadd.s32 $0xF038, s17  }
0x2c1: {  	[hbm4b:s19+s3] =	stream.linear.scatter [tilespmem:s21], [sflag:s16], $0x80, $0x38;
	[tilespmem:$0x16C00] =	vst v63  }
0x2c2: {  	s18 =	sadd.s32 s18, s20;
	s20 =	sadd.s32 $0xF0C0, s17  }
0x2c3: {  	[hbm4b:s18+s3] =	stream.linear.scatter [tilespmem:s20], [sflag:s16], $0x80, $0x38;
	[tilespmem:$0x16C00] =	vst v63  }
0x2c4: {  	s21 =	sadd.s32 $0xF148, s17;
	s20 =	sadd.s32 $0x10, s18  }
0x2c5: {  	[hbm4b:s20+s3] =	stream.linear.scatter [tilespmem:s21], [sflag:s16], $0x80, $0x38;
	[tilespmem:$0x16C00] =	vst v63  }
0x2c6: {  	s20 =	sadd.s32 $0xF1D0, s17;
	s21 =	sadd.s32 $0x20, s18  }
0x2c7: {  	[hbm4b:s21+s3] =	stream.linear.scatter [tilespmem:s20], [sflag:s16], $0x80, $0x38;
	[tilespmem:$0x16C00] =	vst v63  }
0x2c8: {  	s20 =	sadd.s32 $0xF258, s17;
	s21 =	sadd.s32 $0x30, s18  }
0x2c9: {  	[hbm4b:s21+s3] =	stream.linear.scatter [tilespmem:s20], [sflag:s16], $0x80, $0x38;
	[tilespmem:$0x16C00] =	vst v63  }
0x2ca: {  	s20 =	sadd.s32 $0xF2E0, s17;
	s21 =	sadd.s32 $0x40, s18  }
0x2cb: {  	[hbm4b:s21+s3] =	stream.linear.scatter [tilespmem:s20], [sflag:s16], $0x80, $0x38;
	[tilespmem:$0x16C00] =	vst v63  }
0x2cc: {  	p0 =	sne.s32 s15, $0xC7;
	s20 =	sadd.s32 $0xF368, s17;
	s21 =	sadd.s32 $0x50, s18  }
0x2cd: {  	[hbm4b:s21+s3] =	stream.linear.scatter [tilespmem:s20], [sflag:s16], $0x80, $0x38;
	[tilespmem:$0x16C00] =	vst v63  }
.Ltmp0:
0x2ce: {  	s20 =	sadd.s32 $0xF3F0, s17;
	s21 =	sadd.s32 $0x60, s18;
	(pc) =	sbr.rel @p0 .LBB2_2-.Ltmp0, $4  }
0x2cf: {  	[hbm4b:s21+s3] =	stream.linear.scatter [tilespmem:s20], [sflag:s16], $0x80, $0x38;
	[tilespmem:$0x16C00] =	vst v63  }
0x2d0: {  	s8 =	sadd.s32 $0x200, s8;
	s17 =	sadd.s32 $0xF478, s17;
	s18 =	sadd.s32 $0x70, s18  }
0x2d1: {  	[hbm4b:s18+s3] =	stream.linear.scatter [tilespmem:s17], [sflag:s16], $0x80, $0x38;
	[tilespmem:$0x16C00] =	vst v63  }
0x2d2: {  	s12 =	sadd.s32 $0x80, s12;
	s7 =	sadd.s32 $0x80, s7;
	s17 =	smov.u32 s15  }
0x2d3: {  	_ =	swait.ge [sflag:s25], $0x400  }
0x2d4: {  	[sflag:s25] =	ssyncset.done $0x0  }
0x2d5: {  	[sflag:s25] =	ssyncadd.s32 $0xFFFFFC00  }
0x2d6: {  	_ =	swait.ge [sflag:s25], $0x400  }
0x2d7: {  	[sflag:s25] =	ssyncset.done $0x0  }
0x2d8: {  	[sflag:s25] =	ssyncadd.s32 $0xFFFFFC00  }
0x2d9: {  	_ =	swait.ge [sflag:s25], $0x400  }
0x2da: {  	[sflag:s25] =	ssyncset.done $0x0  }
0x2db: {  	[sflag:s25] =	ssyncadd.s32 $0xFFFFFC00  }
0x2dc: {  	_ =	swait.ge [sflag:s25], $0x400  }
0x2dd: {  	[sflag:s25] =	ssyncset.done $0x0  }
0x2de: {  	[sflag:s25] =	ssyncadd.s32 $0xFFFFFC00  }
0x2df: {  	_ =	swait.ge [sflag:s26], $0x400  }
0x2e0: {  	[sflag:s26] =	ssyncset.done $0x0  }
0x2e1: {  	[sflag:s26] =	ssyncadd.s32 $0xFFFFFC00  }
0x2e2: {  	_ =	swait.ge [sflag:s26], $0x400  }
0x2e3: {  	[sflag:s26] =	ssyncset.done $0x0  }
0x2e4: {  	[sflag:s26] =	ssyncadd.s32 $0xFFFFFC00  }
0x2e5: {  	_ =	swait.ge [sflag:s26], $0x400  }
0x2e6: {  	[sflag:s26] =	ssyncset.done $0x0  }
0x2e7: {  	[sflag:s26] =	ssyncadd.s32 $0xFFFFFC00  }
0x2e8: {  	_ =	swait.ge [sflag:s26], $0x400  }
0x2e9: {  	[sflag:s26] =	ssyncset.done $0x0  }
0x2ea: {  	[sflag:s26] =	ssyncadd.s32 $0xFFFFFC00  }
0x2eb: {  	_ =	swait.ge [sflag:s28], $0x400  }
0x2ec: {  	[sflag:s28] =	ssyncset.done $0x0  }
0x2ed: {  	[sflag:s28] =	ssyncadd.s32 $0xFFFFFC00  }
0x2ee: {  	_ =	swait.ge [sflag:s28], $0x400  }
0x2ef: {  	[sflag:s28] =	ssyncset.done $0x0  }
0x2f0: {  	[sflag:s28] =	ssyncadd.s32 $0xFFFFFC00  }
0x2f1: {  	_ =	swait.ge [sflag:s28], $0x400  }
0x2f2: {  	[sflag:s28] =	ssyncset.done $0x0  }
0x2f3: {  	[sflag:s28] =	ssyncadd.s32 $0xFFFFFC00  }
0x2f4: {  	_ =	swait.ge [sflag:s28], $0x400  }
0x2f5: {  	[sflag:s28] =	ssyncset.done $0x0  }
0x2f6: {  	[sflag:s28] =	ssyncadd.s32 $0xFFFFFC00  }
0x2f7: {  	_ =	swait.ge [sflag:s29], $0x400  }
0x2f8: {  	[sflag:s29] =	ssyncset.done $0x0  }
0x2f9: {  	[sflag:s29] =	ssyncadd.s32 $0xFFFFFC00  }
0x2fa: {  	_ =	swait.ge [sflag:s29], $0x400  }
0x2fb: {  	[sflag:s29] =	ssyncset.done $0x0  }
0x2fc: {  	[sflag:s29] =	ssyncadd.s32 $0xFFFFFC00  }
0x2fd: {  	_ =	swait.ge [sflag:s29], $0x400  }
0x2fe: {  	[sflag:s29] =	ssyncset.done $0x0  }
0x2ff: {  	[sflag:s29] =	ssyncadd.s32 $0xFFFFFC00  }
0x300: {  	_ =	swait.ge [sflag:s29], $0x400  }
0x301: {  	[sflag:s29] =	ssyncset.done $0x0  }
0x302: {  	[sflag:s29] =	ssyncadd.s32 $0xFFFFFC00  }
0x303: {  	_ =	swait.ge [sflag:s30], $0x400  }
0x304: {  	[sflag:s30] =	ssyncset.done $0x0  }
0x305: {  	[sflag:s30] =	ssyncadd.s32 $0xFFFFFC00  }
0x306: {  	_ =	swait.ge [sflag:s30], $0x400  }
0x307: {  	[sflag:s30] =	ssyncset.done $0x0  }
0x308: {  	[sflag:s30] =	ssyncadd.s32 $0xFFFFFC00  }
0x309: {  	_ =	swait.ge [sflag:s30], $0x400  }
0x30a: {  	[sflag:s30] =	ssyncset.done $0x0  }
0x30b: {  	[sflag:s30] =	ssyncadd.s32 $0xFFFFFC00  }
0x30c: {  	_ =	swait.ge [sflag:s30], $0x400  }
0x30d: {  	[sflag:s30] =	ssyncset.done $0x0  }
0x30e: {  	[sflag:s30] =	ssyncadd.s32 $0xFFFFFC00  }
0x30f: {  	_ =	swait.ge [sflag:s31], $0x400  }
0x310: {  	[sflag:s31] =	ssyncset.done $0x0  }
0x311: {  	[sflag:s31] =	ssyncadd.s32 $0xFFFFFC00  }
0x312: {  	_ =	swait.ge [sflag:s31], $0x400  }
0x313: {  	[sflag:s31] =	ssyncset.done $0x0  }
0x314: {  	[sflag:s31] =	ssyncadd.s32 $0xFFFFFC00  }
0x315: {  	_ =	swait.ge [sflag:s31], $0x400  }
0x316: {  	[sflag:s31] =	ssyncset.done $0x0  }
0x317: {  	[sflag:s31] =	ssyncadd.s32 $0xFFFFFC00  }
0x318: {  	_ =	swait.ge [sflag:s31], $0x400  }
0x319: {  	[sflag:s31] =	ssyncset.done $0x0  }
0x31a: {  	[sflag:s31] =	ssyncadd.s32 $0xFFFFFC00  }
0x31b: {  	_ =	swait.ge [sflag:s1], $0x400  }
0x31c: {  	[sflag:s1] =	ssyncset.done $0x0  }
0x31d: {  	[sflag:s1] =	ssyncadd.s32 $0xFFFFFC00  }
0x31e: {  	_ =	swait.ge [sflag:s1], $0x400  }
0x31f: {  	[sflag:s1] =	ssyncset.done $0x0  }
0x320: {  	[sflag:s1] =	ssyncadd.s32 $0xFFFFFC00  }
0x321: {  	_ =	swait.ge [sflag:s1], $0x400  }
0x322: {  	[sflag:s1] =	ssyncset.done $0x0  }
0x323: {  	[sflag:s1] =	ssyncadd.s32 $0xFFFFFC00  }
0x324: {  	_ =	swait.ge [sflag:s1], $0x400  }
0x325: {  	[sflag:s1] =	ssyncset.done $0x0  }
0x326: {  	[sflag:s1] =	ssyncadd.s32 $0xFFFFFC00  }
0x327: {  	_ =	swait.ge [sflag:s0], $0x400  }
0x328: {  	[sflag:s0] =	ssyncset.done $0x0  }
0x329: {  	[sflag:s0] =	ssyncadd.s32 $0xFFFFFC00  }
0x32a: {  	_ =	swait.ge [sflag:s0], $0x400  }
0x32b: {  	[sflag:s0] =	ssyncset.done $0x0  }
0x32c: {  	s11 =	sadd.s32 $0x1, s11;
	[sflag:s0] =	ssyncadd.s32 $0xFFFFFC00  }
0x32d: {  	p0 =	sne.s32 s11, s6;
	_ =	swait.ge [sflag:s0], $0x400  }
.Ltmp1:
0x32e: {  	[sflag:s0] =	ssyncset.done $0x0;
	(pc) =	sbr.rel @p0 .LBB2_1-.Ltmp1, $4  }
0x32f: {  	[sflag:s0] =	ssyncadd.s32 $0xFFFFFC00  }
0x330: {  	_ =	swait.ge [sflag:s0], $0x400  }
0x331: {  	[sflag:s0] =	ssyncset.done $0x0  }
0x332: {  	[sflag:s0] =	ssyncadd.s32 $0xFFFFFC00  }
0x333: {  	_ =	sfence.sel $0x180000  }
0x334: {  	[bflag:$0x0] =	sbarrier.arrive $0xFFFF  }
0x335: {  	_ =	strace $0x90000047  }
0x336: {  	s0 =	stileid.u32;
	[bflag:$0x2] =	sbarrier.arrive $0xFFFF  }
0x337: {  	p0 =	sne.s32 s0, $0x0;
	s0 =	rddreg [dreg:$0x2]  }
0x338: {  	s0 =	sadd.s32 @!p0 $0x100000, s0  }
0x339: {  	[sflag:s0] =	ssyncadd.tile.s32 @!p0 $0x1;
	_ =	shalt  }
.Lfunc_end2:
_tile_overlayer_lowered:
.L_overlay_start_2:
0x33a: {  	(tag) =	ssettag $0x2  }
0x33b: {  	s0 =	rddreg [dreg:$0x0];
	s2 =	stileid.u32  }
0x33c: {  	s1 =	rddreg [dreg:$0x1];
	p0 =	sne.s32 s2, $0x0  }
0x33d: {  	s3 =	rddreg [dreg:$0x2];
	[bflag:$0x3] =	sbarrier.arrive $0xFFFF;
	s2 =	simm.s32 @!p0 $0x1C11  }
0x33e: {  	[timem:s3], [sflag:s2] =	dma.local @!p0 [hbm:s0], s1  }
0x33f: {  	s0 =	simm.s32 @!p0 $0x11  }
0x340: {  	_ =	swait.ge @!p0 [sflag:s0], s1  }
0x341: {  	s1 =	ssub.s32 @!p0 $0x0, s1;
	[sflag:s0] =	ssyncset.done @!p0 $0x0  }
0x342: {  	[sflag:s0] =	ssyncadd.s32 @!p0 s1  }
0x343: {  	[bflag:$0x3] =	sbarrier.arrive $0xFFFF  }
0x344: {  	_ =	shalt  }

</sc_bundles>
